<compile_context>
chip_gen: v7x
topology: tpu7x:2x2x1
jax: 0.10.2.dev20260603
libtpu: 0.0.44.dev20260713+nightly
codegen_flags: <defaults>
</compile_context>

<pallas_src>
import functools

import jax
import jax.numpy as jnp
from jax import lax
from jax.experimental import pallas as pl
from jax.experimental.pallas import tpu as pltpu
from jax.experimental.pallas import tpu_sc as plsc

_LANES = 16
_CHUNK = 128


@jax.jit
def _sc_embed_call(ids, ptab, ttab, p2t):
    B = ids.shape[0]
    V, D = ptab.shape
    ttab_shape = ttab.shape

    info = plsc.get_sparse_core_info()
    NC, NS = info.num_cores, info.num_subcores
    NW = NC * NS
    bpw = B // NW
    n_ch = bpw // _CHUNK

    mesh = plsc.VectorSubcoreMesh(core_axis_name="c", subcore_axis_name="s")

    @functools.partial(
        pl.kernel,
        mesh=mesh,
        compiler_params=pltpu.CompilerParams(use_tc_tiling_on_sc=True),
        out_type=jax.ShapeDtypeStruct((B, D), jnp.float32),
        scratch_types=[
            pltpu.VMEM((bpw,), jnp.int32),
            pltpu.VMEM((bpw,), jnp.int32),
            pltpu.VMEM((bpw, D), jnp.float32),
            pltpu.VMEM(ttab_shape, jnp.float32),
            pltpu.SemaphoreType.DMA,
            pltpu.SemaphoreType.DMA,
            [pltpu.SemaphoreType.DMA] * 4,
        ],
    )
    def sc_embed(pid_hbm, ptab_hbm, ttab_hbm, p2t_hbm, out_hbm,
                 idx_v, tids_v, rows_v, ttab_v, sem_tids, sem_out, sem_rows):
        wid = lax.axis_index("s") * NC + lax.axis_index("c")
        base = wid * bpw
        pltpu.sync_copy(pid_hbm.at[pl.ds(base, bpw)], idx_v)

        tid_copies = []
        for c in range(n_ch):
            sl = pl.ds(c * _CHUNK, _CHUNK)
            tid_copies.append(
                pltpu.async_copy(p2t_hbm.at[idx_v.at[sl]], tids_v.at[sl],
                                 sem_tids))

        for c in range(n_ch):
            @pl.loop(c * _CHUNK, (c + 1) * _CHUNK, step=_LANES)
            def _(i, _c=c):
                id16 = idx_v[pl.ds(i, _LANES)]
                for k in range(_LANES):
                    pltpu.async_copy(ptab_hbm.at[id16[k]], rows_v.at[i + k],
                                     sem_rows[_c])

        pltpu.sync_copy(ttab_hbm, ttab_v)
        for cp in tid_copies:
            cp.wait()

        out_copies = []
        for c in range(n_ch):
            sl = pl.ds(c * _CHUNK, _CHUNK)
            pltpu.make_async_copy(out_hbm.at[pl.ds(base, _CHUNK)],
                                  rows_v.at[sl], sem_rows[c]).wait()

            @pl.loop(c * _CHUNK, (c + 1) * _CHUNK, step=_LANES)
            def _(i):
                tid16 = tids_v[pl.ds(i, _LANES)]
                for k in range(_LANES):
                    t = tid16[k]
                    for j in range(0, D, _LANES):
                        sj = pl.ds(j, _LANES)
                        rows_v[i + k, sj] += ttab_v[t, sj]

            out_copies.append(
                pltpu.async_copy(rows_v.at[sl],
                                 out_hbm.at[pl.ds(base + c * _CHUNK, _CHUNK)],
                                 sem_out))
        for cp in out_copies:
            cp.wait()

    return sc_embed(ids, ptab, ttab, p2t)


def kernel(primitive_ids, primitive_embeddings, type_embeddings,
           primitive_to_type):
    ids = primitive_ids.astype(jnp.int32)
    p2t = primitive_to_type.astype(jnp.int32)
    return _sc_embed_call(ids, primitive_embeddings, type_embeddings, p2t)

# --- scband reference (transcript-rebuilt; emitter-appended) ---
"""Pipeline reference for scband-primitive-embedding-77610059038969 (READ-ONLY COPY).

The authoritative reference and input builder live on the scoring server;
editing this copy changes nothing except your own understanding.
"""

import jax, jax.numpy as jnp
import numpy as np

NUM_PRIMITIVES = 100000
EMBED_DIM = 32
BATCH = 16384
NUM_TYPES = 5


def setup_inputs(seed: int = 0) -> dict:
    key = jax.random.key(seed)
    k1, k2, k3, k4 = jax.random.split(key, 4)
    primitive_ids = jax.random.randint(k1, (BATCH,), 0, NUM_PRIMITIVES, dtype=jnp.int64 if jax.config.jax_enable_x64 else jnp.int32)
    primitive_embeddings = jax.random.normal(k2, (NUM_PRIMITIVES, EMBED_DIM), dtype=jnp.float32) * 0.02
    type_embeddings = jax.random.normal(k3, (NUM_TYPES, EMBED_DIM), dtype=jnp.float32) * 0.02
    primitive_to_type = jax.random.randint(k4, (NUM_PRIMITIVES,), 0, NUM_TYPES, dtype=jnp.int32)
    return {
        "primitive_ids": primitive_ids,
        "primitive_embeddings": primitive_embeddings,
        "type_embeddings": type_embeddings,
        "primitive_to_type": primitive_to_type,
    }


def reference(primitive_ids, primitive_embeddings, type_embeddings, primitive_to_type):
    # prim_embed = self.primitive_embeddings[primitive_ids]
    prim_embed = jnp.take(primitive_embeddings, primitive_ids, axis=0)
    # type_ids = self.primitive_to_type[primitive_ids]
    type_ids = jnp.take(primitive_to_type, primitive_ids, axis=0)
    # type_embed = self.type_embeddings[type_ids]
    type_embed = jnp.take(type_embeddings, type_ids, axis=0)
    return prim_embed + type_embed

if __name__ == "__main__":
    import jax
    _d = setup_inputs()
    print(jax.jit(kernel)(*tuple(_d.values())))

</pallas_src>

<mosaic_0001>
#map = affine_map<(d0, d1) -> (0)>
#map1 = affine_map<(d0, d1) -> (0, 0)>
module attributes {stable_mosaic.version = 14 : i64} {
  func.func @sc_embed(%arg0: i32, %arg1: i32, %arg2: memref<16384xi32, #tpu.memory_space<hbm>>, %arg3: memref<100000x32xf32, #tpu.memory_space<hbm>>, %arg4: memref<5x32xf32, #tpu.memory_space<hbm>>, %arg5: memref<100000xi32, #tpu.memory_space<hbm>>, %arg6: memref<16384x32xf32, #tpu.memory_space<hbm>>, %arg7: memref<512xi32, #tpu.memory_space<vmem>>, %arg8: memref<512xi32, #tpu.memory_space<vmem>>, %arg9: memref<512x32xf32, #tpu.memory_space<vmem>>, %arg10: memref<5x32xf32, #tpu.memory_space<vmem>>, %arg11: memref<!tpu.dma_semaphore, #tpu.memory_space<semaphore_mem>>, %arg12: memref<!tpu.dma_semaphore, #tpu.memory_space<semaphore_mem>>, %arg13: memref<!tpu.dma_semaphore, #tpu.memory_space<semaphore_mem>>, %arg14: memref<!tpu.dma_semaphore, #tpu.memory_space<semaphore_mem>>, %arg15: memref<!tpu.dma_semaphore, #tpu.memory_space<semaphore_mem>>, %arg16: memref<!tpu.dma_semaphore, #tpu.memory_space<semaphore_mem>>) attributes {dimension_semantics = [#tpu.dimension_semantics<core_parallel>, #tpu.dimension_semantics<subcore_parallel>], iteration_bounds = array<i64: 2, 16>, scalar_prefetch = 0 : i64, scratch_operands = 10 : i64, tpu.core_type = #tpu.core_type<sc_vector_subcore>, window_params = [{transform_indices = #map}, {transform_indices = #map1}, {transform_indices = #map1}, {transform_indices = #map}, {transform_indices = #map1}]} {
    %mul3A = arith.constant 2 : i32
    %mul3A_0 = arith.muli %arg1, %mul3A : i32
    %add3A = arith.addi %mul3A_0, %arg0 : i32
    %mul3A_1 = arith.constant 512 : i32
    %mul3A_2 = arith.muli %add3A, %mul3A_1 : i32
    "tpu.region"() ({
      %run_scoped3A = tpu.sem_alloc : memref<!tpu.dma_semaphore, #tpu.memory_space<semaphore_mem>>
      %dma_start3A_216 = tpu.memref_slice %arg2[%mul3A_2] : memref<16384xi32, #tpu.memory_space<hbm>> -> memref<512xi32, #tpu.memory_space<hbm>>
      %dma_start3A_217 = tpu.memref_slice %arg2[%mul3A_2] : memref<16384xi32, #tpu.memory_space<hbm>> -> memref<512xi32, #tpu.memory_space<hbm>>
      tpu.enqueue_dma source(%dma_start3A_217 : memref<512xi32, #tpu.memory_space<hbm>>) target(%arg7 : memref<512xi32, #tpu.memory_space<vmem>>) target_semaphore(%run_scoped3A : memref<!tpu.dma_semaphore, #tpu.memory_space<semaphore_mem>>)
      %dma_wait3A_218 = tpu.memref_slice %arg2[%mul3A_2] : memref<16384xi32, #tpu.memory_space<hbm>> -> memref<512xi32, #tpu.memory_space<hbm>>
      %dma_wait3A_219 = tpu.memref_slice %arg2[%mul3A_2] : memref<16384xi32, #tpu.memory_space<hbm>> -> memref<512xi32, #tpu.memory_space<hbm>>
      tpu.wait_dma2 semaphore(%run_scoped3A : memref<!tpu.dma_semaphore, #tpu.memory_space<semaphore_mem>>) src(%dma_wait3A_219 : memref<512xi32, #tpu.memory_space<hbm>>) dst(%arg7 : memref<512xi32, #tpu.memory_space<vmem>>)
      tpu.yield
    }) : () -> ()
    %dma_start3A = arith.constant 0 : i32
    %dma_start3A_3 = tpu.memref_slice %arg8[%dma_start3A] : memref<512xi32, #tpu.memory_space<vmem>> -> memref<128xi32, #tpu.memory_space<vmem>>
    %dma_start3A_4 = arith.constant 0 : i32
    %dma_start3A_5 = tpu.memref_slice %arg7[%dma_start3A_4] : memref<512xi32, #tpu.memory_space<vmem>> -> memref<128xi32, #tpu.memory_space<vmem>>
    %dma_start3A_6 = arith.constant 0 : i32
    %dma_start3A_7 = tpu.memref_slice %arg5[%dma_start3A_6] : memref<100000xi32, #tpu.memory_space<hbm>> -> memref<100000xi32, #tpu.memory_space<hbm>>
    tpu.enqueue_indirect_dma source(%dma_start3A_7 : memref<100000xi32, #tpu.memory_space<hbm>>) target(%dma_start3A_3 : memref<128xi32, #tpu.memory_space<vmem>>) offsets(%dma_start3A_5 : memref<128xi32, #tpu.memory_space<vmem>>) semaphore(%arg11 : memref<!tpu.dma_semaphore, #tpu.memory_space<semaphore_mem>>)
    %dma_start3A_8 = arith.constant 128 : i32
    %dma_start3A_9 = tpu.memref_slice %arg8[%dma_start3A_8] : memref<512xi32, #tpu.memory_space<vmem>> -> memref<128xi32, #tpu.memory_space<vmem>>
    %dma_start3A_10 = arith.constant 128 : i32
    %dma_start3A_11 = tpu.memref_slice %arg7[%dma_start3A_10] : memref<512xi32, #tpu.memory_space<vmem>> -> memref<128xi32, #tpu.memory_space<vmem>>
    %dma_start3A_12 = arith.constant 0 : i32
    %dma_start3A_13 = tpu.memref_slice %arg5[%dma_start3A_12] : memref<100000xi32, #tpu.memory_space<hbm>> -> memref<100000xi32, #tpu.memory_space<hbm>>
    tpu.enqueue_indirect_dma source(%dma_start3A_13 : memref<100000xi32, #tpu.memory_space<hbm>>) target(%dma_start3A_9 : memref<128xi32, #tpu.memory_space<vmem>>) offsets(%dma_start3A_11 : memref<128xi32, #tpu.memory_space<vmem>>) semaphore(%arg11 : memref<!tpu.dma_semaphore, #tpu.memory_space<semaphore_mem>>)
    %dma_start3A_14 = arith.constant 256 : i32
    %dma_start3A_15 = tpu.memref_slice %arg8[%dma_start3A_14] : memref<512xi32, #tpu.memory_space<vmem>> -> memref<128xi32, #tpu.memory_space<vmem>>
    %dma_start3A_16 = arith.constant 256 : i32
    %dma_start3A_17 = tpu.memref_slice %arg7[%dma_start3A_16] : memref<512xi32, #tpu.memory_space<vmem>> -> memref<128xi32, #tpu.memory_space<vmem>>
    %dma_start3A_18 = arith.constant 0 : i32
    %dma_start3A_19 = tpu.memref_slice %arg5[%dma_start3A_18] : memref<100000xi32, #tpu.memory_space<hbm>> -> memref<100000xi32, #tpu.memory_space<hbm>>
    tpu.enqueue_indirect_dma source(%dma_start3A_19 : memref<100000xi32, #tpu.memory_space<hbm>>) target(%dma_start3A_15 : memref<128xi32, #tpu.memory_space<vmem>>) offsets(%dma_start3A_17 : memref<128xi32, #tpu.memory_space<vmem>>) semaphore(%arg11 : memref<!tpu.dma_semaphore, #tpu.memory_space<semaphore_mem>>)
    %dma_start3A_20 = arith.constant 384 : i32
    %dma_start3A_21 = tpu.memref_slice %arg8[%dma_start3A_20] : memref<512xi32, #tpu.memory_space<vmem>> -> memref<128xi32, #tpu.memory_space<vmem>>
    %dma_start3A_22 = arith.constant 384 : i32
    %dma_start3A_23 = tpu.memref_slice %arg7[%dma_start3A_22] : memref<512xi32, #tpu.memory_space<vmem>> -> memref<128xi32, #tpu.memory_space<vmem>>
    %dma_start3A_24 = arith.constant 0 : i32
    %dma_start3A_25 = tpu.memref_slice %arg5[%dma_start3A_24] : memref<100000xi32, #tpu.memory_space<hbm>> -> memref<100000xi32, #tpu.memory_space<hbm>>
    tpu.enqueue_indirect_dma source(%dma_start3A_25 : memref<100000xi32, #tpu.memory_space<hbm>>) target(%dma_start3A_21 : memref<128xi32, #tpu.memory_space<vmem>>) offsets(%dma_start3A_23 : memref<128xi32, #tpu.memory_space<vmem>>) semaphore(%arg11 : memref<!tpu.dma_semaphore, #tpu.memory_space<semaphore_mem>>)
    %scan3A = arith.constant 0 : i32
    %scan3A_26 = arith.constant 8 : i32
    %scan3A_27 = arith.addi %scan3A, %scan3A_26 : i32
    %scan3A_28 = arith.constant 1 : i32
    scf.for %scan3A_216 = %scan3A to %scan3A_27 step %scan3A_28  : i32 {
      %mul3A_217 = arith.constant 16 : i32
      %mul3A_218 = arith.muli %scan3A_216, %mul3A_217 : i32
      %add3A_219 = arith.constant 0 : i32
      %add3A_220 = arith.addi %add3A_219, %mul3A_218 : i32
      %get3A = arith.index_cast %add3A_220 : i32 to index
      %get3A_221 = tpu.vector_load %arg7[%get3A] {strides = array<i32>} : memref<512xi32, #tpu.memory_space<vmem>>, vector<16xi32>,
      %get3A_222 = vector.shape_cast %get3A_221 : vector<16xi32> to vector<16xi32>
      %slice3A = vector.extract_strided_slice %get3A_222 {offsets = [0], sizes = [1], strides = [1]} : vector<16xi32> to vector<1xi32>
      %squeeze3A = vector.extract %slice3A[0] : i32 from vector<1xi32>
      %add3A_223 = arith.constant 0 : i32
      %add3A_224 = arith.addi %add3A_220, %add3A_223 : i32
      %dma_start3A_225 = arith.constant 0 : i32
      %dma_start3A_226 = tpu.memref_slice %arg9[%add3A_224, %dma_start3A_225] : memref<512x32xf32, #tpu.memory_space<vmem>> -> memref<1x32xf32, #tpu.memory_space<vmem>>
      %dma_start3A_227 = tpu.memref_squeeze %dma_start3A_226 : memref<1x32xf32, #tpu.memory_space<vmem>> -> memref<32xf32, #tpu.memory_space<vmem>>
      %dma_start3A_228 = arith.constant 0 : i32
      %dma_start3A_229 = tpu.memref_slice %arg3[%squeeze3A, %dma_start3A_228] : memref<100000x32xf32, #tpu.memory_space<hbm>> -> memref<1x32xf32, #tpu.memory_space<hbm>>
      %dma_start3A_230 = tpu.memref_squeeze %dma_start3A_229 : memref<1x32xf32, #tpu.memory_space<hbm>> -> memref<32xf32, #tpu.memory_space<hbm>>
      %dma_start3A_231 = arith.constant 0 : i32
      %dma_start3A_232 = tpu.memref_slice %arg9[%add3A_224, %dma_start3A_231] : memref<512x32xf32, #tpu.memory_space<vmem>> -> memref<1x32xf32, #tpu.memory_space<vmem>>
      %dma_start3A_233 = tpu.memref_squeeze %dma_start3A_232 : memref<1x32xf32, #tpu.memory_space<vmem>> -> memref<32xf32, #tpu.memory_space<vmem>>
      %dma_start3A_234 = arith.constant 0 : i32
      %dma_start3A_235 = tpu.memref_slice %arg3[%squeeze3A, %dma_start3A_234] : memref<100000x32xf32, #tpu.memory_space<hbm>> -> memref<1x32xf32, #tpu.memory_space<hbm>>
      %dma_start3A_236 = tpu.memref_squeeze %dma_start3A_235 : memref<1x32xf32, #tpu.memory_space<hbm>> -> memref<32xf32, #tpu.memory_space<hbm>>
      tpu.enqueue_dma source(%dma_start3A_236 : memref<32xf32, #tpu.memory_space<hbm>>) target(%dma_start3A_233 : memref<32xf32, #tpu.memory_space<vmem>>) target_semaphore(%arg13 : memref<!tpu.dma_semaphore, #tpu.memory_space<semaphore_mem>>)
      %slice3A_237 = vector.extract_strided_slice %get3A_222 {offsets = [1], sizes = [1], strides = [1]} : vector<16xi32> to vector<1xi32>
      %squeeze3A_238 = vector.extract %slice3A_237[0] : i32 from vector<1xi32>
      %add3A_239 = arith.constant 1 : i32
      %add3A_240 = arith.addi %add3A_220, %add3A_239 : i32
      %dma_start3A_241 = arith.constant 0 : i32
      %dma_start3A_242 = tpu.memref_slice %arg9[%add3A_240, %dma_start3A_241] : memref<512x32xf32, #tpu.memory_space<vmem>> -> memref<1x32xf32, #tpu.memory_space<vmem>>
      %dma_start3A_243 = tpu.memref_squeeze %dma_start3A_242 : memref<1x32xf32, #tpu.memory_space<vmem>> -> memref<32xf32, #tpu.memory_space<vmem>>
      %dma_start3A_244 = arith.constant 0 : i32
      %dma_start3A_245 = tpu.memref_slice %arg3[%squeeze3A_238, %dma_start3A_244] : memref<100000x32xf32, #tpu.memory_space<hbm>> -> memref<1x32xf32, #tpu.memory_space<hbm>>
      %dma_start3A_246 = tpu.memref_squeeze %dma_start3A_245 : memref<1x32xf32, #tpu.memory_space<hbm>> -> memref<32xf32, #tpu.memory_space<hbm>>
      %dma_start3A_247 = arith.constant 0 : i32
      %dma_start3A_248 = tpu.memref_slice %arg9[%add3A_240, %dma_start3A_247] : memref<512x32xf32, #tpu.memory_space<vmem>> -> memref<1x32xf32, #tpu.memory_space<vmem>>
      %dma_start3A_249 = tpu.memref_squeeze %dma_start3A_248 : memref<1x32xf32, #tpu.memory_space<vmem>> -> memref<32xf32, #tpu.memory_space<vmem>>
      %dma_start3A_250 = arith.constant 0 : i32
      %dma_start3A_251 = tpu.memref_slice %arg3[%squeeze3A_238, %dma_start3A_250] : memref<100000x32xf32, #tpu.memory_space<hbm>> -> memref<1x32xf32, #tpu.memory_space<hbm>>
      %dma_start3A_252 = tpu.memref_squeeze %dma_start3A_251 : memref<1x32xf32, #tpu.memory_space<hbm>> -> memref<32xf32, #tpu.memory_space<hbm>>
      tpu.enqueue_dma source(%dma_start3A_252 : memref<32xf32, #tpu.memory_space<hbm>>) target(%dma_start3A_249 : memref<32xf32, #tpu.memory_space<vmem>>) target_semaphore(%arg13 : memref<!tpu.dma_semaphore, #tpu.memory_space<semaphore_mem>>)
      %slice3A_253 = vector.extract_strided_slice %get3A_222 {offsets = [2], sizes = [1], strides = [1]} : vector<16xi32> to vector<1xi32>
      %squeeze3A_254 = vector.extract %slice3A_253[0] : i32 from vector<1xi32>
      %add3A_255 = arith.constant 2 : i32
      %add3A_256 = arith.addi %add3A_220, %add3A_255 : i32
      %dma_start3A_257 = arith.constant 0 : i32
      %dma_start3A_258 = tpu.memref_slice %arg9[%add3A_256, %dma_start3A_257] : memref<512x32xf32, #tpu.memory_space<vmem>> -> memref<1x32xf32, #tpu.memory_space<vmem>>
      %dma_start3A_259 = tpu.memref_squeeze %dma_start3A_258 : memref<1x32xf32, #tpu.memory_space<vmem>> -> memref<32xf32, #tpu.memory_space<vmem>>
      %dma_start3A_260 = arith.constant 0 : i32
      %dma_start3A_261 = tpu.memref_slice %arg3[%squeeze3A_254, %dma_start3A_260] : memref<100000x32xf32, #tpu.memory_space<hbm>> -> memref<1x32xf32, #tpu.memory_space<hbm>>
      %dma_start3A_262 = tpu.memref_squeeze %dma_start3A_261 : memref<1x32xf32, #tpu.memory_space<hbm>> -> memref<32xf32, #tpu.memory_space<hbm>>
      %dma_start3A_263 = arith.constant 0 : i32
      %dma_start3A_264 = tpu.memref_slice %arg9[%add3A_256, %dma_start3A_263] : memref<512x32xf32, #tpu.memory_space<vmem>> -> memref<1x32xf32, #tpu.memory_space<vmem>>
      %dma_start3A_265 = tpu.memref_squeeze %dma_start3A_264 : memref<1x32xf32, #tpu.memory_space<vmem>> -> memref<32xf32, #tpu.memory_space<vmem>>
      %dma_start3A_266 = arith.constant 0 : i32
      %dma_start3A_267 = tpu.memref_slice %arg3[%squeeze3A_254, %dma_start3A_266] : memref<100000x32xf32, #tpu.memory_space<hbm>> -> memref<1x32xf32, #tpu.memory_space<hbm>>
      %dma_start3A_268 = tpu.memref_squeeze %dma_start3A_267 : memref<1x32xf32, #tpu.memory_space<hbm>> -> memref<32xf32, #tpu.memory_space<hbm>>
      tpu.enqueue_dma source(%dma_start3A_268 : memref<32xf32, #tpu.memory_space<hbm>>) target(%dma_start3A_265 : memref<32xf32, #tpu.memory_space<vmem>>) target_semaphore(%arg13 : memref<!tpu.dma_semaphore, #tpu.memory_space<semaphore_mem>>)
      %slice3A_269 = vector.extract_strided_slice %get3A_222 {offsets = [3], sizes = [1], strides = [1]} : vector<16xi32> to vector<1xi32>
      %squeeze3A_270 = vector.extract %slice3A_269[0] : i32 from vector<1xi32>
      %add3A_271 = arith.constant 3 : i32
      %add3A_272 = arith.addi %add3A_220, %add3A_271 : i32
      %dma_start3A_273 = arith.constant 0 : i32
      %dma_start3A_274 = tpu.memref_slice %arg9[%add3A_272, %dma_start3A_273] : memref<512x32xf32, #tpu.memory_space<vmem>> -> memref<1x32xf32, #tpu.memory_space<vmem>>
      %dma_start3A_275 = tpu.memref_squeeze %dma_start3A_274 : memref<1x32xf32, #tpu.memory_space<vmem>> -> memref<32xf32, #tpu.memory_space<vmem>>
      %dma_start3A_276 = arith.constant 0 : i32
      %dma_start3A_277 = tpu.memref_slice %arg3[%squeeze3A_270, %dma_start3A_276] : memref<100000x32xf32, #tpu.memory_space<hbm>> -> memref<1x32xf32, #tpu.memory_space<hbm>>
      %dma_start3A_278 = tpu.memref_squeeze %dma_start3A_277 : memref<1x32xf32, #tpu.memory_space<hbm>> -> memref<32xf32, #tpu.memory_space<hbm>>
      %dma_start3A_279 = arith.constant 0 : i32
      %dma_start3A_280 = tpu.memref_slice %arg9[%add3A_272, %dma_start3A_279] : memref<512x32xf32, #tpu.memory_space<vmem>> -> memref<1x32xf32, #tpu.memory_space<vmem>>
      %dma_start3A_281 = tpu.memref_squeeze %dma_start3A_280 : memref<1x32xf32, #tpu.memory_space<vmem>> -> memref<32xf32, #tpu.memory_space<vmem>>
      %dma_start3A_282 = arith.constant 0 : i32
      %dma_start3A_283 = tpu.memref_slice %arg3[%squeeze3A_270, %dma_start3A_282] : memref<100000x32xf32, #tpu.memory_space<hbm>> -> memref<1x32xf32, #tpu.memory_space<hbm>>
      %dma_start3A_284 = tpu.memref_squeeze %dma_start3A_283 : memref<1x32xf32, #tpu.memory_space<hbm>> -> memref<32xf32, #tpu.memory_space<hbm>>
      tpu.enqueue_dma source(%dma_start3A_284 : memref<32xf32, #tpu.memory_space<hbm>>) target(%dma_start3A_281 : memref<32xf32, #tpu.memory_space<vmem>>) target_semaphore(%arg13 : memref<!tpu.dma_semaphore, #tpu.memory_space<semaphore_mem>>)
      %slice3A_285 = vector.extract_strided_slice %get3A_222 {offsets = [4], sizes = [1], strides = [1]} : vector<16xi32> to vector<1xi32>
      %squeeze3A_286 = vector.extract %slice3A_285[0] : i32 from vector<1xi32>
      %add3A_287 = arith.constant 4 : i32
      %add3A_288 = arith.addi %add3A_220, %add3A_287 : i32
      %dma_start3A_289 = arith.constant 0 : i32
      %dma_start3A_290 = tpu.memref_slice %arg9[%add3A_288, %dma_start3A_289] : memref<512x32xf32, #tpu.memory_space<vmem>> -> memref<1x32xf32, #tpu.memory_space<vmem>>
      %dma_start3A_291 = tpu.memref_squeeze %dma_start3A_290 : memref<1x32xf32, #tpu.memory_space<vmem>> -> memref<32xf32, #tpu.memory_space<vmem>>
      %dma_start3A_292 = arith.constant 0 : i32
      %dma_start3A_293 = tpu.memref_slice %arg3[%squeeze3A_286, %dma_start3A_292] : memref<100000x32xf32, #tpu.memory_space<hbm>> -> memref<1x32xf32, #tpu.memory_space<hbm>>
      %dma_start3A_294 = tpu.memref_squeeze %dma_start3A_293 : memref<1x32xf32, #tpu.memory_space<hbm>> -> memref<32xf32, #tpu.memory_space<hbm>>
      %dma_start3A_295 = arith.constant 0 : i32
      %dma_start3A_296 = tpu.memref_slice %arg9[%add3A_288, %dma_start3A_295] : memref<512x32xf32, #tpu.memory_space<vmem>> -> memref<1x32xf32, #tpu.memory_space<vmem>>
      %dma_start3A_297 = tpu.memref_squeeze %dma_start3A_296 : memref<1x32xf32, #tpu.memory_space<vmem>> -> memref<32xf32, #tpu.memory_space<vmem>>
      %dma_start3A_298 = arith.constant 0 : i32
      %dma_start3A_299 = tpu.memref_slice %arg3[%squeeze3A_286, %dma_start3A_298] : memref<100000x32xf32, #tpu.memory_space<hbm>> -> memref<1x32xf32, #tpu.memory_space<hbm>>
      %dma_start3A_300 = tpu.memref_squeeze %dma_start3A_299 : memref<1x32xf32, #tpu.memory_space<hbm>> -> memref<32xf32, #tpu.memory_space<hbm>>
      tpu.enqueue_dma source(%dma_start3A_300 : memref<32xf32, #tpu.memory_space<hbm>>) target(%dma_start3A_297 : memref<32xf32, #tpu.memory_space<vmem>>) target_semaphore(%arg13 : memref<!tpu.dma_semaphore, #tpu.memory_space<semaphore_mem>>)
      %slice3A_301 = vector.extract_strided_slice %get3A_222 {offsets = [5], sizes = [1], strides = [1]} : vector<16xi32> to vector<1xi32>
      %squeeze3A_302 = vector.extract %slice3A_301[0] : i32 from vector<1xi32>
      %add3A_303 = arith.constant 5 : i32
      %add3A_304 = arith.addi %add3A_220, %add3A_303 : i32
      %dma_start3A_305 = arith.constant 0 : i32
      %dma_start3A_306 = tpu.memref_slice %arg9[%add3A_304, %dma_start3A_305] : memref<512x32xf32, #tpu.memory_space<vmem>> -> memref<1x32xf32, #tpu.memory_space<vmem>>
      %dma_start3A_307 = tpu.memref_squeeze %dma_start3A_306 : memref<1x32xf32, #tpu.memory_space<vmem>> -> memref<32xf32, #tpu.memory_space<vmem>>
      %dma_start3A_308 = arith.constant 0 : i32
      %dma_start3A_309 = tpu.memref_slice %arg3[%squeeze3A_302, %dma_start3A_308] : memref<100000x32xf32, #tpu.memory_space<hbm>> -> memref<1x32xf32, #tpu.memory_space<hbm>>
      %dma_start3A_310 = tpu.memref_squeeze %dma_start3A_309 : memref<1x32xf32, #tpu.memory_space<hbm>> -> memref<32xf32, #tpu.memory_space<hbm>>
      %dma_start3A_311 = arith.constant 0 : i32
      %dma_start3A_312 = tpu.memref_slice %arg9[%add3A_304, %dma_start3A_311] : memref<512x32xf32, #tpu.memory_space<vmem>> -> memref<1x32xf32, #tpu.memory_space<vmem>>
      %dma_start3A_313 = tpu.memref_squeeze %dma_start3A_312 : memref<1x32xf32, #tpu.memory_space<vmem>> -> memref<32xf32, #tpu.memory_space<vmem>>
      %dma_start3A_314 = arith.constant 0 : i32
      %dma_start3A_315 = tpu.memref_slice %arg3[%squeeze3A_302, %dma_start3A_314] : memref<100000x32xf32, #tpu.memory_space<hbm>> -> memref<1x32xf32, #tpu.memory_space<hbm>>
      %dma_start3A_316 = tpu.memref_squeeze %dma_start3A_315 : memref<1x32xf32, #tpu.memory_space<hbm>> -> memref<32xf32, #tpu.memory_space<hbm>>
      tpu.enqueue_dma source(%dma_start3A_316 : memref<32xf32, #tpu.memory_space<hbm>>) target(%dma_start3A_313 : memref<32xf32, #tpu.memory_space<vmem>>) target_semaphore(%arg13 : memref<!tpu.dma_semaphore, #tpu.memory_space<semaphore_mem>>)
      %slice3A_317 = vector.extract_strided_slice %get3A_222 {offsets = [6], sizes = [1], strides = [1]} : vector<16xi32> to vector<1xi32>
      %squeeze3A_318 = vector.extract %slice3A_317[0] : i32 from vector<1xi32>
      %add3A_319 = arith.constant 6 : i32
      %add3A_320 = arith.addi %add3A_220, %add3A_319 : i32
      %dma_start3A_321 = arith.constant 0 : i32
      %dma_start3A_322 = tpu.memref_slice %arg9[%add3A_320, %dma_start3A_321] : memref<512x32xf32, #tpu.memory_space<vmem>> -> memref<1x32xf32, #tpu.memory_space<vmem>>
      %dma_start3A_323 = tpu.memref_squeeze %dma_start3A_322 : memref<1x32xf32, #tpu.memory_space<vmem>> -> memref<32xf32, #tpu.memory_space<vmem>>
      %dma_start3A_324 = arith.constant 0 : i32
      %dma_start3A_325 = tpu.memref_slice %arg3[%squeeze3A_318, %dma_start3A_324] : memref<100000x32xf32, #tpu.memory_space<hbm>> -> memref<1x32xf32, #tpu.memory_space<hbm>>
      %dma_start3A_326 = tpu.memref_squeeze %dma_start3A_325 : memref<1x32xf32, #tpu.memory_space<hbm>> -> memref<32xf32, #tpu.memory_space<hbm>>
      %dma_start3A_327 = arith.constant 0 : i32
      %dma_start3A_328 = tpu.memref_slice %arg9[%add3A_320, %dma_start3A_327] : memref<512x32xf32, #tpu.memory_space<vmem>> -> memref<1x32xf32, #tpu.memory_space<vmem>>
      %dma_start3A_329 = tpu.memref_squeeze %dma_start3A_328 : memref<1x32xf32, #tpu.memory_space<vmem>> -> memref<32xf32, #tpu.memory_space<vmem>>
      %dma_start3A_330 = arith.constant 0 : i32
      %dma_start3A_331 = tpu.memref_slice %arg3[%squeeze3A_318, %dma_start3A_330] : memref<100000x32xf32, #tpu.memory_space<hbm>> -> memref<1x32xf32, #tpu.memory_space<hbm>>
      %dma_start3A_332 = tpu.memref_squeeze %dma_start3A_331 : memref<1x32xf32, #tpu.memory_space<hbm>> -> memref<32xf32, #tpu.memory_space<hbm>>
      tpu.enqueue_dma source(%dma_start3A_332 : memref<32xf32, #tpu.memory_space<hbm>>) target(%dma_start3A_329 : memref<32xf32, #tpu.memory_space<vmem>>) target_semaphore(%arg13 : memref<!tpu.dma_semaphore, #tpu.memory_space<semaphore_mem>>)
      %slice3A_333 = vector.extract_strided_slice %get3A_222 {offsets = [7], sizes = [1], strides = [1]} : vector<16xi32> to vector<1xi32>
      %squeeze3A_334 = vector.extract %slice3A_333[0] : i32 from vector<1xi32>
      %add3A_335 = arith.constant 7 : i32
      %add3A_336 = arith.addi %add3A_220, %add3A_335 : i32
      %dma_start3A_337 = arith.constant 0 : i32
      %dma_start3A_338 = tpu.memref_slice %arg9[%add3A_336, %dma_start3A_337] : memref<512x32xf32, #tpu.memory_space<vmem>> -> memref<1x32xf32, #tpu.memory_space<vmem>>
      %dma_start3A_339 = tpu.memref_squeeze %dma_start3A_338 : memref<1x32xf32, #tpu.memory_space<vmem>> -> memref<32xf32, #tpu.memory_space<vmem>>
      %dma_start3A_340 = arith.constant 0 : i32
      %dma_start3A_341 = tpu.memref_slice %arg3[%squeeze3A_334, %dma_start3A_340] : memref<100000x32xf32, #tpu.memory_space<hbm>> -> memref<1x32xf32, #tpu.memory_space<hbm>>
      %dma_start3A_342 = tpu.memref_squeeze %dma_start3A_341 : memref<1x32xf32, #tpu.memory_space<hbm>> -> memref<32xf32, #tpu.memory_space<hbm>>
      %dma_start3A_343 = arith.constant 0 : i32
      %dma_start3A_344 = tpu.memref_slice %arg9[%add3A_336, %dma_start3A_343] : memref<512x32xf32, #tpu.memory_space<vmem>> -> memref<1x32xf32, #tpu.memory_space<vmem>>
      %dma_start3A_345 = tpu.memref_squeeze %dma_start3A_344 : memref<1x32xf32, #tpu.memory_space<vmem>> -> memref<32xf32, #tpu.memory_space<vmem>>
      %dma_start3A_346 = arith.constant 0 : i32
      %dma_start3A_347 = tpu.memref_slice %arg3[%squeeze3A_334, %dma_start3A_346] : memref<100000x32xf32, #tpu.memory_space<hbm>> -> memref<1x32xf32, #tpu.memory_space<hbm>>
      %dma_start3A_348 = tpu.memref_squeeze %dma_start3A_347 : memref<1x32xf32, #tpu.memory_space<hbm>> -> memref<32xf32, #tpu.memory_space<hbm>>
      tpu.enqueue_dma source(%dma_start3A_348 : memref<32xf32, #tpu.memory_space<hbm>>) target(%dma_start3A_345 : memref<32xf32, #tpu.memory_space<vmem>>) target_semaphore(%arg13 : memref<!tpu.dma_semaphore, #tpu.memory_space<semaphore_mem>>)
      %slice3A_349 = vector.extract_strided_slice %get3A_222 {offsets = [8], sizes = [1], strides = [1]} : vector<16xi32> to vector<1xi32>
      %squeeze3A_350 = vector.extract %slice3A_349[0] : i32 from vector<1xi32>
      %add3A_351 = arith.constant 8 : i32
      %add3A_352 = arith.addi %add3A_220, %add3A_351 : i32
      %dma_start3A_353 = arith.constant 0 : i32
      %dma_start3A_354 = tpu.memref_slice %arg9[%add3A_352, %dma_start3A_353] : memref<512x32xf32, #tpu.memory_space<vmem>> -> memref<1x32xf32, #tpu.memory_space<vmem>>
      %dma_start3A_355 = tpu.memref_squeeze %dma_start3A_354 : memref<1x32xf32, #tpu.memory_space<vmem>> -> memref<32xf32, #tpu.memory_space<vmem>>
      %dma_start3A_356 = arith.constant 0 : i32
      %dma_start3A_357 = tpu.memref_slice %arg3[%squeeze3A_350, %dma_start3A_356] : memref<100000x32xf32, #tpu.memory_space<hbm>> -> memref<1x32xf32, #tpu.memory_space<hbm>>
      %dma_start3A_358 = tpu.memref_squeeze %dma_start3A_357 : memref<1x32xf32, #tpu.memory_space<hbm>> -> memref<32xf32, #tpu.memory_space<hbm>>
      %dma_start3A_359 = arith.constant 0 : i32
      %dma_start3A_360 = tpu.memref_slice %arg9[%add3A_352, %dma_start3A_359] : memref<512x32xf32, #tpu.memory_space<vmem>> -> memref<1x32xf32, #tpu.memory_space<vmem>>
      %dma_start3A_361 = tpu.memref_squeeze %dma_start3A_360 : memref<1x32xf32, #tpu.memory_space<vmem>> -> memref<32xf32, #tpu.memory_space<vmem>>
      %dma_start3A_362 = arith.constant 0 : i32
      %dma_start3A_363 = tpu.memref_slice %arg3[%squeeze3A_350, %dma_start3A_362] : memref<100000x32xf32, #tpu.memory_space<hbm>> -> memref<1x32xf32, #tpu.memory_space<hbm>>
      %dma_start3A_364 = tpu.memref_squeeze %dma_start3A_363 : memref<1x32xf32, #tpu.memory_space<hbm>> -> memref<32xf32, #tpu.memory_space<hbm>>
      tpu.enqueue_dma source(%dma_start3A_364 : memref<32xf32, #tpu.memory_space<hbm>>) target(%dma_start3A_361 : memref<32xf32, #tpu.memory_space<vmem>>) target_semaphore(%arg13 : memref<!tpu.dma_semaphore, #tpu.memory_space<semaphore_mem>>)
      %slice3A_365 = vector.extract_strided_slice %get3A_222 {offsets = [9], sizes = [1], strides = [1]} : vector<16xi32> to vector<1xi32>
      %squeeze3A_366 = vector.extract %slice3A_365[0] : i32 from vector<1xi32>
      %add3A_367 = arith.constant 9 : i32
      %add3A_368 = arith.addi %add3A_220, %add3A_367 : i32
      %dma_start3A_369 = arith.constant 0 : i32
      %dma_start3A_370 = tpu.memref_slice %arg9[%add3A_368, %dma_start3A_369] : memref<512x32xf32, #tpu.memory_space<vmem>> -> memref<1x32xf32, #tpu.memory_space<vmem>>
      %dma_start3A_371 = tpu.memref_squeeze %dma_start3A_370 : memref<1x32xf32, #tpu.memory_space<vmem>> -> memref<32xf32, #tpu.memory_space<vmem>>
      %dma_start3A_372 = arith.constant 0 : i32
      %dma_start3A_373 = tpu.memref_slice %arg3[%squeeze3A_366, %dma_start3A_372] : memref<100000x32xf32, #tpu.memory_space<hbm>> -> memref<1x32xf32, #tpu.memory_space<hbm>>
      %dma_start3A_374 = tpu.memref_squeeze %dma_start3A_373 : memref<1x32xf32, #tpu.memory_space<hbm>> -> memref<32xf32, #tpu.memory_space<hbm>>
      %dma_start3A_375 = arith.constant 0 : i32
      %dma_start3A_376 = tpu.memref_slice %arg9[%add3A_368, %dma_start3A_375] : memref<512x32xf32, #tpu.memory_space<vmem>> -> memref<1x32xf32, #tpu.memory_space<vmem>>
      %dma_start3A_377 = tpu.memref_squeeze %dma_start3A_376 : memref<1x32xf32, #tpu.memory_space<vmem>> -> memref<32xf32, #tpu.memory_space<vmem>>
      %dma_start3A_378 = arith.constant 0 : i32
      %dma_start3A_379 = tpu.memref_slice %arg3[%squeeze3A_366, %dma_start3A_378] : memref<100000x32xf32, #tpu.memory_space<hbm>> -> memref<1x32xf32, #tpu.memory_space<hbm>>
      %dma_start3A_380 = tpu.memref_squeeze %dma_start3A_379 : memref<1x32xf32, #tpu.memory_space<hbm>> -> memref<32xf32, #tpu.memory_space<hbm>>
      tpu.enqueue_dma source(%dma_start3A_380 : memref<32xf32, #tpu.memory_space<hbm>>) target(%dma_start3A_377 : memref<32xf32, #tpu.memory_space<vmem>>) target_semaphore(%arg13 : memref<!tpu.dma_semaphore, #tpu.memory_space<semaphore_mem>>)
      %slice3A_381 = vector.extract_strided_slice %get3A_222 {offsets = [10], sizes = [1], strides = [1]} : vector<16xi32> to vector<1xi32>
      %squeeze3A_382 = vector.extract %slice3A_381[0] : i32 from vector<1xi32>
      %add3A_383 = arith.constant 10 : i32
      %add3A_384 = arith.addi %add3A_220, %add3A_383 : i32
      %dma_start3A_385 = arith.constant 0 : i32
      %dma_start3A_386 = tpu.memref_slice %arg9[%add3A_384, %dma_start3A_385] : memref<512x32xf32, #tpu.memory_space<vmem>> -> memref<1x32xf32, #tpu.memory_space<vmem>>
      %dma_start3A_387 = tpu.memref_squeeze %dma_start3A_386 : memref<1x32xf32, #tpu.memory_space<vmem>> -> memref<32xf32, #tpu.memory_space<vmem>>
      %dma_start3A_388 = arith.constant 0 : i32
      %dma_start3A_389 = tpu.memref_slice %arg3[%squeeze3A_382, %dma_start3A_388] : memref<100000x32xf32, #tpu.memory_space<hbm>> -> memref<1x32xf32, #tpu.memory_space<hbm>>
      %dma_start3A_390 = tpu.memref_squeeze %dma_start3A_389 : memref<1x32xf32, #tpu.memory_space<hbm>> -> memref<32xf32, #tpu.memory_space<hbm>>
      %dma_start3A_391 = arith.constant 0 : i32
      %dma_start3A_392 = tpu.memref_slice %arg9[%add3A_384, %dma_start3A_391] : memref<512x32xf32, #tpu.memory_space<vmem>> -> memref<1x32xf32, #tpu.memory_space<vmem>>
      %dma_start3A_393 = tpu.memref_squeeze %dma_start3A_392 : memref<1x32xf32, #tpu.memory_space<vmem>> -> memref<32xf32, #tpu.memory_space<vmem>>
      %dma_start3A_394 = arith.constant 0 : i32
      %dma_start3A_395 = tpu.memref_slice %arg3[%squeeze3A_382, %dma_start3A_394] : memref<100000x32xf32, #tpu.memory_space<hbm>> -> memref<1x32xf32, #tpu.memory_space<hbm>>
      %dma_start3A_396 = tpu.memref_squeeze %dma_start3A_395 : memref<1x32xf32, #tpu.memory_space<hbm>> -> memref<32xf32, #tpu.memory_space<hbm>>
      tpu.enqueue_dma source(%dma_start3A_396 : memref<32xf32, #tpu.memory_space<hbm>>) target(%dma_start3A_393 : memref<32xf32, #tpu.memory_space<vmem>>) target_semaphore(%arg13 : memref<!tpu.dma_semaphore, #tpu.memory_space<semaphore_mem>>)
      %slice3A_397 = vector.extract_strided_slice %get3A_222 {offsets = [11], sizes = [1], strides = [1]} : vector<16xi32> to vector<1xi32>
      %squeeze3A_398 = vector.extract %slice3A_397[0] : i32 from vector<1xi32>
      %add3A_399 = arith.constant 11 : i32
      %add3A_400 = arith.addi %add3A_220, %add3A_399 : i32
      %dma_start3A_401 = arith.constant 0 : i32
      %dma_start3A_402 = tpu.memref_slice %arg9[%add3A_400, %dma_start3A_401] : memref<512x32xf32, #tpu.memory_space<vmem>> -> memref<1x32xf32, #tpu.memory_space<vmem>>
      %dma_start3A_403 = tpu.memref_squeeze %dma_start3A_402 : memref<1x32xf32, #tpu.memory_space<vmem>> -> memref<32xf32, #tpu.memory_space<vmem>>
      %dma_start3A_404 = arith.constant 0 : i32
      %dma_start3A_405 = tpu.memref_slice %arg3[%squeeze3A_398, %dma_start3A_404] : memref<100000x32xf32, #tpu.memory_space<hbm>> -> memref<1x32xf32, #tpu.memory_space<hbm>>
      %dma_start3A_406 = tpu.memref_squeeze %dma_start3A_405 : memref<1x32xf32, #tpu.memory_space<hbm>> -> memref<32xf32, #tpu.memory_space<hbm>>
      %dma_start3A_407 = arith.constant 0 : i32
      %dma_start3A_408 = tpu.memref_slice %arg9[%add3A_400, %dma_start3A_407] : memref<512x32xf32, #tpu.memory_space<vmem>> -> memref<1x32xf32, #tpu.memory_space<vmem>>
      %dma_start3A_409 = tpu.memref_squeeze %dma_start3A_408 : memref<1x32xf32, #tpu.memory_space<vmem>> -> memref<32xf32, #tpu.memory_space<vmem>>
      %dma_start3A_410 = arith.constant 0 : i32
      %dma_start3A_411 = tpu.memref_slice %arg3[%squeeze3A_398, %dma_start3A_410] : memref<100000x32xf32, #tpu.memory_space<hbm>> -> memref<1x32xf32, #tpu.memory_space<hbm>>
      %dma_start3A_412 = tpu.memref_squeeze %dma_start3A_411 : memref<1x32xf32, #tpu.memory_space<hbm>> -> memref<32xf32, #tpu.memory_space<hbm>>
      tpu.enqueue_dma source(%dma_start3A_412 : memref<32xf32, #tpu.memory_space<hbm>>) target(%dma_start3A_409 : memref<32xf32, #tpu.memory_space<vmem>>) target_semaphore(%arg13 : memref<!tpu.dma_semaphore, #tpu.memory_space<semaphore_mem>>)
      %slice3A_413 = vector.extract_strided_slice %get3A_222 {offsets = [12], sizes = [1], strides = [1]} : vector<16xi32> to vector<1xi32>
      %squeeze3A_414 = vector.extract %slice3A_413[0] : i32 from vector<1xi32>
      %add3A_415 = arith.constant 12 : i32
      %add3A_416 = arith.addi %add3A_220, %add3A_415 : i32
      %dma_start3A_417 = arith.constant 0 : i32
      %dma_start3A_418 = tpu.memref_slice %arg9[%add3A_416, %dma_start3A_417] : memref<512x32xf32, #tpu.memory_space<vmem>> -> memref<1x32xf32, #tpu.memory_space<vmem>>
      %dma_start3A_419 = tpu.memref_squeeze %dma_start3A_418 : memref<1x32xf32, #tpu.memory_space<vmem>> -> memref<32xf32, #tpu.memory_space<vmem>>
      %dma_start3A_420 = arith.constant 0 : i32
      %dma_start3A_421 = tpu.memref_slice %arg3[%squeeze3A_414, %dma_start3A_420] : memref<100000x32xf32, #tpu.memory_space<hbm>> -> memref<1x32xf32, #tpu.memory_space<hbm>>
      %dma_start3A_422 = tpu.memref_squeeze %dma_start3A_421 : memref<1x32xf32, #tpu.memory_space<hbm>> -> memref<32xf32, #tpu.memory_space<hbm>>
      %dma_start3A_423 = arith.constant 0 : i32
      %dma_start3A_424 = tpu.memref_slice %arg9[%add3A_416, %dma_start3A_423] : memref<512x32xf32, #tpu.memory_space<vmem>> -> memref<1x32xf32, #tpu.memory_space<vmem>>
      %dma_start3A_425 = tpu.memref_squeeze %dma_start3A_424 : memref<1x32xf32, #tpu.memory_space<vmem>> -> memref<32xf32, #tpu.memory_space<vmem>>
      %dma_start3A_426 = arith.constant 0 : i32
      %dma_start3A_427 = tpu.memref_slice %arg3[%squeeze3A_414, %dma_start3A_426] : memref<100000x32xf32, #tpu.memory_space<hbm>> -> memref<1x32xf32, #tpu.memory_space<hbm>>
      %dma_start3A_428 = tpu.memref_squeeze %dma_start3A_427 : memref<1x32xf32, #tpu.memory_space<hbm>> -> memref<32xf32, #tpu.memory_space<hbm>>
      tpu.enqueue_dma source(%dma_start3A_428 : memref<32xf32, #tpu.memory_space<hbm>>) target(%dma_start3A_425 : memref<32xf32, #tpu.memory_space<vmem>>) target_semaphore(%arg13 : memref<!tpu.dma_semaphore, #tpu.memory_space<semaphore_mem>>)
      %slice3A_429 = vector.extract_strided_slice %get3A_222 {offsets = [13], sizes = [1], strides = [1]} : vector<16xi32> to vector<1xi32>
      %squeeze3A_430 = vector.extract %slice3A_429[0] : i32 from vector<1xi32>
      %add3A_431 = arith.constant 13 : i32
      %add3A_432 = arith.addi %add3A_220, %add3A_431 : i32
      %dma_start3A_433 = arith.constant 0 : i32
      %dma_start3A_434 = tpu.memref_slice %arg9[%add3A_432, %dma_start3A_433] : memref<512x32xf32, #tpu.memory_space<vmem>> -> memref<1x32xf32, #tpu.memory_space<vmem>>
      %dma_start3A_435 = tpu.memref_squeeze %dma_start3A_434 : memref<1x32xf32, #tpu.memory_space<vmem>> -> memref<32xf32, #tpu.memory_space<vmem>>
      %dma_start3A_436 = arith.constant 0 : i32
      %dma_start3A_437 = tpu.memref_slice %arg3[%squeeze3A_430, %dma_start3A_436] : memref<100000x32xf32, #tpu.memory_space<hbm>> -> memref<1x32xf32, #tpu.memory_space<hbm>>
      %dma_start3A_438 = tpu.memref_squeeze %dma_start3A_437 : memref<1x32xf32, #tpu.memory_space<hbm>> -> memref<32xf32, #tpu.memory_space<hbm>>
      %dma_start3A_439 = arith.constant 0 : i32
      %dma_start3A_440 = tpu.memref_slice %arg9[%add3A_432, %dma_start3A_439] : memref<512x32xf32, #tpu.memory_space<vmem>> -> memref<1x32xf32, #tpu.memory_space<vmem>>
      %dma_start3A_441 = tpu.memref_squeeze %dma_start3A_440 : memref<1x32xf32, #tpu.memory_space<vmem>> -> memref<32xf32, #tpu.memory_space<vmem>>
      %dma_start3A_442 = arith.constant 0 : i32
      %dma_start3A_443 = tpu.memref_slice %arg3[%squeeze3A_430, %dma_start3A_442] : memref<100000x32xf32, #tpu.memory_space<hbm>> -> memref<1x32xf32, #tpu.memory_space<hbm>>
      %dma_start3A_444 = tpu.memref_squeeze %dma_start3A_443 : memref<1x32xf32, #tpu.memory_space<hbm>> -> memref<32xf32, #tpu.memory_space<hbm>>
      tpu.enqueue_dma source(%dma_start3A_444 : memref<32xf32, #tpu.memory_space<hbm>>) target(%dma_start3A_441 : memref<32xf32, #tpu.memory_space<vmem>>) target_semaphore(%arg13 : memref<!tpu.dma_semaphore, #tpu.memory_space<semaphore_mem>>)
      %slice3A_445 = vector.extract_strided_slice %get3A_222 {offsets = [14], sizes = [1], strides = [1]} : vector<16xi32> to vector<1xi32>
      %squeeze3A_446 = vector.extract %slice3A_445[0] : i32 from vector<1xi32>
      %add3A_447 = arith.constant 14 : i32
      %add3A_448 = arith.addi %add3A_220, %add3A_447 : i32
      %dma_start3A_449 = arith.constant 0 : i32
      %dma_start3A_450 = tpu.memref_slice %arg9[%add3A_448, %dma_start3A_449] : memref<512x32xf32, #tpu.memory_space<vmem>> -> memref<1x32xf32, #tpu.memory_space<vmem>>
      %dma_start3A_451 = tpu.memref_squeeze %dma_start3A_450 : memref<1x32xf32, #tpu.memory_space<vmem>> -> memref<32xf32, #tpu.memory_space<vmem>>
      %dma_start3A_452 = arith.constant 0 : i32
      %dma_start3A_453 = tpu.memref_slice %arg3[%squeeze3A_446, %dma_start3A_452] : memref<100000x32xf32, #tpu.memory_space<hbm>> -> memref<1x32xf32, #tpu.memory_space<hbm>>
      %dma_start3A_454 = tpu.memref_squeeze %dma_start3A_453 : memref<1x32xf32, #tpu.memory_space<hbm>> -> memref<32xf32, #tpu.memory_space<hbm>>
      %dma_start3A_455 = arith.constant 0 : i32
      %dma_start3A_456 = tpu.memref_slice %arg9[%add3A_448, %dma_start3A_455] : memref<512x32xf32, #tpu.memory_space<vmem>> -> memref<1x32xf32, #tpu.memory_space<vmem>>
      %dma_start3A_457 = tpu.memref_squeeze %dma_start3A_456 : memref<1x32xf32, #tpu.memory_space<vmem>> -> memref<32xf32, #tpu.memory_space<vmem>>
      %dma_start3A_458 = arith.constant 0 : i32
      %dma_start3A_459 = tpu.memref_slice %arg3[%squeeze3A_446, %dma_start3A_458] : memref<100000x32xf32, #tpu.memory_space<hbm>> -> memref<1x32xf32, #tpu.memory_space<hbm>>
      %dma_start3A_460 = tpu.memref_squeeze %dma_start3A_459 : memref<1x32xf32, #tpu.memory_space<hbm>> -> memref<32xf32, #tpu.memory_space<hbm>>
      tpu.enqueue_dma source(%dma_start3A_460 : memref<32xf32, #tpu.memory_space<hbm>>) target(%dma_start3A_457 : memref<32xf32, #tpu.memory_space<vmem>>) target_semaphore(%arg13 : memref<!tpu.dma_semaphore, #tpu.memory_space<semaphore_mem>>)
      %slice3A_461 = vector.extract_strided_slice %get3A_222 {offsets = [15], sizes = [1], strides = [1]} : vector<16xi32> to vector<1xi32>
      %squeeze3A_462 = vector.extract %slice3A_461[0] : i32 from vector<1xi32>
      %add3A_463 = arith.constant 15 : i32
      %add3A_464 = arith.addi %add3A_220, %add3A_463 : i32
      %dma_start3A_465 = arith.constant 0 : i32
      %dma_start3A_466 = tpu.memref_slice %arg9[%add3A_464, %dma_start3A_465] : memref<512x32xf32, #tpu.memory_space<vmem>> -> memref<1x32xf32, #tpu.memory_space<vmem>>
      %dma_start3A_467 = tpu.memref_squeeze %dma_start3A_466 : memref<1x32xf32, #tpu.memory_space<vmem>> -> memref<32xf32, #tpu.memory_space<vmem>>
      %dma_start3A_468 = arith.constant 0 : i32
      %dma_start3A_469 = tpu.memref_slice %arg3[%squeeze3A_462, %dma_start3A_468] : memref<100000x32xf32, #tpu.memory_space<hbm>> -> memref<1x32xf32, #tpu.memory_space<hbm>>
      %dma_start3A_470 = tpu.memref_squeeze %dma_start3A_469 : memref<1x32xf32, #tpu.memory_space<hbm>> -> memref<32xf32, #tpu.memory_space<hbm>>
      %dma_start3A_471 = arith.constant 0 : i32
      %dma_start3A_472 = tpu.memref_slice %arg9[%add3A_464, %dma_start3A_471] : memref<512x32xf32, #tpu.memory_space<vmem>> -> memref<1x32xf32, #tpu.memory_space<vmem>>
      %dma_start3A_473 = tpu.memref_squeeze %dma_start3A_472 : memref<1x32xf32, #tpu.memory_space<vmem>> -> memref<32xf32, #tpu.memory_space<vmem>>
      %dma_start3A_474 = arith.constant 0 : i32
      %dma_start3A_475 = tpu.memref_slice %arg3[%squeeze3A_462, %dma_start3A_474] : memref<100000x32xf32, #tpu.memory_space<hbm>> -> memref<1x32xf32, #tpu.memory_space<hbm>>
      %dma_start3A_476 = tpu.memref_squeeze %dma_start3A_475 : memref<1x32xf32, #tpu.memory_space<hbm>> -> memref<32xf32, #tpu.memory_space<hbm>>
      tpu.enqueue_dma source(%dma_start3A_476 : memref<32xf32, #tpu.memory_space<hbm>>) target(%dma_start3A_473 : memref<32xf32, #tpu.memory_space<vmem>>) target_semaphore(%arg13 : memref<!tpu.dma_semaphore, #tpu.memory_space<semaphore_mem>>)
    }
    %scan3A_29 = arith.constant 8 : i32
    %scan3A_30 = arith.constant 0 : i32
    %scan3A_31 = arith.constant 8 : i32
    %scan3A_32 = arith.addi %scan3A_30, %scan3A_31 : i32
    %scan3A_33 = arith.constant 1 : i32
    scf.for %scan3A_216 = %scan3A_30 to %scan3A_32 step %scan3A_33  : i32 {
      %mul3A_217 = arith.constant 16 : i32
      %mul3A_218 = arith.muli %scan3A_216, %mul3A_217 : i32
      %add3A_219 = arith.constant 128 : i32
      %add3A_220 = arith.addi %add3A_219, %mul3A_218 : i32
      %get3A = arith.index_cast %add3A_220 : i32 to index
      %get3A_221 = tpu.vector_load %arg7[%get3A] {strides = array<i32>} : memref<512xi32, #tpu.memory_space<vmem>>, vector<16xi32>,
      %get3A_222 = vector.shape_cast %get3A_221 : vector<16xi32> to vector<16xi32>
      %slice3A = vector.extract_strided_slice %get3A_222 {offsets = [0], sizes = [1], strides = [1]} : vector<16xi32> to vector<1xi32>
      %squeeze3A = vector.extract %slice3A[0] : i32 from vector<1xi32>
      %add3A_223 = arith.constant 0 : i32
      %add3A_224 = arith.addi %add3A_220, %add3A_223 : i32
      %dma_start3A_225 = arith.constant 0 : i32
      %dma_start3A_226 = tpu.memref_slice %arg9[%add3A_224, %dma_start3A_225] : memref<512x32xf32, #tpu.memory_space<vmem>> -> memref<1x32xf32, #tpu.memory_space<vmem>>
      %dma_start3A_227 = tpu.memref_squeeze %dma_start3A_226 : memref<1x32xf32, #tpu.memory_space<vmem>> -> memref<32xf32, #tpu.memory_space<vmem>>
      %dma_start3A_228 = arith.constant 0 : i32
      %dma_start3A_229 = tpu.memref_slice %arg3[%squeeze3A, %dma_start3A_228] : memref<100000x32xf32, #tpu.memory_space<hbm>> -> memref<1x32xf32, #tpu.memory_space<hbm>>
      %dma_start3A_230 = tpu.memref_squeeze %dma_start3A_229 : memref<1x32xf32, #tpu.memory_space<hbm>> -> memref<32xf32, #tpu.memory_space<hbm>>
      %dma_start3A_231 = arith.constant 0 : i32
      %dma_start3A_232 = tpu.memref_slice %arg9[%add3A_224, %dma_start3A_231] : memref<512x32xf32, #tpu.memory_space<vmem>> -> memref<1x32xf32, #tpu.memory_space<vmem>>
      %dma_start3A_233 = tpu.memref_squeeze %dma_start3A_232 : memref<1x32xf32, #tpu.memory_space<vmem>> -> memref<32xf32, #tpu.memory_space<vmem>>
      %dma_start3A_234 = arith.constant 0 : i32
      %dma_start3A_235 = tpu.memref_slice %arg3[%squeeze3A, %dma_start3A_234] : memref<100000x32xf32, #tpu.memory_space<hbm>> -> memref<1x32xf32, #tpu.memory_space<hbm>>
      %dma_start3A_236 = tpu.memref_squeeze %dma_start3A_235 : memref<1x32xf32, #tpu.memory_space<hbm>> -> memref<32xf32, #tpu.memory_space<hbm>>
      tpu.enqueue_dma source(%dma_start3A_236 : memref<32xf32, #tpu.memory_space<hbm>>) target(%dma_start3A_233 : memref<32xf32, #tpu.memory_space<vmem>>) target_semaphore(%arg14 : memref<!tpu.dma_semaphore, #tpu.memory_space<semaphore_mem>>)
      %slice3A_237 = vector.extract_strided_slice %get3A_222 {offsets = [1], sizes = [1], strides = [1]} : vector<16xi32> to vector<1xi32>
      %squeeze3A_238 = vector.extract %slice3A_237[0] : i32 from vector<1xi32>
      %add3A_239 = arith.constant 1 : i32
      %add3A_240 = arith.addi %add3A_220, %add3A_239 : i32
      %dma_start3A_241 = arith.constant 0 : i32
      %dma_start3A_242 = tpu.memref_slice %arg9[%add3A_240, %dma_start3A_241] : memref<512x32xf32, #tpu.memory_space<vmem>> -> memref<1x32xf32, #tpu.memory_space<vmem>>
      %dma_start3A_243 = tpu.memref_squeeze %dma_start3A_242 : memref<1x32xf32, #tpu.memory_space<vmem>> -> memref<32xf32, #tpu.memory_space<vmem>>
      %dma_start3A_244 = arith.constant 0 : i32
      %dma_start3A_245 = tpu.memref_slice %arg3[%squeeze3A_238, %dma_start3A_244] : memref<100000x32xf32, #tpu.memory_space<hbm>> -> memref<1x32xf32, #tpu.memory_space<hbm>>
      %dma_start3A_246 = tpu.memref_squeeze %dma_start3A_245 : memref<1x32xf32, #tpu.memory_space<hbm>> -> memref<32xf32, #tpu.memory_space<hbm>>
      %dma_start3A_247 = arith.constant 0 : i32
      %dma_start3A_248 = tpu.memref_slice %arg9[%add3A_240, %dma_start3A_247] : memref<512x32xf32, #tpu.memory_space<vmem>> -> memref<1x32xf32, #tpu.memory_space<vmem>>
      %dma_start3A_249 = tpu.memref_squeeze %dma_start3A_248 : memref<1x32xf32, #tpu.memory_space<vmem>> -> memref<32xf32, #tpu.memory_space<vmem>>
      %dma_start3A_250 = arith.constant 0 : i32
      %dma_start3A_251 = tpu.memref_slice %arg3[%squeeze3A_238, %dma_start3A_250] : memref<100000x32xf32, #tpu.memory_space<hbm>> -> memref<1x32xf32, #tpu.memory_space<hbm>>
      %dma_start3A_252 = tpu.memref_squeeze %dma_start3A_251 : memref<1x32xf32, #tpu.memory_space<hbm>> -> memref<32xf32, #tpu.memory_space<hbm>>
      tpu.enqueue_dma source(%dma_start3A_252 : memref<32xf32, #tpu.memory_space<hbm>>) target(%dma_start3A_249 : memref<32xf32, #tpu.memory_space<vmem>>) target_semaphore(%arg14 : memref<!tpu.dma_semaphore, #tpu.memory_space<semaphore_mem>>)
      %slice3A_253 = vector.extract_strided_slice %get3A_222 {offsets = [2], sizes = [1], strides = [1]} : vector<16xi32> to vector<1xi32>
      %squeeze3A_254 = vector.extract %slice3A_253[0] : i32 from vector<1xi32>
      %add3A_255 = arith.constant 2 : i32
      %add3A_256 = arith.addi %add3A_220, %add3A_255 : i32
      %dma_start3A_257 = arith.constant 0 : i32
      %dma_start3A_258 = tpu.memref_slice %arg9[%add3A_256, %dma_start3A_257] : memref<512x32xf32, #tpu.memory_space<vmem>> -> memref<1x32xf32, #tpu.memory_space<vmem>>
      %dma_start3A_259 = tpu.memref_squeeze %dma_start3A_258 : memref<1x32xf32, #tpu.memory_space<vmem>> -> memref<32xf32, #tpu.memory_space<vmem>>
      %dma_start3A_260 = arith.constant 0 : i32
      %dma_start3A_261 = tpu.memref_slice %arg3[%squeeze3A_254, %dma_start3A_260] : memref<100000x32xf32, #tpu.memory_space<hbm>> -> memref<1x32xf32, #tpu.memory_space<hbm>>
      %dma_start3A_262 = tpu.memref_squeeze %dma_start3A_261 : memref<1x32xf32, #tpu.memory_space<hbm>> -> memref<32xf32, #tpu.memory_space<hbm>>
      %dma_start3A_263 = arith.constant 0 : i32
      %dma_start3A_264 = tpu.memref_slice %arg9[%add3A_256, %dma_start3A_263] : memref<512x32xf32, #tpu.memory_space<vmem>> -> memref<1x32xf32, #tpu.memory_space<vmem>>
      %dma_start3A_265 = tpu.memref_squeeze %dma_start3A_264 : memref<1x32xf32, #tpu.memory_space<vmem>> -> memref<32xf32, #tpu.memory_space<vmem>>
      %dma_start3A_266 = arith.constant 0 : i32
      %dma_start3A_267 = tpu.memref_slice %arg3[%squeeze3A_254, %dma_start3A_266] : memref<100000x32xf32, #tpu.memory_space<hbm>> -> memref<1x32xf32, #tpu.memory_space<hbm>>
      %dma_start3A_268 = tpu.memref_squeeze %dma_start3A_267 : memref<1x32xf32, #tpu.memory_space<hbm>> -> memref<32xf32, #tpu.memory_space<hbm>>
      tpu.enqueue_dma source(%dma_start3A_268 : memref<32xf32, #tpu.memory_space<hbm>>) target(%dma_start3A_265 : memref<32xf32, #tpu.memory_space<vmem>>) target_semaphore(%arg14 : memref<!tpu.dma_semaphore, #tpu.memory_space<semaphore_mem>>)
      %slice3A_269 = vector.extract_strided_slice %get3A_222 {offsets = [3], sizes = [1], strides = [1]} : vector<16xi32> to vector<1xi32>
      %squeeze3A_270 = vector.extract %slice3A_269[0] : i32 from vector<1xi32>
      %add3A_271 = arith.constant 3 : i32
      %add3A_272 = arith.addi %add3A_220, %add3A_271 : i32
      %dma_start3A_273 = arith.constant 0 : i32
      %dma_start3A_274 = tpu.memref_slice %arg9[%add3A_272, %dma_start3A_273] : memref<512x32xf32, #tpu.memory_space<vmem>> -> memref<1x32xf32, #tpu.memory_space<vmem>>
      %dma_start3A_275 = tpu.memref_squeeze %dma_start3A_274 : memref<1x32xf32, #tpu.memory_space<vmem>> -> memref<32xf32, #tpu.memory_space<vmem>>
      %dma_start3A_276 = arith.constant 0 : i32
      %dma_start3A_277 = tpu.memref_slice %arg3[%squeeze3A_270, %dma_start3A_276] : memref<100000x32xf32, #tpu.memory_space<hbm>> -> memref<1x32xf32, #tpu.memory_space<hbm>>
      %dma_start3A_278 = tpu.memref_squeeze %dma_start3A_277 : memref<1x32xf32, #tpu.memory_space<hbm>> -> memref<32xf32, #tpu.memory_space<hbm>>
      %dma_start3A_279 = arith.constant 0 : i32
      %dma_start3A_280 = tpu.memref_slice %arg9[%add3A_272, %dma_start3A_279] : memref<512x32xf32, #tpu.memory_space<vmem>> -> memref<1x32xf32, #tpu.memory_space<vmem>>
      %dma_start3A_281 = tpu.memref_squeeze %dma_start3A_280 : memref<1x32xf32, #tpu.memory_space<vmem>> -> memref<32xf32, #tpu.memory_space<vmem>>
      %dma_start3A_282 = arith.constant 0 : i32
      %dma_start3A_283 = tpu.memref_slice %arg3[%squeeze3A_270, %dma_start3A_282] : memref<100000x32xf32, #tpu.memory_space<hbm>> -> memref<1x32xf32, #tpu.memory_space<hbm>>
      %dma_start3A_284 = tpu.memref_squeeze %dma_start3A_283 : memref<1x32xf32, #tpu.memory_space<hbm>> -> memref<32xf32, #tpu.memory_space<hbm>>
      tpu.enqueue_dma source(%dma_start3A_284 : memref<32xf32, #tpu.memory_space<hbm>>) target(%dma_start3A_281 : memref<32xf32, #tpu.memory_space<vmem>>) target_semaphore(%arg14 : memref<!tpu.dma_semaphore, #tpu.memory_space<semaphore_mem>>)
      %slice3A_285 = vector.extract_strided_slice %get3A_222 {offsets = [4], sizes = [1], strides = [1]} : vector<16xi32> to vector<1xi32>
      %squeeze3A_286 = vector.extract %slice3A_285[0] : i32 from vector<1xi32>
      %add3A_287 = arith.constant 4 : i32
      %add3A_288 = arith.addi %add3A_220, %add3A_287 : i32
      %dma_start3A_289 = arith.constant 0 : i32
      %dma_start3A_290 = tpu.memref_slice %arg9[%add3A_288, %dma_start3A_289] : memref<512x32xf32, #tpu.memory_space<vmem>> -> memref<1x32xf32, #tpu.memory_space<vmem>>
      %dma_start3A_291 = tpu.memref_squeeze %dma_start3A_290 : memref<1x32xf32, #tpu.memory_space<vmem>> -> memref<32xf32, #tpu.memory_space<vmem>>
      %dma_start3A_292 = arith.constant 0 : i32
      %dma_start3A_293 = tpu.memref_slice %arg3[%squeeze3A_286, %dma_start3A_292] : memref<100000x32xf32, #tpu.memory_space<hbm>> -> memref<1x32xf32, #tpu.memory_space<hbm>>
      %dma_start3A_294 = tpu.memref_squeeze %dma_start3A_293 : memref<1x32xf32, #tpu.memory_space<hbm>> -> memref<32xf32, #tpu.memory_space<hbm>>
      %dma_start3A_295 = arith.constant 0 : i32
      %dma_start3A_296 = tpu.memref_slice %arg9[%add3A_288, %dma_start3A_295] : memref<512x32xf32, #tpu.memory_space<vmem>> -> memref<1x32xf32, #tpu.memory_space<vmem>>
      %dma_start3A_297 = tpu.memref_squeeze %dma_start3A_296 : memref<1x32xf32, #tpu.memory_space<vmem>> -> memref<32xf32, #tpu.memory_space<vmem>>
      %dma_start3A_298 = arith.constant 0 : i32
      %dma_start3A_299 = tpu.memref_slice %arg3[%squeeze3A_286, %dma_start3A_298] : memref<100000x32xf32, #tpu.memory_space<hbm>> -> memref<1x32xf32, #tpu.memory_space<hbm>>
      %dma_start3A_300 = tpu.memref_squeeze %dma_start3A_299 : memref<1x32xf32, #tpu.memory_space<hbm>> -> memref<32xf32, #tpu.memory_space<hbm>>
      tpu.enqueue_dma source(%dma_start3A_300 : memref<32xf32, #tpu.memory_space<hbm>>) target(%dma_start3A_297 : memref<32xf32, #tpu.memory_space<vmem>>) target_semaphore(%arg14 : memref<!tpu.dma_semaphore, #tpu.memory_space<semaphore_mem>>)
      %slice3A_301 = vector.extract_strided_slice %get3A_222 {offsets = [5], sizes = [1], strides = [1]} : vector<16xi32> to vector<1xi32>
      %squeeze3A_302 = vector.extract %slice3A_301[0] : i32 from vector<1xi32>
      %add3A_303 = arith.constant 5 : i32
      %add3A_304 = arith.addi %add3A_220, %add3A_303 : i32
      %dma_start3A_305 = arith.constant 0 : i32
      %dma_start3A_306 = tpu.memref_slice %arg9[%add3A_304, %dma_start3A_305] : memref<512x32xf32, #tpu.memory_space<vmem>> -> memref<1x32xf32, #tpu.memory_space<vmem>>
      %dma_start3A_307 = tpu.memref_squeeze %dma_start3A_306 : memref<1x32xf32, #tpu.memory_space<vmem>> -> memref<32xf32, #tpu.memory_space<vmem>>
      %dma_start3A_308 = arith.constant 0 : i32
      %dma_start3A_309 = tpu.memref_slice %arg3[%squeeze3A_302, %dma_start3A_308] : memref<100000x32xf32, #tpu.memory_space<hbm>> -> memref<1x32xf32, #tpu.memory_space<hbm>>
      %dma_start3A_310 = tpu.memref_squeeze %dma_start3A_309 : memref<1x32xf32, #tpu.memory_space<hbm>> -> memref<32xf32, #tpu.memory_space<hbm>>
      %dma_start3A_311 = arith.constant 0 : i32
      %dma_start3A_312 = tpu.memref_slice %arg9[%add3A_304, %dma_start3A_311] : memref<512x32xf32, #tpu.memory_space<vmem>> -> memref<1x32xf32, #tpu.memory_space<vmem>>
      %dma_start3A_313 = tpu.memref_squeeze %dma_start3A_312 : memref<1x32xf32, #tpu.memory_space<vmem>> -> memref<32xf32, #tpu.memory_space<vmem>>
      %dma_start3A_314 = arith.constant 0 : i32
      %dma_start3A_315 = tpu.memref_slice %arg3[%squeeze3A_302, %dma_start3A_314] : memref<100000x32xf32, #tpu.memory_space<hbm>> -> memref<1x32xf32, #tpu.memory_space<hbm>>
      %dma_start3A_316 = tpu.memref_squeeze %dma_start3A_315 : memref<1x32xf32, #tpu.memory_space<hbm>> -> memref<32xf32, #tpu.memory_space<hbm>>
      tpu.enqueue_dma source(%dma_start3A_316 : memref<32xf32, #tpu.memory_space<hbm>>) target(%dma_start3A_313 : memref<32xf32, #tpu.memory_space<vmem>>) target_semaphore(%arg14 : memref<!tpu.dma_semaphore, #tpu.memory_space<semaphore_mem>>)
      %slice3A_317 = vector.extract_strided_slice %get3A_222 {offsets = [6], sizes = [1], strides = [1]} : vector<16xi32> to vector<1xi32>
      %squeeze3A_318 = vector.extract %slice3A_317[0] : i32 from vector<1xi32>
      %add3A_319 = arith.constant 6 : i32
      %add3A_320 = arith.addi %add3A_220, %add3A_319 : i32
      %dma_start3A_321 = arith.constant 0 : i32
      %dma_start3A_322 = tpu.memref_slice %arg9[%add3A_320, %dma_start3A_321] : memref<512x32xf32, #tpu.memory_space<vmem>> -> memref<1x32xf32, #tpu.memory_space<vmem>>
      %dma_start3A_323 = tpu.memref_squeeze %dma_start3A_322 : memref<1x32xf32, #tpu.memory_space<vmem>> -> memref<32xf32, #tpu.memory_space<vmem>>
      %dma_start3A_324 = arith.constant 0 : i32
      %dma_start3A_325 = tpu.memref_slice %arg3[%squeeze3A_318, %dma_start3A_324] : memref<100000x32xf32, #tpu.memory_space<hbm>> -> memref<1x32xf32, #tpu.memory_space<hbm>>
      %dma_start3A_326 = tpu.memref_squeeze %dma_start3A_325 : memref<1x32xf32, #tpu.memory_space<hbm>> -> memref<32xf32, #tpu.memory_space<hbm>>
      %dma_start3A_327 = arith.constant 0 : i32
      %dma_start3A_328 = tpu.memref_slice %arg9[%add3A_320, %dma_start3A_327] : memref<512x32xf32, #tpu.memory_space<vmem>> -> memref<1x32xf32, #tpu.memory_space<vmem>>
      %dma_start3A_329 = tpu.memref_squeeze %dma_start3A_328 : memref<1x32xf32, #tpu.memory_space<vmem>> -> memref<32xf32, #tpu.memory_space<vmem>>
      %dma_start3A_330 = arith.constant 0 : i32
      %dma_start3A_331 = tpu.memref_slice %arg3[%squeeze3A_318, %dma_start3A_330] : memref<100000x32xf32, #tpu.memory_space<hbm>> -> memref<1x32xf32, #tpu.memory_space<hbm>>
      %dma_start3A_332 = tpu.memref_squeeze %dma_start3A_331 : memref<1x32xf32, #tpu.memory_space<hbm>> -> memref<32xf32, #tpu.memory_space<hbm>>
      tpu.enqueue_dma source(%dma_start3A_332 : memref<32xf32, #tpu.memory_space<hbm>>) target(%dma_start3A_329 : memref<32xf32, #tpu.memory_space<vmem>>) target_semaphore(%arg14 : memref<!tpu.dma_semaphore, #tpu.memory_space<semaphore_mem>>)
      %slice3A_333 = vector.extract_strided_slice %get3A_222 {offsets = [7], sizes = [1], strides = [1]} : vector<16xi32> to vector<1xi32>
      %squeeze3A_334 = vector.extract %slice3A_333[0] : i32 from vector<1xi32>
      %add3A_335 = arith.constant 7 : i32
      %add3A_336 = arith.addi %add3A_220, %add3A_335 : i32
      %dma_start3A_337 = arith.constant 0 : i32
      %dma_start3A_338 = tpu.memref_slice %arg9[%add3A_336, %dma_start3A_337] : memref<512x32xf32, #tpu.memory_space<vmem>> -> memref<1x32xf32, #tpu.memory_space<vmem>>
      %dma_start3A_339 = tpu.memref_squeeze %dma_start3A_338 : memref<1x32xf32, #tpu.memory_space<vmem>> -> memref<32xf32, #tpu.memory_space<vmem>>
      %dma_start3A_340 = arith.constant 0 : i32
      %dma_start3A_341 = tpu.memref_slice %arg3[%squeeze3A_334, %dma_start3A_340] : memref<100000x32xf32, #tpu.memory_space<hbm>> -> memref<1x32xf32, #tpu.memory_space<hbm>>
      %dma_start3A_342 = tpu.memref_squeeze %dma_start3A_341 : memref<1x32xf32, #tpu.memory_space<hbm>> -> memref<32xf32, #tpu.memory_space<hbm>>
      %dma_start3A_343 = arith.constant 0 : i32
      %dma_start3A_344 = tpu.memref_slice %arg9[%add3A_336, %dma_start3A_343] : memref<512x32xf32, #tpu.memory_space<vmem>> -> memref<1x32xf32, #tpu.memory_space<vmem>>
      %dma_start3A_345 = tpu.memref_squeeze %dma_start3A_344 : memref<1x32xf32, #tpu.memory_space<vmem>> -> memref<32xf32, #tpu.memory_space<vmem>>
      %dma_start3A_346 = arith.constant 0 : i32
      %dma_start3A_347 = tpu.memref_slice %arg3[%squeeze3A_334, %dma_start3A_346] : memref<100000x32xf32, #tpu.memory_space<hbm>> -> memref<1x32xf32, #tpu.memory_space<hbm>>
      %dma_start3A_348 = tpu.memref_squeeze %dma_start3A_347 : memref<1x32xf32, #tpu.memory_space<hbm>> -> memref<32xf32, #tpu.memory_space<hbm>>
      tpu.enqueue_dma source(%dma_start3A_348 : memref<32xf32, #tpu.memory_space<hbm>>) target(%dma_start3A_345 : memref<32xf32, #tpu.memory_space<vmem>>) target_semaphore(%arg14 : memref<!tpu.dma_semaphore, #tpu.memory_space<semaphore_mem>>)
      %slice3A_349 = vector.extract_strided_slice %get3A_222 {offsets = [8], sizes = [1], strides = [1]} : vector<16xi32> to vector<1xi32>
      %squeeze3A_350 = vector.extract %slice3A_349[0] : i32 from vector<1xi32>
      %add3A_351 = arith.constant 8 : i32
      %add3A_352 = arith.addi %add3A_220, %add3A_351 : i32
      %dma_start3A_353 = arith.constant 0 : i32
      %dma_start3A_354 = tpu.memref_slice %arg9[%add3A_352, %dma_start3A_353] : memref<512x32xf32, #tpu.memory_space<vmem>> -> memref<1x32xf32, #tpu.memory_space<vmem>>
      %dma_start3A_355 = tpu.memref_squeeze %dma_start3A_354 : memref<1x32xf32, #tpu.memory_space<vmem>> -> memref<32xf32, #tpu.memory_space<vmem>>
      %dma_start3A_356 = arith.constant 0 : i32
      %dma_start3A_357 = tpu.memref_slice %arg3[%squeeze3A_350, %dma_start3A_356] : memref<100000x32xf32, #tpu.memory_space<hbm>> -> memref<1x32xf32, #tpu.memory_space<hbm>>
      %dma_start3A_358 = tpu.memref_squeeze %dma_start3A_357 : memref<1x32xf32, #tpu.memory_space<hbm>> -> memref<32xf32, #tpu.memory_space<hbm>>
      %dma_start3A_359 = arith.constant 0 : i32
      %dma_start3A_360 = tpu.memref_slice %arg9[%add3A_352, %dma_start3A_359] : memref<512x32xf32, #tpu.memory_space<vmem>> -> memref<1x32xf32, #tpu.memory_space<vmem>>
      %dma_start3A_361 = tpu.memref_squeeze %dma_start3A_360 : memref<1x32xf32, #tpu.memory_space<vmem>> -> memref<32xf32, #tpu.memory_space<vmem>>
      %dma_start3A_362 = arith.constant 0 : i32
      %dma_start3A_363 = tpu.memref_slice %arg3[%squeeze3A_350, %dma_start3A_362] : memref<100000x32xf32, #tpu.memory_space<hbm>> -> memref<1x32xf32, #tpu.memory_space<hbm>>
      %dma_start3A_364 = tpu.memref_squeeze %dma_start3A_363 : memref<1x32xf32, #tpu.memory_space<hbm>> -> memref<32xf32, #tpu.memory_space<hbm>>
      tpu.enqueue_dma source(%dma_start3A_364 : memref<32xf32, #tpu.memory_space<hbm>>) target(%dma_start3A_361 : memref<32xf32, #tpu.memory_space<vmem>>) target_semaphore(%arg14 : memref<!tpu.dma_semaphore, #tpu.memory_space<semaphore_mem>>)
      %slice3A_365 = vector.extract_strided_slice %get3A_222 {offsets = [9], sizes = [1], strides = [1]} : vector<16xi32> to vector<1xi32>
      %squeeze3A_366 = vector.extract %slice3A_365[0] : i32 from vector<1xi32>
      %add3A_367 = arith.constant 9 : i32
      %add3A_368 = arith.addi %add3A_220, %add3A_367 : i32
      %dma_start3A_369 = arith.constant 0 : i32
      %dma_start3A_370 = tpu.memref_slice %arg9[%add3A_368, %dma_start3A_369] : memref<512x32xf32, #tpu.memory_space<vmem>> -> memref<1x32xf32, #tpu.memory_space<vmem>>
      %dma_start3A_371 = tpu.memref_squeeze %dma_start3A_370 : memref<1x32xf32, #tpu.memory_space<vmem>> -> memref<32xf32, #tpu.memory_space<vmem>>
      %dma_start3A_372 = arith.constant 0 : i32
      %dma_start3A_373 = tpu.memref_slice %arg3[%squeeze3A_366, %dma_start3A_372] : memref<100000x32xf32, #tpu.memory_space<hbm>> -> memref<1x32xf32, #tpu.memory_space<hbm>>
      %dma_start3A_374 = tpu.memref_squeeze %dma_start3A_373 : memref<1x32xf32, #tpu.memory_space<hbm>> -> memref<32xf32, #tpu.memory_space<hbm>>
      %dma_start3A_375 = arith.constant 0 : i32
      %dma_start3A_376 = tpu.memref_slice %arg9[%add3A_368, %dma_start3A_375] : memref<512x32xf32, #tpu.memory_space<vmem>> -> memref<1x32xf32, #tpu.memory_space<vmem>>
      %dma_start3A_377 = tpu.memref_squeeze %dma_start3A_376 : memref<1x32xf32, #tpu.memory_space<vmem>> -> memref<32xf32, #tpu.memory_space<vmem>>
      %dma_start3A_378 = arith.constant 0 : i32
      %dma_start3A_379 = tpu.memref_slice %arg3[%squeeze3A_366, %dma_start3A_378] : memref<100000x32xf32, #tpu.memory_space<hbm>> -> memref<1x32xf32, #tpu.memory_space<hbm>>
      %dma_start3A_380 = tpu.memref_squeeze %dma_start3A_379 : memref<1x32xf32, #tpu.memory_space<hbm>> -> memref<32xf32, #tpu.memory_space<hbm>>
      tpu.enqueue_dma source(%dma_start3A_380 : memref<32xf32, #tpu.memory_space<hbm>>) target(%dma_start3A_377 : memref<32xf32, #tpu.memory_space<vmem>>) target_semaphore(%arg14 : memref<!tpu.dma_semaphore, #tpu.memory_space<semaphore_mem>>)
      %slice3A_381 = vector.extract_strided_slice %get3A_222 {offsets = [10], sizes = [1], strides = [1]} : vector<16xi32> to vector<1xi32>
      %squeeze3A_382 = vector.extract %slice3A_381[0] : i32 from vector<1xi32>
      %add3A_383 = arith.constant 10 : i32
      %add3A_384 = arith.addi %add3A_220, %add3A_383 : i32
      %dma_start3A_385 = arith.constant 0 : i32
      %dma_start3A_386 = tpu.memref_slice %arg9[%add3A_384, %dma_start3A_385] : memref<512x32xf32, #tpu.memory_space<vmem>> -> memref<1x32xf32, #tpu.memory_space<vmem>>
      %dma_start3A_387 = tpu.memref_squeeze %dma_start3A_386 : memref<1x32xf32, #tpu.memory_space<vmem>> -> memref<32xf32, #tpu.memory_space<vmem>>
      %dma_start3A_388 = arith.constant 0 : i32
      %dma_start3A_389 = tpu.memref_slice %arg3[%squeeze3A_382, %dma_start3A_388] : memref<100000x32xf32, #tpu.memory_space<hbm>> -> memref<1x32xf32, #tpu.memory_space<hbm>>
      %dma_start3A_390 = tpu.memref_squeeze %dma_start3A_389 : memref<1x32xf32, #tpu.memory_space<hbm>> -> memref<32xf32, #tpu.memory_space<hbm>>
      %dma_start3A_391 = arith.constant 0 : i32
      %dma_start3A_392 = tpu.memref_slice %arg9[%add3A_384, %dma_start3A_391] : memref<512x32xf32, #tpu.memory_space<vmem>> -> memref<1x32xf32, #tpu.memory_space<vmem>>
      %dma_start3A_393 = tpu.memref_squeeze %dma_start3A_392 : memref<1x32xf32, #tpu.memory_space<vmem>> -> memref<32xf32, #tpu.memory_space<vmem>>
      %dma_start3A_394 = arith.constant 0 : i32
      %dma_start3A_395 = tpu.memref_slice %arg3[%squeeze3A_382, %dma_start3A_394] : memref<100000x32xf32, #tpu.memory_space<hbm>> -> memref<1x32xf32, #tpu.memory_space<hbm>>
      %dma_start3A_396 = tpu.memref_squeeze %dma_start3A_395 : memref<1x32xf32, #tpu.memory_space<hbm>> -> memref<32xf32, #tpu.memory_space<hbm>>
      tpu.enqueue_dma source(%dma_start3A_396 : memref<32xf32, #tpu.memory_space<hbm>>) target(%dma_start3A_393 : memref<32xf32, #tpu.memory_space<vmem>>) target_semaphore(%arg14 : memref<!tpu.dma_semaphore, #tpu.memory_space<semaphore_mem>>)
      %slice3A_397 = vector.extract_strided_slice %get3A_222 {offsets = [11], sizes = [1], strides = [1]} : vector<16xi32> to vector<1xi32>
      %squeeze3A_398 = vector.extract %slice3A_397[0] : i32 from vector<1xi32>
      %add3A_399 = arith.constant 11 : i32
      %add3A_400 = arith.addi %add3A_220, %add3A_399 : i32
      %dma_start3A_401 = arith.constant 0 : i32
      %dma_start3A_402 = tpu.memref_slice %arg9[%add3A_400, %dma_start3A_401] : memref<512x32xf32, #tpu.memory_space<vmem>> -> memref<1x32xf32, #tpu.memory_space<vmem>>
      %dma_start3A_403 = tpu.memref_squeeze %dma_start3A_402 : memref<1x32xf32, #tpu.memory_space<vmem>> -> memref<32xf32, #tpu.memory_space<vmem>>
      %dma_start3A_404 = arith.constant 0 : i32
      %dma_start3A_405 = tpu.memref_slice %arg3[%squeeze3A_398, %dma_start3A_404] : memref<100000x32xf32, #tpu.memory_space<hbm>> -> memref<1x32xf32, #tpu.memory_space<hbm>>
      %dma_start3A_406 = tpu.memref_squeeze %dma_start3A_405 : memref<1x32xf32, #tpu.memory_space<hbm>> -> memref<32xf32, #tpu.memory_space<hbm>>
      %dma_start3A_407 = arith.constant 0 : i32
      %dma_start3A_408 = tpu.memref_slice %arg9[%add3A_400, %dma_start3A_407] : memref<512x32xf32, #tpu.memory_space<vmem>> -> memref<1x32xf32, #tpu.memory_space<vmem>>
      %dma_start3A_409 = tpu.memref_squeeze %dma_start3A_408 : memref<1x32xf32, #tpu.memory_space<vmem>> -> memref<32xf32, #tpu.memory_space<vmem>>
      %dma_start3A_410 = arith.constant 0 : i32
      %dma_start3A_411 = tpu.memref_slice %arg3[%squeeze3A_398, %dma_start3A_410] : memref<100000x32xf32, #tpu.memory_space<hbm>> -> memref<1x32xf32, #tpu.memory_space<hbm>>
      %dma_start3A_412 = tpu.memref_squeeze %dma_start3A_411 : memref<1x32xf32, #tpu.memory_space<hbm>> -> memref<32xf32, #tpu.memory_space<hbm>>
      tpu.enqueue_dma source(%dma_start3A_412 : memref<32xf32, #tpu.memory_space<hbm>>) target(%dma_start3A_409 : memref<32xf32, #tpu.memory_space<vmem>>) target_semaphore(%arg14 : memref<!tpu.dma_semaphore, #tpu.memory_space<semaphore_mem>>)
      %slice3A_413 = vector.extract_strided_slice %get3A_222 {offsets = [12], sizes = [1], strides = [1]} : vector<16xi32> to vector<1xi32>
      %squeeze3A_414 = vector.extract %slice3A_413[0] : i32 from vector<1xi32>
      %add3A_415 = arith.constant 12 : i32
      %add3A_416 = arith.addi %add3A_220, %add3A_415 : i32
      %dma_start3A_417 = arith.constant 0 : i32
      %dma_start3A_418 = tpu.memref_slice %arg9[%add3A_416, %dma_start3A_417] : memref<512x32xf32, #tpu.memory_space<vmem>> -> memref<1x32xf32, #tpu.memory_space<vmem>>
      %dma_start3A_419 = tpu.memref_squeeze %dma_start3A_418 : memref<1x32xf32, #tpu.memory_space<vmem>> -> memref<32xf32, #tpu.memory_space<vmem>>
      %dma_start3A_420 = arith.constant 0 : i32
      %dma_start3A_421 = tpu.memref_slice %arg3[%squeeze3A_414, %dma_start3A_420] : memref<100000x32xf32, #tpu.memory_space<hbm>> -> memref<1x32xf32, #tpu.memory_space<hbm>>
      %dma_start3A_422 = tpu.memref_squeeze %dma_start3A_421 : memref<1x32xf32, #tpu.memory_space<hbm>> -> memref<32xf32, #tpu.memory_space<hbm>>
      %dma_start3A_423 = arith.constant 0 : i32
      %dma_start3A_424 = tpu.memref_slice %arg9[%add3A_416, %dma_start3A_423] : memref<512x32xf32, #tpu.memory_space<vmem>> -> memref<1x32xf32, #tpu.memory_space<vmem>>
      %dma_start3A_425 = tpu.memref_squeeze %dma_start3A_424 : memref<1x32xf32, #tpu.memory_space<vmem>> -> memref<32xf32, #tpu.memory_space<vmem>>
      %dma_start3A_426 = arith.constant 0 : i32
      %dma_start3A_427 = tpu.memref_slice %arg3[%squeeze3A_414, %dma_start3A_426] : memref<100000x32xf32, #tpu.memory_space<hbm>> -> memref<1x32xf32, #tpu.memory_space<hbm>>
      %dma_start3A_428 = tpu.memref_squeeze %dma_start3A_427 : memref<1x32xf32, #tpu.memory_space<hbm>> -> memref<32xf32, #tpu.memory_space<hbm>>
      tpu.enqueue_dma source(%dma_start3A_428 : memref<32xf32, #tpu.memory_space<hbm>>) target(%dma_start3A_425 : memref<32xf32, #tpu.memory_space<vmem>>) target_semaphore(%arg14 : memref<!tpu.dma_semaphore, #tpu.memory_space<semaphore_mem>>)
      %slice3A_429 = vector.extract_strided_slice %get3A_222 {offsets = [13], sizes = [1], strides = [1]} : vector<16xi32> to vector<1xi32>
      %squeeze3A_430 = vector.extract %slice3A_429[0] : i32 from vector<1xi32>
      %add3A_431 = arith.constant 13 : i32
      %add3A_432 = arith.addi %add3A_220, %add3A_431 : i32
      %dma_start3A_433 = arith.constant 0 : i32
      %dma_start3A_434 = tpu.memref_slice %arg9[%add3A_432, %dma_start3A_433] : memref<512x32xf32, #tpu.memory_space<vmem>> -> memref<1x32xf32, #tpu.memory_space<vmem>>
      %dma_start3A_435 = tpu.memref_squeeze %dma_start3A_434 : memref<1x32xf32, #tpu.memory_space<vmem>> -> memref<32xf32, #tpu.memory_space<vmem>>
      %dma_start3A_436 = arith.constant 0 : i32
      %dma_start3A_437 = tpu.memref_slice %arg3[%squeeze3A_430, %dma_start3A_436] : memref<100000x32xf32, #tpu.memory_space<hbm>> -> memref<1x32xf32, #tpu.memory_space<hbm>>
      %dma_start3A_438 = tpu.memref_squeeze %dma_start3A_437 : memref<1x32xf32, #tpu.memory_space<hbm>> -> memref<32xf32, #tpu.memory_space<hbm>>
      %dma_start3A_439 = arith.constant 0 : i32
      %dma_start3A_440 = tpu.memref_slice %arg9[%add3A_432, %dma_start3A_439] : memref<512x32xf32, #tpu.memory_space<vmem>> -> memref<1x32xf32, #tpu.memory_space<vmem>>
      %dma_start3A_441 = tpu.memref_squeeze %dma_start3A_440 : memref<1x32xf32, #tpu.memory_space<vmem>> -> memref<32xf32, #tpu.memory_space<vmem>>
      %dma_start3A_442 = arith.constant 0 : i32
      %dma_start3A_443 = tpu.memref_slice %arg3[%squeeze3A_430, %dma_start3A_442] : memref<100000x32xf32, #tpu.memory_space<hbm>> -> memref<1x32xf32, #tpu.memory_space<hbm>>
      %dma_start3A_444 = tpu.memref_squeeze %dma_start3A_443 : memref<1x32xf32, #tpu.memory_space<hbm>> -> memref<32xf32, #tpu.memory_space<hbm>>
      tpu.enqueue_dma source(%dma_start3A_444 : memref<32xf32, #tpu.memory_space<hbm>>) target(%dma_start3A_441 : memref<32xf32, #tpu.memory_space<vmem>>) target_semaphore(%arg14 : memref<!tpu.dma_semaphore, #tpu.memory_space<semaphore_mem>>)
      %slice3A_445 = vector.extract_strided_slice %get3A_222 {offsets = [14], sizes = [1], strides = [1]} : vector<16xi32> to vector<1xi32>
      %squeeze3A_446 = vector.extract %slice3A_445[0] : i32 from vector<1xi32>
      %add3A_447 = arith.constant 14 : i32
      %add3A_448 = arith.addi %add3A_220, %add3A_447 : i32
      %dma_start3A_449 = arith.constant 0 : i32
      %dma_start3A_450 = tpu.memref_slice %arg9[%add3A_448, %dma_start3A_449] : memref<512x32xf32, #tpu.memory_space<vmem>> -> memref<1x32xf32, #tpu.memory_space<vmem>>
      %dma_start3A_451 = tpu.memref_squeeze %dma_start3A_450 : memref<1x32xf32, #tpu.memory_space<vmem>> -> memref<32xf32, #tpu.memory_space<vmem>>
      %dma_start3A_452 = arith.constant 0 : i32
      %dma_start3A_453 = tpu.memref_slice %arg3[%squeeze3A_446, %dma_start3A_452] : memref<100000x32xf32, #tpu.memory_space<hbm>> -> memref<1x32xf32, #tpu.memory_space<hbm>>
      %dma_start3A_454 = tpu.memref_squeeze %dma_start3A_453 : memref<1x32xf32, #tpu.memory_space<hbm>> -> memref<32xf32, #tpu.memory_space<hbm>>
      %dma_start3A_455 = arith.constant 0 : i32
      %dma_start3A_456 = tpu.memref_slice %arg9[%add3A_448, %dma_start3A_455] : memref<512x32xf32, #tpu.memory_space<vmem>> -> memref<1x32xf32, #tpu.memory_space<vmem>>
      %dma_start3A_457 = tpu.memref_squeeze %dma_start3A_456 : memref<1x32xf32, #tpu.memory_space<vmem>> -> memref<32xf32, #tpu.memory_space<vmem>>
      %dma_start3A_458 = arith.constant 0 : i32
      %dma_start3A_459 = tpu.memref_slice %arg3[%squeeze3A_446, %dma_start3A_458] : memref<100000x32xf32, #tpu.memory_space<hbm>> -> memref<1x32xf32, #tpu.memory_space<hbm>>
      %dma_start3A_460 = tpu.memref_squeeze %dma_start3A_459 : memref<1x32xf32, #tpu.memory_space<hbm>> -> memref<32xf32, #tpu.memory_space<hbm>>
      tpu.enqueue_dma source(%dma_start3A_460 : memref<32xf32, #tpu.memory_space<hbm>>) target(%dma_start3A_457 : memref<32xf32, #tpu.memory_space<vmem>>) target_semaphore(%arg14 : memref<!tpu.dma_semaphore, #tpu.memory_space<semaphore_mem>>)
      %slice3A_461 = vector.extract_strided_slice %get3A_222 {offsets = [15], sizes = [1], strides = [1]} : vector<16xi32> to vector<1xi32>
      %squeeze3A_462 = vector.extract %slice3A_461[0] : i32 from vector<1xi32>
      %add3A_463 = arith.constant 15 : i32
      %add3A_464 = arith.addi %add3A_220, %add3A_463 : i32
      %dma_start3A_465 = arith.constant 0 : i32
      %dma_start3A_466 = tpu.memref_slice %arg9[%add3A_464, %dma_start3A_465] : memref<512x32xf32, #tpu.memory_space<vmem>> -> memref<1x32xf32, #tpu.memory_space<vmem>>
      %dma_start3A_467 = tpu.memref_squeeze %dma_start3A_466 : memref<1x32xf32, #tpu.memory_space<vmem>> -> memref<32xf32, #tpu.memory_space<vmem>>
      %dma_start3A_468 = arith.constant 0 : i32
      %dma_start3A_469 = tpu.memref_slice %arg3[%squeeze3A_462, %dma_start3A_468] : memref<100000x32xf32, #tpu.memory_space<hbm>> -> memref<1x32xf32, #tpu.memory_space<hbm>>
      %dma_start3A_470 = tpu.memref_squeeze %dma_start3A_469 : memref<1x32xf32, #tpu.memory_space<hbm>> -> memref<32xf32, #tpu.memory_space<hbm>>
      %dma_start3A_471 = arith.constant 0 : i32
      %dma_start3A_472 = tpu.memref_slice %arg9[%add3A_464, %dma_start3A_471] : memref<512x32xf32, #tpu.memory_space<vmem>> -> memref<1x32xf32, #tpu.memory_space<vmem>>
      %dma_start3A_473 = tpu.memref_squeeze %dma_start3A_472 : memref<1x32xf32, #tpu.memory_space<vmem>> -> memref<32xf32, #tpu.memory_space<vmem>>
      %dma_start3A_474 = arith.constant 0 : i32
      %dma_start3A_475 = tpu.memref_slice %arg3[%squeeze3A_462, %dma_start3A_474] : memref<100000x32xf32, #tpu.memory_space<hbm>> -> memref<1x32xf32, #tpu.memory_space<hbm>>
      %dma_start3A_476 = tpu.memref_squeeze %dma_start3A_475 : memref<1x32xf32, #tpu.memory_space<hbm>> -> memref<32xf32, #tpu.memory_space<hbm>>
      tpu.enqueue_dma source(%dma_start3A_476 : memref<32xf32, #tpu.memory_space<hbm>>) target(%dma_start3A_473 : memref<32xf32, #tpu.memory_space<vmem>>) target_semaphore(%arg14 : memref<!tpu.dma_semaphore, #tpu.memory_space<semaphore_mem>>)
    }
    %scan3A_34 = arith.constant 8 : i32
    %scan3A_35 = arith.constant 0 : i32
    %scan3A_36 = arith.constant 8 : i32
    %scan3A_37 = arith.addi %scan3A_35, %scan3A_36 : i32
    %scan3A_38 = arith.constant 1 : i32
    scf.for %scan3A_216 = %scan3A_35 to %scan3A_37 step %scan3A_38  : i32 {
      %mul3A_217 = arith.constant 16 : i32
      %mul3A_218 = arith.muli %scan3A_216, %mul3A_217 : i32
      %add3A_219 = arith.constant 256 : i32
      %add3A_220 = arith.addi %add3A_219, %mul3A_218 : i32
      %get3A = arith.index_cast %add3A_220 : i32 to index
      %get3A_221 = tpu.vector_load %arg7[%get3A] {strides = array<i32>} : memref<512xi32, #tpu.memory_space<vmem>>, vector<16xi32>,
      %get3A_222 = vector.shape_cast %get3A_221 : vector<16xi32> to vector<16xi32>
      %slice3A = vector.extract_strided_slice %get3A_222 {offsets = [0], sizes = [1], strides = [1]} : vector<16xi32> to vector<1xi32>
      %squeeze3A = vector.extract %slice3A[0] : i32 from vector<1xi32>
      %add3A_223 = arith.constant 0 : i32
      %add3A_224 = arith.addi %add3A_220, %add3A_223 : i32
      %dma_start3A_225 = arith.constant 0 : i32
      %dma_start3A_226 = tpu.memref_slice %arg9[%add3A_224, %dma_start3A_225] : memref<512x32xf32, #tpu.memory_space<vmem>> -> memref<1x32xf32, #tpu.memory_space<vmem>>
      %dma_start3A_227 = tpu.memref_squeeze %dma_start3A_226 : memref<1x32xf32, #tpu.memory_space<vmem>> -> memref<32xf32, #tpu.memory_space<vmem>>
      %dma_start3A_228 = arith.constant 0 : i32
      %dma_start3A_229 = tpu.memref_slice %arg3[%squeeze3A, %dma_start3A_228] : memref<100000x32xf32, #tpu.memory_space<hbm>> -> memref<1x32xf32, #tpu.memory_space<hbm>>
      %dma_start3A_230 = tpu.memref_squeeze %dma_start3A_229 : memref<1x32xf32, #tpu.memory_space<hbm>> -> memref<32xf32, #tpu.memory_space<hbm>>
      %dma_start3A_231 = arith.constant 0 : i32
      %dma_start3A_232 = tpu.memref_slice %arg9[%add3A_224, %dma_start3A_231] : memref<512x32xf32, #tpu.memory_space<vmem>> -> memref<1x32xf32, #tpu.memory_space<vmem>>
      %dma_start3A_233 = tpu.memref_squeeze %dma_start3A_232 : memref<1x32xf32, #tpu.memory_space<vmem>> -> memref<32xf32, #tpu.memory_space<vmem>>
      %dma_start3A_234 = arith.constant 0 : i32
      %dma_start3A_235 = tpu.memref_slice %arg3[%squeeze3A, %dma_start3A_234] : memref<100000x32xf32, #tpu.memory_space<hbm>> -> memref<1x32xf32, #tpu.memory_space<hbm>>
      %dma_start3A_236 = tpu.memref_squeeze %dma_start3A_235 : memref<1x32xf32, #tpu.memory_space<hbm>> -> memref<32xf32, #tpu.memory_space<hbm>>
      tpu.enqueue_dma source(%dma_start3A_236 : memref<32xf32, #tpu.memory_space<hbm>>) target(%dma_start3A_233 : memref<32xf32, #tpu.memory_space<vmem>>) target_semaphore(%arg15 : memref<!tpu.dma_semaphore, #tpu.memory_space<semaphore_mem>>)
      %slice3A_237 = vector.extract_strided_slice %get3A_222 {offsets = [1], sizes = [1], strides = [1]} : vector<16xi32> to vector<1xi32>
      %squeeze3A_238 = vector.extract %slice3A_237[0] : i32 from vector<1xi32>
      %add3A_239 = arith.constant 1 : i32
      %add3A_240 = arith.addi %add3A_220, %add3A_239 : i32
      %dma_start3A_241 = arith.constant 0 : i32
      %dma_start3A_242 = tpu.memref_slice %arg9[%add3A_240, %dma_start3A_241] : memref<512x32xf32, #tpu.memory_space<vmem>> -> memref<1x32xf32, #tpu.memory_space<vmem>>
      %dma_start3A_243 = tpu.memref_squeeze %dma_start3A_242 : memref<1x32xf32, #tpu.memory_space<vmem>> -> memref<32xf32, #tpu.memory_space<vmem>>
      %dma_start3A_244 = arith.constant 0 : i32
      %dma_start3A_245 = tpu.memref_slice %arg3[%squeeze3A_238, %dma_start3A_244] : memref<100000x32xf32, #tpu.memory_space<hbm>> -> memref<1x32xf32, #tpu.memory_space<hbm>>
      %dma_start3A_246 = tpu.memref_squeeze %dma_start3A_245 : memref<1x32xf32, #tpu.memory_space<hbm>> -> memref<32xf32, #tpu.memory_space<hbm>>
      %dma_start3A_247 = arith.constant 0 : i32
      %dma_start3A_248 = tpu.memref_slice %arg9[%add3A_240, %dma_start3A_247] : memref<512x32xf32, #tpu.memory_space<vmem>> -> memref<1x32xf32, #tpu.memory_space<vmem>>
      %dma_start3A_249 = tpu.memref_squeeze %dma_start3A_248 : memref<1x32xf32, #tpu.memory_space<vmem>> -> memref<32xf32, #tpu.memory_space<vmem>>
      %dma_start3A_250 = arith.constant 0 : i32
      %dma_start3A_251 = tpu.memref_slice %arg3[%squeeze3A_238, %dma_start3A_250] : memref<100000x32xf32, #tpu.memory_space<hbm>> -> memref<1x32xf32, #tpu.memory_space<hbm>>
      %dma_start3A_252 = tpu.memref_squeeze %dma_start3A_251 : memref<1x32xf32, #tpu.memory_space<hbm>> -> memref<32xf32, #tpu.memory_space<hbm>>
      tpu.enqueue_dma source(%dma_start3A_252 : memref<32xf32, #tpu.memory_space<hbm>>) target(%dma_start3A_249 : memref<32xf32, #tpu.memory_space<vmem>>) target_semaphore(%arg15 : memref<!tpu.dma_semaphore, #tpu.memory_space<semaphore_mem>>)
      %slice3A_253 = vector.extract_strided_slice %get3A_222 {offsets = [2], sizes = [1], strides = [1]} : vector<16xi32> to vector<1xi32>
      %squeeze3A_254 = vector.extract %slice3A_253[0] : i32 from vector<1xi32>
      %add3A_255 = arith.constant 2 : i32
      %add3A_256 = arith.addi %add3A_220, %add3A_255 : i32
      %dma_start3A_257 = arith.constant 0 : i32
      %dma_start3A_258 = tpu.memref_slice %arg9[%add3A_256, %dma_start3A_257] : memref<512x32xf32, #tpu.memory_space<vmem>> -> memref<1x32xf32, #tpu.memory_space<vmem>>
      %dma_start3A_259 = tpu.memref_squeeze %dma_start3A_258 : memref<1x32xf32, #tpu.memory_space<vmem>> -> memref<32xf32, #tpu.memory_space<vmem>>
      %dma_start3A_260 = arith.constant 0 : i32
      %dma_start3A_261 = tpu.memref_slice %arg3[%squeeze3A_254, %dma_start3A_260] : memref<100000x32xf32, #tpu.memory_space<hbm>> -> memref<1x32xf32, #tpu.memory_space<hbm>>
      %dma_start3A_262 = tpu.memref_squeeze %dma_start3A_261 : memref<1x32xf32, #tpu.memory_space<hbm>> -> memref<32xf32, #tpu.memory_space<hbm>>
      %dma_start3A_263 = arith.constant 0 : i32
      %dma_start3A_264 = tpu.memref_slice %arg9[%add3A_256, %dma_start3A_263] : memref<512x32xf32, #tpu.memory_space<vmem>> -> memref<1x32xf32, #tpu.memory_space<vmem>>
      %dma_start3A_265 = tpu.memref_squeeze %dma_start3A_264 : memref<1x32xf32, #tpu.memory_space<vmem>> -> memref<32xf32, #tpu.memory_space<vmem>>
      %dma_start3A_266 = arith.constant 0 : i32
      %dma_start3A_267 = tpu.memref_slice %arg3[%squeeze3A_254, %dma_start3A_266] : memref<100000x32xf32, #tpu.memory_space<hbm>> -> memref<1x32xf32, #tpu.memory_space<hbm>>
      %dma_start3A_268 = tpu.memref_squeeze %dma_start3A_267 : memref<1x32xf32, #tpu.memory_space<hbm>> -> memref<32xf32, #tpu.memory_space<hbm>>
      tpu.enqueue_dma source(%dma_start3A_268 : memref<32xf32, #tpu.memory_space<hbm>>) target(%dma_start3A_265 : memref<32xf32, #tpu.memory_space<vmem>>) target_semaphore(%arg15 : memref<!tpu.dma_semaphore, #tpu.memory_space<semaphore_mem>>)
      %slice3A_269 = vector.extract_strided_slice %get3A_222 {offsets = [3], sizes = [1], strides = [1]} : vector<16xi32> to vector<1xi32>
      %squeeze3A_270 = vector.extract %slice3A_269[0] : i32 from vector<1xi32>
      %add3A_271 = arith.constant 3 : i32
      %add3A_272 = arith.addi %add3A_220, %add3A_271 : i32
      %dma_start3A_273 = arith.constant 0 : i32
      %dma_start3A_274 = tpu.memref_slice %arg9[%add3A_272, %dma_start3A_273] : memref<512x32xf32, #tpu.memory_space<vmem>> -> memref<1x32xf32, #tpu.memory_space<vmem>>
      %dma_start3A_275 = tpu.memref_squeeze %dma_start3A_274 : memref<1x32xf32, #tpu.memory_space<vmem>> -> memref<32xf32, #tpu.memory_space<vmem>>
      %dma_start3A_276 = arith.constant 0 : i32
      %dma_start3A_277 = tpu.memref_slice %arg3[%squeeze3A_270, %dma_start3A_276] : memref<100000x32xf32, #tpu.memory_space<hbm>> -> memref<1x32xf32, #tpu.memory_space<hbm>>
      %dma_start3A_278 = tpu.memref_squeeze %dma_start3A_277 : memref<1x32xf32, #tpu.memory_space<hbm>> -> memref<32xf32, #tpu.memory_space<hbm>>
      %dma_start3A_279 = arith.constant 0 : i32
      %dma_start3A_280 = tpu.memref_slice %arg9[%add3A_272, %dma_start3A_279] : memref<512x32xf32, #tpu.memory_space<vmem>> -> memref<1x32xf32, #tpu.memory_space<vmem>>
      %dma_start3A_281 = tpu.memref_squeeze %dma_start3A_280 : memref<1x32xf32, #tpu.memory_space<vmem>> -> memref<32xf32, #tpu.memory_space<vmem>>
      %dma_start3A_282 = arith.constant 0 : i32
      %dma_start3A_283 = tpu.memref_slice %arg3[%squeeze3A_270, %dma_start3A_282] : memref<100000x32xf32, #tpu.memory_space<hbm>> -> memref<1x32xf32, #tpu.memory_space<hbm>>
      %dma_start3A_284 = tpu.memref_squeeze %dma_start3A_283 : memref<1x32xf32, #tpu.memory_space<hbm>> -> memref<32xf32, #tpu.memory_space<hbm>>
      tpu.enqueue_dma source(%dma_start3A_284 : memref<32xf32, #tpu.memory_space<hbm>>) target(%dma_start3A_281 : memref<32xf32, #tpu.memory_space<vmem>>) target_semaphore(%arg15 : memref<!tpu.dma_semaphore, #tpu.memory_space<semaphore_mem>>)
      %slice3A_285 = vector.extract_strided_slice %get3A_222 {offsets = [4], sizes = [1], strides = [1]} : vector<16xi32> to vector<1xi32>
      %squeeze3A_286 = vector.extract %slice3A_285[0] : i32 from vector<1xi32>
      %add3A_287 = arith.constant 4 : i32
      %add3A_288 = arith.addi %add3A_220, %add3A_287 : i32
      %dma_start3A_289 = arith.constant 0 : i32
      %dma_start3A_290 = tpu.memref_slice %arg9[%add3A_288, %dma_start3A_289] : memref<512x32xf32, #tpu.memory_space<vmem>> -> memref<1x32xf32, #tpu.memory_space<vmem>>
      %dma_start3A_291 = tpu.memref_squeeze %dma_start3A_290 : memref<1x32xf32, #tpu.memory_space<vmem>> -> memref<32xf32, #tpu.memory_space<vmem>>
      %dma_start3A_292 = arith.constant 0 : i32
      %dma_start3A_293 = tpu.memref_slice %arg3[%squeeze3A_286, %dma_start3A_292] : memref<100000x32xf32, #tpu.memory_space<hbm>> -> memref<1x32xf32, #tpu.memory_space<hbm>>
      %dma_start3A_294 = tpu.memref_squeeze %dma_start3A_293 : memref<1x32xf32, #tpu.memory_space<hbm>> -> memref<32xf32, #tpu.memory_space<hbm>>
      %dma_start3A_295 = arith.constant 0 : i32
      %dma_start3A_296 = tpu.memref_slice %arg9[%add3A_288, %dma_start3A_295] : memref<512x32xf32, #tpu.memory_space<vmem>> -> memref<1x32xf32, #tpu.memory_space<vmem>>
      %dma_start3A_297 = tpu.memref_squeeze %dma_start3A_296 : memref<1x32xf32, #tpu.memory_space<vmem>> -> memref<32xf32, #tpu.memory_space<vmem>>
      %dma_start3A_298 = arith.constant 0 : i32
      %dma_start3A_299 = tpu.memref_slice %arg3[%squeeze3A_286, %dma_start3A_298] : memref<100000x32xf32, #tpu.memory_space<hbm>> -> memref<1x32xf32, #tpu.memory_space<hbm>>
      %dma_start3A_300 = tpu.memref_squeeze %dma_start3A_299 : memref<1x32xf32, #tpu.memory_space<hbm>> -> memref<32xf32, #tpu.memory_space<hbm>>
      tpu.enqueue_dma source(%dma_start3A_300 : memref<32xf32, #tpu.memory_space<hbm>>) target(%dma_start3A_297 : memref<32xf32, #tpu.memory_space<vmem>>) target_semaphore(%arg15 : memref<!tpu.dma_semaphore, #tpu.memory_space<semaphore_mem>>)
      %slice3A_301 = vector.extract_strided_slice %get3A_222 {offsets = [5], sizes = [1], strides = [1]} : vector<16xi32> to vector<1xi32>
      %squeeze3A_302 = vector.extract %slice3A_301[0] : i32 from vector<1xi32>
      %add3A_303 = arith.constant 5 : i32
      %add3A_304 = arith.addi %add3A_220, %add3A_303 : i32
      %dma_start3A_305 = arith.constant 0 : i32
      %dma_start3A_306 = tpu.memref_slice %arg9[%add3A_304, %dma_start3A_305] : memref<512x32xf32, #tpu.memory_space<vmem>> -> memref<1x32xf32, #tpu.memory_space<vmem>>
      %dma_start3A_307 = tpu.memref_squeeze %dma_start3A_306 : memref<1x32xf32, #tpu.memory_space<vmem>> -> memref<32xf32, #tpu.memory_space<vmem>>
      %dma_start3A_308 = arith.constant 0 : i32
      %dma_start3A_309 = tpu.memref_slice %arg3[%squeeze3A_302, %dma_start3A_308] : memref<100000x32xf32, #tpu.memory_space<hbm>> -> memref<1x32xf32, #tpu.memory_space<hbm>>
      %dma_start3A_310 = tpu.memref_squeeze %dma_start3A_309 : memref<1x32xf32, #tpu.memory_space<hbm>> -> memref<32xf32, #tpu.memory_space<hbm>>
      %dma_start3A_311 = arith.constant 0 : i32
      %dma_start3A_312 = tpu.memref_slice %arg9[%add3A_304, %dma_start3A_311] : memref<512x32xf32, #tpu.memory_space<vmem>> -> memref<1x32xf32, #tpu.memory_space<vmem>>
      %dma_start3A_313 = tpu.memref_squeeze %dma_start3A_312 : memref<1x32xf32, #tpu.memory_space<vmem>> -> memref<32xf32, #tpu.memory_space<vmem>>
      %dma_start3A_314 = arith.constant 0 : i32
      %dma_start3A_315 = tpu.memref_slice %arg3[%squeeze3A_302, %dma_start3A_314] : memref<100000x32xf32, #tpu.memory_space<hbm>> -> memref<1x32xf32, #tpu.memory_space<hbm>>
      %dma_start3A_316 = tpu.memref_squeeze %dma_start3A_315 : memref<1x32xf32, #tpu.memory_space<hbm>> -> memref<32xf32, #tpu.memory_space<hbm>>
      tpu.enqueue_dma source(%dma_start3A_316 : memref<32xf32, #tpu.memory_space<hbm>>) target(%dma_start3A_313 : memref<32xf32, #tpu.memory_space<vmem>>) target_semaphore(%arg15 : memref<!tpu.dma_semaphore, #tpu.memory_space<semaphore_mem>>)
      %slice3A_317 = vector.extract_strided_slice %get3A_222 {offsets = [6], sizes = [1], strides = [1]} : vector<16xi32> to vector<1xi32>
      %squeeze3A_318 = vector.extract %slice3A_317[0] : i32 from vector<1xi32>
      %add3A_319 = arith.constant 6 : i32
      %add3A_320 = arith.addi %add3A_220, %add3A_319 : i32
      %dma_start3A_321 = arith.constant 0 : i32
      %dma_start3A_322 = tpu.memref_slice %arg9[%add3A_320, %dma_start3A_321] : memref<512x32xf32, #tpu.memory_space<vmem>> -> memref<1x32xf32, #tpu.memory_space<vmem>>
      %dma_start3A_323 = tpu.memref_squeeze %dma_start3A_322 : memref<1x32xf32, #tpu.memory_space<vmem>> -> memref<32xf32, #tpu.memory_space<vmem>>
      %dma_start3A_324 = arith.constant 0 : i32
      %dma_start3A_325 = tpu.memref_slice %arg3[%squeeze3A_318, %dma_start3A_324] : memref<100000x32xf32, #tpu.memory_space<hbm>> -> memref<1x32xf32, #tpu.memory_space<hbm>>
      %dma_start3A_326 = tpu.memref_squeeze %dma_start3A_325 : memref<1x32xf32, #tpu.memory_space<hbm>> -> memref<32xf32, #tpu.memory_space<hbm>>
      %dma_start3A_327 = arith.constant 0 : i32
      %dma_start3A_328 = tpu.memref_slice %arg9[%add3A_320, %dma_start3A_327] : memref<512x32xf32, #tpu.memory_space<vmem>> -> memref<1x32xf32, #tpu.memory_space<vmem>>
      %dma_start3A_329 = tpu.memref_squeeze %dma_start3A_328 : memref<1x32xf32, #tpu.memory_space<vmem>> -> memref<32xf32, #tpu.memory_space<vmem>>
      %dma_start3A_330 = arith.constant 0 : i32
      %dma_start3A_331 = tpu.memref_slice %arg3[%squeeze3A_318, %dma_start3A_330] : memref<100000x32xf32, #tpu.memory_space<hbm>> -> memref<1x32xf32, #tpu.memory_space<hbm>>
      %dma_start3A_332 = tpu.memref_squeeze %dma_start3A_331 : memref<1x32xf32, #tpu.memory_space<hbm>> -> memref<32xf32, #tpu.memory_space<hbm>>
      tpu.enqueue_dma source(%dma_start3A_332 : memref<32xf32, #tpu.memory_space<hbm>>) target(%dma_start3A_329 : memref<32xf32, #tpu.memory_space<vmem>>) target_semaphore(%arg15 : memref<!tpu.dma_semaphore, #tpu.memory_space<semaphore_mem>>)
      %slice3A_333 = vector.extract_strided_slice %get3A_222 {offsets = [7], sizes = [1], strides = [1]} : vector<16xi32> to vector<1xi32>
      %squeeze3A_334 = vector.extract %slice3A_333[0] : i32 from vector<1xi32>
      %add3A_335 = arith.constant 7 : i32
      %add3A_336 = arith.addi %add3A_220, %add3A_335 : i32
      %dma_start3A_337 = arith.constant 0 : i32
      %dma_start3A_338 = tpu.memref_slice %arg9[%add3A_336, %dma_start3A_337] : memref<512x32xf32, #tpu.memory_space<vmem>> -> memref<1x32xf32, #tpu.memory_space<vmem>>
      %dma_start3A_339 = tpu.memref_squeeze %dma_start3A_338 : memref<1x32xf32, #tpu.memory_space<vmem>> -> memref<32xf32, #tpu.memory_space<vmem>>
      %dma_start3A_340 = arith.constant 0 : i32
      %dma_start3A_341 = tpu.memref_slice %arg3[%squeeze3A_334, %dma_start3A_340] : memref<100000x32xf32, #tpu.memory_space<hbm>> -> memref<1x32xf32, #tpu.memory_space<hbm>>
      %dma_start3A_342 = tpu.memref_squeeze %dma_start3A_341 : memref<1x32xf32, #tpu.memory_space<hbm>> -> memref<32xf32, #tpu.memory_space<hbm>>
      %dma_start3A_343 = arith.constant 0 : i32
      %dma_start3A_344 = tpu.memref_slice %arg9[%add3A_336, %dma_start3A_343] : memref<512x32xf32, #tpu.memory_space<vmem>> -> memref<1x32xf32, #tpu.memory_space<vmem>>
      %dma_start3A_345 = tpu.memref_squeeze %dma_start3A_344 : memref<1x32xf32, #tpu.memory_space<vmem>> -> memref<32xf32, #tpu.memory_space<vmem>>
      %dma_start3A_346 = arith.constant 0 : i32
      %dma_start3A_347 = tpu.memref_slice %arg3[%squeeze3A_334, %dma_start3A_346] : memref<100000x32xf32, #tpu.memory_space<hbm>> -> memref<1x32xf32, #tpu.memory_space<hbm>>
      %dma_start3A_348 = tpu.memref_squeeze %dma_start3A_347 : memref<1x32xf32, #tpu.memory_space<hbm>> -> memref<32xf32, #tpu.memory_space<hbm>>
      tpu.enqueue_dma source(%dma_start3A_348 : memref<32xf32, #tpu.memory_space<hbm>>) target(%dma_start3A_345 : memref<32xf32, #tpu.memory_space<vmem>>) target_semaphore(%arg15 : memref<!tpu.dma_semaphore, #tpu.memory_space<semaphore_mem>>)
      %slice3A_349 = vector.extract_strided_slice %get3A_222 {offsets = [8], sizes = [1], strides = [1]} : vector<16xi32> to vector<1xi32>
      %squeeze3A_350 = vector.extract %slice3A_349[0] : i32 from vector<1xi32>
      %add3A_351 = arith.constant 8 : i32
      %add3A_352 = arith.addi %add3A_220, %add3A_351 : i32
      %dma_start3A_353 = arith.constant 0 : i32
      %dma_start3A_354 = tpu.memref_slice %arg9[%add3A_352, %dma_start3A_353] : memref<512x32xf32, #tpu.memory_space<vmem>> -> memref<1x32xf32, #tpu.memory_space<vmem>>
      %dma_start3A_355 = tpu.memref_squeeze %dma_start3A_354 : memref<1x32xf32, #tpu.memory_space<vmem>> -> memref<32xf32, #tpu.memory_space<vmem>>
      %dma_start3A_356 = arith.constant 0 : i32
      %dma_start3A_357 = tpu.memref_slice %arg3[%squeeze3A_350, %dma_start3A_356] : memref<100000x32xf32, #tpu.memory_space<hbm>> -> memref<1x32xf32, #tpu.memory_space<hbm>>
      %dma_start3A_358 = tpu.memref_squeeze %dma_start3A_357 : memref<1x32xf32, #tpu.memory_space<hbm>> -> memref<32xf32, #tpu.memory_space<hbm>>
      %dma_start3A_359 = arith.constant 0 : i32
      %dma_start3A_360 = tpu.memref_slice %arg9[%add3A_352, %dma_start3A_359] : memref<512x32xf32, #tpu.memory_space<vmem>> -> memref<1x32xf32, #tpu.memory_space<vmem>>
      %dma_start3A_361 = tpu.memref_squeeze %dma_start3A_360 : memref<1x32xf32, #tpu.memory_space<vmem>> -> memref<32xf32, #tpu.memory_space<vmem>>
      %dma_start3A_362 = arith.constant 0 : i32
      %dma_start3A_363 = tpu.memref_slice %arg3[%squeeze3A_350, %dma_start3A_362] : memref<100000x32xf32, #tpu.memory_space<hbm>> -> memref<1x32xf32, #tpu.memory_space<hbm>>
      %dma_start3A_364 = tpu.memref_squeeze %dma_start3A_363 : memref<1x32xf32, #tpu.memory_space<hbm>> -> memref<32xf32, #tpu.memory_space<hbm>>
      tpu.enqueue_dma source(%dma_start3A_364 : memref<32xf32, #tpu.memory_space<hbm>>) target(%dma_start3A_361 : memref<32xf32, #tpu.memory_space<vmem>>) target_semaphore(%arg15 : memref<!tpu.dma_semaphore, #tpu.memory_space<semaphore_mem>>)
      %slice3A_365 = vector.extract_strided_slice %get3A_222 {offsets = [9], sizes = [1], strides = [1]} : vector<16xi32> to vector<1xi32>
      %squeeze3A_366 = vector.extract %slice3A_365[0] : i32 from vector<1xi32>
      %add3A_367 = arith.constant 9 : i32
      %add3A_368 = arith.addi %add3A_220, %add3A_367 : i32
      %dma_start3A_369 = arith.constant 0 : i32
      %dma_start3A_370 = tpu.memref_slice %arg9[%add3A_368, %dma_start3A_369] : memref<512x32xf32, #tpu.memory_space<vmem>> -> memref<1x32xf32, #tpu.memory_space<vmem>>
      %dma_start3A_371 = tpu.memref_squeeze %dma_start3A_370 : memref<1x32xf32, #tpu.memory_space<vmem>> -> memref<32xf32, #tpu.memory_space<vmem>>
      %dma_start3A_372 = arith.constant 0 : i32
      %dma_start3A_373 = tpu.memref_slice %arg3[%squeeze3A_366, %dma_start3A_372] : memref<100000x32xf32, #tpu.memory_space<hbm>> -> memref<1x32xf32, #tpu.memory_space<hbm>>
      %dma_start3A_374 = tpu.memref_squeeze %dma_start3A_373 : memref<1x32xf32, #tpu.memory_space<hbm>> -> memref<32xf32, #tpu.memory_space<hbm>>
      %dma_start3A_375 = arith.constant 0 : i32
      %dma_start3A_376 = tpu.memref_slice %arg9[%add3A_368, %dma_start3A_375] : memref<512x32xf32, #tpu.memory_space<vmem>> -> memref<1x32xf32, #tpu.memory_space<vmem>>
      %dma_start3A_377 = tpu.memref_squeeze %dma_start3A_376 : memref<1x32xf32, #tpu.memory_space<vmem>> -> memref<32xf32, #tpu.memory_space<vmem>>
      %dma_start3A_378 = arith.constant 0 : i32
      %dma_start3A_379 = tpu.memref_slice %arg3[%squeeze3A_366, %dma_start3A_378] : memref<100000x32xf32, #tpu.memory_space<hbm>> -> memref<1x32xf32, #tpu.memory_space<hbm>>
      %dma_start3A_380 = tpu.memref_squeeze %dma_start3A_379 : memref<1x32xf32, #tpu.memory_space<hbm>> -> memref<32xf32, #tpu.memory_space<hbm>>
      tpu.enqueue_dma source(%dma_start3A_380 : memref<32xf32, #tpu.memory_space<hbm>>) target(%dma_start3A_377 : memref<32xf32, #tpu.memory_space<vmem>>) target_semaphore(%arg15 : memref<!tpu.dma_semaphore, #tpu.memory_space<semaphore_mem>>)
      %slice3A_381 = vector.extract_strided_slice %get3A_222 {offsets = [10], sizes = [1], strides = [1]} : vector<16xi32> to vector<1xi32>
      %squeeze3A_382 = vector.extract %slice3A_381[0] : i32 from vector<1xi32>
      %add3A_383 = arith.constant 10 : i32
      %add3A_384 = arith.addi %add3A_220, %add3A_383 : i32
      %dma_start3A_385 = arith.constant 0 : i32
      %dma_start3A_386 = tpu.memref_slice %arg9[%add3A_384, %dma_start3A_385] : memref<512x32xf32, #tpu.memory_space<vmem>> -> memref<1x32xf32, #tpu.memory_space<vmem>>
      %dma_start3A_387 = tpu.memref_squeeze %dma_start3A_386 : memref<1x32xf32, #tpu.memory_space<vmem>> -> memref<32xf32, #tpu.memory_space<vmem>>
      %dma_start3A_388 = arith.constant 0 : i32
      %dma_start3A_389 = tpu.memref_slice %arg3[%squeeze3A_382, %dma_start3A_388] : memref<100000x32xf32, #tpu.memory_space<hbm>> -> memref<1x32xf32, #tpu.memory_space<hbm>>
      %dma_start3A_390 = tpu.memref_squeeze %dma_start3A_389 : memref<1x32xf32, #tpu.memory_space<hbm>> -> memref<32xf32, #tpu.memory_space<hbm>>
      %dma_start3A_391 = arith.constant 0 : i32
      %dma_start3A_392 = tpu.memref_slice %arg9[%add3A_384, %dma_start3A_391] : memref<512x32xf32, #tpu.memory_space<vmem>> -> memref<1x32xf32, #tpu.memory_space<vmem>>
      %dma_start3A_393 = tpu.memref_squeeze %dma_start3A_392 : memref<1x32xf32, #tpu.memory_space<vmem>> -> memref<32xf32, #tpu.memory_space<vmem>>
      %dma_start3A_394 = arith.constant 0 : i32
      %dma_start3A_395 = tpu.memref_slice %arg3[%squeeze3A_382, %dma_start3A_394] : memref<100000x32xf32, #tpu.memory_space<hbm>> -> memref<1x32xf32, #tpu.memory_space<hbm>>
      %dma_start3A_396 = tpu.memref_squeeze %dma_start3A_395 : memref<1x32xf32, #tpu.memory_space<hbm>> -> memref<32xf32, #tpu.memory_space<hbm>>
      tpu.enqueue_dma source(%dma_start3A_396 : memref<32xf32, #tpu.memory_space<hbm>>) target(%dma_start3A_393 : memref<32xf32, #tpu.memory_space<vmem>>) target_semaphore(%arg15 : memref<!tpu.dma_semaphore, #tpu.memory_space<semaphore_mem>>)
      %slice3A_397 = vector.extract_strided_slice %get3A_222 {offsets = [11], sizes = [1], strides = [1]} : vector<16xi32> to vector<1xi32>
      %squeeze3A_398 = vector.extract %slice3A_397[0] : i32 from vector<1xi32>
      %add3A_399 = arith.constant 11 : i32
      %add3A_400 = arith.addi %add3A_220, %add3A_399 : i32
      %dma_start3A_401 = arith.constant 0 : i32
      %dma_start3A_402 = tpu.memref_slice %arg9[%add3A_400, %dma_start3A_401] : memref<512x32xf32, #tpu.memory_space<vmem>> -> memref<1x32xf32, #tpu.memory_space<vmem>>
      %dma_start3A_403 = tpu.memref_squeeze %dma_start3A_402 : memref<1x32xf32, #tpu.memory_space<vmem>> -> memref<32xf32, #tpu.memory_space<vmem>>
      %dma_start3A_404 = arith.constant 0 : i32
      %dma_start3A_405 = tpu.memref_slice %arg3[%squeeze3A_398, %dma_start3A_404] : memref<100000x32xf32, #tpu.memory_space<hbm>> -> memref<1x32xf32, #tpu.memory_space<hbm>>
      %dma_start3A_406 = tpu.memref_squeeze %dma_start3A_405 : memref<1x32xf32, #tpu.memory_space<hbm>> -> memref<32xf32, #tpu.memory_space<hbm>>
      %dma_start3A_407 = arith.constant 0 : i32
      %dma_start3A_408 = tpu.memref_slice %arg9[%add3A_400, %dma_start3A_407] : memref<512x32xf32, #tpu.memory_space<vmem>> -> memref<1x32xf32, #tpu.memory_space<vmem>>
      %dma_start3A_409 = tpu.memref_squeeze %dma_start3A_408 : memref<1x32xf32, #tpu.memory_space<vmem>> -> memref<32xf32, #tpu.memory_space<vmem>>
      %dma_start3A_410 = arith.constant 0 : i32
      %dma_start3A_411 = tpu.memref_slice %arg3[%squeeze3A_398, %dma_start3A_410] : memref<100000x32xf32, #tpu.memory_space<hbm>> -> memref<1x32xf32, #tpu.memory_space<hbm>>
      %dma_start3A_412 = tpu.memref_squeeze %dma_start3A_411 : memref<1x32xf32, #tpu.memory_space<hbm>> -> memref<32xf32, #tpu.memory_space<hbm>>
      tpu.enqueue_dma source(%dma_start3A_412 : memref<32xf32, #tpu.memory_space<hbm>>) target(%dma_start3A_409 : memref<32xf32, #tpu.memory_space<vmem>>) target_semaphore(%arg15 : memref<!tpu.dma_semaphore, #tpu.memory_space<semaphore_mem>>)
      %slice3A_413 = vector.extract_strided_slice %get3A_222 {offsets = [12], sizes = [1], strides = [1]} : vector<16xi32> to vector<1xi32>
      %squeeze3A_414 = vector.extract %slice3A_413[0] : i32 from vector<1xi32>
      %add3A_415 = arith.constant 12 : i32
      %add3A_416 = arith.addi %add3A_220, %add3A_415 : i32
      %dma_start3A_417 = arith.constant 0 : i32
      %dma_start3A_418 = tpu.memref_slice %arg9[%add3A_416, %dma_start3A_417] : memref<512x32xf32, #tpu.memory_space<vmem>> -> memref<1x32xf32, #tpu.memory_space<vmem>>
      %dma_start3A_419 = tpu.memref_squeeze %dma_start3A_418 : memref<1x32xf32, #tpu.memory_space<vmem>> -> memref<32xf32, #tpu.memory_space<vmem>>
      %dma_start3A_420 = arith.constant 0 : i32
      %dma_start3A_421 = tpu.memref_slice %arg3[%squeeze3A_414, %dma_start3A_420] : memref<100000x32xf32, #tpu.memory_space<hbm>> -> memref<1x32xf32, #tpu.memory_space<hbm>>
      %dma_start3A_422 = tpu.memref_squeeze %dma_start3A_421 : memref<1x32xf32, #tpu.memory_space<hbm>> -> memref<32xf32, #tpu.memory_space<hbm>>
      %dma_start3A_423 = arith.constant 0 : i32
      %dma_start3A_424 = tpu.memref_slice %arg9[%add3A_416, %dma_start3A_423] : memref<512x32xf32, #tpu.memory_space<vmem>> -> memref<1x32xf32, #tpu.memory_space<vmem>>
      %dma_start3A_425 = tpu.memref_squeeze %dma_start3A_424 : memref<1x32xf32, #tpu.memory_space<vmem>> -> memref<32xf32, #tpu.memory_space<vmem>>
      %dma_start3A_426 = arith.constant 0 : i32
      %dma_start3A_427 = tpu.memref_slice %arg3[%squeeze3A_414, %dma_start3A_426] : memref<100000x32xf32, #tpu.memory_space<hbm>> -> memref<1x32xf32, #tpu.memory_space<hbm>>
      %dma_start3A_428 = tpu.memref_squeeze %dma_start3A_427 : memref<1x32xf32, #tpu.memory_space<hbm>> -> memref<32xf32, #tpu.memory_space<hbm>>
      tpu.enqueue_dma source(%dma_start3A_428 : memref<32xf32, #tpu.memory_space<hbm>>) target(%dma_start3A_425 : memref<32xf32, #tpu.memory_space<vmem>>) target_semaphore(%arg15 : memref<!tpu.dma_semaphore, #tpu.memory_space<semaphore_mem>>)
      %slice3A_429 = vector.extract_strided_slice %get3A_222 {offsets = [13], sizes = [1], strides = [1]} : vector<16xi32> to vector<1xi32>
      %squeeze3A_430 = vector.extract %slice3A_429[0] : i32 from vector<1xi32>
      %add3A_431 = arith.constant 13 : i32
      %add3A_432 = arith.addi %add3A_220, %add3A_431 : i32
      %dma_start3A_433 = arith.constant 0 : i32
      %dma_start3A_434 = tpu.memref_slice %arg9[%add3A_432, %dma_start3A_433] : memref<512x32xf32, #tpu.memory_space<vmem>> -> memref<1x32xf32, #tpu.memory_space<vmem>>
      %dma_start3A_435 = tpu.memref_squeeze %dma_start3A_434 : memref<1x32xf32, #tpu.memory_space<vmem>> -> memref<32xf32, #tpu.memory_space<vmem>>
      %dma_start3A_436 = arith.constant 0 : i32
      %dma_start3A_437 = tpu.memref_slice %arg3[%squeeze3A_430, %dma_start3A_436] : memref<100000x32xf32, #tpu.memory_space<hbm>> -> memref<1x32xf32, #tpu.memory_space<hbm>>
      %dma_start3A_438 = tpu.memref_squeeze %dma_start3A_437 : memref<1x32xf32, #tpu.memory_space<hbm>> -> memref<32xf32, #tpu.memory_space<hbm>>
      %dma_start3A_439 = arith.constant 0 : i32
      %dma_start3A_440 = tpu.memref_slice %arg9[%add3A_432, %dma_start3A_439] : memref<512x32xf32, #tpu.memory_space<vmem>> -> memref<1x32xf32, #tpu.memory_space<vmem>>
      %dma_start3A_441 = tpu.memref_squeeze %dma_start3A_440 : memref<1x32xf32, #tpu.memory_space<vmem>> -> memref<32xf32, #tpu.memory_space<vmem>>
      %dma_start3A_442 = arith.constant 0 : i32
      %dma_start3A_443 = tpu.memref_slice %arg3[%squeeze3A_430, %dma_start3A_442] : memref<100000x32xf32, #tpu.memory_space<hbm>> -> memref<1x32xf32, #tpu.memory_space<hbm>>
      %dma_start3A_444 = tpu.memref_squeeze %dma_start3A_443 : memref<1x32xf32, #tpu.memory_space<hbm>> -> memref<32xf32, #tpu.memory_space<hbm>>
      tpu.enqueue_dma source(%dma_start3A_444 : memref<32xf32, #tpu.memory_space<hbm>>) target(%dma_start3A_441 : memref<32xf32, #tpu.memory_space<vmem>>) target_semaphore(%arg15 : memref<!tpu.dma_semaphore, #tpu.memory_space<semaphore_mem>>)
      %slice3A_445 = vector.extract_strided_slice %get3A_222 {offsets = [14], sizes = [1], strides = [1]} : vector<16xi32> to vector<1xi32>
      %squeeze3A_446 = vector.extract %slice3A_445[0] : i32 from vector<1xi32>
      %add3A_447 = arith.constant 14 : i32
      %add3A_448 = arith.addi %add3A_220, %add3A_447 : i32
      %dma_start3A_449 = arith.constant 0 : i32
      %dma_start3A_450 = tpu.memref_slice %arg9[%add3A_448, %dma_start3A_449] : memref<512x32xf32, #tpu.memory_space<vmem>> -> memref<1x32xf32, #tpu.memory_space<vmem>>
      %dma_start3A_451 = tpu.memref_squeeze %dma_start3A_450 : memref<1x32xf32, #tpu.memory_space<vmem>> -> memref<32xf32, #tpu.memory_space<vmem>>
      %dma_start3A_452 = arith.constant 0 : i32
      %dma_start3A_453 = tpu.memref_slice %arg3[%squeeze3A_446, %dma_start3A_452] : memref<100000x32xf32, #tpu.memory_space<hbm>> -> memref<1x32xf32, #tpu.memory_space<hbm>>
      %dma_start3A_454 = tpu.memref_squeeze %dma_start3A_453 : memref<1x32xf32, #tpu.memory_space<hbm>> -> memref<32xf32, #tpu.memory_space<hbm>>
      %dma_start3A_455 = arith.constant 0 : i32
      %dma_start3A_456 = tpu.memref_slice %arg9[%add3A_448, %dma_start3A_455] : memref<512x32xf32, #tpu.memory_space<vmem>> -> memref<1x32xf32, #tpu.memory_space<vmem>>
      %dma_start3A_457 = tpu.memref_squeeze %dma_start3A_456 : memref<1x32xf32, #tpu.memory_space<vmem>> -> memref<32xf32, #tpu.memory_space<vmem>>
      %dma_start3A_458 = arith.constant 0 : i32
      %dma_start3A_459 = tpu.memref_slice %arg3[%squeeze3A_446, %dma_start3A_458] : memref<100000x32xf32, #tpu.memory_space<hbm>> -> memref<1x32xf32, #tpu.memory_space<hbm>>
      %dma_start3A_460 = tpu.memref_squeeze %dma_start3A_459 : memref<1x32xf32, #tpu.memory_space<hbm>> -> memref<32xf32, #tpu.memory_space<hbm>>
      tpu.enqueue_dma source(%dma_start3A_460 : memref<32xf32, #tpu.memory_space<hbm>>) target(%dma_start3A_457 : memref<32xf32, #tpu.memory_space<vmem>>) target_semaphore(%arg15 : memref<!tpu.dma_semaphore, #tpu.memory_space<semaphore_mem>>)
      %slice3A_461 = vector.extract_strided_slice %get3A_222 {offsets = [15], sizes = [1], strides = [1]} : vector<16xi32> to vector<1xi32>
      %squeeze3A_462 = vector.extract %slice3A_461[0] : i32 from vector<1xi32>
      %add3A_463 = arith.constant 15 : i32
      %add3A_464 = arith.addi %add3A_220, %add3A_463 : i32
      %dma_start3A_465 = arith.constant 0 : i32
      %dma_start3A_466 = tpu.memref_slice %arg9[%add3A_464, %dma_start3A_465] : memref<512x32xf32, #tpu.memory_space<vmem>> -> memref<1x32xf32, #tpu.memory_space<vmem>>
      %dma_start3A_467 = tpu.memref_squeeze %dma_start3A_466 : memref<1x32xf32, #tpu.memory_space<vmem>> -> memref<32xf32, #tpu.memory_space<vmem>>
      %dma_start3A_468 = arith.constant 0 : i32
      %dma_start3A_469 = tpu.memref_slice %arg3[%squeeze3A_462, %dma_start3A_468] : memref<100000x32xf32, #tpu.memory_space<hbm>> -> memref<1x32xf32, #tpu.memory_space<hbm>>
      %dma_start3A_470 = tpu.memref_squeeze %dma_start3A_469 : memref<1x32xf32, #tpu.memory_space<hbm>> -> memref<32xf32, #tpu.memory_space<hbm>>
      %dma_start3A_471 = arith.constant 0 : i32
      %dma_start3A_472 = tpu.memref_slice %arg9[%add3A_464, %dma_start3A_471] : memref<512x32xf32, #tpu.memory_space<vmem>> -> memref<1x32xf32, #tpu.memory_space<vmem>>
      %dma_start3A_473 = tpu.memref_squeeze %dma_start3A_472 : memref<1x32xf32, #tpu.memory_space<vmem>> -> memref<32xf32, #tpu.memory_space<vmem>>
      %dma_start3A_474 = arith.constant 0 : i32
      %dma_start3A_475 = tpu.memref_slice %arg3[%squeeze3A_462, %dma_start3A_474] : memref<100000x32xf32, #tpu.memory_space<hbm>> -> memref<1x32xf32, #tpu.memory_space<hbm>>
      %dma_start3A_476 = tpu.memref_squeeze %dma_start3A_475 : memref<1x32xf32, #tpu.memory_space<hbm>> -> memref<32xf32, #tpu.memory_space<hbm>>
      tpu.enqueue_dma source(%dma_start3A_476 : memref<32xf32, #tpu.memory_space<hbm>>) target(%dma_start3A_473 : memref<32xf32, #tpu.memory_space<vmem>>) target_semaphore(%arg15 : memref<!tpu.dma_semaphore, #tpu.memory_space<semaphore_mem>>)
    }
    %scan3A_39 = arith.constant 8 : i32
    %scan3A_40 = arith.constant 0 : i32
    %scan3A_41 = arith.constant 8 : i32
    %scan3A_42 = arith.addi %scan3A_40, %scan3A_41 : i32
    %scan3A_43 = arith.constant 1 : i32
    scf.for %scan3A_216 = %scan3A_40 to %scan3A_42 step %scan3A_43  : i32 {
      %mul3A_217 = arith.constant 16 : i32
      %mul3A_218 = arith.muli %scan3A_216, %mul3A_217 : i32
      %add3A_219 = arith.constant 384 : i32
      %add3A_220 = arith.addi %add3A_219, %mul3A_218 : i32
      %get3A = arith.index_cast %add3A_220 : i32 to index
      %get3A_221 = tpu.vector_load %arg7[%get3A] {strides = array<i32>} : memref<512xi32, #tpu.memory_space<vmem>>, vector<16xi32>,
      %get3A_222 = vector.shape_cast %get3A_221 : vector<16xi32> to vector<16xi32>
      %slice3A = vector.extract_strided_slice %get3A_222 {offsets = [0], sizes = [1], strides = [1]} : vector<16xi32> to vector<1xi32>
      %squeeze3A = vector.extract %slice3A[0] : i32 from vector<1xi32>
      %add3A_223 = arith.constant 0 : i32
      %add3A_224 = arith.addi %add3A_220, %add3A_223 : i32
      %dma_start3A_225 = arith.constant 0 : i32
      %dma_start3A_226 = tpu.memref_slice %arg9[%add3A_224, %dma_start3A_225] : memref<512x32xf32, #tpu.memory_space<vmem>> -> memref<1x32xf32, #tpu.memory_space<vmem>>
      %dma_start3A_227 = tpu.memref_squeeze %dma_start3A_226 : memref<1x32xf32, #tpu.memory_space<vmem>> -> memref<32xf32, #tpu.memory_space<vmem>>
      %dma_start3A_228 = arith.constant 0 : i32
      %dma_start3A_229 = tpu.memref_slice %arg3[%squeeze3A, %dma_start3A_228] : memref<100000x32xf32, #tpu.memory_space<hbm>> -> memref<1x32xf32, #tpu.memory_space<hbm>>
      %dma_start3A_230 = tpu.memref_squeeze %dma_start3A_229 : memref<1x32xf32, #tpu.memory_space<hbm>> -> memref<32xf32, #tpu.memory_space<hbm>>
      %dma_start3A_231 = arith.constant 0 : i32
      %dma_start3A_232 = tpu.memref_slice %arg9[%add3A_224, %dma_start3A_231] : memref<512x32xf32, #tpu.memory_space<vmem>> -> memref<1x32xf32, #tpu.memory_space<vmem>>
      %dma_start3A_233 = tpu.memref_squeeze %dma_start3A_232 : memref<1x32xf32, #tpu.memory_space<vmem>> -> memref<32xf32, #tpu.memory_space<vmem>>
      %dma_start3A_234 = arith.constant 0 : i32
      %dma_start3A_235 = tpu.memref_slice %arg3[%squeeze3A, %dma_start3A_234] : memref<100000x32xf32, #tpu.memory_space<hbm>> -> memref<1x32xf32, #tpu.memory_space<hbm>>
      %dma_start3A_236 = tpu.memref_squeeze %dma_start3A_235 : memref<1x32xf32, #tpu.memory_space<hbm>> -> memref<32xf32, #tpu.memory_space<hbm>>
      tpu.enqueue_dma source(%dma_start3A_236 : memref<32xf32, #tpu.memory_space<hbm>>) target(%dma_start3A_233 : memref<32xf32, #tpu.memory_space<vmem>>) target_semaphore(%arg16 : memref<!tpu.dma_semaphore, #tpu.memory_space<semaphore_mem>>)
      %slice3A_237 = vector.extract_strided_slice %get3A_222 {offsets = [1], sizes = [1], strides = [1]} : vector<16xi32> to vector<1xi32>
      %squeeze3A_238 = vector.extract %slice3A_237[0] : i32 from vector<1xi32>
      %add3A_239 = arith.constant 1 : i32
      %add3A_240 = arith.addi %add3A_220, %add3A_239 : i32
      %dma_start3A_241 = arith.constant 0 : i32
      %dma_start3A_242 = tpu.memref_slice %arg9[%add3A_240, %dma_start3A_241] : memref<512x32xf32, #tpu.memory_space<vmem>> -> memref<1x32xf32, #tpu.memory_space<vmem>>
      %dma_start3A_243 = tpu.memref_squeeze %dma_start3A_242 : memref<1x32xf32, #tpu.memory_space<vmem>> -> memref<32xf32, #tpu.memory_space<vmem>>
      %dma_start3A_244 = arith.constant 0 : i32
      %dma_start3A_245 = tpu.memref_slice %arg3[%squeeze3A_238, %dma_start3A_244] : memref<100000x32xf32, #tpu.memory_space<hbm>> -> memref<1x32xf32, #tpu.memory_space<hbm>>
      %dma_start3A_246 = tpu.memref_squeeze %dma_start3A_245 : memref<1x32xf32, #tpu.memory_space<hbm>> -> memref<32xf32, #tpu.memory_space<hbm>>
      %dma_start3A_247 = arith.constant 0 : i32
      %dma_start3A_248 = tpu.memref_slice %arg9[%add3A_240, %dma_start3A_247] : memref<512x32xf32, #tpu.memory_space<vmem>> -> memref<1x32xf32, #tpu.memory_space<vmem>>
      %dma_start3A_249 = tpu.memref_squeeze %dma_start3A_248 : memref<1x32xf32, #tpu.memory_space<vmem>> -> memref<32xf32, #tpu.memory_space<vmem>>
      %dma_start3A_250 = arith.constant 0 : i32
      %dma_start3A_251 = tpu.memref_slice %arg3[%squeeze3A_238, %dma_start3A_250] : memref<100000x32xf32, #tpu.memory_space<hbm>> -> memref<1x32xf32, #tpu.memory_space<hbm>>
      %dma_start3A_252 = tpu.memref_squeeze %dma_start3A_251 : memref<1x32xf32, #tpu.memory_space<hbm>> -> memref<32xf32, #tpu.memory_space<hbm>>
      tpu.enqueue_dma source(%dma_start3A_252 : memref<32xf32, #tpu.memory_space<hbm>>) target(%dma_start3A_249 : memref<32xf32, #tpu.memory_space<vmem>>) target_semaphore(%arg16 : memref<!tpu.dma_semaphore, #tpu.memory_space<semaphore_mem>>)
      %slice3A_253 = vector.extract_strided_slice %get3A_222 {offsets = [2], sizes = [1], strides = [1]} : vector<16xi32> to vector<1xi32>
      %squeeze3A_254 = vector.extract %slice3A_253[0] : i32 from vector<1xi32>
      %add3A_255 = arith.constant 2 : i32
      %add3A_256 = arith.addi %add3A_220, %add3A_255 : i32
      %dma_start3A_257 = arith.constant 0 : i32
      %dma_start3A_258 = tpu.memref_slice %arg9[%add3A_256, %dma_start3A_257] : memref<512x32xf32, #tpu.memory_space<vmem>> -> memref<1x32xf32, #tpu.memory_space<vmem>>
      %dma_start3A_259 = tpu.memref_squeeze %dma_start3A_258 : memref<1x32xf32, #tpu.memory_space<vmem>> -> memref<32xf32, #tpu.memory_space<vmem>>
      %dma_start3A_260 = arith.constant 0 : i32
      %dma_start3A_261 = tpu.memref_slice %arg3[%squeeze3A_254, %dma_start3A_260] : memref<100000x32xf32, #tpu.memory_space<hbm>> -> memref<1x32xf32, #tpu.memory_space<hbm>>
      %dma_start3A_262 = tpu.memref_squeeze %dma_start3A_261 : memref<1x32xf32, #tpu.memory_space<hbm>> -> memref<32xf32, #tpu.memory_space<hbm>>
      %dma_start3A_263 = arith.constant 0 : i32
      %dma_start3A_264 = tpu.memref_slice %arg9[%add3A_256, %dma_start3A_263] : memref<512x32xf32, #tpu.memory_space<vmem>> -> memref<1x32xf32, #tpu.memory_space<vmem>>
      %dma_start3A_265 = tpu.memref_squeeze %dma_start3A_264 : memref<1x32xf32, #tpu.memory_space<vmem>> -> memref<32xf32, #tpu.memory_space<vmem>>
      %dma_start3A_266 = arith.constant 0 : i32
      %dma_start3A_267 = tpu.memref_slice %arg3[%squeeze3A_254, %dma_start3A_266] : memref<100000x32xf32, #tpu.memory_space<hbm>> -> memref<1x32xf32, #tpu.memory_space<hbm>>
      %dma_start3A_268 = tpu.memref_squeeze %dma_start3A_267 : memref<1x32xf32, #tpu.memory_space<hbm>> -> memref<32xf32, #tpu.memory_space<hbm>>
      tpu.enqueue_dma source(%dma_start3A_268 : memref<32xf32, #tpu.memory_space<hbm>>) target(%dma_start3A_265 : memref<32xf32, #tpu.memory_space<vmem>>) target_semaphore(%arg16 : memref<!tpu.dma_semaphore, #tpu.memory_space<semaphore_mem>>)
      %slice3A_269 = vector.extract_strided_slice %get3A_222 {offsets = [3], sizes = [1], strides = [1]} : vector<16xi32> to vector<1xi32>
      %squeeze3A_270 = vector.extract %slice3A_269[0] : i32 from vector<1xi32>
      %add3A_271 = arith.constant 3 : i32
      %add3A_272 = arith.addi %add3A_220, %add3A_271 : i32
      %dma_start3A_273 = arith.constant 0 : i32
      %dma_start3A_274 = tpu.memref_slice %arg9[%add3A_272, %dma_start3A_273] : memref<512x32xf32, #tpu.memory_space<vmem>> -> memref<1x32xf32, #tpu.memory_space<vmem>>
      %dma_start3A_275 = tpu.memref_squeeze %dma_start3A_274 : memref<1x32xf32, #tpu.memory_space<vmem>> -> memref<32xf32, #tpu.memory_space<vmem>>
      %dma_start3A_276 = arith.constant 0 : i32
      %dma_start3A_277 = tpu.memref_slice %arg3[%squeeze3A_270, %dma_start3A_276] : memref<100000x32xf32, #tpu.memory_space<hbm>> -> memref<1x32xf32, #tpu.memory_space<hbm>>
      %dma_start3A_278 = tpu.memref_squeeze %dma_start3A_277 : memref<1x32xf32, #tpu.memory_space<hbm>> -> memref<32xf32, #tpu.memory_space<hbm>>
      %dma_start3A_279 = arith.constant 0 : i32
      %dma_start3A_280 = tpu.memref_slice %arg9[%add3A_272, %dma_start3A_279] : memref<512x32xf32, #tpu.memory_space<vmem>> -> memref<1x32xf32, #tpu.memory_space<vmem>>
      %dma_start3A_281 = tpu.memref_squeeze %dma_start3A_280 : memref<1x32xf32, #tpu.memory_space<vmem>> -> memref<32xf32, #tpu.memory_space<vmem>>
      %dma_start3A_282 = arith.constant 0 : i32
      %dma_start3A_283 = tpu.memref_slice %arg3[%squeeze3A_270, %dma_start3A_282] : memref<100000x32xf32, #tpu.memory_space<hbm>> -> memref<1x32xf32, #tpu.memory_space<hbm>>
      %dma_start3A_284 = tpu.memref_squeeze %dma_start3A_283 : memref<1x32xf32, #tpu.memory_space<hbm>> -> memref<32xf32, #tpu.memory_space<hbm>>
      tpu.enqueue_dma source(%dma_start3A_284 : memref<32xf32, #tpu.memory_space<hbm>>) target(%dma_start3A_281 : memref<32xf32, #tpu.memory_space<vmem>>) target_semaphore(%arg16 : memref<!tpu.dma_semaphore, #tpu.memory_space<semaphore_mem>>)
      %slice3A_285 = vector.extract_strided_slice %get3A_222 {offsets = [4], sizes = [1], strides = [1]} : vector<16xi32> to vector<1xi32>
      %squeeze3A_286 = vector.extract %slice3A_285[0] : i32 from vector<1xi32>
      %add3A_287 = arith.constant 4 : i32
      %add3A_288 = arith.addi %add3A_220, %add3A_287 : i32
      %dma_start3A_289 = arith.constant 0 : i32
      %dma_start3A_290 = tpu.memref_slice %arg9[%add3A_288, %dma_start3A_289] : memref<512x32xf32, #tpu.memory_space<vmem>> -> memref<1x32xf32, #tpu.memory_space<vmem>>
      %dma_start3A_291 = tpu.memref_squeeze %dma_start3A_290 : memref<1x32xf32, #tpu.memory_space<vmem>> -> memref<32xf32, #tpu.memory_space<vmem>>
      %dma_start3A_292 = arith.constant 0 : i32
      %dma_start3A_293 = tpu.memref_slice %arg3[%squeeze3A_286, %dma_start3A_292] : memref<100000x32xf32, #tpu.memory_space<hbm>> -> memref<1x32xf32, #tpu.memory_space<hbm>>
      %dma_start3A_294 = tpu.memref_squeeze %dma_start3A_293 : memref<1x32xf32, #tpu.memory_space<hbm>> -> memref<32xf32, #tpu.memory_space<hbm>>
      %dma_start3A_295 = arith.constant 0 : i32
      %dma_start3A_296 = tpu.memref_slice %arg9[%add3A_288, %dma_start3A_295] : memref<512x32xf32, #tpu.memory_space<vmem>> -> memref<1x32xf32, #tpu.memory_space<vmem>>
      %dma_start3A_297 = tpu.memref_squeeze %dma_start3A_296 : memref<1x32xf32, #tpu.memory_space<vmem>> -> memref<32xf32, #tpu.memory_space<vmem>>
      %dma_start3A_298 = arith.constant 0 : i32
      %dma_start3A_299 = tpu.memref_slice %arg3[%squeeze3A_286, %dma_start3A_298] : memref<100000x32xf32, #tpu.memory_space<hbm>> -> memref<1x32xf32, #tpu.memory_space<hbm>>
      %dma_start3A_300 = tpu.memref_squeeze %dma_start3A_299 : memref<1x32xf32, #tpu.memory_space<hbm>> -> memref<32xf32, #tpu.memory_space<hbm>>
      tpu.enqueue_dma source(%dma_start3A_300 : memref<32xf32, #tpu.memory_space<hbm>>) target(%dma_start3A_297 : memref<32xf32, #tpu.memory_space<vmem>>) target_semaphore(%arg16 : memref<!tpu.dma_semaphore, #tpu.memory_space<semaphore_mem>>)
      %slice3A_301 = vector.extract_strided_slice %get3A_222 {offsets = [5], sizes = [1], strides = [1]} : vector<16xi32> to vector<1xi32>
      %squeeze3A_302 = vector.extract %slice3A_301[0] : i32 from vector<1xi32>
      %add3A_303 = arith.constant 5 : i32
      %add3A_304 = arith.addi %add3A_220, %add3A_303 : i32
      %dma_start3A_305 = arith.constant 0 : i32
      %dma_start3A_306 = tpu.memref_slice %arg9[%add3A_304, %dma_start3A_305] : memref<512x32xf32, #tpu.memory_space<vmem>> -> memref<1x32xf32, #tpu.memory_space<vmem>>
      %dma_start3A_307 = tpu.memref_squeeze %dma_start3A_306 : memref<1x32xf32, #tpu.memory_space<vmem>> -> memref<32xf32, #tpu.memory_space<vmem>>
      %dma_start3A_308 = arith.constant 0 : i32
      %dma_start3A_309 = tpu.memref_slice %arg3[%squeeze3A_302, %dma_start3A_308] : memref<100000x32xf32, #tpu.memory_space<hbm>> -> memref<1x32xf32, #tpu.memory_space<hbm>>
      %dma_start3A_310 = tpu.memref_squeeze %dma_start3A_309 : memref<1x32xf32, #tpu.memory_space<hbm>> -> memref<32xf32, #tpu.memory_space<hbm>>
      %dma_start3A_311 = arith.constant 0 : i32
      %dma_start3A_312 = tpu.memref_slice %arg9[%add3A_304, %dma_start3A_311] : memref<512x32xf32, #tpu.memory_space<vmem>> -> memref<1x32xf32, #tpu.memory_space<vmem>>
      %dma_start3A_313 = tpu.memref_squeeze %dma_start3A_312 : memref<1x32xf32, #tpu.memory_space<vmem>> -> memref<32xf32, #tpu.memory_space<vmem>>
      %dma_start3A_314 = arith.constant 0 : i32
      %dma_start3A_315 = tpu.memref_slice %arg3[%squeeze3A_302, %dma_start3A_314] : memref<100000x32xf32, #tpu.memory_space<hbm>> -> memref<1x32xf32, #tpu.memory_space<hbm>>
      %dma_start3A_316 = tpu.memref_squeeze %dma_start3A_315 : memref<1x32xf32, #tpu.memory_space<hbm>> -> memref<32xf32, #tpu.memory_space<hbm>>
      tpu.enqueue_dma source(%dma_start3A_316 : memref<32xf32, #tpu.memory_space<hbm>>) target(%dma_start3A_313 : memref<32xf32, #tpu.memory_space<vmem>>) target_semaphore(%arg16 : memref<!tpu.dma_semaphore, #tpu.memory_space<semaphore_mem>>)
      %slice3A_317 = vector.extract_strided_slice %get3A_222 {offsets = [6], sizes = [1], strides = [1]} : vector<16xi32> to vector<1xi32>
      %squeeze3A_318 = vector.extract %slice3A_317[0] : i32 from vector<1xi32>
      %add3A_319 = arith.constant 6 : i32
      %add3A_320 = arith.addi %add3A_220, %add3A_319 : i32
      %dma_start3A_321 = arith.constant 0 : i32
      %dma_start3A_322 = tpu.memref_slice %arg9[%add3A_320, %dma_start3A_321] : memref<512x32xf32, #tpu.memory_space<vmem>> -> memref<1x32xf32, #tpu.memory_space<vmem>>
      %dma_start3A_323 = tpu.memref_squeeze %dma_start3A_322 : memref<1x32xf32, #tpu.memory_space<vmem>> -> memref<32xf32, #tpu.memory_space<vmem>>
      %dma_start3A_324 = arith.constant 0 : i32
      %dma_start3A_325 = tpu.memref_slice %arg3[%squeeze3A_318, %dma_start3A_324] : memref<100000x32xf32, #tpu.memory_space<hbm>> -> memref<1x32xf32, #tpu.memory_space<hbm>>
      %dma_start3A_326 = tpu.memref_squeeze %dma_start3A_325 : memref<1x32xf32, #tpu.memory_space<hbm>> -> memref<32xf32, #tpu.memory_space<hbm>>
      %dma_start3A_327 = arith.constant 0 : i32
      %dma_start3A_328 = tpu.memref_slice %arg9[%add3A_320, %dma_start3A_327] : memref<512x32xf32, #tpu.memory_space<vmem>> -> memref<1x32xf32, #tpu.memory_space<vmem>>
      %dma_start3A_329 = tpu.memref_squeeze %dma_start3A_328 : memref<1x32xf32, #tpu.memory_space<vmem>> -> memref<32xf32, #tpu.memory_space<vmem>>
      %dma_start3A_330 = arith.constant 0 : i32
      %dma_start3A_331 = tpu.memref_slice %arg3[%squeeze3A_318, %dma_start3A_330] : memref<100000x32xf32, #tpu.memory_space<hbm>> -> memref<1x32xf32, #tpu.memory_space<hbm>>
      %dma_start3A_332 = tpu.memref_squeeze %dma_start3A_331 : memref<1x32xf32, #tpu.memory_space<hbm>> -> memref<32xf32, #tpu.memory_space<hbm>>
      tpu.enqueue_dma source(%dma_start3A_332 : memref<32xf32, #tpu.memory_space<hbm>>) target(%dma_start3A_329 : memref<32xf32, #tpu.memory_space<vmem>>) target_semaphore(%arg16 : memref<!tpu.dma_semaphore, #tpu.memory_space<semaphore_mem>>)
      %slice3A_333 = vector.extract_strided_slice %get3A_222 {offsets = [7], sizes = [1], strides = [1]} : vector<16xi32> to vector<1xi32>
      %squeeze3A_334 = vector.extract %slice3A_333[0] : i32 from vector<1xi32>
      %add3A_335 = arith.constant 7 : i32
      %add3A_336 = arith.addi %add3A_220, %add3A_335 : i32
      %dma_start3A_337 = arith.constant 0 : i32
      %dma_start3A_338 = tpu.memref_slice %arg9[%add3A_336, %dma_start3A_337] : memref<512x32xf32, #tpu.memory_space<vmem>> -> memref<1x32xf32, #tpu.memory_space<vmem>>
      %dma_start3A_339 = tpu.memref_squeeze %dma_start3A_338 : memref<1x32xf32, #tpu.memory_space<vmem>> -> memref<32xf32, #tpu.memory_space<vmem>>
      %dma_start3A_340 = arith.constant 0 : i32
      %dma_start3A_341 = tpu.memref_slice %arg3[%squeeze3A_334, %dma_start3A_340] : memref<100000x32xf32, #tpu.memory_space<hbm>> -> memref<1x32xf32, #tpu.memory_space<hbm>>
      %dma_start3A_342 = tpu.memref_squeeze %dma_start3A_341 : memref<1x32xf32, #tpu.memory_space<hbm>> -> memref<32xf32, #tpu.memory_space<hbm>>
      %dma_start3A_343 = arith.constant 0 : i32
      %dma_start3A_344 = tpu.memref_slice %arg9[%add3A_336, %dma_start3A_343] : memref<512x32xf32, #tpu.memory_space<vmem>> -> memref<1x32xf32, #tpu.memory_space<vmem>>
      %dma_start3A_345 = tpu.memref_squeeze %dma_start3A_344 : memref<1x32xf32, #tpu.memory_space<vmem>> -> memref<32xf32, #tpu.memory_space<vmem>>
      %dma_start3A_346 = arith.constant 0 : i32
      %dma_start3A_347 = tpu.memref_slice %arg3[%squeeze3A_334, %dma_start3A_346] : memref<100000x32xf32, #tpu.memory_space<hbm>> -> memref<1x32xf32, #tpu.memory_space<hbm>>
      %dma_start3A_348 = tpu.memref_squeeze %dma_start3A_347 : memref<1x32xf32, #tpu.memory_space<hbm>> -> memref<32xf32, #tpu.memory_space<hbm>>
      tpu.enqueue_dma source(%dma_start3A_348 : memref<32xf32, #tpu.memory_space<hbm>>) target(%dma_start3A_345 : memref<32xf32, #tpu.memory_space<vmem>>) target_semaphore(%arg16 : memref<!tpu.dma_semaphore, #tpu.memory_space<semaphore_mem>>)
      %slice3A_349 = vector.extract_strided_slice %get3A_222 {offsets = [8], sizes = [1], strides = [1]} : vector<16xi32> to vector<1xi32>
      %squeeze3A_350 = vector.extract %slice3A_349[0] : i32 from vector<1xi32>
      %add3A_351 = arith.constant 8 : i32
      %add3A_352 = arith.addi %add3A_220, %add3A_351 : i32
      %dma_start3A_353 = arith.constant 0 : i32
      %dma_start3A_354 = tpu.memref_slice %arg9[%add3A_352, %dma_start3A_353] : memref<512x32xf32, #tpu.memory_space<vmem>> -> memref<1x32xf32, #tpu.memory_space<vmem>>
      %dma_start3A_355 = tpu.memref_squeeze %dma_start3A_354 : memref<1x32xf32, #tpu.memory_space<vmem>> -> memref<32xf32, #tpu.memory_space<vmem>>
      %dma_start3A_356 = arith.constant 0 : i32
      %dma_start3A_357 = tpu.memref_slice %arg3[%squeeze3A_350, %dma_start3A_356] : memref<100000x32xf32, #tpu.memory_space<hbm>> -> memref<1x32xf32, #tpu.memory_space<hbm>>
      %dma_start3A_358 = tpu.memref_squeeze %dma_start3A_357 : memref<1x32xf32, #tpu.memory_space<hbm>> -> memref<32xf32, #tpu.memory_space<hbm>>
      %dma_start3A_359 = arith.constant 0 : i32
      %dma_start3A_360 = tpu.memref_slice %arg9[%add3A_352, %dma_start3A_359] : memref<512x32xf32, #tpu.memory_space<vmem>> -> memref<1x32xf32, #tpu.memory_space<vmem>>
      %dma_start3A_361 = tpu.memref_squeeze %dma_start3A_360 : memref<1x32xf32, #tpu.memory_space<vmem>> -> memref<32xf32, #tpu.memory_space<vmem>>
      %dma_start3A_362 = arith.constant 0 : i32
      %dma_start3A_363 = tpu.memref_slice %arg3[%squeeze3A_350, %dma_start3A_362] : memref<100000x32xf32, #tpu.memory_space<hbm>> -> memref<1x32xf32, #tpu.memory_space<hbm>>
      %dma_start3A_364 = tpu.memref_squeeze %dma_start3A_363 : memref<1x32xf32, #tpu.memory_space<hbm>> -> memref<32xf32, #tpu.memory_space<hbm>>
      tpu.enqueue_dma source(%dma_start3A_364 : memref<32xf32, #tpu.memory_space<hbm>>) target(%dma_start3A_361 : memref<32xf32, #tpu.memory_space<vmem>>) target_semaphore(%arg16 : memref<!tpu.dma_semaphore, #tpu.memory_space<semaphore_mem>>)
      %slice3A_365 = vector.extract_strided_slice %get3A_222 {offsets = [9], sizes = [1], strides = [1]} : vector<16xi32> to vector<1xi32>
      %squeeze3A_366 = vector.extract %slice3A_365[0] : i32 from vector<1xi32>
      %add3A_367 = arith.constant 9 : i32
      %add3A_368 = arith.addi %add3A_220, %add3A_367 : i32
      %dma_start3A_369 = arith.constant 0 : i32
      %dma_start3A_370 = tpu.memref_slice %arg9[%add3A_368, %dma_start3A_369] : memref<512x32xf32, #tpu.memory_space<vmem>> -> memref<1x32xf32, #tpu.memory_space<vmem>>
      %dma_start3A_371 = tpu.memref_squeeze %dma_start3A_370 : memref<1x32xf32, #tpu.memory_space<vmem>> -> memref<32xf32, #tpu.memory_space<vmem>>
      %dma_start3A_372 = arith.constant 0 : i32
      %dma_start3A_373 = tpu.memref_slice %arg3[%squeeze3A_366, %dma_start3A_372] : memref<100000x32xf32, #tpu.memory_space<hbm>> -> memref<1x32xf32, #tpu.memory_space<hbm>>
      %dma_start3A_374 = tpu.memref_squeeze %dma_start3A_373 : memref<1x32xf32, #tpu.memory_space<hbm>> -> memref<32xf32, #tpu.memory_space<hbm>>
      %dma_start3A_375 = arith.constant 0 : i32
      %dma_start3A_376 = tpu.memref_slice %arg9[%add3A_368, %dma_start3A_375] : memref<512x32xf32, #tpu.memory_space<vmem>> -> memref<1x32xf32, #tpu.memory_space<vmem>>
      %dma_start3A_377 = tpu.memref_squeeze %dma_start3A_376 : memref<1x32xf32, #tpu.memory_space<vmem>> -> memref<32xf32, #tpu.memory_space<vmem>>
      %dma_start3A_378 = arith.constant 0 : i32
      %dma_start3A_379 = tpu.memref_slice %arg3[%squeeze3A_366, %dma_start3A_378] : memref<100000x32xf32, #tpu.memory_space<hbm>> -> memref<1x32xf32, #tpu.memory_space<hbm>>
      %dma_start3A_380 = tpu.memref_squeeze %dma_start3A_379 : memref<1x32xf32, #tpu.memory_space<hbm>> -> memref<32xf32, #tpu.memory_space<hbm>>
      tpu.enqueue_dma source(%dma_start3A_380 : memref<32xf32, #tpu.memory_space<hbm>>) target(%dma_start3A_377 : memref<32xf32, #tpu.memory_space<vmem>>) target_semaphore(%arg16 : memref<!tpu.dma_semaphore, #tpu.memory_space<semaphore_mem>>)
      %slice3A_381 = vector.extract_strided_slice %get3A_222 {offsets = [10], sizes = [1], strides = [1]} : vector<16xi32> to vector<1xi32>
      %squeeze3A_382 = vector.extract %slice3A_381[0] : i32 from vector<1xi32>
      %add3A_383 = arith.constant 10 : i32
      %add3A_384 = arith.addi %add3A_220, %add3A_383 : i32
      %dma_start3A_385 = arith.constant 0 : i32
      %dma_start3A_386 = tpu.memref_slice %arg9[%add3A_384, %dma_start3A_385] : memref<512x32xf32, #tpu.memory_space<vmem>> -> memref<1x32xf32, #tpu.memory_space<vmem>>
      %dma_start3A_387 = tpu.memref_squeeze %dma_start3A_386 : memref<1x32xf32, #tpu.memory_space<vmem>> -> memref<32xf32, #tpu.memory_space<vmem>>
      %dma_start3A_388 = arith.constant 0 : i32
      %dma_start3A_389 = tpu.memref_slice %arg3[%squeeze3A_382, %dma_start3A_388] : memref<100000x32xf32, #tpu.memory_space<hbm>> -> memref<1x32xf32, #tpu.memory_space<hbm>>
      %dma_start3A_390 = tpu.memref_squeeze %dma_start3A_389 : memref<1x32xf32, #tpu.memory_space<hbm>> -> memref<32xf32, #tpu.memory_space<hbm>>
      %dma_start3A_391 = arith.constant 0 : i32
      %dma_start3A_392 = tpu.memref_slice %arg9[%add3A_384, %dma_start3A_391] : memref<512x32xf32, #tpu.memory_space<vmem>> -> memref<1x32xf32, #tpu.memory_space<vmem>>
      %dma_start3A_393 = tpu.memref_squeeze %dma_start3A_392 : memref<1x32xf32, #tpu.memory_space<vmem>> -> memref<32xf32, #tpu.memory_space<vmem>>
      %dma_start3A_394 = arith.constant 0 : i32
      %dma_start3A_395 = tpu.memref_slice %arg3[%squeeze3A_382, %dma_start3A_394] : memref<100000x32xf32, #tpu.memory_space<hbm>> -> memref<1x32xf32, #tpu.memory_space<hbm>>
      %dma_start3A_396 = tpu.memref_squeeze %dma_start3A_395 : memref<1x32xf32, #tpu.memory_space<hbm>> -> memref<32xf32, #tpu.memory_space<hbm>>
      tpu.enqueue_dma source(%dma_start3A_396 : memref<32xf32, #tpu.memory_space<hbm>>) target(%dma_start3A_393 : memref<32xf32, #tpu.memory_space<vmem>>) target_semaphore(%arg16 : memref<!tpu.dma_semaphore, #tpu.memory_space<semaphore_mem>>)
      %slice3A_397 = vector.extract_strided_slice %get3A_222 {offsets = [11], sizes = [1], strides = [1]} : vector<16xi32> to vector<1xi32>
      %squeeze3A_398 = vector.extract %slice3A_397[0] : i32 from vector<1xi32>
      %add3A_399 = arith.constant 11 : i32
      %add3A_400 = arith.addi %add3A_220, %add3A_399 : i32
      %dma_start3A_401 = arith.constant 0 : i32
      %dma_start3A_402 = tpu.memref_slice %arg9[%add3A_400, %dma_start3A_401] : memref<512x32xf32, #tpu.memory_space<vmem>> -> memref<1x32xf32, #tpu.memory_space<vmem>>
      %dma_start3A_403 = tpu.memref_squeeze %dma_start3A_402 : memref<1x32xf32, #tpu.memory_space<vmem>> -> memref<32xf32, #tpu.memory_space<vmem>>
      %dma_start3A_404 = arith.constant 0 : i32
      %dma_start3A_405 = tpu.memref_slice %arg3[%squeeze3A_398, %dma_start3A_404] : memref<100000x32xf32, #tpu.memory_space<hbm>> -> memref<1x32xf32, #tpu.memory_space<hbm>>
      %dma_start3A_406 = tpu.memref_squeeze %dma_start3A_405 : memref<1x32xf32, #tpu.memory_space<hbm>> -> memref<32xf32, #tpu.memory_space<hbm>>
      %dma_start3A_407 = arith.constant 0 : i32
      %dma_start3A_408 = tpu.memref_slice %arg9[%add3A_400, %dma_start3A_407] : memref<512x32xf32, #tpu.memory_space<vmem>> -> memref<1x32xf32, #tpu.memory_space<vmem>>
      %dma_start3A_409 = tpu.memref_squeeze %dma_start3A_408 : memref<1x32xf32, #tpu.memory_space<vmem>> -> memref<32xf32, #tpu.memory_space<vmem>>
      %dma_start3A_410 = arith.constant 0 : i32
      %dma_start3A_411 = tpu.memref_slice %arg3[%squeeze3A_398, %dma_start3A_410] : memref<100000x32xf32, #tpu.memory_space<hbm>> -> memref<1x32xf32, #tpu.memory_space<hbm>>
      %dma_start3A_412 = tpu.memref_squeeze %dma_start3A_411 : memref<1x32xf32, #tpu.memory_space<hbm>> -> memref<32xf32, #tpu.memory_space<hbm>>
      tpu.enqueue_dma source(%dma_start3A_412 : memref<32xf32, #tpu.memory_space<hbm>>) target(%dma_start3A_409 : memref<32xf32, #tpu.memory_space<vmem>>) target_semaphore(%arg16 : memref<!tpu.dma_semaphore, #tpu.memory_space<semaphore_mem>>)
      %slice3A_413 = vector.extract_strided_slice %get3A_222 {offsets = [12], sizes = [1], strides = [1]} : vector<16xi32> to vector<1xi32>
      %squeeze3A_414 = vector.extract %slice3A_413[0] : i32 from vector<1xi32>
      %add3A_415 = arith.constant 12 : i32
      %add3A_416 = arith.addi %add3A_220, %add3A_415 : i32
      %dma_start3A_417 = arith.constant 0 : i32
      %dma_start3A_418 = tpu.memref_slice %arg9[%add3A_416, %dma_start3A_417] : memref<512x32xf32, #tpu.memory_space<vmem>> -> memref<1x32xf32, #tpu.memory_space<vmem>>
      %dma_start3A_419 = tpu.memref_squeeze %dma_start3A_418 : memref<1x32xf32, #tpu.memory_space<vmem>> -> memref<32xf32, #tpu.memory_space<vmem>>
      %dma_start3A_420 = arith.constant 0 : i32
      %dma_start3A_421 = tpu.memref_slice %arg3[%squeeze3A_414, %dma_start3A_420] : memref<100000x32xf32, #tpu.memory_space<hbm>> -> memref<1x32xf32, #tpu.memory_space<hbm>>
      %dma_start3A_422 = tpu.memref_squeeze %dma_start3A_421 : memref<1x32xf32, #tpu.memory_space<hbm>> -> memref<32xf32, #tpu.memory_space<hbm>>
      %dma_start3A_423 = arith.constant 0 : i32
      %dma_start3A_424 = tpu.memref_slice %arg9[%add3A_416, %dma_start3A_423] : memref<512x32xf32, #tpu.memory_space<vmem>> -> memref<1x32xf32, #tpu.memory_space<vmem>>
      %dma_start3A_425 = tpu.memref_squeeze %dma_start3A_424 : memref<1x32xf32, #tpu.memory_space<vmem>> -> memref<32xf32, #tpu.memory_space<vmem>>
      %dma_start3A_426 = arith.constant 0 : i32
      %dma_start3A_427 = tpu.memref_slice %arg3[%squeeze3A_414, %dma_start3A_426] : memref<100000x32xf32, #tpu.memory_space<hbm>> -> memref<1x32xf32, #tpu.memory_space<hbm>>
      %dma_start3A_428 = tpu.memref_squeeze %dma_start3A_427 : memref<1x32xf32, #tpu.memory_space<hbm>> -> memref<32xf32, #tpu.memory_space<hbm>>
      tpu.enqueue_dma source(%dma_start3A_428 : memref<32xf32, #tpu.memory_space<hbm>>) target(%dma_start3A_425 : memref<32xf32, #tpu.memory_space<vmem>>) target_semaphore(%arg16 : memref<!tpu.dma_semaphore, #tpu.memory_space<semaphore_mem>>)
      %slice3A_429 = vector.extract_strided_slice %get3A_222 {offsets = [13], sizes = [1], strides = [1]} : vector<16xi32> to vector<1xi32>
      %squeeze3A_430 = vector.extract %slice3A_429[0] : i32 from vector<1xi32>
      %add3A_431 = arith.constant 13 : i32
      %add3A_432 = arith.addi %add3A_220, %add3A_431 : i32
      %dma_start3A_433 = arith.constant 0 : i32
      %dma_start3A_434 = tpu.memref_slice %arg9[%add3A_432, %dma_start3A_433] : memref<512x32xf32, #tpu.memory_space<vmem>> -> memref<1x32xf32, #tpu.memory_space<vmem>>
      %dma_start3A_435 = tpu.memref_squeeze %dma_start3A_434 : memref<1x32xf32, #tpu.memory_space<vmem>> -> memref<32xf32, #tpu.memory_space<vmem>>
      %dma_start3A_436 = arith.constant 0 : i32
      %dma_start3A_437 = tpu.memref_slice %arg3[%squeeze3A_430, %dma_start3A_436] : memref<100000x32xf32, #tpu.memory_space<hbm>> -> memref<1x32xf32, #tpu.memory_space<hbm>>
      %dma_start3A_438 = tpu.memref_squeeze %dma_start3A_437 : memref<1x32xf32, #tpu.memory_space<hbm>> -> memref<32xf32, #tpu.memory_space<hbm>>
      %dma_start3A_439 = arith.constant 0 : i32
      %dma_start3A_440 = tpu.memref_slice %arg9[%add3A_432, %dma_start3A_439] : memref<512x32xf32, #tpu.memory_space<vmem>> -> memref<1x32xf32, #tpu.memory_space<vmem>>
      %dma_start3A_441 = tpu.memref_squeeze %dma_start3A_440 : memref<1x32xf32, #tpu.memory_space<vmem>> -> memref<32xf32, #tpu.memory_space<vmem>>
      %dma_start3A_442 = arith.constant 0 : i32
      %dma_start3A_443 = tpu.memref_slice %arg3[%squeeze3A_430, %dma_start3A_442] : memref<100000x32xf32, #tpu.memory_space<hbm>> -> memref<1x32xf32, #tpu.memory_space<hbm>>
      %dma_start3A_444 = tpu.memref_squeeze %dma_start3A_443 : memref<1x32xf32, #tpu.memory_space<hbm>> -> memref<32xf32, #tpu.memory_space<hbm>>
      tpu.enqueue_dma source(%dma_start3A_444 : memref<32xf32, #tpu.memory_space<hbm>>) target(%dma_start3A_441 : memref<32xf32, #tpu.memory_space<vmem>>) target_semaphore(%arg16 : memref<!tpu.dma_semaphore, #tpu.memory_space<semaphore_mem>>)
      %slice3A_445 = vector.extract_strided_slice %get3A_222 {offsets = [14], sizes = [1], strides = [1]} : vector<16xi32> to vector<1xi32>
      %squeeze3A_446 = vector.extract %slice3A_445[0] : i32 from vector<1xi32>
      %add3A_447 = arith.constant 14 : i32
      %add3A_448 = arith.addi %add3A_220, %add3A_447 : i32
      %dma_start3A_449 = arith.constant 0 : i32
      %dma_start3A_450 = tpu.memref_slice %arg9[%add3A_448, %dma_start3A_449] : memref<512x32xf32, #tpu.memory_space<vmem>> -> memref<1x32xf32, #tpu.memory_space<vmem>>
      %dma_start3A_451 = tpu.memref_squeeze %dma_start3A_450 : memref<1x32xf32, #tpu.memory_space<vmem>> -> memref<32xf32, #tpu.memory_space<vmem>>
      %dma_start3A_452 = arith.constant 0 : i32
      %dma_start3A_453 = tpu.memref_slice %arg3[%squeeze3A_446, %dma_start3A_452] : memref<100000x32xf32, #tpu.memory_space<hbm>> -> memref<1x32xf32, #tpu.memory_space<hbm>>
      %dma_start3A_454 = tpu.memref_squeeze %dma_start3A_453 : memref<1x32xf32, #tpu.memory_space<hbm>> -> memref<32xf32, #tpu.memory_space<hbm>>
      %dma_start3A_455 = arith.constant 0 : i32
      %dma_start3A_456 = tpu.memref_slice %arg9[%add3A_448, %dma_start3A_455] : memref<512x32xf32, #tpu.memory_space<vmem>> -> memref<1x32xf32, #tpu.memory_space<vmem>>
      %dma_start3A_457 = tpu.memref_squeeze %dma_start3A_456 : memref<1x32xf32, #tpu.memory_space<vmem>> -> memref<32xf32, #tpu.memory_space<vmem>>
      %dma_start3A_458 = arith.constant 0 : i32
      %dma_start3A_459 = tpu.memref_slice %arg3[%squeeze3A_446, %dma_start3A_458] : memref<100000x32xf32, #tpu.memory_space<hbm>> -> memref<1x32xf32, #tpu.memory_space<hbm>>
      %dma_start3A_460 = tpu.memref_squeeze %dma_start3A_459 : memref<1x32xf32, #tpu.memory_space<hbm>> -> memref<32xf32, #tpu.memory_space<hbm>>
      tpu.enqueue_dma source(%dma_start3A_460 : memref<32xf32, #tpu.memory_space<hbm>>) target(%dma_start3A_457 : memref<32xf32, #tpu.memory_space<vmem>>) target_semaphore(%arg16 : memref<!tpu.dma_semaphore, #tpu.memory_space<semaphore_mem>>)
      %slice3A_461 = vector.extract_strided_slice %get3A_222 {offsets = [15], sizes = [1], strides = [1]} : vector<16xi32> to vector<1xi32>
      %squeeze3A_462 = vector.extract %slice3A_461[0] : i32 from vector<1xi32>
      %add3A_463 = arith.constant 15 : i32
      %add3A_464 = arith.addi %add3A_220, %add3A_463 : i32
      %dma_start3A_465 = arith.constant 0 : i32
      %dma_start3A_466 = tpu.memref_slice %arg9[%add3A_464, %dma_start3A_465] : memref<512x32xf32, #tpu.memory_space<vmem>> -> memref<1x32xf32, #tpu.memory_space<vmem>>
      %dma_start3A_467 = tpu.memref_squeeze %dma_start3A_466 : memref<1x32xf32, #tpu.memory_space<vmem>> -> memref<32xf32, #tpu.memory_space<vmem>>
      %dma_start3A_468 = arith.constant 0 : i32
      %dma_start3A_469 = tpu.memref_slice %arg3[%squeeze3A_462, %dma_start3A_468] : memref<100000x32xf32, #tpu.memory_space<hbm>> -> memref<1x32xf32, #tpu.memory_space<hbm>>
      %dma_start3A_470 = tpu.memref_squeeze %dma_start3A_469 : memref<1x32xf32, #tpu.memory_space<hbm>> -> memref<32xf32, #tpu.memory_space<hbm>>
      %dma_start3A_471 = arith.constant 0 : i32
      %dma_start3A_472 = tpu.memref_slice %arg9[%add3A_464, %dma_start3A_471] : memref<512x32xf32, #tpu.memory_space<vmem>> -> memref<1x32xf32, #tpu.memory_space<vmem>>
      %dma_start3A_473 = tpu.memref_squeeze %dma_start3A_472 : memref<1x32xf32, #tpu.memory_space<vmem>> -> memref<32xf32, #tpu.memory_space<vmem>>
      %dma_start3A_474 = arith.constant 0 : i32
      %dma_start3A_475 = tpu.memref_slice %arg3[%squeeze3A_462, %dma_start3A_474] : memref<100000x32xf32, #tpu.memory_space<hbm>> -> memref<1x32xf32, #tpu.memory_space<hbm>>
      %dma_start3A_476 = tpu.memref_squeeze %dma_start3A_475 : memref<1x32xf32, #tpu.memory_space<hbm>> -> memref<32xf32, #tpu.memory_space<hbm>>
      tpu.enqueue_dma source(%dma_start3A_476 : memref<32xf32, #tpu.memory_space<hbm>>) target(%dma_start3A_473 : memref<32xf32, #tpu.memory_space<vmem>>) target_semaphore(%arg16 : memref<!tpu.dma_semaphore, #tpu.memory_space<semaphore_mem>>)
    }
    %scan3A_44 = arith.constant 8 : i32
    "tpu.region"() ({
      %run_scoped3A = tpu.sem_alloc : memref<!tpu.dma_semaphore, #tpu.memory_space<semaphore_mem>>
      tpu.enqueue_dma source(%arg4 : memref<5x32xf32, #tpu.memory_space<hbm>>) target(%arg10 : memref<5x32xf32, #tpu.memory_space<vmem>>) target_semaphore(%run_scoped3A : memref<!tpu.dma_semaphore, #tpu.memory_space<semaphore_mem>>)
      tpu.wait_dma2 semaphore(%run_scoped3A : memref<!tpu.dma_semaphore, #tpu.memory_space<semaphore_mem>>) src(%arg4 : memref<5x32xf32, #tpu.memory_space<hbm>>) dst(%arg10 : memref<5x32xf32, #tpu.memory_space<vmem>>)
      tpu.yield
    }) : () -> ()
    %dma_wait3A = arith.constant 0 : i32
    %dma_wait3A_45 = tpu.memref_slice %arg8[%dma_wait3A] : memref<512xi32, #tpu.memory_space<vmem>> -> memref<128xi32, #tpu.memory_space<vmem>>
    %dma_wait3A_46 = arith.constant 0 : i32
    %dma_wait3A_47 = tpu.memref_slice %arg7[%dma_wait3A_46] : memref<512xi32, #tpu.memory_space<vmem>> -> memref<128xi32, #tpu.memory_space<vmem>>
    %dma_wait3A_48 = arith.constant 0 : i32
    %dma_wait3A_49 = tpu.memref_slice %arg5[%dma_wait3A_48] : memref<100000xi32, #tpu.memory_space<hbm>> -> memref<100000xi32, #tpu.memory_space<hbm>>
    tpu.wait_indirect_dma semaphore(%arg11 : memref<!tpu.dma_semaphore, #tpu.memory_space<semaphore_mem>>) src(%dma_wait3A_49 : memref<100000xi32, #tpu.memory_space<hbm>>) dst(%dma_wait3A_45 : memref<128xi32, #tpu.memory_space<vmem>>)
    %dma_wait3A_50 = arith.constant 128 : i32
    %dma_wait3A_51 = tpu.memref_slice %arg8[%dma_wait3A_50] : memref<512xi32, #tpu.memory_space<vmem>> -> memref<128xi32, #tpu.memory_space<vmem>>
    %dma_wait3A_52 = arith.constant 128 : i32
    %dma_wait3A_53 = tpu.memref_slice %arg7[%dma_wait3A_52] : memref<512xi32, #tpu.memory_space<vmem>> -> memref<128xi32, #tpu.memory_space<vmem>>
    %dma_wait3A_54 = arith.constant 0 : i32
    %dma_wait3A_55 = tpu.memref_slice %arg5[%dma_wait3A_54] : memref<100000xi32, #tpu.memory_space<hbm>> -> memref<100000xi32, #tpu.memory_space<hbm>>
    tpu.wait_indirect_dma semaphore(%arg11 : memref<!tpu.dma_semaphore, #tpu.memory_space<semaphore_mem>>) src(%dma_wait3A_55 : memref<100000xi32, #tpu.memory_space<hbm>>) dst(%dma_wait3A_51 : memref<128xi32, #tpu.memory_space<vmem>>)
    %dma_wait3A_56 = arith.constant 256 : i32
    %dma_wait3A_57 = tpu.memref_slice %arg8[%dma_wait3A_56] : memref<512xi32, #tpu.memory_space<vmem>> -> memref<128xi32, #tpu.memory_space<vmem>>
    %dma_wait3A_58 = arith.constant 256 : i32
    %dma_wait3A_59 = tpu.memref_slice %arg7[%dma_wait3A_58] : memref<512xi32, #tpu.memory_space<vmem>> -> memref<128xi32, #tpu.memory_space<vmem>>
    %dma_wait3A_60 = arith.constant 0 : i32
    %dma_wait3A_61 = tpu.memref_slice %arg5[%dma_wait3A_60] : memref<100000xi32, #tpu.memory_space<hbm>> -> memref<100000xi32, #tpu.memory_space<hbm>>
    tpu.wait_indirect_dma semaphore(%arg11 : memref<!tpu.dma_semaphore, #tpu.memory_space<semaphore_mem>>) src(%dma_wait3A_61 : memref<100000xi32, #tpu.memory_space<hbm>>) dst(%dma_wait3A_57 : memref<128xi32, #tpu.memory_space<vmem>>)
    %dma_wait3A_62 = arith.constant 384 : i32
    %dma_wait3A_63 = tpu.memref_slice %arg8[%dma_wait3A_62] : memref<512xi32, #tpu.memory_space<vmem>> -> memref<128xi32, #tpu.memory_space<vmem>>
    %dma_wait3A_64 = arith.constant 384 : i32
    %dma_wait3A_65 = tpu.memref_slice %arg7[%dma_wait3A_64] : memref<512xi32, #tpu.memory_space<vmem>> -> memref<128xi32, #tpu.memory_space<vmem>>
    %dma_wait3A_66 = arith.constant 0 : i32
    %dma_wait3A_67 = tpu.memref_slice %arg5[%dma_wait3A_66] : memref<100000xi32, #tpu.memory_space<hbm>> -> memref<100000xi32, #tpu.memory_space<hbm>>
    tpu.wait_indirect_dma semaphore(%arg11 : memref<!tpu.dma_semaphore, #tpu.memory_space<semaphore_mem>>) src(%dma_wait3A_67 : memref<100000xi32, #tpu.memory_space<hbm>>) dst(%dma_wait3A_63 : memref<128xi32, #tpu.memory_space<vmem>>)
    %dma_wait3A_68 = arith.constant 0 : i32
    %dma_wait3A_69 = arith.constant 0 : i32
    %dma_wait3A_70 = tpu.memref_slice %arg9[%dma_wait3A_68, %dma_wait3A_69] : memref<512x32xf32, #tpu.memory_space<vmem>> -> memref<128x32xf32, #tpu.memory_space<vmem>>
    %dma_wait3A_71 = arith.constant 0 : i32
    %dma_wait3A_72 = tpu.memref_slice %arg6[%mul3A_2, %dma_wait3A_71] : memref<16384x32xf32, #tpu.memory_space<hbm>> -> memref<128x32xf32, #tpu.memory_space<hbm>>
    %dma_wait3A_73 = arith.constant 0 : i32
    %dma_wait3A_74 = arith.constant 0 : i32
    %dma_wait3A_75 = tpu.memref_slice %arg9[%dma_wait3A_73, %dma_wait3A_74] : memref<512x32xf32, #tpu.memory_space<vmem>> -> memref<128x32xf32, #tpu.memory_space<vmem>>
    %dma_wait3A_76 = arith.constant 0 : i32
    %dma_wait3A_77 = tpu.memref_slice %arg6[%mul3A_2, %dma_wait3A_76] : memref<16384x32xf32, #tpu.memory_space<hbm>> -> memref<128x32xf32, #tpu.memory_space<hbm>>
    tpu.wait_dma2 semaphore(%arg13 : memref<!tpu.dma_semaphore, #tpu.memory_space<semaphore_mem>>) src(%dma_wait3A_77 : memref<128x32xf32, #tpu.memory_space<hbm>>) dst(%dma_wait3A_75 : memref<128x32xf32, #tpu.memory_space<vmem>>)
    %scan3A_78 = arith.constant 0 : i32
    %scan3A_79 = arith.constant 8 : i32
    %scan3A_80 = arith.addi %scan3A_78, %scan3A_79 : i32
    %scan3A_81 = arith.constant 1 : i32
    scf.for %scan3A_216 = %scan3A_78 to %scan3A_80 step %scan3A_81  : i32 {
      %mul3A_217 = arith.constant 16 : i32
      %mul3A_218 = arith.muli %scan3A_216, %mul3A_217 : i32
      %add3A_219 = arith.constant 0 : i32
      %add3A_220 = arith.addi %add3A_219, %mul3A_218 : i32
      %get3A = arith.index_cast %add3A_220 : i32 to index
      %get3A_221 = tpu.vector_load %arg8[%get3A] {strides = array<i32>} : memref<512xi32, #tpu.memory_space<vmem>>, vector<16xi32>,
      %get3A_222 = vector.shape_cast %get3A_221 : vector<16xi32> to vector<16xi32>
      %slice3A = vector.extract_strided_slice %get3A_222 {offsets = [0], sizes = [1], strides = [1]} : vector<16xi32> to vector<1xi32>
      %squeeze3A = vector.extract %slice3A[0] : i32 from vector<1xi32>
      %add3A_223 = arith.constant 0 : i32
      %add3A_224 = arith.addi %add3A_220, %add3A_223 : i32
      %get3A_225 = arith.index_cast %add3A_224 : i32 to index
      %get3A_226 = arith.constant 0 : index
      %get3A_227 = tpu.vector_load %arg9[%get3A_225, %get3A_226] {strides = array<i32>} : memref<512x32xf32, #tpu.memory_space<vmem>>, vector<1x16xf32>,
      %get3A_228 = vector.shape_cast %get3A_227 : vector<1x16xf32> to vector<16xf32>
      %get3A_229 = arith.index_cast %squeeze3A : i32 to index
      %get3A_230 = arith.constant 0 : index
      %get3A_231 = tpu.vector_load %arg10[%get3A_229, %get3A_230] {strides = array<i32>} : memref<5x32xf32, #tpu.memory_space<vmem>>, vector<1x16xf32>,
      %get3A_232 = vector.shape_cast %get3A_231 : vector<1x16xf32> to vector<16xf32>
      %add3A_233 = arith.addf %get3A_228, %get3A_232 : vector<16xf32>
      %swap3A = arith.index_cast %add3A_224 : i32 to index
      %swap3A_234 = arith.constant 0 : index
      %swap3A_235 = tpu.vector_load %arg9[%swap3A, %swap3A_234] {strides = array<i32>} : memref<512x32xf32, #tpu.memory_space<vmem>>, vector<1x16xf32>,
      %swap3A_236 = vector.shape_cast %swap3A_235 : vector<1x16xf32> to vector<16xf32>
      %swap3A_237 = vector.shape_cast %add3A_233 : vector<16xf32> to vector<1x16xf32>
      tpu.vector_store %arg9[%swap3A, %swap3A_234], %swap3A_237 {strides = array<i32>} : memref<512x32xf32, #tpu.memory_space<vmem>>, vector<1x16xf32>,
      %add3A_238 = arith.constant 0 : i32
      %add3A_239 = arith.addi %add3A_220, %add3A_238 : i32
      %get3A_240 = arith.index_cast %add3A_239 : i32 to index
      %get3A_241 = arith.constant 16 : index
      %get3A_242 = tpu.vector_load %arg9[%get3A_240, %get3A_241] {strides = array<i32>} : memref<512x32xf32, #tpu.memory_space<vmem>>, vector<1x16xf32>,
      %get3A_243 = vector.shape_cast %get3A_242 : vector<1x16xf32> to vector<16xf32>
      %get3A_244 = arith.index_cast %squeeze3A : i32 to index
      %get3A_245 = arith.constant 16 : index
      %get3A_246 = tpu.vector_load %arg10[%get3A_244, %get3A_245] {strides = array<i32>} : memref<5x32xf32, #tpu.memory_space<vmem>>, vector<1x16xf32>,
      %get3A_247 = vector.shape_cast %get3A_246 : vector<1x16xf32> to vector<16xf32>
      %add3A_248 = arith.addf %get3A_243, %get3A_247 : vector<16xf32>
      %swap3A_249 = arith.index_cast %add3A_239 : i32 to index
      %swap3A_250 = arith.constant 16 : index
      %swap3A_251 = tpu.vector_load %arg9[%swap3A_249, %swap3A_250] {strides = array<i32>} : memref<512x32xf32, #tpu.memory_space<vmem>>, vector<1x16xf32>,
      %swap3A_252 = vector.shape_cast %swap3A_251 : vector<1x16xf32> to vector<16xf32>
      %swap3A_253 = vector.shape_cast %add3A_248 : vector<16xf32> to vector<1x16xf32>
      tpu.vector_store %arg9[%swap3A_249, %swap3A_250], %swap3A_253 {strides = array<i32>} : memref<512x32xf32, #tpu.memory_space<vmem>>, vector<1x16xf32>,
      %slice3A_254 = vector.extract_strided_slice %get3A_222 {offsets = [1], sizes = [1], strides = [1]} : vector<16xi32> to vector<1xi32>
      %squeeze3A_255 = vector.extract %slice3A_254[0] : i32 from vector<1xi32>
      %add3A_256 = arith.constant 1 : i32
      %add3A_257 = arith.addi %add3A_220, %add3A_256 : i32
      %get3A_258 = arith.index_cast %add3A_257 : i32 to index
      %get3A_259 = arith.constant 0 : index
      %get3A_260 = tpu.vector_load %arg9[%get3A_258, %get3A_259] {strides = array<i32>} : memref<512x32xf32, #tpu.memory_space<vmem>>, vector<1x16xf32>,
      %get3A_261 = vector.shape_cast %get3A_260 : vector<1x16xf32> to vector<16xf32>
      %get3A_262 = arith.index_cast %squeeze3A_255 : i32 to index
      %get3A_263 = arith.constant 0 : index
      %get3A_264 = tpu.vector_load %arg10[%get3A_262, %get3A_263] {strides = array<i32>} : memref<5x32xf32, #tpu.memory_space<vmem>>, vector<1x16xf32>,
      %get3A_265 = vector.shape_cast %get3A_264 : vector<1x16xf32> to vector<16xf32>
      %add3A_266 = arith.addf %get3A_261, %get3A_265 : vector<16xf32>
      %swap3A_267 = arith.index_cast %add3A_257 : i32 to index
      %swap3A_268 = arith.constant 0 : index
      %swap3A_269 = tpu.vector_load %arg9[%swap3A_267, %swap3A_268] {strides = array<i32>} : memref<512x32xf32, #tpu.memory_space<vmem>>, vector<1x16xf32>,
      %swap3A_270 = vector.shape_cast %swap3A_269 : vector<1x16xf32> to vector<16xf32>
      %swap3A_271 = vector.shape_cast %add3A_266 : vector<16xf32> to vector<1x16xf32>
      tpu.vector_store %arg9[%swap3A_267, %swap3A_268], %swap3A_271 {strides = array<i32>} : memref<512x32xf32, #tpu.memory_space<vmem>>, vector<1x16xf32>,
      %add3A_272 = arith.constant 1 : i32
      %add3A_273 = arith.addi %add3A_220, %add3A_272 : i32
      %get3A_274 = arith.index_cast %add3A_273 : i32 to index
      %get3A_275 = arith.constant 16 : index
      %get3A_276 = tpu.vector_load %arg9[%get3A_274, %get3A_275] {strides = array<i32>} : memref<512x32xf32, #tpu.memory_space<vmem>>, vector<1x16xf32>,
      %get3A_277 = vector.shape_cast %get3A_276 : vector<1x16xf32> to vector<16xf32>
      %get3A_278 = arith.index_cast %squeeze3A_255 : i32 to index
      %get3A_279 = arith.constant 16 : index
      %get3A_280 = tpu.vector_load %arg10[%get3A_278, %get3A_279] {strides = array<i32>} : memref<5x32xf32, #tpu.memory_space<vmem>>, vector<1x16xf32>,
      %get3A_281 = vector.shape_cast %get3A_280 : vector<1x16xf32> to vector<16xf32>
      %add3A_282 = arith.addf %get3A_277, %get3A_281 : vector<16xf32>
      %swap3A_283 = arith.index_cast %add3A_273 : i32 to index
      %swap3A_284 = arith.constant 16 : index
      %swap3A_285 = tpu.vector_load %arg9[%swap3A_283, %swap3A_284] {strides = array<i32>} : memref<512x32xf32, #tpu.memory_space<vmem>>, vector<1x16xf32>,
      %swap3A_286 = vector.shape_cast %swap3A_285 : vector<1x16xf32> to vector<16xf32>
      %swap3A_287 = vector.shape_cast %add3A_282 : vector<16xf32> to vector<1x16xf32>
      tpu.vector_store %arg9[%swap3A_283, %swap3A_284], %swap3A_287 {strides = array<i32>} : memref<512x32xf32, #tpu.memory_space<vmem>>, vector<1x16xf32>,
      %slice3A_288 = vector.extract_strided_slice %get3A_222 {offsets = [2], sizes = [1], strides = [1]} : vector<16xi32> to vector<1xi32>
      %squeeze3A_289 = vector.extract %slice3A_288[0] : i32 from vector<1xi32>
      %add3A_290 = arith.constant 2 : i32
      %add3A_291 = arith.addi %add3A_220, %add3A_290 : i32
      %get3A_292 = arith.index_cast %add3A_291 : i32 to index
      %get3A_293 = arith.constant 0 : index
      %get3A_294 = tpu.vector_load %arg9[%get3A_292, %get3A_293] {strides = array<i32>} : memref<512x32xf32, #tpu.memory_space<vmem>>, vector<1x16xf32>,
      %get3A_295 = vector.shape_cast %get3A_294 : vector<1x16xf32> to vector<16xf32>
      %get3A_296 = arith.index_cast %squeeze3A_289 : i32 to index
      %get3A_297 = arith.constant 0 : index
      %get3A_298 = tpu.vector_load %arg10[%get3A_296, %get3A_297] {strides = array<i32>} : memref<5x32xf32, #tpu.memory_space<vmem>>, vector<1x16xf32>,
      %get3A_299 = vector.shape_cast %get3A_298 : vector<1x16xf32> to vector<16xf32>
      %add3A_300 = arith.addf %get3A_295, %get3A_299 : vector<16xf32>
      %swap3A_301 = arith.index_cast %add3A_291 : i32 to index
      %swap3A_302 = arith.constant 0 : index
      %swap3A_303 = tpu.vector_load %arg9[%swap3A_301, %swap3A_302] {strides = array<i32>} : memref<512x32xf32, #tpu.memory_space<vmem>>, vector<1x16xf32>,
      %swap3A_304 = vector.shape_cast %swap3A_303 : vector<1x16xf32> to vector<16xf32>
      %swap3A_305 = vector.shape_cast %add3A_300 : vector<16xf32> to vector<1x16xf32>
      tpu.vector_store %arg9[%swap3A_301, %swap3A_302], %swap3A_305 {strides = array<i32>} : memref<512x32xf32, #tpu.memory_space<vmem>>, vector<1x16xf32>,
      %add3A_306 = arith.constant 2 : i32
      %add3A_307 = arith.addi %add3A_220, %add3A_306 : i32
      %get3A_308 = arith.index_cast %add3A_307 : i32 to index
      %get3A_309 = arith.constant 16 : index
      %get3A_310 = tpu.vector_load %arg9[%get3A_308, %get3A_309] {strides = array<i32>} : memref<512x32xf32, #tpu.memory_space<vmem>>, vector<1x16xf32>,
      %get3A_311 = vector.shape_cast %get3A_310 : vector<1x16xf32> to vector<16xf32>
      %get3A_312 = arith.index_cast %squeeze3A_289 : i32 to index
      %get3A_313 = arith.constant 16 : index
      %get3A_314 = tpu.vector_load %arg10[%get3A_312, %get3A_313] {strides = array<i32>} : memref<5x32xf32, #tpu.memory_space<vmem>>, vector<1x16xf32>,
      %get3A_315 = vector.shape_cast %get3A_314 : vector<1x16xf32> to vector<16xf32>
      %add3A_316 = arith.addf %get3A_311, %get3A_315 : vector<16xf32>
      %swap3A_317 = arith.index_cast %add3A_307 : i32 to index
      %swap3A_318 = arith.constant 16 : index
      %swap3A_319 = tpu.vector_load %arg9[%swap3A_317, %swap3A_318] {strides = array<i32>} : memref<512x32xf32, #tpu.memory_space<vmem>>, vector<1x16xf32>,
      %swap3A_320 = vector.shape_cast %swap3A_319 : vector<1x16xf32> to vector<16xf32>
      %swap3A_321 = vector.shape_cast %add3A_316 : vector<16xf32> to vector<1x16xf32>
      tpu.vector_store %arg9[%swap3A_317, %swap3A_318], %swap3A_321 {strides = array<i32>} : memref<512x32xf32, #tpu.memory_space<vmem>>, vector<1x16xf32>,
      %slice3A_322 = vector.extract_strided_slice %get3A_222 {offsets = [3], sizes = [1], strides = [1]} : vector<16xi32> to vector<1xi32>
      %squeeze3A_323 = vector.extract %slice3A_322[0] : i32 from vector<1xi32>
      %add3A_324 = arith.constant 3 : i32
      %add3A_325 = arith.addi %add3A_220, %add3A_324 : i32
      %get3A_326 = arith.index_cast %add3A_325 : i32 to index
      %get3A_327 = arith.constant 0 : index
      %get3A_328 = tpu.vector_load %arg9[%get3A_326, %get3A_327] {strides = array<i32>} : memref<512x32xf32, #tpu.memory_space<vmem>>, vector<1x16xf32>,
      %get3A_329 = vector.shape_cast %get3A_328 : vector<1x16xf32> to vector<16xf32>
      %get3A_330 = arith.index_cast %squeeze3A_323 : i32 to index
      %get3A_331 = arith.constant 0 : index
      %get3A_332 = tpu.vector_load %arg10[%get3A_330, %get3A_331] {strides = array<i32>} : memref<5x32xf32, #tpu.memory_space<vmem>>, vector<1x16xf32>,
      %get3A_333 = vector.shape_cast %get3A_332 : vector<1x16xf32> to vector<16xf32>
      %add3A_334 = arith.addf %get3A_329, %get3A_333 : vector<16xf32>
      %swap3A_335 = arith.index_cast %add3A_325 : i32 to index
      %swap3A_336 = arith.constant 0 : index
      %swap3A_337 = tpu.vector_load %arg9[%swap3A_335, %swap3A_336] {strides = array<i32>} : memref<512x32xf32, #tpu.memory_space<vmem>>, vector<1x16xf32>,
      %swap3A_338 = vector.shape_cast %swap3A_337 : vector<1x16xf32> to vector<16xf32>
      %swap3A_339 = vector.shape_cast %add3A_334 : vector<16xf32> to vector<1x16xf32>
      tpu.vector_store %arg9[%swap3A_335, %swap3A_336], %swap3A_339 {strides = array<i32>} : memref<512x32xf32, #tpu.memory_space<vmem>>, vector<1x16xf32>,
      %add3A_340 = arith.constant 3 : i32
      %add3A_341 = arith.addi %add3A_220, %add3A_340 : i32
      %get3A_342 = arith.index_cast %add3A_341 : i32 to index
      %get3A_343 = arith.constant 16 : index
      %get3A_344 = tpu.vector_load %arg9[%get3A_342, %get3A_343] {strides = array<i32>} : memref<512x32xf32, #tpu.memory_space<vmem>>, vector<1x16xf32>,
      %get3A_345 = vector.shape_cast %get3A_344 : vector<1x16xf32> to vector<16xf32>
      %get3A_346 = arith.index_cast %squeeze3A_323 : i32 to index
      %get3A_347 = arith.constant 16 : index
      %get3A_348 = tpu.vector_load %arg10[%get3A_346, %get3A_347] {strides = array<i32>} : memref<5x32xf32, #tpu.memory_space<vmem>>, vector<1x16xf32>,
      %get3A_349 = vector.shape_cast %get3A_348 : vector<1x16xf32> to vector<16xf32>
      %add3A_350 = arith.addf %get3A_345, %get3A_349 : vector<16xf32>
      %swap3A_351 = arith.index_cast %add3A_341 : i32 to index
      %swap3A_352 = arith.constant 16 : index
      %swap3A_353 = tpu.vector_load %arg9[%swap3A_351, %swap3A_352] {strides = array<i32>} : memref<512x32xf32, #tpu.memory_space<vmem>>, vector<1x16xf32>,
      %swap3A_354 = vector.shape_cast %swap3A_353 : vector<1x16xf32> to vector<16xf32>
      %swap3A_355 = vector.shape_cast %add3A_350 : vector<16xf32> to vector<1x16xf32>
      tpu.vector_store %arg9[%swap3A_351, %swap3A_352], %swap3A_355 {strides = array<i32>} : memref<512x32xf32, #tpu.memory_space<vmem>>, vector<1x16xf32>,
      %slice3A_356 = vector.extract_strided_slice %get3A_222 {offsets = [4], sizes = [1], strides = [1]} : vector<16xi32> to vector<1xi32>
      %squeeze3A_357 = vector.extract %slice3A_356[0] : i32 from vector<1xi32>
      %add3A_358 = arith.constant 4 : i32
      %add3A_359 = arith.addi %add3A_220, %add3A_358 : i32
      %get3A_360 = arith.index_cast %add3A_359 : i32 to index
      %get3A_361 = arith.constant 0 : index
      %get3A_362 = tpu.vector_load %arg9[%get3A_360, %get3A_361] {strides = array<i32>} : memref<512x32xf32, #tpu.memory_space<vmem>>, vector<1x16xf32>,
      %get3A_363 = vector.shape_cast %get3A_362 : vector<1x16xf32> to vector<16xf32>
      %get3A_364 = arith.index_cast %squeeze3A_357 : i32 to index
      %get3A_365 = arith.constant 0 : index
      %get3A_366 = tpu.vector_load %arg10[%get3A_364, %get3A_365] {strides = array<i32>} : memref<5x32xf32, #tpu.memory_space<vmem>>, vector<1x16xf32>,
      %get3A_367 = vector.shape_cast %get3A_366 : vector<1x16xf32> to vector<16xf32>
      %add3A_368 = arith.addf %get3A_363, %get3A_367 : vector<16xf32>
      %swap3A_369 = arith.index_cast %add3A_359 : i32 to index
      %swap3A_370 = arith.constant 0 : index
      %swap3A_371 = tpu.vector_load %arg9[%swap3A_369, %swap3A_370] {strides = array<i32>} : memref<512x32xf32, #tpu.memory_space<vmem>>, vector<1x16xf32>,
      %swap3A_372 = vector.shape_cast %swap3A_371 : vector<1x16xf32> to vector<16xf32>
      %swap3A_373 = vector.shape_cast %add3A_368 : vector<16xf32> to vector<1x16xf32>
      tpu.vector_store %arg9[%swap3A_369, %swap3A_370], %swap3A_373 {strides = array<i32>} : memref<512x32xf32, #tpu.memory_space<vmem>>, vector<1x16xf32>,
      %add3A_374 = arith.constant 4 : i32
      %add3A_375 = arith.addi %add3A_220, %add3A_374 : i32
      %get3A_376 = arith.index_cast %add3A_375 : i32 to index
      %get3A_377 = arith.constant 16 : index
      %get3A_378 = tpu.vector_load %arg9[%get3A_376, %get3A_377] {strides = array<i32>} : memref<512x32xf32, #tpu.memory_space<vmem>>, vector<1x16xf32>,
      %get3A_379 = vector.shape_cast %get3A_378 : vector<1x16xf32> to vector<16xf32>
      %get3A_380 = arith.index_cast %squeeze3A_357 : i32 to index
      %get3A_381 = arith.constant 16 : index
      %get3A_382 = tpu.vector_load %arg10[%get3A_380, %get3A_381] {strides = array<i32>} : memref<5x32xf32, #tpu.memory_space<vmem>>, vector<1x16xf32>,
      %get3A_383 = vector.shape_cast %get3A_382 : vector<1x16xf32> to vector<16xf32>
      %add3A_384 = arith.addf %get3A_379, %get3A_383 : vector<16xf32>
      %swap3A_385 = arith.index_cast %add3A_375 : i32 to index
      %swap3A_386 = arith.constant 16 : index
      %swap3A_387 = tpu.vector_load %arg9[%swap3A_385, %swap3A_386] {strides = array<i32>} : memref<512x32xf32, #tpu.memory_space<vmem>>, vector<1x16xf32>,
      %swap3A_388 = vector.shape_cast %swap3A_387 : vector<1x16xf32> to vector<16xf32>
      %swap3A_389 = vector.shape_cast %add3A_384 : vector<16xf32> to vector<1x16xf32>
      tpu.vector_store %arg9[%swap3A_385, %swap3A_386], %swap3A_389 {strides = array<i32>} : memref<512x32xf32, #tpu.memory_space<vmem>>, vector<1x16xf32>,
      %slice3A_390 = vector.extract_strided_slice %get3A_222 {offsets = [5], sizes = [1], strides = [1]} : vector<16xi32> to vector<1xi32>
      %squeeze3A_391 = vector.extract %slice3A_390[0] : i32 from vector<1xi32>
      %add3A_392 = arith.constant 5 : i32
      %add3A_393 = arith.addi %add3A_220, %add3A_392 : i32
      %get3A_394 = arith.index_cast %add3A_393 : i32 to index
      %get3A_395 = arith.constant 0 : index
      %get3A_396 = tpu.vector_load %arg9[%get3A_394, %get3A_395] {strides = array<i32>} : memref<512x32xf32, #tpu.memory_space<vmem>>, vector<1x16xf32>,
      %get3A_397 = vector.shape_cast %get3A_396 : vector<1x16xf32> to vector<16xf32>
      %get3A_398 = arith.index_cast %squeeze3A_391 : i32 to index
      %get3A_399 = arith.constant 0 : index
      %get3A_400 = tpu.vector_load %arg10[%get3A_398, %get3A_399] {strides = array<i32>} : memref<5x32xf32, #tpu.memory_space<vmem>>, vector<1x16xf32>,
      %get3A_401 = vector.shape_cast %get3A_400 : vector<1x16xf32> to vector<16xf32>
      %add3A_402 = arith.addf %get3A_397, %get3A_401 : vector<16xf32>
      %swap3A_403 = arith.index_cast %add3A_393 : i32 to index
      %swap3A_404 = arith.constant 0 : index
      %swap3A_405 = tpu.vector_load %arg9[%swap3A_403, %swap3A_404] {strides = array<i32>} : memref<512x32xf32, #tpu.memory_space<vmem>>, vector<1x16xf32>,
      %swap3A_406 = vector.shape_cast %swap3A_405 : vector<1x16xf32> to vector<16xf32>
      %swap3A_407 = vector.shape_cast %add3A_402 : vector<16xf32> to vector<1x16xf32>
      tpu.vector_store %arg9[%swap3A_403, %swap3A_404], %swap3A_407 {strides = array<i32>} : memref<512x32xf32, #tpu.memory_space<vmem>>, vector<1x16xf32>,
      %add3A_408 = arith.constant 5 : i32
      %add3A_409 = arith.addi %add3A_220, %add3A_408 : i32
      %get3A_410 = arith.index_cast %add3A_409 : i32 to index
      %get3A_411 = arith.constant 16 : index
      %get3A_412 = tpu.vector_load %arg9[%get3A_410, %get3A_411] {strides = array<i32>} : memref<512x32xf32, #tpu.memory_space<vmem>>, vector<1x16xf32>,
      %get3A_413 = vector.shape_cast %get3A_412 : vector<1x16xf32> to vector<16xf32>
      %get3A_414 = arith.index_cast %squeeze3A_391 : i32 to index
      %get3A_415 = arith.constant 16 : index
      %get3A_416 = tpu.vector_load %arg10[%get3A_414, %get3A_415] {strides = array<i32>} : memref<5x32xf32, #tpu.memory_space<vmem>>, vector<1x16xf32>,
      %get3A_417 = vector.shape_cast %get3A_416 : vector<1x16xf32> to vector<16xf32>
      %add3A_418 = arith.addf %get3A_413, %get3A_417 : vector<16xf32>
      %swap3A_419 = arith.index_cast %add3A_409 : i32 to index
      %swap3A_420 = arith.constant 16 : index
      %swap3A_421 = tpu.vector_load %arg9[%swap3A_419, %swap3A_420] {strides = array<i32>} : memref<512x32xf32, #tpu.memory_space<vmem>>, vector<1x16xf32>,
      %swap3A_422 = vector.shape_cast %swap3A_421 : vector<1x16xf32> to vector<16xf32>
      %swap3A_423 = vector.shape_cast %add3A_418 : vector<16xf32> to vector<1x16xf32>
      tpu.vector_store %arg9[%swap3A_419, %swap3A_420], %swap3A_423 {strides = array<i32>} : memref<512x32xf32, #tpu.memory_space<vmem>>, vector<1x16xf32>,
      %slice3A_424 = vector.extract_strided_slice %get3A_222 {offsets = [6], sizes = [1], strides = [1]} : vector<16xi32> to vector<1xi32>
      %squeeze3A_425 = vector.extract %slice3A_424[0] : i32 from vector<1xi32>
      %add3A_426 = arith.constant 6 : i32
      %add3A_427 = arith.addi %add3A_220, %add3A_426 : i32
      %get3A_428 = arith.index_cast %add3A_427 : i32 to index
      %get3A_429 = arith.constant 0 : index
      %get3A_430 = tpu.vector_load %arg9[%get3A_428, %get3A_429] {strides = array<i32>} : memref<512x32xf32, #tpu.memory_space<vmem>>, vector<1x16xf32>,
      %get3A_431 = vector.shape_cast %get3A_430 : vector<1x16xf32> to vector<16xf32>
      %get3A_432 = arith.index_cast %squeeze3A_425 : i32 to index
      %get3A_433 = arith.constant 0 : index
      %get3A_434 = tpu.vector_load %arg10[%get3A_432, %get3A_433] {strides = array<i32>} : memref<5x32xf32, #tpu.memory_space<vmem>>, vector<1x16xf32>,
      %get3A_435 = vector.shape_cast %get3A_434 : vector<1x16xf32> to vector<16xf32>
      %add3A_436 = arith.addf %get3A_431, %get3A_435 : vector<16xf32>
      %swap3A_437 = arith.index_cast %add3A_427 : i32 to index
      %swap3A_438 = arith.constant 0 : index
      %swap3A_439 = tpu.vector_load %arg9[%swap3A_437, %swap3A_438] {strides = array<i32>} : memref<512x32xf32, #tpu.memory_space<vmem>>, vector<1x16xf32>,
      %swap3A_440 = vector.shape_cast %swap3A_439 : vector<1x16xf32> to vector<16xf32>
      %swap3A_441 = vector.shape_cast %add3A_436 : vector<16xf32> to vector<1x16xf32>
      tpu.vector_store %arg9[%swap3A_437, %swap3A_438], %swap3A_441 {strides = array<i32>} : memref<512x32xf32, #tpu.memory_space<vmem>>, vector<1x16xf32>,
      %add3A_442 = arith.constant 6 : i32
      %add3A_443 = arith.addi %add3A_220, %add3A_442 : i32
      %get3A_444 = arith.index_cast %add3A_443 : i32 to index
      %get3A_445 = arith.constant 16 : index
      %get3A_446 = tpu.vector_load %arg9[%get3A_444, %get3A_445] {strides = array<i32>} : memref<512x32xf32, #tpu.memory_space<vmem>>, vector<1x16xf32>,
      %get3A_447 = vector.shape_cast %get3A_446 : vector<1x16xf32> to vector<16xf32>
      %get3A_448 = arith.index_cast %squeeze3A_425 : i32 to index
      %get3A_449 = arith.constant 16 : index
      %get3A_450 = tpu.vector_load %arg10[%get3A_448, %get3A_449] {strides = array<i32>} : memref<5x32xf32, #tpu.memory_space<vmem>>, vector<1x16xf32>,
      %get3A_451 = vector.shape_cast %get3A_450 : vector<1x16xf32> to vector<16xf32>
      %add3A_452 = arith.addf %get3A_447, %get3A_451 : vector<16xf32>
      %swap3A_453 = arith.index_cast %add3A_443 : i32 to index
      %swap3A_454 = arith.constant 16 : index
      %swap3A_455 = tpu.vector_load %arg9[%swap3A_453, %swap3A_454] {strides = array<i32>} : memref<512x32xf32, #tpu.memory_space<vmem>>, vector<1x16xf32>,
      %swap3A_456 = vector.shape_cast %swap3A_455 : vector<1x16xf32> to vector<16xf32>
      %swap3A_457 = vector.shape_cast %add3A_452 : vector<16xf32> to vector<1x16xf32>
      tpu.vector_store %arg9[%swap3A_453, %swap3A_454], %swap3A_457 {strides = array<i32>} : memref<512x32xf32, #tpu.memory_space<vmem>>, vector<1x16xf32>,
      %slice3A_458 = vector.extract_strided_slice %get3A_222 {offsets = [7], sizes = [1], strides = [1]} : vector<16xi32> to vector<1xi32>
      %squeeze3A_459 = vector.extract %slice3A_458[0] : i32 from vector<1xi32>
      %add3A_460 = arith.constant 7 : i32
      %add3A_461 = arith.addi %add3A_220, %add3A_460 : i32
      %get3A_462 = arith.index_cast %add3A_461 : i32 to index
      %get3A_463 = arith.constant 0 : index
      %get3A_464 = tpu.vector_load %arg9[%get3A_462, %get3A_463] {strides = array<i32>} : memref<512x32xf32, #tpu.memory_space<vmem>>, vector<1x16xf32>,
      %get3A_465 = vector.shape_cast %get3A_464 : vector<1x16xf32> to vector<16xf32>
      %get3A_466 = arith.index_cast %squeeze3A_459 : i32 to index
      %get3A_467 = arith.constant 0 : index
      %get3A_468 = tpu.vector_load %arg10[%get3A_466, %get3A_467] {strides = array<i32>} : memref<5x32xf32, #tpu.memory_space<vmem>>, vector<1x16xf32>,
      %get3A_469 = vector.shape_cast %get3A_468 : vector<1x16xf32> to vector<16xf32>
      %add3A_470 = arith.addf %get3A_465, %get3A_469 : vector<16xf32>
      %swap3A_471 = arith.index_cast %add3A_461 : i32 to index
      %swap3A_472 = arith.constant 0 : index
      %swap3A_473 = tpu.vector_load %arg9[%swap3A_471, %swap3A_472] {strides = array<i32>} : memref<512x32xf32, #tpu.memory_space<vmem>>, vector<1x16xf32>,
      %swap3A_474 = vector.shape_cast %swap3A_473 : vector<1x16xf32> to vector<16xf32>
      %swap3A_475 = vector.shape_cast %add3A_470 : vector<16xf32> to vector<1x16xf32>
      tpu.vector_store %arg9[%swap3A_471, %swap3A_472], %swap3A_475 {strides = array<i32>} : memref<512x32xf32, #tpu.memory_space<vmem>>, vector<1x16xf32>,
      %add3A_476 = arith.constant 7 : i32
      %add3A_477 = arith.addi %add3A_220, %add3A_476 : i32
      %get3A_478 = arith.index_cast %add3A_477 : i32 to index
      %get3A_479 = arith.constant 16 : index
      %get3A_480 = tpu.vector_load %arg9[%get3A_478, %get3A_479] {strides = array<i32>} : memref<512x32xf32, #tpu.memory_space<vmem>>, vector<1x16xf32>,
      %get3A_481 = vector.shape_cast %get3A_480 : vector<1x16xf32> to vector<16xf32>
      %get3A_482 = arith.index_cast %squeeze3A_459 : i32 to index
      %get3A_483 = arith.constant 16 : index
      %get3A_484 = tpu.vector_load %arg10[%get3A_482, %get3A_483] {strides = array<i32>} : memref<5x32xf32, #tpu.memory_space<vmem>>, vector<1x16xf32>,
      %get3A_485 = vector.shape_cast %get3A_484 : vector<1x16xf32> to vector<16xf32>
      %add3A_486 = arith.addf %get3A_481, %get3A_485 : vector<16xf32>
      %swap3A_487 = arith.index_cast %add3A_477 : i32 to index
      %swap3A_488 = arith.constant 16 : index
      %swap3A_489 = tpu.vector_load %arg9[%swap3A_487, %swap3A_488] {strides = array<i32>} : memref<512x32xf32, #tpu.memory_space<vmem>>, vector<1x16xf32>,
      %swap3A_490 = vector.shape_cast %swap3A_489 : vector<1x16xf32> to vector<16xf32>
      %swap3A_491 = vector.shape_cast %add3A_486 : vector<16xf32> to vector<1x16xf32>
      tpu.vector_store %arg9[%swap3A_487, %swap3A_488], %swap3A_491 {strides = array<i32>} : memref<512x32xf32, #tpu.memory_space<vmem>>, vector<1x16xf32>,
      %slice3A_492 = vector.extract_strided_slice %get3A_222 {offsets = [8], sizes = [1], strides = [1]} : vector<16xi32> to vector<1xi32>
      %squeeze3A_493 = vector.extract %slice3A_492[0] : i32 from vector<1xi32>
      %add3A_494 = arith.constant 8 : i32
      %add3A_495 = arith.addi %add3A_220, %add3A_494 : i32
      %get3A_496 = arith.index_cast %add3A_495 : i32 to index
      %get3A_497 = arith.constant 0 : index
      %get3A_498 = tpu.vector_load %arg9[%get3A_496, %get3A_497] {strides = array<i32>} : memref<512x32xf32, #tpu.memory_space<vmem>>, vector<1x16xf32>,
      %get3A_499 = vector.shape_cast %get3A_498 : vector<1x16xf32> to vector<16xf32>
      %get3A_500 = arith.index_cast %squeeze3A_493 : i32 to index
      %get3A_501 = arith.constant 0 : index
      %get3A_502 = tpu.vector_load %arg10[%get3A_500, %get3A_501] {strides = array<i32>} : memref<5x32xf32, #tpu.memory_space<vmem>>, vector<1x16xf32>,
      %get3A_503 = vector.shape_cast %get3A_502 : vector<1x16xf32> to vector<16xf32>
      %add3A_504 = arith.addf %get3A_499, %get3A_503 : vector<16xf32>
      %swap3A_505 = arith.index_cast %add3A_495 : i32 to index
      %swap3A_506 = arith.constant 0 : index
      %swap3A_507 = tpu.vector_load %arg9[%swap3A_505, %swap3A_506] {strides = array<i32>} : memref<512x32xf32, #tpu.memory_space<vmem>>, vector<1x16xf32>,
      %swap3A_508 = vector.shape_cast %swap3A_507 : vector<1x16xf32> to vector<16xf32>
      %swap3A_509 = vector.shape_cast %add3A_504 : vector<16xf32> to vector<1x16xf32>
      tpu.vector_store %arg9[%swap3A_505, %swap3A_506], %swap3A_509 {strides = array<i32>} : memref<512x32xf32, #tpu.memory_space<vmem>>, vector<1x16xf32>,
      %add3A_510 = arith.constant 8 : i32
      %add3A_511 = arith.addi %add3A_220, %add3A_510 : i32
      %get3A_512 = arith.index_cast %add3A_511 : i32 to index
      %get3A_513 = arith.constant 16 : index
      %get3A_514 = tpu.vector_load %arg9[%get3A_512, %get3A_513] {strides = array<i32>} : memref<512x32xf32, #tpu.memory_space<vmem>>, vector<1x16xf32>,
      %get3A_515 = vector.shape_cast %get3A_514 : vector<1x16xf32> to vector<16xf32>
      %get3A_516 = arith.index_cast %squeeze3A_493 : i32 to index
      %get3A_517 = arith.constant 16 : index
      %get3A_518 = tpu.vector_load %arg10[%get3A_516, %get3A_517] {strides = array<i32>} : memref<5x32xf32, #tpu.memory_space<vmem>>, vector<1x16xf32>,
      %get3A_519 = vector.shape_cast %get3A_518 : vector<1x16xf32> to vector<16xf32>
      %add3A_520 = arith.addf %get3A_515, %get3A_519 : vector<16xf32>
      %swap3A_521 = arith.index_cast %add3A_511 : i32 to index
      %swap3A_522 = arith.constant 16 : index
      %swap3A_523 = tpu.vector_load %arg9[%swap3A_521, %swap3A_522] {strides = array<i32>} : memref<512x32xf32, #tpu.memory_space<vmem>>, vector<1x16xf32>,
      %swap3A_524 = vector.shape_cast %swap3A_523 : vector<1x16xf32> to vector<16xf32>
      %swap3A_525 = vector.shape_cast %add3A_520 : vector<16xf32> to vector<1x16xf32>
      tpu.vector_store %arg9[%swap3A_521, %swap3A_522], %swap3A_525 {strides = array<i32>} : memref<512x32xf32, #tpu.memory_space<vmem>>, vector<1x16xf32>,
      %slice3A_526 = vector.extract_strided_slice %get3A_222 {offsets = [9], sizes = [1], strides = [1]} : vector<16xi32> to vector<1xi32>
      %squeeze3A_527 = vector.extract %slice3A_526[0] : i32 from vector<1xi32>
      %add3A_528 = arith.constant 9 : i32
      %add3A_529 = arith.addi %add3A_220, %add3A_528 : i32
      %get3A_530 = arith.index_cast %add3A_529 : i32 to index
      %get3A_531 = arith.constant 0 : index
      %get3A_532 = tpu.vector_load %arg9[%get3A_530, %get3A_531] {strides = array<i32>} : memref<512x32xf32, #tpu.memory_space<vmem>>, vector<1x16xf32>,
      %get3A_533 = vector.shape_cast %get3A_532 : vector<1x16xf32> to vector<16xf32>
      %get3A_534 = arith.index_cast %squeeze3A_527 : i32 to index
      %get3A_535 = arith.constant 0 : index
      %get3A_536 = tpu.vector_load %arg10[%get3A_534, %get3A_535] {strides = array<i32>} : memref<5x32xf32, #tpu.memory_space<vmem>>, vector<1x16xf32>,
      %get3A_537 = vector.shape_cast %get3A_536 : vector<1x16xf32> to vector<16xf32>
      %add3A_538 = arith.addf %get3A_533, %get3A_537 : vector<16xf32>
      %swap3A_539 = arith.index_cast %add3A_529 : i32 to index
      %swap3A_540 = arith.constant 0 : index
      %swap3A_541 = tpu.vector_load %arg9[%swap3A_539, %swap3A_540] {strides = array<i32>} : memref<512x32xf32, #tpu.memory_space<vmem>>, vector<1x16xf32>,
      %swap3A_542 = vector.shape_cast %swap3A_541 : vector<1x16xf32> to vector<16xf32>
      %swap3A_543 = vector.shape_cast %add3A_538 : vector<16xf32> to vector<1x16xf32>
      tpu.vector_store %arg9[%swap3A_539, %swap3A_540], %swap3A_543 {strides = array<i32>} : memref<512x32xf32, #tpu.memory_space<vmem>>, vector<1x16xf32>,
      %add3A_544 = arith.constant 9 : i32
      %add3A_545 = arith.addi %add3A_220, %add3A_544 : i32
      %get3A_546 = arith.index_cast %add3A_545 : i32 to index
      %get3A_547 = arith.constant 16 : index
      %get3A_548 = tpu.vector_load %arg9[%get3A_546, %get3A_547] {strides = array<i32>} : memref<512x32xf32, #tpu.memory_space<vmem>>, vector<1x16xf32>,
      %get3A_549 = vector.shape_cast %get3A_548 : vector<1x16xf32> to vector<16xf32>
      %get3A_550 = arith.index_cast %squeeze3A_527 : i32 to index
      %get3A_551 = arith.constant 16 : index
      %get3A_552 = tpu.vector_load %arg10[%get3A_550, %get3A_551] {strides = array<i32>} : memref<5x32xf32, #tpu.memory_space<vmem>>, vector<1x16xf32>,
      %get3A_553 = vector.shape_cast %get3A_552 : vector<1x16xf32> to vector<16xf32>
      %add3A_554 = arith.addf %get3A_549, %get3A_553 : vector<16xf32>
      %swap3A_555 = arith.index_cast %add3A_545 : i32 to index
      %swap3A_556 = arith.constant 16 : index
      %swap3A_557 = tpu.vector_load %arg9[%swap3A_555, %swap3A_556] {strides = array<i32>} : memref<512x32xf32, #tpu.memory_space<vmem>>, vector<1x16xf32>,
      %swap3A_558 = vector.shape_cast %swap3A_557 : vector<1x16xf32> to vector<16xf32>
      %swap3A_559 = vector.shape_cast %add3A_554 : vector<16xf32> to vector<1x16xf32>
      tpu.vector_store %arg9[%swap3A_555, %swap3A_556], %swap3A_559 {strides = array<i32>} : memref<512x32xf32, #tpu.memory_space<vmem>>, vector<1x16xf32>,
      %slice3A_560 = vector.extract_strided_slice %get3A_222 {offsets = [10], sizes = [1], strides = [1]} : vector<16xi32> to vector<1xi32>
      %squeeze3A_561 = vector.extract %slice3A_560[0] : i32 from vector<1xi32>
      %add3A_562 = arith.constant 10 : i32
      %add3A_563 = arith.addi %add3A_220, %add3A_562 : i32
      %get3A_564 = arith.index_cast %add3A_563 : i32 to index
      %get3A_565 = arith.constant 0 : index
      %get3A_566 = tpu.vector_load %arg9[%get3A_564, %get3A_565] {strides = array<i32>} : memref<512x32xf32, #tpu.memory_space<vmem>>, vector<1x16xf32>,
      %get3A_567 = vector.shape_cast %get3A_566 : vector<1x16xf32> to vector<16xf32>
      %get3A_568 = arith.index_cast %squeeze3A_561 : i32 to index
      %get3A_569 = arith.constant 0 : index
      %get3A_570 = tpu.vector_load %arg10[%get3A_568, %get3A_569] {strides = array<i32>} : memref<5x32xf32, #tpu.memory_space<vmem>>, vector<1x16xf32>,
      %get3A_571 = vector.shape_cast %get3A_570 : vector<1x16xf32> to vector<16xf32>
      %add3A_572 = arith.addf %get3A_567, %get3A_571 : vector<16xf32>
      %swap3A_573 = arith.index_cast %add3A_563 : i32 to index
      %swap3A_574 = arith.constant 0 : index
      %swap3A_575 = tpu.vector_load %arg9[%swap3A_573, %swap3A_574] {strides = array<i32>} : memref<512x32xf32, #tpu.memory_space<vmem>>, vector<1x16xf32>,
      %swap3A_576 = vector.shape_cast %swap3A_575 : vector<1x16xf32> to vector<16xf32>
      %swap3A_577 = vector.shape_cast %add3A_572 : vector<16xf32> to vector<1x16xf32>
      tpu.vector_store %arg9[%swap3A_573, %swap3A_574], %swap3A_577 {strides = array<i32>} : memref<512x32xf32, #tpu.memory_space<vmem>>, vector<1x16xf32>,
      %add3A_578 = arith.constant 10 : i32
      %add3A_579 = arith.addi %add3A_220, %add3A_578 : i32
      %get3A_580 = arith.index_cast %add3A_579 : i32 to index
      %get3A_581 = arith.constant 16 : index
      %get3A_582 = tpu.vector_load %arg9[%get3A_580, %get3A_581] {strides = array<i32>} : memref<512x32xf32, #tpu.memory_space<vmem>>, vector<1x16xf32>,
      %get3A_583 = vector.shape_cast %get3A_582 : vector<1x16xf32> to vector<16xf32>
      %get3A_584 = arith.index_cast %squeeze3A_561 : i32 to index
      %get3A_585 = arith.constant 16 : index
      %get3A_586 = tpu.vector_load %arg10[%get3A_584, %get3A_585] {strides = array<i32>} : memref<5x32xf32, #tpu.memory_space<vmem>>, vector<1x16xf32>,
      %get3A_587 = vector.shape_cast %get3A_586 : vector<1x16xf32> to vector<16xf32>
      %add3A_588 = arith.addf %get3A_583, %get3A_587 : vector<16xf32>
      %swap3A_589 = arith.index_cast %add3A_579 : i32 to index
      %swap3A_590 = arith.constant 16 : index
      %swap3A_591 = tpu.vector_load %arg9[%swap3A_589, %swap3A_590] {strides = array<i32>} : memref<512x32xf32, #tpu.memory_space<vmem>>, vector<1x16xf32>,
      %swap3A_592 = vector.shape_cast %swap3A_591 : vector<1x16xf32> to vector<16xf32>
      %swap3A_593 = vector.shape_cast %add3A_588 : vector<16xf32> to vector<1x16xf32>
      tpu.vector_store %arg9[%swap3A_589, %swap3A_590], %swap3A_593 {strides = array<i32>} : memref<512x32xf32, #tpu.memory_space<vmem>>, vector<1x16xf32>,
      %slice3A_594 = vector.extract_strided_slice %get3A_222 {offsets = [11], sizes = [1], strides = [1]} : vector<16xi32> to vector<1xi32>
      %squeeze3A_595 = vector.extract %slice3A_594[0] : i32 from vector<1xi32>
      %add3A_596 = arith.constant 11 : i32
      %add3A_597 = arith.addi %add3A_220, %add3A_596 : i32
      %get3A_598 = arith.index_cast %add3A_597 : i32 to index
      %get3A_599 = arith.constant 0 : index
      %get3A_600 = tpu.vector_load %arg9[%get3A_598, %get3A_599] {strides = array<i32>} : memref<512x32xf32, #tpu.memory_space<vmem>>, vector<1x16xf32>,
      %get3A_601 = vector.shape_cast %get3A_600 : vector<1x16xf32> to vector<16xf32>
      %get3A_602 = arith.index_cast %squeeze3A_595 : i32 to index
      %get3A_603 = arith.constant 0 : index
      %get3A_604 = tpu.vector_load %arg10[%get3A_602, %get3A_603] {strides = array<i32>} : memref<5x32xf32, #tpu.memory_space<vmem>>, vector<1x16xf32>,
      %get3A_605 = vector.shape_cast %get3A_604 : vector<1x16xf32> to vector<16xf32>
      %add3A_606 = arith.addf %get3A_601, %get3A_605 : vector<16xf32>
      %swap3A_607 = arith.index_cast %add3A_597 : i32 to index
      %swap3A_608 = arith.constant 0 : index
      %swap3A_609 = tpu.vector_load %arg9[%swap3A_607, %swap3A_608] {strides = array<i32>} : memref<512x32xf32, #tpu.memory_space<vmem>>, vector<1x16xf32>,
      %swap3A_610 = vector.shape_cast %swap3A_609 : vector<1x16xf32> to vector<16xf32>
      %swap3A_611 = vector.shape_cast %add3A_606 : vector<16xf32> to vector<1x16xf32>
      tpu.vector_store %arg9[%swap3A_607, %swap3A_608], %swap3A_611 {strides = array<i32>} : memref<512x32xf32, #tpu.memory_space<vmem>>, vector<1x16xf32>,
      %add3A_612 = arith.constant 11 : i32
      %add3A_613 = arith.addi %add3A_220, %add3A_612 : i32
      %get3A_614 = arith.index_cast %add3A_613 : i32 to index
      %get3A_615 = arith.constant 16 : index
      %get3A_616 = tpu.vector_load %arg9[%get3A_614, %get3A_615] {strides = array<i32>} : memref<512x32xf32, #tpu.memory_space<vmem>>, vector<1x16xf32>,
      %get3A_617 = vector.shape_cast %get3A_616 : vector<1x16xf32> to vector<16xf32>
      %get3A_618 = arith.index_cast %squeeze3A_595 : i32 to index
      %get3A_619 = arith.constant 16 : index
      %get3A_620 = tpu.vector_load %arg10[%get3A_618, %get3A_619] {strides = array<i32>} : memref<5x32xf32, #tpu.memory_space<vmem>>, vector<1x16xf32>,
      %get3A_621 = vector.shape_cast %get3A_620 : vector<1x16xf32> to vector<16xf32>
      %add3A_622 = arith.addf %get3A_617, %get3A_621 : vector<16xf32>
      %swap3A_623 = arith.index_cast %add3A_613 : i32 to index
      %swap3A_624 = arith.constant 16 : index
      %swap3A_625 = tpu.vector_load %arg9[%swap3A_623, %swap3A_624] {strides = array<i32>} : memref<512x32xf32, #tpu.memory_space<vmem>>, vector<1x16xf32>,
      %swap3A_626 = vector.shape_cast %swap3A_625 : vector<1x16xf32> to vector<16xf32>
      %swap3A_627 = vector.shape_cast %add3A_622 : vector<16xf32> to vector<1x16xf32>
      tpu.vector_store %arg9[%swap3A_623, %swap3A_624], %swap3A_627 {strides = array<i32>} : memref<512x32xf32, #tpu.memory_space<vmem>>, vector<1x16xf32>,
      %slice3A_628 = vector.extract_strided_slice %get3A_222 {offsets = [12], sizes = [1], strides = [1]} : vector<16xi32> to vector<1xi32>
      %squeeze3A_629 = vector.extract %slice3A_628[0] : i32 from vector<1xi32>
      %add3A_630 = arith.constant 12 : i32
      %add3A_631 = arith.addi %add3A_220, %add3A_630 : i32
      %get3A_632 = arith.index_cast %add3A_631 : i32 to index
      %get3A_633 = arith.constant 0 : index
      %get3A_634 = tpu.vector_load %arg9[%get3A_632, %get3A_633] {strides = array<i32>} : memref<512x32xf32, #tpu.memory_space<vmem>>, vector<1x16xf32>,
      %get3A_635 = vector.shape_cast %get3A_634 : vector<1x16xf32> to vector<16xf32>
      %get3A_636 = arith.index_cast %squeeze3A_629 : i32 to index
      %get3A_637 = arith.constant 0 : index
      %get3A_638 = tpu.vector_load %arg10[%get3A_636, %get3A_637] {strides = array<i32>} : memref<5x32xf32, #tpu.memory_space<vmem>>, vector<1x16xf32>,
      %get3A_639 = vector.shape_cast %get3A_638 : vector<1x16xf32> to vector<16xf32>
      %add3A_640 = arith.addf %get3A_635, %get3A_639 : vector<16xf32>
      %swap3A_641 = arith.index_cast %add3A_631 : i32 to index
      %swap3A_642 = arith.constant 0 : index
      %swap3A_643 = tpu.vector_load %arg9[%swap3A_641, %swap3A_642] {strides = array<i32>} : memref<512x32xf32, #tpu.memory_space<vmem>>, vector<1x16xf32>,
      %swap3A_644 = vector.shape_cast %swap3A_643 : vector<1x16xf32> to vector<16xf32>
      %swap3A_645 = vector.shape_cast %add3A_640 : vector<16xf32> to vector<1x16xf32>
      tpu.vector_store %arg9[%swap3A_641, %swap3A_642], %swap3A_645 {strides = array<i32>} : memref<512x32xf32, #tpu.memory_space<vmem>>, vector<1x16xf32>,
      %add3A_646 = arith.constant 12 : i32
      %add3A_647 = arith.addi %add3A_220, %add3A_646 : i32
      %get3A_648 = arith.index_cast %add3A_647 : i32 to index
      %get3A_649 = arith.constant 16 : index
      %get3A_650 = tpu.vector_load %arg9[%get3A_648, %get3A_649] {strides = array<i32>} : memref<512x32xf32, #tpu.memory_space<vmem>>, vector<1x16xf32>,
      %get3A_651 = vector.shape_cast %get3A_650 : vector<1x16xf32> to vector<16xf32>
      %get3A_652 = arith.index_cast %squeeze3A_629 : i32 to index
      %get3A_653 = arith.constant 16 : index
      %get3A_654 = tpu.vector_load %arg10[%get3A_652, %get3A_653] {strides = array<i32>} : memref<5x32xf32, #tpu.memory_space<vmem>>, vector<1x16xf32>,
      %get3A_655 = vector.shape_cast %get3A_654 : vector<1x16xf32> to vector<16xf32>
      %add3A_656 = arith.addf %get3A_651, %get3A_655 : vector<16xf32>
      %swap3A_657 = arith.index_cast %add3A_647 : i32 to index
      %swap3A_658 = arith.constant 16 : index
      %swap3A_659 = tpu.vector_load %arg9[%swap3A_657, %swap3A_658] {strides = array<i32>} : memref<512x32xf32, #tpu.memory_space<vmem>>, vector<1x16xf32>,
      %swap3A_660 = vector.shape_cast %swap3A_659 : vector<1x16xf32> to vector<16xf32>
      %swap3A_661 = vector.shape_cast %add3A_656 : vector<16xf32> to vector<1x16xf32>
      tpu.vector_store %arg9[%swap3A_657, %swap3A_658], %swap3A_661 {strides = array<i32>} : memref<512x32xf32, #tpu.memory_space<vmem>>, vector<1x16xf32>,
      %slice3A_662 = vector.extract_strided_slice %get3A_222 {offsets = [13], sizes = [1], strides = [1]} : vector<16xi32> to vector<1xi32>
      %squeeze3A_663 = vector.extract %slice3A_662[0] : i32 from vector<1xi32>
      %add3A_664 = arith.constant 13 : i32
      %add3A_665 = arith.addi %add3A_220, %add3A_664 : i32
      %get3A_666 = arith.index_cast %add3A_665 : i32 to index
      %get3A_667 = arith.constant 0 : index
      %get3A_668 = tpu.vector_load %arg9[%get3A_666, %get3A_667] {strides = array<i32>} : memref<512x32xf32, #tpu.memory_space<vmem>>, vector<1x16xf32>,
      %get3A_669 = vector.shape_cast %get3A_668 : vector<1x16xf32> to vector<16xf32>
      %get3A_670 = arith.index_cast %squeeze3A_663 : i32 to index
      %get3A_671 = arith.constant 0 : index
      %get3A_672 = tpu.vector_load %arg10[%get3A_670, %get3A_671] {strides = array<i32>} : memref<5x32xf32, #tpu.memory_space<vmem>>, vector<1x16xf32>,
      %get3A_673 = vector.shape_cast %get3A_672 : vector<1x16xf32> to vector<16xf32>
      %add3A_674 = arith.addf %get3A_669, %get3A_673 : vector<16xf32>
      %swap3A_675 = arith.index_cast %add3A_665 : i32 to index
      %swap3A_676 = arith.constant 0 : index
      %swap3A_677 = tpu.vector_load %arg9[%swap3A_675, %swap3A_676] {strides = array<i32>} : memref<512x32xf32, #tpu.memory_space<vmem>>, vector<1x16xf32>,
      %swap3A_678 = vector.shape_cast %swap3A_677 : vector<1x16xf32> to vector<16xf32>
      %swap3A_679 = vector.shape_cast %add3A_674 : vector<16xf32> to vector<1x16xf32>
      tpu.vector_store %arg9[%swap3A_675, %swap3A_676], %swap3A_679 {strides = array<i32>} : memref<512x32xf32, #tpu.memory_space<vmem>>, vector<1x16xf32>,
      %add3A_680 = arith.constant 13 : i32
      %add3A_681 = arith.addi %add3A_220, %add3A_680 : i32
      %get3A_682 = arith.index_cast %add3A_681 : i32 to index
      %get3A_683 = arith.constant 16 : index
      %get3A_684 = tpu.vector_load %arg9[%get3A_682, %get3A_683] {strides = array<i32>} : memref<512x32xf32, #tpu.memory_space<vmem>>, vector<1x16xf32>,
      %get3A_685 = vector.shape_cast %get3A_684 : vector<1x16xf32> to vector<16xf32>
      %get3A_686 = arith.index_cast %squeeze3A_663 : i32 to index
      %get3A_687 = arith.constant 16 : index
      %get3A_688 = tpu.vector_load %arg10[%get3A_686, %get3A_687] {strides = array<i32>} : memref<5x32xf32, #tpu.memory_space<vmem>>, vector<1x16xf32>,
      %get3A_689 = vector.shape_cast %get3A_688 : vector<1x16xf32> to vector<16xf32>
      %add3A_690 = arith.addf %get3A_685, %get3A_689 : vector<16xf32>
      %swap3A_691 = arith.index_cast %add3A_681 : i32 to index
      %swap3A_692 = arith.constant 16 : index
      %swap3A_693 = tpu.vector_load %arg9[%swap3A_691, %swap3A_692] {strides = array<i32>} : memref<512x32xf32, #tpu.memory_space<vmem>>, vector<1x16xf32>,
      %swap3A_694 = vector.shape_cast %swap3A_693 : vector<1x16xf32> to vector<16xf32>
      %swap3A_695 = vector.shape_cast %add3A_690 : vector<16xf32> to vector<1x16xf32>
      tpu.vector_store %arg9[%swap3A_691, %swap3A_692], %swap3A_695 {strides = array<i32>} : memref<512x32xf32, #tpu.memory_space<vmem>>, vector<1x16xf32>,
      %slice3A_696 = vector.extract_strided_slice %get3A_222 {offsets = [14], sizes = [1], strides = [1]} : vector<16xi32> to vector<1xi32>
      %squeeze3A_697 = vector.extract %slice3A_696[0] : i32 from vector<1xi32>
      %add3A_698 = arith.constant 14 : i32
      %add3A_699 = arith.addi %add3A_220, %add3A_698 : i32
      %get3A_700 = arith.index_cast %add3A_699 : i32 to index
      %get3A_701 = arith.constant 0 : index
      %get3A_702 = tpu.vector_load %arg9[%get3A_700, %get3A_701] {strides = array<i32>} : memref<512x32xf32, #tpu.memory_space<vmem>>, vector<1x16xf32>,
      %get3A_703 = vector.shape_cast %get3A_702 : vector<1x16xf32> to vector<16xf32>
      %get3A_704 = arith.index_cast %squeeze3A_697 : i32 to index
      %get3A_705 = arith.constant 0 : index
      %get3A_706 = tpu.vector_load %arg10[%get3A_704, %get3A_705] {strides = array<i32>} : memref<5x32xf32, #tpu.memory_space<vmem>>, vector<1x16xf32>,
      %get3A_707 = vector.shape_cast %get3A_706 : vector<1x16xf32> to vector<16xf32>
      %add3A_708 = arith.addf %get3A_703, %get3A_707 : vector<16xf32>
      %swap3A_709 = arith.index_cast %add3A_699 : i32 to index
      %swap3A_710 = arith.constant 0 : index
      %swap3A_711 = tpu.vector_load %arg9[%swap3A_709, %swap3A_710] {strides = array<i32>} : memref<512x32xf32, #tpu.memory_space<vmem>>, vector<1x16xf32>,
      %swap3A_712 = vector.shape_cast %swap3A_711 : vector<1x16xf32> to vector<16xf32>
      %swap3A_713 = vector.shape_cast %add3A_708 : vector<16xf32> to vector<1x16xf32>
      tpu.vector_store %arg9[%swap3A_709, %swap3A_710], %swap3A_713 {strides = array<i32>} : memref<512x32xf32, #tpu.memory_space<vmem>>, vector<1x16xf32>,
      %add3A_714 = arith.constant 14 : i32
      %add3A_715 = arith.addi %add3A_220, %add3A_714 : i32
      %get3A_716 = arith.index_cast %add3A_715 : i32 to index
      %get3A_717 = arith.constant 16 : index
      %get3A_718 = tpu.vector_load %arg9[%get3A_716, %get3A_717] {strides = array<i32>} : memref<512x32xf32, #tpu.memory_space<vmem>>, vector<1x16xf32>,
      %get3A_719 = vector.shape_cast %get3A_718 : vector<1x16xf32> to vector<16xf32>
      %get3A_720 = arith.index_cast %squeeze3A_697 : i32 to index
      %get3A_721 = arith.constant 16 : index
      %get3A_722 = tpu.vector_load %arg10[%get3A_720, %get3A_721] {strides = array<i32>} : memref<5x32xf32, #tpu.memory_space<vmem>>, vector<1x16xf32>,
      %get3A_723 = vector.shape_cast %get3A_722 : vector<1x16xf32> to vector<16xf32>
      %add3A_724 = arith.addf %get3A_719, %get3A_723 : vector<16xf32>
      %swap3A_725 = arith.index_cast %add3A_715 : i32 to index
      %swap3A_726 = arith.constant 16 : index
      %swap3A_727 = tpu.vector_load %arg9[%swap3A_725, %swap3A_726] {strides = array<i32>} : memref<512x32xf32, #tpu.memory_space<vmem>>, vector<1x16xf32>,
      %swap3A_728 = vector.shape_cast %swap3A_727 : vector<1x16xf32> to vector<16xf32>
      %swap3A_729 = vector.shape_cast %add3A_724 : vector<16xf32> to vector<1x16xf32>
      tpu.vector_store %arg9[%swap3A_725, %swap3A_726], %swap3A_729 {strides = array<i32>} : memref<512x32xf32, #tpu.memory_space<vmem>>, vector<1x16xf32>,
      %slice3A_730 = vector.extract_strided_slice %get3A_222 {offsets = [15], sizes = [1], strides = [1]} : vector<16xi32> to vector<1xi32>
      %squeeze3A_731 = vector.extract %slice3A_730[0] : i32 from vector<1xi32>
      %add3A_732 = arith.constant 15 : i32
      %add3A_733 = arith.addi %add3A_220, %add3A_732 : i32
      %get3A_734 = arith.index_cast %add3A_733 : i32 to index
      %get3A_735 = arith.constant 0 : index
      %get3A_736 = tpu.vector_load %arg9[%get3A_734, %get3A_735] {strides = array<i32>} : memref<512x32xf32, #tpu.memory_space<vmem>>, vector<1x16xf32>,
      %get3A_737 = vector.shape_cast %get3A_736 : vector<1x16xf32> to vector<16xf32>
      %get3A_738 = arith.index_cast %squeeze3A_731 : i32 to index
      %get3A_739 = arith.constant 0 : index
      %get3A_740 = tpu.vector_load %arg10[%get3A_738, %get3A_739] {strides = array<i32>} : memref<5x32xf32, #tpu.memory_space<vmem>>, vector<1x16xf32>,
      %get3A_741 = vector.shape_cast %get3A_740 : vector<1x16xf32> to vector<16xf32>
      %add3A_742 = arith.addf %get3A_737, %get3A_741 : vector<16xf32>
      %swap3A_743 = arith.index_cast %add3A_733 : i32 to index
      %swap3A_744 = arith.constant 0 : index
      %swap3A_745 = tpu.vector_load %arg9[%swap3A_743, %swap3A_744] {strides = array<i32>} : memref<512x32xf32, #tpu.memory_space<vmem>>, vector<1x16xf32>,
      %swap3A_746 = vector.shape_cast %swap3A_745 : vector<1x16xf32> to vector<16xf32>
      %swap3A_747 = vector.shape_cast %add3A_742 : vector<16xf32> to vector<1x16xf32>
      tpu.vector_store %arg9[%swap3A_743, %swap3A_744], %swap3A_747 {strides = array<i32>} : memref<512x32xf32, #tpu.memory_space<vmem>>, vector<1x16xf32>,
      %add3A_748 = arith.constant 15 : i32
      %add3A_749 = arith.addi %add3A_220, %add3A_748 : i32
      %get3A_750 = arith.index_cast %add3A_749 : i32 to index
      %get3A_751 = arith.constant 16 : index
      %get3A_752 = tpu.vector_load %arg9[%get3A_750, %get3A_751] {strides = array<i32>} : memref<512x32xf32, #tpu.memory_space<vmem>>, vector<1x16xf32>,
      %get3A_753 = vector.shape_cast %get3A_752 : vector<1x16xf32> to vector<16xf32>
      %get3A_754 = arith.index_cast %squeeze3A_731 : i32 to index
      %get3A_755 = arith.constant 16 : index
      %get3A_756 = tpu.vector_load %arg10[%get3A_754, %get3A_755] {strides = array<i32>} : memref<5x32xf32, #tpu.memory_space<vmem>>, vector<1x16xf32>,
      %get3A_757 = vector.shape_cast %get3A_756 : vector<1x16xf32> to vector<16xf32>
      %add3A_758 = arith.addf %get3A_753, %get3A_757 : vector<16xf32>
      %swap3A_759 = arith.index_cast %add3A_749 : i32 to index
      %swap3A_760 = arith.constant 16 : index
      %swap3A_761 = tpu.vector_load %arg9[%swap3A_759, %swap3A_760] {strides = array<i32>} : memref<512x32xf32, #tpu.memory_space<vmem>>, vector<1x16xf32>,
      %swap3A_762 = vector.shape_cast %swap3A_761 : vector<1x16xf32> to vector<16xf32>
      %swap3A_763 = vector.shape_cast %add3A_758 : vector<16xf32> to vector<1x16xf32>
      tpu.vector_store %arg9[%swap3A_759, %swap3A_760], %swap3A_763 {strides = array<i32>} : memref<512x32xf32, #tpu.memory_space<vmem>>, vector<1x16xf32>,
    }
    %scan3A_82 = arith.constant 8 : i32
    %add3A_83 = arith.constant 0 : i32
    %add3A_84 = arith.addi %mul3A_2, %add3A_83 : i32
    %dma_start3A_85 = arith.constant 0 : i32
    %dma_start3A_86 = arith.constant 0 : i32
    %dma_start3A_87 = tpu.memref_slice %arg9[%dma_start3A_85, %dma_start3A_86] : memref<512x32xf32, #tpu.memory_space<vmem>> -> memref<128x32xf32, #tpu.memory_space<vmem>>
    %dma_start3A_88 = arith.constant 0 : i32
    %dma_start3A_89 = tpu.memref_slice %arg6[%add3A_84, %dma_start3A_88] : memref<16384x32xf32, #tpu.memory_space<hbm>> -> memref<128x32xf32, #tpu.memory_space<hbm>>
    %dma_start3A_90 = arith.constant 0 : i32
    %dma_start3A_91 = tpu.memref_slice %arg6[%add3A_84, %dma_start3A_90] : memref<16384x32xf32, #tpu.memory_space<hbm>> -> memref<128x32xf32, #tpu.memory_space<hbm>>
    %dma_start3A_92 = arith.constant 0 : i32
    %dma_start3A_93 = arith.constant 0 : i32
    %dma_start3A_94 = tpu.memref_slice %arg9[%dma_start3A_92, %dma_start3A_93] : memref<512x32xf32, #tpu.memory_space<vmem>> -> memref<128x32xf32, #tpu.memory_space<vmem>>
    tpu.enqueue_dma source(%dma_start3A_94 : memref<128x32xf32, #tpu.memory_space<vmem>>) target(%dma_start3A_91 : memref<128x32xf32, #tpu.memory_space<hbm>>) target_semaphore(%arg12 : memref<!tpu.dma_semaphore, #tpu.memory_space<semaphore_mem>>)
    %dma_wait3A_95 = arith.constant 128 : i32
    %dma_wait3A_96 = arith.constant 0 : i32
    %dma_wait3A_97 = tpu.memref_slice %arg9[%dma_wait3A_95, %dma_wait3A_96] : memref<512x32xf32, #tpu.memory_space<vmem>> -> memref<128x32xf32, #tpu.memory_space<vmem>>
    %dma_wait3A_98 = arith.constant 0 : i32
    %dma_wait3A_99 = tpu.memref_slice %arg6[%mul3A_2, %dma_wait3A_98] : memref<16384x32xf32, #tpu.memory_space<hbm>> -> memref<128x32xf32, #tpu.memory_space<hbm>>
    %dma_wait3A_100 = arith.constant 128 : i32
    %dma_wait3A_101 = arith.constant 0 : i32
    %dma_wait3A_102 = tpu.memref_slice %arg9[%dma_wait3A_100, %dma_wait3A_101] : memref<512x32xf32, #tpu.memory_space<vmem>> -> memref<128x32xf32, #tpu.memory_space<vmem>>
    %dma_wait3A_103 = arith.constant 0 : i32
    %dma_wait3A_104 = tpu.memref_slice %arg6[%mul3A_2, %dma_wait3A_103] : memref<16384x32xf32, #tpu.memory_space<hbm>> -> memref<128x32xf32, #tpu.memory_space<hbm>>
    tpu.wait_dma2 semaphore(%arg14 : memref<!tpu.dma_semaphore, #tpu.memory_space<semaphore_mem>>) src(%dma_wait3A_104 : memref<128x32xf32, #tpu.memory_space<hbm>>) dst(%dma_wait3A_102 : memref<128x32xf32, #tpu.memory_space<vmem>>)
    %scan3A_105 = arith.constant 0 : i32
    %scan3A_106 = arith.constant 8 : i32
    %scan3A_107 = arith.addi %scan3A_105, %scan3A_106 : i32
    %scan3A_108 = arith.constant 1 : i32
    scf.for %scan3A_216 = %scan3A_105 to %scan3A_107 step %scan3A_108  : i32 {
      %mul3A_217 = arith.constant 16 : i32
      %mul3A_218 = arith.muli %scan3A_216, %mul3A_217 : i32
      %add3A_219 = arith.constant 128 : i32
      %add3A_220 = arith.addi %add3A_219, %mul3A_218 : i32
      %get3A = arith.index_cast %add3A_220 : i32 to index
      %get3A_221 = tpu.vector_load %arg8[%get3A] {strides = array<i32>} : memref<512xi32, #tpu.memory_space<vmem>>, vector<16xi32>,
      %get3A_222 = vector.shape_cast %get3A_221 : vector<16xi32> to vector<16xi32>
      %slice3A = vector.extract_strided_slice %get3A_222 {offsets = [0], sizes = [1], strides = [1]} : vector<16xi32> to vector<1xi32>
      %squeeze3A = vector.extract %slice3A[0] : i32 from vector<1xi32>
      %add3A_223 = arith.constant 0 : i32
      %add3A_224 = arith.addi %add3A_220, %add3A_223 : i32
      %get3A_225 = arith.index_cast %add3A_224 : i32 to index
      %get3A_226 = arith.constant 0 : index
      %get3A_227 = tpu.vector_load %arg9[%get3A_225, %get3A_226] {strides = array<i32>} : memref<512x32xf32, #tpu.memory_space<vmem>>, vector<1x16xf32>,
      %get3A_228 = vector.shape_cast %get3A_227 : vector<1x16xf32> to vector<16xf32>
      %get3A_229 = arith.index_cast %squeeze3A : i32 to index
      %get3A_230 = arith.constant 0 : index
      %get3A_231 = tpu.vector_load %arg10[%get3A_229, %get3A_230] {strides = array<i32>} : memref<5x32xf32, #tpu.memory_space<vmem>>, vector<1x16xf32>,
      %get3A_232 = vector.shape_cast %get3A_231 : vector<1x16xf32> to vector<16xf32>
      %add3A_233 = arith.addf %get3A_228, %get3A_232 : vector<16xf32>
      %swap3A = arith.index_cast %add3A_224 : i32 to index
      %swap3A_234 = arith.constant 0 : index
      %swap3A_235 = tpu.vector_load %arg9[%swap3A, %swap3A_234] {strides = array<i32>} : memref<512x32xf32, #tpu.memory_space<vmem>>, vector<1x16xf32>,
      %swap3A_236 = vector.shape_cast %swap3A_235 : vector<1x16xf32> to vector<16xf32>
      %swap3A_237 = vector.shape_cast %add3A_233 : vector<16xf32> to vector<1x16xf32>
      tpu.vector_store %arg9[%swap3A, %swap3A_234], %swap3A_237 {strides = array<i32>} : memref<512x32xf32, #tpu.memory_space<vmem>>, vector<1x16xf32>,
      %add3A_238 = arith.constant 0 : i32
      %add3A_239 = arith.addi %add3A_220, %add3A_238 : i32
      %get3A_240 = arith.index_cast %add3A_239 : i32 to index
      %get3A_241 = arith.constant 16 : index
      %get3A_242 = tpu.vector_load %arg9[%get3A_240, %get3A_241] {strides = array<i32>} : memref<512x32xf32, #tpu.memory_space<vmem>>, vector<1x16xf32>,
      %get3A_243 = vector.shape_cast %get3A_242 : vector<1x16xf32> to vector<16xf32>
      %get3A_244 = arith.index_cast %squeeze3A : i32 to index
      %get3A_245 = arith.constant 16 : index
      %get3A_246 = tpu.vector_load %arg10[%get3A_244, %get3A_245] {strides = array<i32>} : memref<5x32xf32, #tpu.memory_space<vmem>>, vector<1x16xf32>,
      %get3A_247 = vector.shape_cast %get3A_246 : vector<1x16xf32> to vector<16xf32>
      %add3A_248 = arith.addf %get3A_243, %get3A_247 : vector<16xf32>
      %swap3A_249 = arith.index_cast %add3A_239 : i32 to index
      %swap3A_250 = arith.constant 16 : index
      %swap3A_251 = tpu.vector_load %arg9[%swap3A_249, %swap3A_250] {strides = array<i32>} : memref<512x32xf32, #tpu.memory_space<vmem>>, vector<1x16xf32>,
      %swap3A_252 = vector.shape_cast %swap3A_251 : vector<1x16xf32> to vector<16xf32>
      %swap3A_253 = vector.shape_cast %add3A_248 : vector<16xf32> to vector<1x16xf32>
      tpu.vector_store %arg9[%swap3A_249, %swap3A_250], %swap3A_253 {strides = array<i32>} : memref<512x32xf32, #tpu.memory_space<vmem>>, vector<1x16xf32>,
      %slice3A_254 = vector.extract_strided_slice %get3A_222 {offsets = [1], sizes = [1], strides = [1]} : vector<16xi32> to vector<1xi32>
      %squeeze3A_255 = vector.extract %slice3A_254[0] : i32 from vector<1xi32>
      %add3A_256 = arith.constant 1 : i32
      %add3A_257 = arith.addi %add3A_220, %add3A_256 : i32
      %get3A_258 = arith.index_cast %add3A_257 : i32 to index
      %get3A_259 = arith.constant 0 : index
      %get3A_260 = tpu.vector_load %arg9[%get3A_258, %get3A_259] {strides = array<i32>} : memref<512x32xf32, #tpu.memory_space<vmem>>, vector<1x16xf32>,
      %get3A_261 = vector.shape_cast %get3A_260 : vector<1x16xf32> to vector<16xf32>
      %get3A_262 = arith.index_cast %squeeze3A_255 : i32 to index
      %get3A_263 = arith.constant 0 : index
      %get3A_264 = tpu.vector_load %arg10[%get3A_262, %get3A_263] {strides = array<i32>} : memref<5x32xf32, #tpu.memory_space<vmem>>, vector<1x16xf32>,
      %get3A_265 = vector.shape_cast %get3A_264 : vector<1x16xf32> to vector<16xf32>
      %add3A_266 = arith.addf %get3A_261, %get3A_265 : vector<16xf32>
      %swap3A_267 = arith.index_cast %add3A_257 : i32 to index
      %swap3A_268 = arith.constant 0 : index
      %swap3A_269 = tpu.vector_load %arg9[%swap3A_267, %swap3A_268] {strides = array<i32>} : memref<512x32xf32, #tpu.memory_space<vmem>>, vector<1x16xf32>,
      %swap3A_270 = vector.shape_cast %swap3A_269 : vector<1x16xf32> to vector<16xf32>
      %swap3A_271 = vector.shape_cast %add3A_266 : vector<16xf32> to vector<1x16xf32>
      tpu.vector_store %arg9[%swap3A_267, %swap3A_268], %swap3A_271 {strides = array<i32>} : memref<512x32xf32, #tpu.memory_space<vmem>>, vector<1x16xf32>,
      %add3A_272 = arith.constant 1 : i32
      %add3A_273 = arith.addi %add3A_220, %add3A_272 : i32
      %get3A_274 = arith.index_cast %add3A_273 : i32 to index
      %get3A_275 = arith.constant 16 : index
      %get3A_276 = tpu.vector_load %arg9[%get3A_274, %get3A_275] {strides = array<i32>} : memref<512x32xf32, #tpu.memory_space<vmem>>, vector<1x16xf32>,
      %get3A_277 = vector.shape_cast %get3A_276 : vector<1x16xf32> to vector<16xf32>
      %get3A_278 = arith.index_cast %squeeze3A_255 : i32 to index
      %get3A_279 = arith.constant 16 : index
      %get3A_280 = tpu.vector_load %arg10[%get3A_278, %get3A_279] {strides = array<i32>} : memref<5x32xf32, #tpu.memory_space<vmem>>, vector<1x16xf32>,
      %get3A_281 = vector.shape_cast %get3A_280 : vector<1x16xf32> to vector<16xf32>
      %add3A_282 = arith.addf %get3A_277, %get3A_281 : vector<16xf32>
      %swap3A_283 = arith.index_cast %add3A_273 : i32 to index
      %swap3A_284 = arith.constant 16 : index
      %swap3A_285 = tpu.vector_load %arg9[%swap3A_283, %swap3A_284] {strides = array<i32>} : memref<512x32xf32, #tpu.memory_space<vmem>>, vector<1x16xf32>,
      %swap3A_286 = vector.shape_cast %swap3A_285 : vector<1x16xf32> to vector<16xf32>
      %swap3A_287 = vector.shape_cast %add3A_282 : vector<16xf32> to vector<1x16xf32>
      tpu.vector_store %arg9[%swap3A_283, %swap3A_284], %swap3A_287 {strides = array<i32>} : memref<512x32xf32, #tpu.memory_space<vmem>>, vector<1x16xf32>,
      %slice3A_288 = vector.extract_strided_slice %get3A_222 {offsets = [2], sizes = [1], strides = [1]} : vector<16xi32> to vector<1xi32>
      %squeeze3A_289 = vector.extract %slice3A_288[0] : i32 from vector<1xi32>
      %add3A_290 = arith.constant 2 : i32
      %add3A_291 = arith.addi %add3A_220, %add3A_290 : i32
      %get3A_292 = arith.index_cast %add3A_291 : i32 to index
      %get3A_293 = arith.constant 0 : index
      %get3A_294 = tpu.vector_load %arg9[%get3A_292, %get3A_293] {strides = array<i32>} : memref<512x32xf32, #tpu.memory_space<vmem>>, vector<1x16xf32>,
      %get3A_295 = vector.shape_cast %get3A_294 : vector<1x16xf32> to vector<16xf32>
      %get3A_296 = arith.index_cast %squeeze3A_289 : i32 to index
      %get3A_297 = arith.constant 0 : index
      %get3A_298 = tpu.vector_load %arg10[%get3A_296, %get3A_297] {strides = array<i32>} : memref<5x32xf32, #tpu.memory_space<vmem>>, vector<1x16xf32>,
      %get3A_299 = vector.shape_cast %get3A_298 : vector<1x16xf32> to vector<16xf32>
      %add3A_300 = arith.addf %get3A_295, %get3A_299 : vector<16xf32>
      %swap3A_301 = arith.index_cast %add3A_291 : i32 to index
      %swap3A_302 = arith.constant 0 : index
      %swap3A_303 = tpu.vector_load %arg9[%swap3A_301, %swap3A_302] {strides = array<i32>} : memref<512x32xf32, #tpu.memory_space<vmem>>, vector<1x16xf32>,
      %swap3A_304 = vector.shape_cast %swap3A_303 : vector<1x16xf32> to vector<16xf32>
      %swap3A_305 = vector.shape_cast %add3A_300 : vector<16xf32> to vector<1x16xf32>
      tpu.vector_store %arg9[%swap3A_301, %swap3A_302], %swap3A_305 {strides = array<i32>} : memref<512x32xf32, #tpu.memory_space<vmem>>, vector<1x16xf32>,
      %add3A_306 = arith.constant 2 : i32
      %add3A_307 = arith.addi %add3A_220, %add3A_306 : i32
      %get3A_308 = arith.index_cast %add3A_307 : i32 to index
      %get3A_309 = arith.constant 16 : index
      %get3A_310 = tpu.vector_load %arg9[%get3A_308, %get3A_309] {strides = array<i32>} : memref<512x32xf32, #tpu.memory_space<vmem>>, vector<1x16xf32>,
      %get3A_311 = vector.shape_cast %get3A_310 : vector<1x16xf32> to vector<16xf32>
      %get3A_312 = arith.index_cast %squeeze3A_289 : i32 to index
      %get3A_313 = arith.constant 16 : index
      %get3A_314 = tpu.vector_load %arg10[%get3A_312, %get3A_313] {strides = array<i32>} : memref<5x32xf32, #tpu.memory_space<vmem>>, vector<1x16xf32>,
      %get3A_315 = vector.shape_cast %get3A_314 : vector<1x16xf32> to vector<16xf32>
      %add3A_316 = arith.addf %get3A_311, %get3A_315 : vector<16xf32>
      %swap3A_317 = arith.index_cast %add3A_307 : i32 to index
      %swap3A_318 = arith.constant 16 : index
      %swap3A_319 = tpu.vector_load %arg9[%swap3A_317, %swap3A_318] {strides = array<i32>} : memref<512x32xf32, #tpu.memory_space<vmem>>, vector<1x16xf32>,
      %swap3A_320 = vector.shape_cast %swap3A_319 : vector<1x16xf32> to vector<16xf32>
      %swap3A_321 = vector.shape_cast %add3A_316 : vector<16xf32> to vector<1x16xf32>
      tpu.vector_store %arg9[%swap3A_317, %swap3A_318], %swap3A_321 {strides = array<i32>} : memref<512x32xf32, #tpu.memory_space<vmem>>, vector<1x16xf32>,
      %slice3A_322 = vector.extract_strided_slice %get3A_222 {offsets = [3], sizes = [1], strides = [1]} : vector<16xi32> to vector<1xi32>
      %squeeze3A_323 = vector.extract %slice3A_322[0] : i32 from vector<1xi32>
      %add3A_324 = arith.constant 3 : i32
      %add3A_325 = arith.addi %add3A_220, %add3A_324 : i32
      %get3A_326 = arith.index_cast %add3A_325 : i32 to index
      %get3A_327 = arith.constant 0 : index
      %get3A_328 = tpu.vector_load %arg9[%get3A_326, %get3A_327] {strides = array<i32>} : memref<512x32xf32, #tpu.memory_space<vmem>>, vector<1x16xf32>,
      %get3A_329 = vector.shape_cast %get3A_328 : vector<1x16xf32> to vector<16xf32>
      %get3A_330 = arith.index_cast %squeeze3A_323 : i32 to index
      %get3A_331 = arith.constant 0 : index
      %get3A_332 = tpu.vector_load %arg10[%get3A_330, %get3A_331] {strides = array<i32>} : memref<5x32xf32, #tpu.memory_space<vmem>>, vector<1x16xf32>,
      %get3A_333 = vector.shape_cast %get3A_332 : vector<1x16xf32> to vector<16xf32>
      %add3A_334 = arith.addf %get3A_329, %get3A_333 : vector<16xf32>
      %swap3A_335 = arith.index_cast %add3A_325 : i32 to index
      %swap3A_336 = arith.constant 0 : index
      %swap3A_337 = tpu.vector_load %arg9[%swap3A_335, %swap3A_336] {strides = array<i32>} : memref<512x32xf32, #tpu.memory_space<vmem>>, vector<1x16xf32>,
      %swap3A_338 = vector.shape_cast %swap3A_337 : vector<1x16xf32> to vector<16xf32>
      %swap3A_339 = vector.shape_cast %add3A_334 : vector<16xf32> to vector<1x16xf32>
      tpu.vector_store %arg9[%swap3A_335, %swap3A_336], %swap3A_339 {strides = array<i32>} : memref<512x32xf32, #tpu.memory_space<vmem>>, vector<1x16xf32>,
      %add3A_340 = arith.constant 3 : i32
      %add3A_341 = arith.addi %add3A_220, %add3A_340 : i32
      %get3A_342 = arith.index_cast %add3A_341 : i32 to index
      %get3A_343 = arith.constant 16 : index
      %get3A_344 = tpu.vector_load %arg9[%get3A_342, %get3A_343] {strides = array<i32>} : memref<512x32xf32, #tpu.memory_space<vmem>>, vector<1x16xf32>,
      %get3A_345 = vector.shape_cast %get3A_344 : vector<1x16xf32> to vector<16xf32>
      %get3A_346 = arith.index_cast %squeeze3A_323 : i32 to index
      %get3A_347 = arith.constant 16 : index
      %get3A_348 = tpu.vector_load %arg10[%get3A_346, %get3A_347] {strides = array<i32>} : memref<5x32xf32, #tpu.memory_space<vmem>>, vector<1x16xf32>,
      %get3A_349 = vector.shape_cast %get3A_348 : vector<1x16xf32> to vector<16xf32>
      %add3A_350 = arith.addf %get3A_345, %get3A_349 : vector<16xf32>
      %swap3A_351 = arith.index_cast %add3A_341 : i32 to index
      %swap3A_352 = arith.constant 16 : index
      %swap3A_353 = tpu.vector_load %arg9[%swap3A_351, %swap3A_352] {strides = array<i32>} : memref<512x32xf32, #tpu.memory_space<vmem>>, vector<1x16xf32>,
      %swap3A_354 = vector.shape_cast %swap3A_353 : vector<1x16xf32> to vector<16xf32>
      %swap3A_355 = vector.shape_cast %add3A_350 : vector<16xf32> to vector<1x16xf32>
      tpu.vector_store %arg9[%swap3A_351, %swap3A_352], %swap3A_355 {strides = array<i32>} : memref<512x32xf32, #tpu.memory_space<vmem>>, vector<1x16xf32>,
      %slice3A_356 = vector.extract_strided_slice %get3A_222 {offsets = [4], sizes = [1], strides = [1]} : vector<16xi32> to vector<1xi32>
      %squeeze3A_357 = vector.extract %slice3A_356[0] : i32 from vector<1xi32>
      %add3A_358 = arith.constant 4 : i32
      %add3A_359 = arith.addi %add3A_220, %add3A_358 : i32
      %get3A_360 = arith.index_cast %add3A_359 : i32 to index
      %get3A_361 = arith.constant 0 : index
      %get3A_362 = tpu.vector_load %arg9[%get3A_360, %get3A_361] {strides = array<i32>} : memref<512x32xf32, #tpu.memory_space<vmem>>, vector<1x16xf32>,
      %get3A_363 = vector.shape_cast %get3A_362 : vector<1x16xf32> to vector<16xf32>
      %get3A_364 = arith.index_cast %squeeze3A_357 : i32 to index
      %get3A_365 = arith.constant 0 : index
      %get3A_366 = tpu.vector_load %arg10[%get3A_364, %get3A_365] {strides = array<i32>} : memref<5x32xf32, #tpu.memory_space<vmem>>, vector<1x16xf32>,
      %get3A_367 = vector.shape_cast %get3A_366 : vector<1x16xf32> to vector<16xf32>
      %add3A_368 = arith.addf %get3A_363, %get3A_367 : vector<16xf32>
      %swap3A_369 = arith.index_cast %add3A_359 : i32 to index
      %swap3A_370 = arith.constant 0 : index
      %swap3A_371 = tpu.vector_load %arg9[%swap3A_369, %swap3A_370] {strides = array<i32>} : memref<512x32xf32, #tpu.memory_space<vmem>>, vector<1x16xf32>,
      %swap3A_372 = vector.shape_cast %swap3A_371 : vector<1x16xf32> to vector<16xf32>
      %swap3A_373 = vector.shape_cast %add3A_368 : vector<16xf32> to vector<1x16xf32>
      tpu.vector_store %arg9[%swap3A_369, %swap3A_370], %swap3A_373 {strides = array<i32>} : memref<512x32xf32, #tpu.memory_space<vmem>>, vector<1x16xf32>,
      %add3A_374 = arith.constant 4 : i32
      %add3A_375 = arith.addi %add3A_220, %add3A_374 : i32
      %get3A_376 = arith.index_cast %add3A_375 : i32 to index
      %get3A_377 = arith.constant 16 : index
      %get3A_378 = tpu.vector_load %arg9[%get3A_376, %get3A_377] {strides = array<i32>} : memref<512x32xf32, #tpu.memory_space<vmem>>, vector<1x16xf32>,
      %get3A_379 = vector.shape_cast %get3A_378 : vector<1x16xf32> to vector<16xf32>
      %get3A_380 = arith.index_cast %squeeze3A_357 : i32 to index
      %get3A_381 = arith.constant 16 : index
      %get3A_382 = tpu.vector_load %arg10[%get3A_380, %get3A_381] {strides = array<i32>} : memref<5x32xf32, #tpu.memory_space<vmem>>, vector<1x16xf32>,
      %get3A_383 = vector.shape_cast %get3A_382 : vector<1x16xf32> to vector<16xf32>
      %add3A_384 = arith.addf %get3A_379, %get3A_383 : vector<16xf32>
      %swap3A_385 = arith.index_cast %add3A_375 : i32 to index
      %swap3A_386 = arith.constant 16 : index
      %swap3A_387 = tpu.vector_load %arg9[%swap3A_385, %swap3A_386] {strides = array<i32>} : memref<512x32xf32, #tpu.memory_space<vmem>>, vector<1x16xf32>,
      %swap3A_388 = vector.shape_cast %swap3A_387 : vector<1x16xf32> to vector<16xf32>
      %swap3A_389 = vector.shape_cast %add3A_384 : vector<16xf32> to vector<1x16xf32>
      tpu.vector_store %arg9[%swap3A_385, %swap3A_386], %swap3A_389 {strides = array<i32>} : memref<512x32xf32, #tpu.memory_space<vmem>>, vector<1x16xf32>,
      %slice3A_390 = vector.extract_strided_slice %get3A_222 {offsets = [5], sizes = [1], strides = [1]} : vector<16xi32> to vector<1xi32>
      %squeeze3A_391 = vector.extract %slice3A_390[0] : i32 from vector<1xi32>
      %add3A_392 = arith.constant 5 : i32
      %add3A_393 = arith.addi %add3A_220, %add3A_392 : i32
      %get3A_394 = arith.index_cast %add3A_393 : i32 to index
      %get3A_395 = arith.constant 0 : index
      %get3A_396 = tpu.vector_load %arg9[%get3A_394, %get3A_395] {strides = array<i32>} : memref<512x32xf32, #tpu.memory_space<vmem>>, vector<1x16xf32>,
      %get3A_397 = vector.shape_cast %get3A_396 : vector<1x16xf32> to vector<16xf32>
      %get3A_398 = arith.index_cast %squeeze3A_391 : i32 to index
      %get3A_399 = arith.constant 0 : index
      %get3A_400 = tpu.vector_load %arg10[%get3A_398, %get3A_399] {strides = array<i32>} : memref<5x32xf32, #tpu.memory_space<vmem>>, vector<1x16xf32>,
      %get3A_401 = vector.shape_cast %get3A_400 : vector<1x16xf32> to vector<16xf32>
      %add3A_402 = arith.addf %get3A_397, %get3A_401 : vector<16xf32>
      %swap3A_403 = arith.index_cast %add3A_393 : i32 to index
      %swap3A_404 = arith.constant 0 : index
      %swap3A_405 = tpu.vector_load %arg9[%swap3A_403, %swap3A_404] {strides = array<i32>} : memref<512x32xf32, #tpu.memory_space<vmem>>, vector<1x16xf32>,
      %swap3A_406 = vector.shape_cast %swap3A_405 : vector<1x16xf32> to vector<16xf32>
      %swap3A_407 = vector.shape_cast %add3A_402 : vector<16xf32> to vector<1x16xf32>
      tpu.vector_store %arg9[%swap3A_403, %swap3A_404], %swap3A_407 {strides = array<i32>} : memref<512x32xf32, #tpu.memory_space<vmem>>, vector<1x16xf32>,
      %add3A_408 = arith.constant 5 : i32
      %add3A_409 = arith.addi %add3A_220, %add3A_408 : i32
      %get3A_410 = arith.index_cast %add3A_409 : i32 to index
      %get3A_411 = arith.constant 16 : index
      %get3A_412 = tpu.vector_load %arg9[%get3A_410, %get3A_411] {strides = array<i32>} : memref<512x32xf32, #tpu.memory_space<vmem>>, vector<1x16xf32>,
      %get3A_413 = vector.shape_cast %get3A_412 : vector<1x16xf32> to vector<16xf32>
      %get3A_414 = arith.index_cast %squeeze3A_391 : i32 to index
      %get3A_415 = arith.constant 16 : index
      %get3A_416 = tpu.vector_load %arg10[%get3A_414, %get3A_415] {strides = array<i32>} : memref<5x32xf32, #tpu.memory_space<vmem>>, vector<1x16xf32>,
      %get3A_417 = vector.shape_cast %get3A_416 : vector<1x16xf32> to vector<16xf32>
      %add3A_418 = arith.addf %get3A_413, %get3A_417 : vector<16xf32>
      %swap3A_419 = arith.index_cast %add3A_409 : i32 to index
      %swap3A_420 = arith.constant 16 : index
      %swap3A_421 = tpu.vector_load %arg9[%swap3A_419, %swap3A_420] {strides = array<i32>} : memref<512x32xf32, #tpu.memory_space<vmem>>, vector<1x16xf32>,
      %swap3A_422 = vector.shape_cast %swap3A_421 : vector<1x16xf32> to vector<16xf32>
      %swap3A_423 = vector.shape_cast %add3A_418 : vector<16xf32> to vector<1x16xf32>
      tpu.vector_store %arg9[%swap3A_419, %swap3A_420], %swap3A_423 {strides = array<i32>} : memref<512x32xf32, #tpu.memory_space<vmem>>, vector<1x16xf32>,
      %slice3A_424 = vector.extract_strided_slice %get3A_222 {offsets = [6], sizes = [1], strides = [1]} : vector<16xi32> to vector<1xi32>
      %squeeze3A_425 = vector.extract %slice3A_424[0] : i32 from vector<1xi32>
      %add3A_426 = arith.constant 6 : i32
      %add3A_427 = arith.addi %add3A_220, %add3A_426 : i32
      %get3A_428 = arith.index_cast %add3A_427 : i32 to index
      %get3A_429 = arith.constant 0 : index
      %get3A_430 = tpu.vector_load %arg9[%get3A_428, %get3A_429] {strides = array<i32>} : memref<512x32xf32, #tpu.memory_space<vmem>>, vector<1x16xf32>,
      %get3A_431 = vector.shape_cast %get3A_430 : vector<1x16xf32> to vector<16xf32>
      %get3A_432 = arith.index_cast %squeeze3A_425 : i32 to index
      %get3A_433 = arith.constant 0 : index
      %get3A_434 = tpu.vector_load %arg10[%get3A_432, %get3A_433] {strides = array<i32>} : memref<5x32xf32, #tpu.memory_space<vmem>>, vector<1x16xf32>,
      %get3A_435 = vector.shape_cast %get3A_434 : vector<1x16xf32> to vector<16xf32>
      %add3A_436 = arith.addf %get3A_431, %get3A_435 : vector<16xf32>
      %swap3A_437 = arith.index_cast %add3A_427 : i32 to index
      %swap3A_438 = arith.constant 0 : index
      %swap3A_439 = tpu.vector_load %arg9[%swap3A_437, %swap3A_438] {strides = array<i32>} : memref<512x32xf32, #tpu.memory_space<vmem>>, vector<1x16xf32>,
      %swap3A_440 = vector.shape_cast %swap3A_439 : vector<1x16xf32> to vector<16xf32>
      %swap3A_441 = vector.shape_cast %add3A_436 : vector<16xf32> to vector<1x16xf32>
      tpu.vector_store %arg9[%swap3A_437, %swap3A_438], %swap3A_441 {strides = array<i32>} : memref<512x32xf32, #tpu.memory_space<vmem>>, vector<1x16xf32>,
      %add3A_442 = arith.constant 6 : i32
      %add3A_443 = arith.addi %add3A_220, %add3A_442 : i32
      %get3A_444 = arith.index_cast %add3A_443 : i32 to index
      %get3A_445 = arith.constant 16 : index
      %get3A_446 = tpu.vector_load %arg9[%get3A_444, %get3A_445] {strides = array<i32>} : memref<512x32xf32, #tpu.memory_space<vmem>>, vector<1x16xf32>,
      %get3A_447 = vector.shape_cast %get3A_446 : vector<1x16xf32> to vector<16xf32>
      %get3A_448 = arith.index_cast %squeeze3A_425 : i32 to index
      %get3A_449 = arith.constant 16 : index
      %get3A_450 = tpu.vector_load %arg10[%get3A_448, %get3A_449] {strides = array<i32>} : memref<5x32xf32, #tpu.memory_space<vmem>>, vector<1x16xf32>,
      %get3A_451 = vector.shape_cast %get3A_450 : vector<1x16xf32> to vector<16xf32>
      %add3A_452 = arith.addf %get3A_447, %get3A_451 : vector<16xf32>
      %swap3A_453 = arith.index_cast %add3A_443 : i32 to index
      %swap3A_454 = arith.constant 16 : index
      %swap3A_455 = tpu.vector_load %arg9[%swap3A_453, %swap3A_454] {strides = array<i32>} : memref<512x32xf32, #tpu.memory_space<vmem>>, vector<1x16xf32>,
      %swap3A_456 = vector.shape_cast %swap3A_455 : vector<1x16xf32> to vector<16xf32>
      %swap3A_457 = vector.shape_cast %add3A_452 : vector<16xf32> to vector<1x16xf32>
      tpu.vector_store %arg9[%swap3A_453, %swap3A_454], %swap3A_457 {strides = array<i32>} : memref<512x32xf32, #tpu.memory_space<vmem>>, vector<1x16xf32>,
      %slice3A_458 = vector.extract_strided_slice %get3A_222 {offsets = [7], sizes = [1], strides = [1]} : vector<16xi32> to vector<1xi32>
      %squeeze3A_459 = vector.extract %slice3A_458[0] : i32 from vector<1xi32>
      %add3A_460 = arith.constant 7 : i32
      %add3A_461 = arith.addi %add3A_220, %add3A_460 : i32
      %get3A_462 = arith.index_cast %add3A_461 : i32 to index
      %get3A_463 = arith.constant 0 : index
      %get3A_464 = tpu.vector_load %arg9[%get3A_462, %get3A_463] {strides = array<i32>} : memref<512x32xf32, #tpu.memory_space<vmem>>, vector<1x16xf32>,
      %get3A_465 = vector.shape_cast %get3A_464 : vector<1x16xf32> to vector<16xf32>
      %get3A_466 = arith.index_cast %squeeze3A_459 : i32 to index
      %get3A_467 = arith.constant 0 : index
      %get3A_468 = tpu.vector_load %arg10[%get3A_466, %get3A_467] {strides = array<i32>} : memref<5x32xf32, #tpu.memory_space<vmem>>, vector<1x16xf32>,
      %get3A_469 = vector.shape_cast %get3A_468 : vector<1x16xf32> to vector<16xf32>
      %add3A_470 = arith.addf %get3A_465, %get3A_469 : vector<16xf32>
      %swap3A_471 = arith.index_cast %add3A_461 : i32 to index
      %swap3A_472 = arith.constant 0 : index
      %swap3A_473 = tpu.vector_load %arg9[%swap3A_471, %swap3A_472] {strides = array<i32>} : memref<512x32xf32, #tpu.memory_space<vmem>>, vector<1x16xf32>,
      %swap3A_474 = vector.shape_cast %swap3A_473 : vector<1x16xf32> to vector<16xf32>
      %swap3A_475 = vector.shape_cast %add3A_470 : vector<16xf32> to vector<1x16xf32>
      tpu.vector_store %arg9[%swap3A_471, %swap3A_472], %swap3A_475 {strides = array<i32>} : memref<512x32xf32, #tpu.memory_space<vmem>>, vector<1x16xf32>,
      %add3A_476 = arith.constant 7 : i32
      %add3A_477 = arith.addi %add3A_220, %add3A_476 : i32
      %get3A_478 = arith.index_cast %add3A_477 : i32 to index
      %get3A_479 = arith.constant 16 : index
      %get3A_480 = tpu.vector_load %arg9[%get3A_478, %get3A_479] {strides = array<i32>} : memref<512x32xf32, #tpu.memory_space<vmem>>, vector<1x16xf32>,
      %get3A_481 = vector.shape_cast %get3A_480 : vector<1x16xf32> to vector<16xf32>
      %get3A_482 = arith.index_cast %squeeze3A_459 : i32 to index
      %get3A_483 = arith.constant 16 : index
      %get3A_484 = tpu.vector_load %arg10[%get3A_482, %get3A_483] {strides = array<i32>} : memref<5x32xf32, #tpu.memory_space<vmem>>, vector<1x16xf32>,
      %get3A_485 = vector.shape_cast %get3A_484 : vector<1x16xf32> to vector<16xf32>
      %add3A_486 = arith.addf %get3A_481, %get3A_485 : vector<16xf32>
      %swap3A_487 = arith.index_cast %add3A_477 : i32 to index
      %swap3A_488 = arith.constant 16 : index
      %swap3A_489 = tpu.vector_load %arg9[%swap3A_487, %swap3A_488] {strides = array<i32>} : memref<512x32xf32, #tpu.memory_space<vmem>>, vector<1x16xf32>,
      %swap3A_490 = vector.shape_cast %swap3A_489 : vector<1x16xf32> to vector<16xf32>
      %swap3A_491 = vector.shape_cast %add3A_486 : vector<16xf32> to vector<1x16xf32>
      tpu.vector_store %arg9[%swap3A_487, %swap3A_488], %swap3A_491 {strides = array<i32>} : memref<512x32xf32, #tpu.memory_space<vmem>>, vector<1x16xf32>,
      %slice3A_492 = vector.extract_strided_slice %get3A_222 {offsets = [8], sizes = [1], strides = [1]} : vector<16xi32> to vector<1xi32>
      %squeeze3A_493 = vector.extract %slice3A_492[0] : i32 from vector<1xi32>
      %add3A_494 = arith.constant 8 : i32
      %add3A_495 = arith.addi %add3A_220, %add3A_494 : i32
      %get3A_496 = arith.index_cast %add3A_495 : i32 to index
      %get3A_497 = arith.constant 0 : index
      %get3A_498 = tpu.vector_load %arg9[%get3A_496, %get3A_497] {strides = array<i32>} : memref<512x32xf32, #tpu.memory_space<vmem>>, vector<1x16xf32>,
      %get3A_499 = vector.shape_cast %get3A_498 : vector<1x16xf32> to vector<16xf32>
      %get3A_500 = arith.index_cast %squeeze3A_493 : i32 to index
      %get3A_501 = arith.constant 0 : index
      %get3A_502 = tpu.vector_load %arg10[%get3A_500, %get3A_501] {strides = array<i32>} : memref<5x32xf32, #tpu.memory_space<vmem>>, vector<1x16xf32>,
      %get3A_503 = vector.shape_cast %get3A_502 : vector<1x16xf32> to vector<16xf32>
      %add3A_504 = arith.addf %get3A_499, %get3A_503 : vector<16xf32>
      %swap3A_505 = arith.index_cast %add3A_495 : i32 to index
      %swap3A_506 = arith.constant 0 : index
      %swap3A_507 = tpu.vector_load %arg9[%swap3A_505, %swap3A_506] {strides = array<i32>} : memref<512x32xf32, #tpu.memory_space<vmem>>, vector<1x16xf32>,
      %swap3A_508 = vector.shape_cast %swap3A_507 : vector<1x16xf32> to vector<16xf32>
      %swap3A_509 = vector.shape_cast %add3A_504 : vector<16xf32> to vector<1x16xf32>
      tpu.vector_store %arg9[%swap3A_505, %swap3A_506], %swap3A_509 {strides = array<i32>} : memref<512x32xf32, #tpu.memory_space<vmem>>, vector<1x16xf32>,
      %add3A_510 = arith.constant 8 : i32
      %add3A_511 = arith.addi %add3A_220, %add3A_510 : i32
      %get3A_512 = arith.index_cast %add3A_511 : i32 to index
      %get3A_513 = arith.constant 16 : index
      %get3A_514 = tpu.vector_load %arg9[%get3A_512, %get3A_513] {strides = array<i32>} : memref<512x32xf32, #tpu.memory_space<vmem>>, vector<1x16xf32>,
      %get3A_515 = vector.shape_cast %get3A_514 : vector<1x16xf32> to vector<16xf32>
      %get3A_516 = arith.index_cast %squeeze3A_493 : i32 to index
      %get3A_517 = arith.constant 16 : index
      %get3A_518 = tpu.vector_load %arg10[%get3A_516, %get3A_517] {strides = array<i32>} : memref<5x32xf32, #tpu.memory_space<vmem>>, vector<1x16xf32>,
      %get3A_519 = vector.shape_cast %get3A_518 : vector<1x16xf32> to vector<16xf32>
      %add3A_520 = arith.addf %get3A_515, %get3A_519 : vector<16xf32>
      %swap3A_521 = arith.index_cast %add3A_511 : i32 to index
      %swap3A_522 = arith.constant 16 : index
      %swap3A_523 = tpu.vector_load %arg9[%swap3A_521, %swap3A_522] {strides = array<i32>} : memref<512x32xf32, #tpu.memory_space<vmem>>, vector<1x16xf32>,
      %swap3A_524 = vector.shape_cast %swap3A_523 : vector<1x16xf32> to vector<16xf32>
      %swap3A_525 = vector.shape_cast %add3A_520 : vector<16xf32> to vector<1x16xf32>
      tpu.vector_store %arg9[%swap3A_521, %swap3A_522], %swap3A_525 {strides = array<i32>} : memref<512x32xf32, #tpu.memory_space<vmem>>, vector<1x16xf32>,
      %slice3A_526 = vector.extract_strided_slice %get3A_222 {offsets = [9], sizes = [1], strides = [1]} : vector<16xi32> to vector<1xi32>
      %squeeze3A_527 = vector.extract %slice3A_526[0] : i32 from vector<1xi32>
      %add3A_528 = arith.constant 9 : i32
      %add3A_529 = arith.addi %add3A_220, %add3A_528 : i32
      %get3A_530 = arith.index_cast %add3A_529 : i32 to index
      %get3A_531 = arith.constant 0 : index
      %get3A_532 = tpu.vector_load %arg9[%get3A_530, %get3A_531] {strides = array<i32>} : memref<512x32xf32, #tpu.memory_space<vmem>>, vector<1x16xf32>,
      %get3A_533 = vector.shape_cast %get3A_532 : vector<1x16xf32> to vector<16xf32>
      %get3A_534 = arith.index_cast %squeeze3A_527 : i32 to index
      %get3A_535 = arith.constant 0 : index
      %get3A_536 = tpu.vector_load %arg10[%get3A_534, %get3A_535] {strides = array<i32>} : memref<5x32xf32, #tpu.memory_space<vmem>>, vector<1x16xf32>,
      %get3A_537 = vector.shape_cast %get3A_536 : vector<1x16xf32> to vector<16xf32>
      %add3A_538 = arith.addf %get3A_533, %get3A_537 : vector<16xf32>
      %swap3A_539 = arith.index_cast %add3A_529 : i32 to index
      %swap3A_540 = arith.constant 0 : index
      %swap3A_541 = tpu.vector_load %arg9[%swap3A_539, %swap3A_540] {strides = array<i32>} : memref<512x32xf32, #tpu.memory_space<vmem>>, vector<1x16xf32>,
      %swap3A_542 = vector.shape_cast %swap3A_541 : vector<1x16xf32> to vector<16xf32>
      %swap3A_543 = vector.shape_cast %add3A_538 : vector<16xf32> to vector<1x16xf32>
      tpu.vector_store %arg9[%swap3A_539, %swap3A_540], %swap3A_543 {strides = array<i32>} : memref<512x32xf32, #tpu.memory_space<vmem>>, vector<1x16xf32>,
      %add3A_544 = arith.constant 9 : i32
      %add3A_545 = arith.addi %add3A_220, %add3A_544 : i32
      %get3A_546 = arith.index_cast %add3A_545 : i32 to index
      %get3A_547 = arith.constant 16 : index
      %get3A_548 = tpu.vector_load %arg9[%get3A_546, %get3A_547] {strides = array<i32>} : memref<512x32xf32, #tpu.memory_space<vmem>>, vector<1x16xf32>,
      %get3A_549 = vector.shape_cast %get3A_548 : vector<1x16xf32> to vector<16xf32>
      %get3A_550 = arith.index_cast %squeeze3A_527 : i32 to index
      %get3A_551 = arith.constant 16 : index
      %get3A_552 = tpu.vector_load %arg10[%get3A_550, %get3A_551] {strides = array<i32>} : memref<5x32xf32, #tpu.memory_space<vmem>>, vector<1x16xf32>,
      %get3A_553 = vector.shape_cast %get3A_552 : vector<1x16xf32> to vector<16xf32>
      %add3A_554 = arith.addf %get3A_549, %get3A_553 : vector<16xf32>
      %swap3A_555 = arith.index_cast %add3A_545 : i32 to index
      %swap3A_556 = arith.constant 16 : index
      %swap3A_557 = tpu.vector_load %arg9[%swap3A_555, %swap3A_556] {strides = array<i32>} : memref<512x32xf32, #tpu.memory_space<vmem>>, vector<1x16xf32>,
      %swap3A_558 = vector.shape_cast %swap3A_557 : vector<1x16xf32> to vector<16xf32>
      %swap3A_559 = vector.shape_cast %add3A_554 : vector<16xf32> to vector<1x16xf32>
      tpu.vector_store %arg9[%swap3A_555, %swap3A_556], %swap3A_559 {strides = array<i32>} : memref<512x32xf32, #tpu.memory_space<vmem>>, vector<1x16xf32>,
      %slice3A_560 = vector.extract_strided_slice %get3A_222 {offsets = [10], sizes = [1], strides = [1]} : vector<16xi32> to vector<1xi32>
      %squeeze3A_561 = vector.extract %slice3A_560[0] : i32 from vector<1xi32>
      %add3A_562 = arith.constant 10 : i32
      %add3A_563 = arith.addi %add3A_220, %add3A_562 : i32
      %get3A_564 = arith.index_cast %add3A_563 : i32 to index
      %get3A_565 = arith.constant 0 : index
      %get3A_566 = tpu.vector_load %arg9[%get3A_564, %get3A_565] {strides = array<i32>} : memref<512x32xf32, #tpu.memory_space<vmem>>, vector<1x16xf32>,
      %get3A_567 = vector.shape_cast %get3A_566 : vector<1x16xf32> to vector<16xf32>
      %get3A_568 = arith.index_cast %squeeze3A_561 : i32 to index
      %get3A_569 = arith.constant 0 : index
      %get3A_570 = tpu.vector_load %arg10[%get3A_568, %get3A_569] {strides = array<i32>} : memref<5x32xf32, #tpu.memory_space<vmem>>, vector<1x16xf32>,
      %get3A_571 = vector.shape_cast %get3A_570 : vector<1x16xf32> to vector<16xf32>
      %add3A_572 = arith.addf %get3A_567, %get3A_571 : vector<16xf32>
      %swap3A_573 = arith.index_cast %add3A_563 : i32 to index
      %swap3A_574 = arith.constant 0 : index
      %swap3A_575 = tpu.vector_load %arg9[%swap3A_573, %swap3A_574] {strides = array<i32>} : memref<512x32xf32, #tpu.memory_space<vmem>>, vector<1x16xf32>,
      %swap3A_576 = vector.shape_cast %swap3A_575 : vector<1x16xf32> to vector<16xf32>
      %swap3A_577 = vector.shape_cast %add3A_572 : vector<16xf32> to vector<1x16xf32>
      tpu.vector_store %arg9[%swap3A_573, %swap3A_574], %swap3A_577 {strides = array<i32>} : memref<512x32xf32, #tpu.memory_space<vmem>>, vector<1x16xf32>,
      %add3A_578 = arith.constant 10 : i32
      %add3A_579 = arith.addi %add3A_220, %add3A_578 : i32
      %get3A_580 = arith.index_cast %add3A_579 : i32 to index
      %get3A_581 = arith.constant 16 : index
      %get3A_582 = tpu.vector_load %arg9[%get3A_580, %get3A_581] {strides = array<i32>} : memref<512x32xf32, #tpu.memory_space<vmem>>, vector<1x16xf32>,
      %get3A_583 = vector.shape_cast %get3A_582 : vector<1x16xf32> to vector<16xf32>
      %get3A_584 = arith.index_cast %squeeze3A_561 : i32 to index
      %get3A_585 = arith.constant 16 : index
      %get3A_586 = tpu.vector_load %arg10[%get3A_584, %get3A_585] {strides = array<i32>} : memref<5x32xf32, #tpu.memory_space<vmem>>, vector<1x16xf32>,
      %get3A_587 = vector.shape_cast %get3A_586 : vector<1x16xf32> to vector<16xf32>
      %add3A_588 = arith.addf %get3A_583, %get3A_587 : vector<16xf32>
      %swap3A_589 = arith.index_cast %add3A_579 : i32 to index
      %swap3A_590 = arith.constant 16 : index
      %swap3A_591 = tpu.vector_load %arg9[%swap3A_589, %swap3A_590] {strides = array<i32>} : memref<512x32xf32, #tpu.memory_space<vmem>>, vector<1x16xf32>,
      %swap3A_592 = vector.shape_cast %swap3A_591 : vector<1x16xf32> to vector<16xf32>
      %swap3A_593 = vector.shape_cast %add3A_588 : vector<16xf32> to vector<1x16xf32>
      tpu.vector_store %arg9[%swap3A_589, %swap3A_590], %swap3A_593 {strides = array<i32>} : memref<512x32xf32, #tpu.memory_space<vmem>>, vector<1x16xf32>,
      %slice3A_594 = vector.extract_strided_slice %get3A_222 {offsets = [11], sizes = [1], strides = [1]} : vector<16xi32> to vector<1xi32>
      %squeeze3A_595 = vector.extract %slice3A_594[0] : i32 from vector<1xi32>
      %add3A_596 = arith.constant 11 : i32
      %add3A_597 = arith.addi %add3A_220, %add3A_596 : i32
      %get3A_598 = arith.index_cast %add3A_597 : i32 to index
      %get3A_599 = arith.constant 0 : index
      %get3A_600 = tpu.vector_load %arg9[%get3A_598, %get3A_599] {strides = array<i32>} : memref<512x32xf32, #tpu.memory_space<vmem>>, vector<1x16xf32>,
      %get3A_601 = vector.shape_cast %get3A_600 : vector<1x16xf32> to vector<16xf32>
      %get3A_602 = arith.index_cast %squeeze3A_595 : i32 to index
      %get3A_603 = arith.constant 0 : index
      %get3A_604 = tpu.vector_load %arg10[%get3A_602, %get3A_603] {strides = array<i32>} : memref<5x32xf32, #tpu.memory_space<vmem>>, vector<1x16xf32>,
      %get3A_605 = vector.shape_cast %get3A_604 : vector<1x16xf32> to vector<16xf32>
      %add3A_606 = arith.addf %get3A_601, %get3A_605 : vector<16xf32>
      %swap3A_607 = arith.index_cast %add3A_597 : i32 to index
      %swap3A_608 = arith.constant 0 : index
      %swap3A_609 = tpu.vector_load %arg9[%swap3A_607, %swap3A_608] {strides = array<i32>} : memref<512x32xf32, #tpu.memory_space<vmem>>, vector<1x16xf32>,
      %swap3A_610 = vector.shape_cast %swap3A_609 : vector<1x16xf32> to vector<16xf32>
      %swap3A_611 = vector.shape_cast %add3A_606 : vector<16xf32> to vector<1x16xf32>
      tpu.vector_store %arg9[%swap3A_607, %swap3A_608], %swap3A_611 {strides = array<i32>} : memref<512x32xf32, #tpu.memory_space<vmem>>, vector<1x16xf32>,
      %add3A_612 = arith.constant 11 : i32
      %add3A_613 = arith.addi %add3A_220, %add3A_612 : i32
      %get3A_614 = arith.index_cast %add3A_613 : i32 to index
      %get3A_615 = arith.constant 16 : index
      %get3A_616 = tpu.vector_load %arg9[%get3A_614, %get3A_615] {strides = array<i32>} : memref<512x32xf32, #tpu.memory_space<vmem>>, vector<1x16xf32>,
      %get3A_617 = vector.shape_cast %get3A_616 : vector<1x16xf32> to vector<16xf32>
      %get3A_618 = arith.index_cast %squeeze3A_595 : i32 to index
      %get3A_619 = arith.constant 16 : index
      %get3A_620 = tpu.vector_load %arg10[%get3A_618, %get3A_619] {strides = array<i32>} : memref<5x32xf32, #tpu.memory_space<vmem>>, vector<1x16xf32>,
      %get3A_621 = vector.shape_cast %get3A_620 : vector<1x16xf32> to vector<16xf32>
      %add3A_622 = arith.addf %get3A_617, %get3A_621 : vector<16xf32>
      %swap3A_623 = arith.index_cast %add3A_613 : i32 to index
      %swap3A_624 = arith.constant 16 : index
      %swap3A_625 = tpu.vector_load %arg9[%swap3A_623, %swap3A_624] {strides = array<i32>} : memref<512x32xf32, #tpu.memory_space<vmem>>, vector<1x16xf32>,
      %swap3A_626 = vector.shape_cast %swap3A_625 : vector<1x16xf32> to vector<16xf32>
      %swap3A_627 = vector.shape_cast %add3A_622 : vector<16xf32> to vector<1x16xf32>
      tpu.vector_store %arg9[%swap3A_623, %swap3A_624], %swap3A_627 {strides = array<i32>} : memref<512x32xf32, #tpu.memory_space<vmem>>, vector<1x16xf32>,
      %slice3A_628 = vector.extract_strided_slice %get3A_222 {offsets = [12], sizes = [1], strides = [1]} : vector<16xi32> to vector<1xi32>
      %squeeze3A_629 = vector.extract %slice3A_628[0] : i32 from vector<1xi32>
      %add3A_630 = arith.constant 12 : i32
      %add3A_631 = arith.addi %add3A_220, %add3A_630 : i32
      %get3A_632 = arith.index_cast %add3A_631 : i32 to index
      %get3A_633 = arith.constant 0 : index
      %get3A_634 = tpu.vector_load %arg9[%get3A_632, %get3A_633] {strides = array<i32>} : memref<512x32xf32, #tpu.memory_space<vmem>>, vector<1x16xf32>,
      %get3A_635 = vector.shape_cast %get3A_634 : vector<1x16xf32> to vector<16xf32>
      %get3A_636 = arith.index_cast %squeeze3A_629 : i32 to index
      %get3A_637 = arith.constant 0 : index
      %get3A_638 = tpu.vector_load %arg10[%get3A_636, %get3A_637] {strides = array<i32>} : memref<5x32xf32, #tpu.memory_space<vmem>>, vector<1x16xf32>,
      %get3A_639 = vector.shape_cast %get3A_638 : vector<1x16xf32> to vector<16xf32>
      %add3A_640 = arith.addf %get3A_635, %get3A_639 : vector<16xf32>
      %swap3A_641 = arith.index_cast %add3A_631 : i32 to index
      %swap3A_642 = arith.constant 0 : index
      %swap3A_643 = tpu.vector_load %arg9[%swap3A_641, %swap3A_642] {strides = array<i32>} : memref<512x32xf32, #tpu.memory_space<vmem>>, vector<1x16xf32>,
      %swap3A_644 = vector.shape_cast %swap3A_643 : vector<1x16xf32> to vector<16xf32>
      %swap3A_645 = vector.shape_cast %add3A_640 : vector<16xf32> to vector<1x16xf32>
      tpu.vector_store %arg9[%swap3A_641, %swap3A_642], %swap3A_645 {strides = array<i32>} : memref<512x32xf32, #tpu.memory_space<vmem>>, vector<1x16xf32>,
      %add3A_646 = arith.constant 12 : i32
      %add3A_647 = arith.addi %add3A_220, %add3A_646 : i32
      %get3A_648 = arith.index_cast %add3A_647 : i32 to index
      %get3A_649 = arith.constant 16 : index
      %get3A_650 = tpu.vector_load %arg9[%get3A_648, %get3A_649] {strides = array<i32>} : memref<512x32xf32, #tpu.memory_space<vmem>>, vector<1x16xf32>,
      %get3A_651 = vector.shape_cast %get3A_650 : vector<1x16xf32> to vector<16xf32>
      %get3A_652 = arith.index_cast %squeeze3A_629 : i32 to index
      %get3A_653 = arith.constant 16 : index
      %get3A_654 = tpu.vector_load %arg10[%get3A_652, %get3A_653] {strides = array<i32>} : memref<5x32xf32, #tpu.memory_space<vmem>>, vector<1x16xf32>,
      %get3A_655 = vector.shape_cast %get3A_654 : vector<1x16xf32> to vector<16xf32>
      %add3A_656 = arith.addf %get3A_651, %get3A_655 : vector<16xf32>
      %swap3A_657 = arith.index_cast %add3A_647 : i32 to index
      %swap3A_658 = arith.constant 16 : index
      %swap3A_659 = tpu.vector_load %arg9[%swap3A_657, %swap3A_658] {strides = array<i32>} : memref<512x32xf32, #tpu.memory_space<vmem>>, vector<1x16xf32>,
      %swap3A_660 = vector.shape_cast %swap3A_659 : vector<1x16xf32> to vector<16xf32>
      %swap3A_661 = vector.shape_cast %add3A_656 : vector<16xf32> to vector<1x16xf32>
      tpu.vector_store %arg9[%swap3A_657, %swap3A_658], %swap3A_661 {strides = array<i32>} : memref<512x32xf32, #tpu.memory_space<vmem>>, vector<1x16xf32>,
      %slice3A_662 = vector.extract_strided_slice %get3A_222 {offsets = [13], sizes = [1], strides = [1]} : vector<16xi32> to vector<1xi32>
      %squeeze3A_663 = vector.extract %slice3A_662[0] : i32 from vector<1xi32>
      %add3A_664 = arith.constant 13 : i32
      %add3A_665 = arith.addi %add3A_220, %add3A_664 : i32
      %get3A_666 = arith.index_cast %add3A_665 : i32 to index
      %get3A_667 = arith.constant 0 : index
      %get3A_668 = tpu.vector_load %arg9[%get3A_666, %get3A_667] {strides = array<i32>} : memref<512x32xf32, #tpu.memory_space<vmem>>, vector<1x16xf32>,
      %get3A_669 = vector.shape_cast %get3A_668 : vector<1x16xf32> to vector<16xf32>
      %get3A_670 = arith.index_cast %squeeze3A_663 : i32 to index
      %get3A_671 = arith.constant 0 : index
      %get3A_672 = tpu.vector_load %arg10[%get3A_670, %get3A_671] {strides = array<i32>} : memref<5x32xf32, #tpu.memory_space<vmem>>, vector<1x16xf32>,
      %get3A_673 = vector.shape_cast %get3A_672 : vector<1x16xf32> to vector<16xf32>
      %add3A_674 = arith.addf %get3A_669, %get3A_673 : vector<16xf32>
      %swap3A_675 = arith.index_cast %add3A_665 : i32 to index
      %swap3A_676 = arith.constant 0 : index
      %swap3A_677 = tpu.vector_load %arg9[%swap3A_675, %swap3A_676] {strides = array<i32>} : memref<512x32xf32, #tpu.memory_space<vmem>>, vector<1x16xf32>,
      %swap3A_678 = vector.shape_cast %swap3A_677 : vector<1x16xf32> to vector<16xf32>
      %swap3A_679 = vector.shape_cast %add3A_674 : vector<16xf32> to vector<1x16xf32>
      tpu.vector_store %arg9[%swap3A_675, %swap3A_676], %swap3A_679 {strides = array<i32>} : memref<512x32xf32, #tpu.memory_space<vmem>>, vector<1x16xf32>,
      %add3A_680 = arith.constant 13 : i32
      %add3A_681 = arith.addi %add3A_220, %add3A_680 : i32
      %get3A_682 = arith.index_cast %add3A_681 : i32 to index
      %get3A_683 = arith.constant 16 : index
      %get3A_684 = tpu.vector_load %arg9[%get3A_682, %get3A_683] {strides = array<i32>} : memref<512x32xf32, #tpu.memory_space<vmem>>, vector<1x16xf32>,
      %get3A_685 = vector.shape_cast %get3A_684 : vector<1x16xf32> to vector<16xf32>
      %get3A_686 = arith.index_cast %squeeze3A_663 : i32 to index
      %get3A_687 = arith.constant 16 : index
      %get3A_688 = tpu.vector_load %arg10[%get3A_686, %get3A_687] {strides = array<i32>} : memref<5x32xf32, #tpu.memory_space<vmem>>, vector<1x16xf32>,
      %get3A_689 = vector.shape_cast %get3A_688 : vector<1x16xf32> to vector<16xf32>
      %add3A_690 = arith.addf %get3A_685, %get3A_689 : vector<16xf32>
      %swap3A_691 = arith.index_cast %add3A_681 : i32 to index
      %swap3A_692 = arith.constant 16 : index
      %swap3A_693 = tpu.vector_load %arg9[%swap3A_691, %swap3A_692] {strides = array<i32>} : memref<512x32xf32, #tpu.memory_space<vmem>>, vector<1x16xf32>,
      %swap3A_694 = vector.shape_cast %swap3A_693 : vector<1x16xf32> to vector<16xf32>
      %swap3A_695 = vector.shape_cast %add3A_690 : vector<16xf32> to vector<1x16xf32>
      tpu.vector_store %arg9[%swap3A_691, %swap3A_692], %swap3A_695 {strides = array<i32>} : memref<512x32xf32, #tpu.memory_space<vmem>>, vector<1x16xf32>,
      %slice3A_696 = vector.extract_strided_slice %get3A_222 {offsets = [14], sizes = [1], strides = [1]} : vector<16xi32> to vector<1xi32>
      %squeeze3A_697 = vector.extract %slice3A_696[0] : i32 from vector<1xi32>
      %add3A_698 = arith.constant 14 : i32
      %add3A_699 = arith.addi %add3A_220, %add3A_698 : i32
      %get3A_700 = arith.index_cast %add3A_699 : i32 to index
      %get3A_701 = arith.constant 0 : index
      %get3A_702 = tpu.vector_load %arg9[%get3A_700, %get3A_701] {strides = array<i32>} : memref<512x32xf32, #tpu.memory_space<vmem>>, vector<1x16xf32>,
      %get3A_703 = vector.shape_cast %get3A_702 : vector<1x16xf32> to vector<16xf32>
      %get3A_704 = arith.index_cast %squeeze3A_697 : i32 to index
      %get3A_705 = arith.constant 0 : index
      %get3A_706 = tpu.vector_load %arg10[%get3A_704, %get3A_705] {strides = array<i32>} : memref<5x32xf32, #tpu.memory_space<vmem>>, vector<1x16xf32>,
      %get3A_707 = vector.shape_cast %get3A_706 : vector<1x16xf32> to vector<16xf32>
      %add3A_708 = arith.addf %get3A_703, %get3A_707 : vector<16xf32>
      %swap3A_709 = arith.index_cast %add3A_699 : i32 to index
      %swap3A_710 = arith.constant 0 : index
      %swap3A_711 = tpu.vector_load %arg9[%swap3A_709, %swap3A_710] {strides = array<i32>} : memref<512x32xf32, #tpu.memory_space<vmem>>, vector<1x16xf32>,
      %swap3A_712 = vector.shape_cast %swap3A_711 : vector<1x16xf32> to vector<16xf32>
      %swap3A_713 = vector.shape_cast %add3A_708 : vector<16xf32> to vector<1x16xf32>
      tpu.vector_store %arg9[%swap3A_709, %swap3A_710], %swap3A_713 {strides = array<i32>} : memref<512x32xf32, #tpu.memory_space<vmem>>, vector<1x16xf32>,
      %add3A_714 = arith.constant 14 : i32
      %add3A_715 = arith.addi %add3A_220, %add3A_714 : i32
      %get3A_716 = arith.index_cast %add3A_715 : i32 to index
      %get3A_717 = arith.constant 16 : index
      %get3A_718 = tpu.vector_load %arg9[%get3A_716, %get3A_717] {strides = array<i32>} : memref<512x32xf32, #tpu.memory_space<vmem>>, vector<1x16xf32>,
      %get3A_719 = vector.shape_cast %get3A_718 : vector<1x16xf32> to vector<16xf32>
      %get3A_720 = arith.index_cast %squeeze3A_697 : i32 to index
      %get3A_721 = arith.constant 16 : index
      %get3A_722 = tpu.vector_load %arg10[%get3A_720, %get3A_721] {strides = array<i32>} : memref<5x32xf32, #tpu.memory_space<vmem>>, vector<1x16xf32>,
      %get3A_723 = vector.shape_cast %get3A_722 : vector<1x16xf32> to vector<16xf32>
      %add3A_724 = arith.addf %get3A_719, %get3A_723 : vector<16xf32>
      %swap3A_725 = arith.index_cast %add3A_715 : i32 to index
      %swap3A_726 = arith.constant 16 : index
      %swap3A_727 = tpu.vector_load %arg9[%swap3A_725, %swap3A_726] {strides = array<i32>} : memref<512x32xf32, #tpu.memory_space<vmem>>, vector<1x16xf32>,
      %swap3A_728 = vector.shape_cast %swap3A_727 : vector<1x16xf32> to vector<16xf32>
      %swap3A_729 = vector.shape_cast %add3A_724 : vector<16xf32> to vector<1x16xf32>
      tpu.vector_store %arg9[%swap3A_725, %swap3A_726], %swap3A_729 {strides = array<i32>} : memref<512x32xf32, #tpu.memory_space<vmem>>, vector<1x16xf32>,
      %slice3A_730 = vector.extract_strided_slice %get3A_222 {offsets = [15], sizes = [1], strides = [1]} : vector<16xi32> to vector<1xi32>
      %squeeze3A_731 = vector.extract %slice3A_730[0] : i32 from vector<1xi32>
      %add3A_732 = arith.constant 15 : i32
      %add3A_733 = arith.addi %add3A_220, %add3A_732 : i32
      %get3A_734 = arith.index_cast %add3A_733 : i32 to index
      %get3A_735 = arith.constant 0 : index
      %get3A_736 = tpu.vector_load %arg9[%get3A_734, %get3A_735] {strides = array<i32>} : memref<512x32xf32, #tpu.memory_space<vmem>>, vector<1x16xf32>,
      %get3A_737 = vector.shape_cast %get3A_736 : vector<1x16xf32> to vector<16xf32>
      %get3A_738 = arith.index_cast %squeeze3A_731 : i32 to index
      %get3A_739 = arith.constant 0 : index
      %get3A_740 = tpu.vector_load %arg10[%get3A_738, %get3A_739] {strides = array<i32>} : memref<5x32xf32, #tpu.memory_space<vmem>>, vector<1x16xf32>,
      %get3A_741 = vector.shape_cast %get3A_740 : vector<1x16xf32> to vector<16xf32>
      %add3A_742 = arith.addf %get3A_737, %get3A_741 : vector<16xf32>
      %swap3A_743 = arith.index_cast %add3A_733 : i32 to index
      %swap3A_744 = arith.constant 0 : index
      %swap3A_745 = tpu.vector_load %arg9[%swap3A_743, %swap3A_744] {strides = array<i32>} : memref<512x32xf32, #tpu.memory_space<vmem>>, vector<1x16xf32>,
      %swap3A_746 = vector.shape_cast %swap3A_745 : vector<1x16xf32> to vector<16xf32>
      %swap3A_747 = vector.shape_cast %add3A_742 : vector<16xf32> to vector<1x16xf32>
      tpu.vector_store %arg9[%swap3A_743, %swap3A_744], %swap3A_747 {strides = array<i32>} : memref<512x32xf32, #tpu.memory_space<vmem>>, vector<1x16xf32>,
      %add3A_748 = arith.constant 15 : i32
      %add3A_749 = arith.addi %add3A_220, %add3A_748 : i32
      %get3A_750 = arith.index_cast %add3A_749 : i32 to index
      %get3A_751 = arith.constant 16 : index
      %get3A_752 = tpu.vector_load %arg9[%get3A_750, %get3A_751] {strides = array<i32>} : memref<512x32xf32, #tpu.memory_space<vmem>>, vector<1x16xf32>,
      %get3A_753 = vector.shape_cast %get3A_752 : vector<1x16xf32> to vector<16xf32>
      %get3A_754 = arith.index_cast %squeeze3A_731 : i32 to index
      %get3A_755 = arith.constant 16 : index
      %get3A_756 = tpu.vector_load %arg10[%get3A_754, %get3A_755] {strides = array<i32>} : memref<5x32xf32, #tpu.memory_space<vmem>>, vector<1x16xf32>,
      %get3A_757 = vector.shape_cast %get3A_756 : vector<1x16xf32> to vector<16xf32>
      %add3A_758 = arith.addf %get3A_753, %get3A_757 : vector<16xf32>
      %swap3A_759 = arith.index_cast %add3A_749 : i32 to index
      %swap3A_760 = arith.constant 16 : index
      %swap3A_761 = tpu.vector_load %arg9[%swap3A_759, %swap3A_760] {strides = array<i32>} : memref<512x32xf32, #tpu.memory_space<vmem>>, vector<1x16xf32>,
      %swap3A_762 = vector.shape_cast %swap3A_761 : vector<1x16xf32> to vector<16xf32>
      %swap3A_763 = vector.shape_cast %add3A_758 : vector<16xf32> to vector<1x16xf32>
      tpu.vector_store %arg9[%swap3A_759, %swap3A_760], %swap3A_763 {strides = array<i32>} : memref<512x32xf32, #tpu.memory_space<vmem>>, vector<1x16xf32>,
    }
    %scan3A_109 = arith.constant 8 : i32
    %add3A_110 = arith.constant 128 : i32
    %add3A_111 = arith.addi %mul3A_2, %add3A_110 : i32
    %dma_start3A_112 = arith.constant 128 : i32
    %dma_start3A_113 = arith.constant 0 : i32
    %dma_start3A_114 = tpu.memref_slice %arg9[%dma_start3A_112, %dma_start3A_113] : memref<512x32xf32, #tpu.memory_space<vmem>> -> memref<128x32xf32, #tpu.memory_space<vmem>>
    %dma_start3A_115 = arith.constant 0 : i32
    %dma_start3A_116 = tpu.memref_slice %arg6[%add3A_111, %dma_start3A_115] : memref<16384x32xf32, #tpu.memory_space<hbm>> -> memref<128x32xf32, #tpu.memory_space<hbm>>
    %dma_start3A_117 = arith.constant 0 : i32
    %dma_start3A_118 = tpu.memref_slice %arg6[%add3A_111, %dma_start3A_117] : memref<16384x32xf32, #tpu.memory_space<hbm>> -> memref<128x32xf32, #tpu.memory_space<hbm>>
    %dma_start3A_119 = arith.constant 128 : i32
    %dma_start3A_120 = arith.constant 0 : i32
    %dma_start3A_121 = tpu.memref_slice %arg9[%dma_start3A_119, %dma_start3A_120] : memref<512x32xf32, #tpu.memory_space<vmem>> -> memref<128x32xf32, #tpu.memory_space<vmem>>
    tpu.enqueue_dma source(%dma_start3A_121 : memref<128x32xf32, #tpu.memory_space<vmem>>) target(%dma_start3A_118 : memref<128x32xf32, #tpu.memory_space<hbm>>) target_semaphore(%arg12 : memref<!tpu.dma_semaphore, #tpu.memory_space<semaphore_mem>>)
    %dma_wait3A_122 = arith.constant 256 : i32
    %dma_wait3A_123 = arith.constant 0 : i32
    %dma_wait3A_124 = tpu.memref_slice %arg9[%dma_wait3A_122, %dma_wait3A_123] : memref<512x32xf32, #tpu.memory_space<vmem>> -> memref<128x32xf32, #tpu.memory_space<vmem>>
    %dma_wait3A_125 = arith.constant 0 : i32
    %dma_wait3A_126 = tpu.memref_slice %arg6[%mul3A_2, %dma_wait3A_125] : memref<16384x32xf32, #tpu.memory_space<hbm>> -> memref<128x32xf32, #tpu.memory_space<hbm>>
    %dma_wait3A_127 = arith.constant 256 : i32
    %dma_wait3A_128 = arith.constant 0 : i32
    %dma_wait3A_129 = tpu.memref_slice %arg9[%dma_wait3A_127, %dma_wait3A_128] : memref<512x32xf32, #tpu.memory_space<vmem>> -> memref<128x32xf32, #tpu.memory_space<vmem>>
    %dma_wait3A_130 = arith.constant 0 : i32
    %dma_wait3A_131 = tpu.memref_slice %arg6[%mul3A_2, %dma_wait3A_130] : memref<16384x32xf32, #tpu.memory_space<hbm>> -> memref<128x32xf32, #tpu.memory_space<hbm>>
    tpu.wait_dma2 semaphore(%arg15 : memref<!tpu.dma_semaphore, #tpu.memory_space<semaphore_mem>>) src(%dma_wait3A_131 : memref<128x32xf32, #tpu.memory_space<hbm>>) dst(%dma_wait3A_129 : memref<128x32xf32, #tpu.memory_space<vmem>>)
    %scan3A_132 = arith.constant 0 : i32
    %scan3A_133 = arith.constant 8 : i32
    %scan3A_134 = arith.addi %scan3A_132, %scan3A_133 : i32
    %scan3A_135 = arith.constant 1 : i32
    scf.for %scan3A_216 = %scan3A_132 to %scan3A_134 step %scan3A_135  : i32 {
      %mul3A_217 = arith.constant 16 : i32
      %mul3A_218 = arith.muli %scan3A_216, %mul3A_217 : i32
      %add3A_219 = arith.constant 256 : i32
      %add3A_220 = arith.addi %add3A_219, %mul3A_218 : i32
      %get3A = arith.index_cast %add3A_220 : i32 to index
      %get3A_221 = tpu.vector_load %arg8[%get3A] {strides = array<i32>} : memref<512xi32, #tpu.memory_space<vmem>>, vector<16xi32>,
      %get3A_222 = vector.shape_cast %get3A_221 : vector<16xi32> to vector<16xi32>
      %slice3A = vector.extract_strided_slice %get3A_222 {offsets = [0], sizes = [1], strides = [1]} : vector<16xi32> to vector<1xi32>
      %squeeze3A = vector.extract %slice3A[0] : i32 from vector<1xi32>
      %add3A_223 = arith.constant 0 : i32
      %add3A_224 = arith.addi %add3A_220, %add3A_223 : i32
      %get3A_225 = arith.index_cast %add3A_224 : i32 to index
      %get3A_226 = arith.constant 0 : index
      %get3A_227 = tpu.vector_load %arg9[%get3A_225, %get3A_226] {strides = array<i32>} : memref<512x32xf32, #tpu.memory_space<vmem>>, vector<1x16xf32>,
      %get3A_228 = vector.shape_cast %get3A_227 : vector<1x16xf32> to vector<16xf32>
      %get3A_229 = arith.index_cast %squeeze3A : i32 to index
      %get3A_230 = arith.constant 0 : index
      %get3A_231 = tpu.vector_load %arg10[%get3A_229, %get3A_230] {strides = array<i32>} : memref<5x32xf32, #tpu.memory_space<vmem>>, vector<1x16xf32>,
      %get3A_232 = vector.shape_cast %get3A_231 : vector<1x16xf32> to vector<16xf32>
      %add3A_233 = arith.addf %get3A_228, %get3A_232 : vector<16xf32>
      %swap3A = arith.index_cast %add3A_224 : i32 to index
      %swap3A_234 = arith.constant 0 : index
      %swap3A_235 = tpu.vector_load %arg9[%swap3A, %swap3A_234] {strides = array<i32>} : memref<512x32xf32, #tpu.memory_space<vmem>>, vector<1x16xf32>,
      %swap3A_236 = vector.shape_cast %swap3A_235 : vector<1x16xf32> to vector<16xf32>
      %swap3A_237 = vector.shape_cast %add3A_233 : vector<16xf32> to vector<1x16xf32>
      tpu.vector_store %arg9[%swap3A, %swap3A_234], %swap3A_237 {strides = array<i32>} : memref<512x32xf32, #tpu.memory_space<vmem>>, vector<1x16xf32>,
      %add3A_238 = arith.constant 0 : i32
      %add3A_239 = arith.addi %add3A_220, %add3A_238 : i32
      %get3A_240 = arith.index_cast %add3A_239 : i32 to index
      %get3A_241 = arith.constant 16 : index
      %get3A_242 = tpu.vector_load %arg9[%get3A_240, %get3A_241] {strides = array<i32>} : memref<512x32xf32, #tpu.memory_space<vmem>>, vector<1x16xf32>,
      %get3A_243 = vector.shape_cast %get3A_242 : vector<1x16xf32> to vector<16xf32>
      %get3A_244 = arith.index_cast %squeeze3A : i32 to index
      %get3A_245 = arith.constant 16 : index
      %get3A_246 = tpu.vector_load %arg10[%get3A_244, %get3A_245] {strides = array<i32>} : memref<5x32xf32, #tpu.memory_space<vmem>>, vector<1x16xf32>,
      %get3A_247 = vector.shape_cast %get3A_246 : vector<1x16xf32> to vector<16xf32>
      %add3A_248 = arith.addf %get3A_243, %get3A_247 : vector<16xf32>
      %swap3A_249 = arith.index_cast %add3A_239 : i32 to index
      %swap3A_250 = arith.constant 16 : index
      %swap3A_251 = tpu.vector_load %arg9[%swap3A_249, %swap3A_250] {strides = array<i32>} : memref<512x32xf32, #tpu.memory_space<vmem>>, vector<1x16xf32>,
      %swap3A_252 = vector.shape_cast %swap3A_251 : vector<1x16xf32> to vector<16xf32>
      %swap3A_253 = vector.shape_cast %add3A_248 : vector<16xf32> to vector<1x16xf32>
      tpu.vector_store %arg9[%swap3A_249, %swap3A_250], %swap3A_253 {strides = array<i32>} : memref<512x32xf32, #tpu.memory_space<vmem>>, vector<1x16xf32>,
      %slice3A_254 = vector.extract_strided_slice %get3A_222 {offsets = [1], sizes = [1], strides = [1]} : vector<16xi32> to vector<1xi32>
      %squeeze3A_255 = vector.extract %slice3A_254[0] : i32 from vector<1xi32>
      %add3A_256 = arith.constant 1 : i32
      %add3A_257 = arith.addi %add3A_220, %add3A_256 : i32
      %get3A_258 = arith.index_cast %add3A_257 : i32 to index
      %get3A_259 = arith.constant 0 : index
      %get3A_260 = tpu.vector_load %arg9[%get3A_258, %get3A_259] {strides = array<i32>} : memref<512x32xf32, #tpu.memory_space<vmem>>, vector<1x16xf32>,
      %get3A_261 = vector.shape_cast %get3A_260 : vector<1x16xf32> to vector<16xf32>
      %get3A_262 = arith.index_cast %squeeze3A_255 : i32 to index
      %get3A_263 = arith.constant 0 : index
      %get3A_264 = tpu.vector_load %arg10[%get3A_262, %get3A_263] {strides = array<i32>} : memref<5x32xf32, #tpu.memory_space<vmem>>, vector<1x16xf32>,
      %get3A_265 = vector.shape_cast %get3A_264 : vector<1x16xf32> to vector<16xf32>
      %add3A_266 = arith.addf %get3A_261, %get3A_265 : vector<16xf32>
      %swap3A_267 = arith.index_cast %add3A_257 : i32 to index
      %swap3A_268 = arith.constant 0 : index
      %swap3A_269 = tpu.vector_load %arg9[%swap3A_267, %swap3A_268] {strides = array<i32>} : memref<512x32xf32, #tpu.memory_space<vmem>>, vector<1x16xf32>,
      %swap3A_270 = vector.shape_cast %swap3A_269 : vector<1x16xf32> to vector<16xf32>
      %swap3A_271 = vector.shape_cast %add3A_266 : vector<16xf32> to vector<1x16xf32>
      tpu.vector_store %arg9[%swap3A_267, %swap3A_268], %swap3A_271 {strides = array<i32>} : memref<512x32xf32, #tpu.memory_space<vmem>>, vector<1x16xf32>,
      %add3A_272 = arith.constant 1 : i32
      %add3A_273 = arith.addi %add3A_220, %add3A_272 : i32
      %get3A_274 = arith.index_cast %add3A_273 : i32 to index
      %get3A_275 = arith.constant 16 : index
      %get3A_276 = tpu.vector_load %arg9[%get3A_274, %get3A_275] {strides = array<i32>} : memref<512x32xf32, #tpu.memory_space<vmem>>, vector<1x16xf32>,
      %get3A_277 = vector.shape_cast %get3A_276 : vector<1x16xf32> to vector<16xf32>
      %get3A_278 = arith.index_cast %squeeze3A_255 : i32 to index
      %get3A_279 = arith.constant 16 : index
      %get3A_280 = tpu.vector_load %arg10[%get3A_278, %get3A_279] {strides = array<i32>} : memref<5x32xf32, #tpu.memory_space<vmem>>, vector<1x16xf32>,
      %get3A_281 = vector.shape_cast %get3A_280 : vector<1x16xf32> to vector<16xf32>
      %add3A_282 = arith.addf %get3A_277, %get3A_281 : vector<16xf32>
      %swap3A_283 = arith.index_cast %add3A_273 : i32 to index
      %swap3A_284 = arith.constant 16 : index
      %swap3A_285 = tpu.vector_load %arg9[%swap3A_283, %swap3A_284] {strides = array<i32>} : memref<512x32xf32, #tpu.memory_space<vmem>>, vector<1x16xf32>,
      %swap3A_286 = vector.shape_cast %swap3A_285 : vector<1x16xf32> to vector<16xf32>
      %swap3A_287 = vector.shape_cast %add3A_282 : vector<16xf32> to vector<1x16xf32>
      tpu.vector_store %arg9[%swap3A_283, %swap3A_284], %swap3A_287 {strides = array<i32>} : memref<512x32xf32, #tpu.memory_space<vmem>>, vector<1x16xf32>,
      %slice3A_288 = vector.extract_strided_slice %get3A_222 {offsets = [2], sizes = [1], strides = [1]} : vector<16xi32> to vector<1xi32>
      %squeeze3A_289 = vector.extract %slice3A_288[0] : i32 from vector<1xi32>
      %add3A_290 = arith.constant 2 : i32
      %add3A_291 = arith.addi %add3A_220, %add3A_290 : i32
      %get3A_292 = arith.index_cast %add3A_291 : i32 to index
      %get3A_293 = arith.constant 0 : index
      %get3A_294 = tpu.vector_load %arg9[%get3A_292, %get3A_293] {strides = array<i32>} : memref<512x32xf32, #tpu.memory_space<vmem>>, vector<1x16xf32>,
      %get3A_295 = vector.shape_cast %get3A_294 : vector<1x16xf32> to vector<16xf32>
      %get3A_296 = arith.index_cast %squeeze3A_289 : i32 to index
      %get3A_297 = arith.constant 0 : index
      %get3A_298 = tpu.vector_load %arg10[%get3A_296, %get3A_297] {strides = array<i32>} : memref<5x32xf32, #tpu.memory_space<vmem>>, vector<1x16xf32>,
      %get3A_299 = vector.shape_cast %get3A_298 : vector<1x16xf32> to vector<16xf32>
      %add3A_300 = arith.addf %get3A_295, %get3A_299 : vector<16xf32>
      %swap3A_301 = arith.index_cast %add3A_291 : i32 to index
      %swap3A_302 = arith.constant 0 : index
      %swap3A_303 = tpu.vector_load %arg9[%swap3A_301, %swap3A_302] {strides = array<i32>} : memref<512x32xf32, #tpu.memory_space<vmem>>, vector<1x16xf32>,
      %swap3A_304 = vector.shape_cast %swap3A_303 : vector<1x16xf32> to vector<16xf32>
      %swap3A_305 = vector.shape_cast %add3A_300 : vector<16xf32> to vector<1x16xf32>
      tpu.vector_store %arg9[%swap3A_301, %swap3A_302], %swap3A_305 {strides = array<i32>} : memref<512x32xf32, #tpu.memory_space<vmem>>, vector<1x16xf32>,
      %add3A_306 = arith.constant 2 : i32
      %add3A_307 = arith.addi %add3A_220, %add3A_306 : i32
      %get3A_308 = arith.index_cast %add3A_307 : i32 to index
      %get3A_309 = arith.constant 16 : index
      %get3A_310 = tpu.vector_load %arg9[%get3A_308, %get3A_309] {strides = array<i32>} : memref<512x32xf32, #tpu.memory_space<vmem>>, vector<1x16xf32>,
      %get3A_311 = vector.shape_cast %get3A_310 : vector<1x16xf32> to vector<16xf32>
      %get3A_312 = arith.index_cast %squeeze3A_289 : i32 to index
      %get3A_313 = arith.constant 16 : index
      %get3A_314 = tpu.vector_load %arg10[%get3A_312, %get3A_313] {strides = array<i32>} : memref<5x32xf32, #tpu.memory_space<vmem>>, vector<1x16xf32>,
      %get3A_315 = vector.shape_cast %get3A_314 : vector<1x16xf32> to vector<16xf32>
      %add3A_316 = arith.addf %get3A_311, %get3A_315 : vector<16xf32>
      %swap3A_317 = arith.index_cast %add3A_307 : i32 to index
      %swap3A_318 = arith.constant 16 : index
      %swap3A_319 = tpu.vector_load %arg9[%swap3A_317, %swap3A_318] {strides = array<i32>} : memref<512x32xf32, #tpu.memory_space<vmem>>, vector<1x16xf32>,
      %swap3A_320 = vector.shape_cast %swap3A_319 : vector<1x16xf32> to vector<16xf32>
      %swap3A_321 = vector.shape_cast %add3A_316 : vector<16xf32> to vector<1x16xf32>
      tpu.vector_store %arg9[%swap3A_317, %swap3A_318], %swap3A_321 {strides = array<i32>} : memref<512x32xf32, #tpu.memory_space<vmem>>, vector<1x16xf32>,
      %slice3A_322 = vector.extract_strided_slice %get3A_222 {offsets = [3], sizes = [1], strides = [1]} : vector<16xi32> to vector<1xi32>
      %squeeze3A_323 = vector.extract %slice3A_322[0] : i32 from vector<1xi32>
      %add3A_324 = arith.constant 3 : i32
      %add3A_325 = arith.addi %add3A_220, %add3A_324 : i32
      %get3A_326 = arith.index_cast %add3A_325 : i32 to index
      %get3A_327 = arith.constant 0 : index
      %get3A_328 = tpu.vector_load %arg9[%get3A_326, %get3A_327] {strides = array<i32>} : memref<512x32xf32, #tpu.memory_space<vmem>>, vector<1x16xf32>,
      %get3A_329 = vector.shape_cast %get3A_328 : vector<1x16xf32> to vector<16xf32>
      %get3A_330 = arith.index_cast %squeeze3A_323 : i32 to index
      %get3A_331 = arith.constant 0 : index
      %get3A_332 = tpu.vector_load %arg10[%get3A_330, %get3A_331] {strides = array<i32>} : memref<5x32xf32, #tpu.memory_space<vmem>>, vector<1x16xf32>,
      %get3A_333 = vector.shape_cast %get3A_332 : vector<1x16xf32> to vector<16xf32>
      %add3A_334 = arith.addf %get3A_329, %get3A_333 : vector<16xf32>
      %swap3A_335 = arith.index_cast %add3A_325 : i32 to index
      %swap3A_336 = arith.constant 0 : index
      %swap3A_337 = tpu.vector_load %arg9[%swap3A_335, %swap3A_336] {strides = array<i32>} : memref<512x32xf32, #tpu.memory_space<vmem>>, vector<1x16xf32>,
      %swap3A_338 = vector.shape_cast %swap3A_337 : vector<1x16xf32> to vector<16xf32>
      %swap3A_339 = vector.shape_cast %add3A_334 : vector<16xf32> to vector<1x16xf32>
      tpu.vector_store %arg9[%swap3A_335, %swap3A_336], %swap3A_339 {strides = array<i32>} : memref<512x32xf32, #tpu.memory_space<vmem>>, vector<1x16xf32>,
      %add3A_340 = arith.constant 3 : i32
      %add3A_341 = arith.addi %add3A_220, %add3A_340 : i32
      %get3A_342 = arith.index_cast %add3A_341 : i32 to index
      %get3A_343 = arith.constant 16 : index
      %get3A_344 = tpu.vector_load %arg9[%get3A_342, %get3A_343] {strides = array<i32>} : memref<512x32xf32, #tpu.memory_space<vmem>>, vector<1x16xf32>,
      %get3A_345 = vector.shape_cast %get3A_344 : vector<1x16xf32> to vector<16xf32>
      %get3A_346 = arith.index_cast %squeeze3A_323 : i32 to index
      %get3A_347 = arith.constant 16 : index
      %get3A_348 = tpu.vector_load %arg10[%get3A_346, %get3A_347] {strides = array<i32>} : memref<5x32xf32, #tpu.memory_space<vmem>>, vector<1x16xf32>,
      %get3A_349 = vector.shape_cast %get3A_348 : vector<1x16xf32> to vector<16xf32>
      %add3A_350 = arith.addf %get3A_345, %get3A_349 : vector<16xf32>
      %swap3A_351 = arith.index_cast %add3A_341 : i32 to index
      %swap3A_352 = arith.constant 16 : index
      %swap3A_353 = tpu.vector_load %arg9[%swap3A_351, %swap3A_352] {strides = array<i32>} : memref<512x32xf32, #tpu.memory_space<vmem>>, vector<1x16xf32>,
      %swap3A_354 = vector.shape_cast %swap3A_353 : vector<1x16xf32> to vector<16xf32>
      %swap3A_355 = vector.shape_cast %add3A_350 : vector<16xf32> to vector<1x16xf32>
      tpu.vector_store %arg9[%swap3A_351, %swap3A_352], %swap3A_355 {strides = array<i32>} : memref<512x32xf32, #tpu.memory_space<vmem>>, vector<1x16xf32>,
      %slice3A_356 = vector.extract_strided_slice %get3A_222 {offsets = [4], sizes = [1], strides = [1]} : vector<16xi32> to vector<1xi32>
      %squeeze3A_357 = vector.extract %slice3A_356[0] : i32 from vector<1xi32>
      %add3A_358 = arith.constant 4 : i32
      %add3A_359 = arith.addi %add3A_220, %add3A_358 : i32
      %get3A_360 = arith.index_cast %add3A_359 : i32 to index
      %get3A_361 = arith.constant 0 : index
      %get3A_362 = tpu.vector_load %arg9[%get3A_360, %get3A_361] {strides = array<i32>} : memref<512x32xf32, #tpu.memory_space<vmem>>, vector<1x16xf32>,
      %get3A_363 = vector.shape_cast %get3A_362 : vector<1x16xf32> to vector<16xf32>
      %get3A_364 = arith.index_cast %squeeze3A_357 : i32 to index
      %get3A_365 = arith.constant 0 : index
      %get3A_366 = tpu.vector_load %arg10[%get3A_364, %get3A_365] {strides = array<i32>} : memref<5x32xf32, #tpu.memory_space<vmem>>, vector<1x16xf32>,
      %get3A_367 = vector.shape_cast %get3A_366 : vector<1x16xf32> to vector<16xf32>
      %add3A_368 = arith.addf %get3A_363, %get3A_367 : vector<16xf32>
      %swap3A_369 = arith.index_cast %add3A_359 : i32 to index
      %swap3A_370 = arith.constant 0 : index
      %swap3A_371 = tpu.vector_load %arg9[%swap3A_369, %swap3A_370] {strides = array<i32>} : memref<512x32xf32, #tpu.memory_space<vmem>>, vector<1x16xf32>,
      %swap3A_372 = vector.shape_cast %swap3A_371 : vector<1x16xf32> to vector<16xf32>
      %swap3A_373 = vector.shape_cast %add3A_368 : vector<16xf32> to vector<1x16xf32>
      tpu.vector_store %arg9[%swap3A_369, %swap3A_370], %swap3A_373 {strides = array<i32>} : memref<512x32xf32, #tpu.memory_space<vmem>>, vector<1x16xf32>,
      %add3A_374 = arith.constant 4 : i32
      %add3A_375 = arith.addi %add3A_220, %add3A_374 : i32
      %get3A_376 = arith.index_cast %add3A_375 : i32 to index
      %get3A_377 = arith.constant 16 : index
      %get3A_378 = tpu.vector_load %arg9[%get3A_376, %get3A_377] {strides = array<i32>} : memref<512x32xf32, #tpu.memory_space<vmem>>, vector<1x16xf32>,
      %get3A_379 = vector.shape_cast %get3A_378 : vector<1x16xf32> to vector<16xf32>
      %get3A_380 = arith.index_cast %squeeze3A_357 : i32 to index
      %get3A_381 = arith.constant 16 : index
      %get3A_382 = tpu.vector_load %arg10[%get3A_380, %get3A_381] {strides = array<i32>} : memref<5x32xf32, #tpu.memory_space<vmem>>, vector<1x16xf32>,
      %get3A_383 = vector.shape_cast %get3A_382 : vector<1x16xf32> to vector<16xf32>
      %add3A_384 = arith.addf %get3A_379, %get3A_383 : vector<16xf32>
      %swap3A_385 = arith.index_cast %add3A_375 : i32 to index
      %swap3A_386 = arith.constant 16 : index
      %swap3A_387 = tpu.vector_load %arg9[%swap3A_385, %swap3A_386] {strides = array<i32>} : memref<512x32xf32, #tpu.memory_space<vmem>>, vector<1x16xf32>,
      %swap3A_388 = vector.shape_cast %swap3A_387 : vector<1x16xf32> to vector<16xf32>
      %swap3A_389 = vector.shape_cast %add3A_384 : vector<16xf32> to vector<1x16xf32>
      tpu.vector_store %arg9[%swap3A_385, %swap3A_386], %swap3A_389 {strides = array<i32>} : memref<512x32xf32, #tpu.memory_space<vmem>>, vector<1x16xf32>,
      %slice3A_390 = vector.extract_strided_slice %get3A_222 {offsets = [5], sizes = [1], strides = [1]} : vector<16xi32> to vector<1xi32>
      %squeeze3A_391 = vector.extract %slice3A_390[0] : i32 from vector<1xi32>
      %add3A_392 = arith.constant 5 : i32
      %add3A_393 = arith.addi %add3A_220, %add3A_392 : i32
      %get3A_394 = arith.index_cast %add3A_393 : i32 to index
      %get3A_395 = arith.constant 0 : index
      %get3A_396 = tpu.vector_load %arg9[%get3A_394, %get3A_395] {strides = array<i32>} : memref<512x32xf32, #tpu.memory_space<vmem>>, vector<1x16xf32>,
      %get3A_397 = vector.shape_cast %get3A_396 : vector<1x16xf32> to vector<16xf32>
      %get3A_398 = arith.index_cast %squeeze3A_391 : i32 to index
      %get3A_399 = arith.constant 0 : index
      %get3A_400 = tpu.vector_load %arg10[%get3A_398, %get3A_399] {strides = array<i32>} : memref<5x32xf32, #tpu.memory_space<vmem>>, vector<1x16xf32>,
      %get3A_401 = vector.shape_cast %get3A_400 : vector<1x16xf32> to vector<16xf32>
      %add3A_402 = arith.addf %get3A_397, %get3A_401 : vector<16xf32>
      %swap3A_403 = arith.index_cast %add3A_393 : i32 to index
      %swap3A_404 = arith.constant 0 : index
      %swap3A_405 = tpu.vector_load %arg9[%swap3A_403, %swap3A_404] {strides = array<i32>} : memref<512x32xf32, #tpu.memory_space<vmem>>, vector<1x16xf32>,
      %swap3A_406 = vector.shape_cast %swap3A_405 : vector<1x16xf32> to vector<16xf32>
      %swap3A_407 = vector.shape_cast %add3A_402 : vector<16xf32> to vector<1x16xf32>
      tpu.vector_store %arg9[%swap3A_403, %swap3A_404], %swap3A_407 {strides = array<i32>} : memref<512x32xf32, #tpu.memory_space<vmem>>, vector<1x16xf32>,
      %add3A_408 = arith.constant 5 : i32
      %add3A_409 = arith.addi %add3A_220, %add3A_408 : i32
      %get3A_410 = arith.index_cast %add3A_409 : i32 to index
      %get3A_411 = arith.constant 16 : index
      %get3A_412 = tpu.vector_load %arg9[%get3A_410, %get3A_411] {strides = array<i32>} : memref<512x32xf32, #tpu.memory_space<vmem>>, vector<1x16xf32>,
      %get3A_413 = vector.shape_cast %get3A_412 : vector<1x16xf32> to vector<16xf32>
      %get3A_414 = arith.index_cast %squeeze3A_391 : i32 to index
      %get3A_415 = arith.constant 16 : index
      %get3A_416 = tpu.vector_load %arg10[%get3A_414, %get3A_415] {strides = array<i32>} : memref<5x32xf32, #tpu.memory_space<vmem>>, vector<1x16xf32>,
      %get3A_417 = vector.shape_cast %get3A_416 : vector<1x16xf32> to vector<16xf32>
      %add3A_418 = arith.addf %get3A_413, %get3A_417 : vector<16xf32>
      %swap3A_419 = arith.index_cast %add3A_409 : i32 to index
      %swap3A_420 = arith.constant 16 : index
      %swap3A_421 = tpu.vector_load %arg9[%swap3A_419, %swap3A_420] {strides = array<i32>} : memref<512x32xf32, #tpu.memory_space<vmem>>, vector<1x16xf32>,
      %swap3A_422 = vector.shape_cast %swap3A_421 : vector<1x16xf32> to vector<16xf32>
      %swap3A_423 = vector.shape_cast %add3A_418 : vector<16xf32> to vector<1x16xf32>
      tpu.vector_store %arg9[%swap3A_419, %swap3A_420], %swap3A_423 {strides = array<i32>} : memref<512x32xf32, #tpu.memory_space<vmem>>, vector<1x16xf32>,
      %slice3A_424 = vector.extract_strided_slice %get3A_222 {offsets = [6], sizes = [1], strides = [1]} : vector<16xi32> to vector<1xi32>
      %squeeze3A_425 = vector.extract %slice3A_424[0] : i32 from vector<1xi32>
      %add3A_426 = arith.constant 6 : i32
      %add3A_427 = arith.addi %add3A_220, %add3A_426 : i32
      %get3A_428 = arith.index_cast %add3A_427 : i32 to index
      %get3A_429 = arith.constant 0 : index
      %get3A_430 = tpu.vector_load %arg9[%get3A_428, %get3A_429] {strides = array<i32>} : memref<512x32xf32, #tpu.memory_space<vmem>>, vector<1x16xf32>,
      %get3A_431 = vector.shape_cast %get3A_430 : vector<1x16xf32> to vector<16xf32>
      %get3A_432 = arith.index_cast %squeeze3A_425 : i32 to index
      %get3A_433 = arith.constant 0 : index
      %get3A_434 = tpu.vector_load %arg10[%get3A_432, %get3A_433] {strides = array<i32>} : memref<5x32xf32, #tpu.memory_space<vmem>>, vector<1x16xf32>,
      %get3A_435 = vector.shape_cast %get3A_434 : vector<1x16xf32> to vector<16xf32>
      %add3A_436 = arith.addf %get3A_431, %get3A_435 : vector<16xf32>
      %swap3A_437 = arith.index_cast %add3A_427 : i32 to index
      %swap3A_438 = arith.constant 0 : index
      %swap3A_439 = tpu.vector_load %arg9[%swap3A_437, %swap3A_438] {strides = array<i32>} : memref<512x32xf32, #tpu.memory_space<vmem>>, vector<1x16xf32>,
      %swap3A_440 = vector.shape_cast %swap3A_439 : vector<1x16xf32> to vector<16xf32>
      %swap3A_441 = vector.shape_cast %add3A_436 : vector<16xf32> to vector<1x16xf32>
      tpu.vector_store %arg9[%swap3A_437, %swap3A_438], %swap3A_441 {strides = array<i32>} : memref<512x32xf32, #tpu.memory_space<vmem>>, vector<1x16xf32>,
      %add3A_442 = arith.constant 6 : i32
      %add3A_443 = arith.addi %add3A_220, %add3A_442 : i32
      %get3A_444 = arith.index_cast %add3A_443 : i32 to index
      %get3A_445 = arith.constant 16 : index
      %get3A_446 = tpu.vector_load %arg9[%get3A_444, %get3A_445] {strides = array<i32>} : memref<512x32xf32, #tpu.memory_space<vmem>>, vector<1x16xf32>,
      %get3A_447 = vector.shape_cast %get3A_446 : vector<1x16xf32> to vector<16xf32>
      %get3A_448 = arith.index_cast %squeeze3A_425 : i32 to index
      %get3A_449 = arith.constant 16 : index
      %get3A_450 = tpu.vector_load %arg10[%get3A_448, %get3A_449] {strides = array<i32>} : memref<5x32xf32, #tpu.memory_space<vmem>>, vector<1x16xf32>,
      %get3A_451 = vector.shape_cast %get3A_450 : vector<1x16xf32> to vector<16xf32>
      %add3A_452 = arith.addf %get3A_447, %get3A_451 : vector<16xf32>
      %swap3A_453 = arith.index_cast %add3A_443 : i32 to index
      %swap3A_454 = arith.constant 16 : index
      %swap3A_455 = tpu.vector_load %arg9[%swap3A_453, %swap3A_454] {strides = array<i32>} : memref<512x32xf32, #tpu.memory_space<vmem>>, vector<1x16xf32>,
      %swap3A_456 = vector.shape_cast %swap3A_455 : vector<1x16xf32> to vector<16xf32>
      %swap3A_457 = vector.shape_cast %add3A_452 : vector<16xf32> to vector<1x16xf32>
      tpu.vector_store %arg9[%swap3A_453, %swap3A_454], %swap3A_457 {strides = array<i32>} : memref<512x32xf32, #tpu.memory_space<vmem>>, vector<1x16xf32>,
      %slice3A_458 = vector.extract_strided_slice %get3A_222 {offsets = [7], sizes = [1], strides = [1]} : vector<16xi32> to vector<1xi32>
      %squeeze3A_459 = vector.extract %slice3A_458[0] : i32 from vector<1xi32>
      %add3A_460 = arith.constant 7 : i32
      %add3A_461 = arith.addi %add3A_220, %add3A_460 : i32
      %get3A_462 = arith.index_cast %add3A_461 : i32 to index
      %get3A_463 = arith.constant 0 : index
      %get3A_464 = tpu.vector_load %arg9[%get3A_462, %get3A_463] {strides = array<i32>} : memref<512x32xf32, #tpu.memory_space<vmem>>, vector<1x16xf32>,
      %get3A_465 = vector.shape_cast %get3A_464 : vector<1x16xf32> to vector<16xf32>
      %get3A_466 = arith.index_cast %squeeze3A_459 : i32 to index
      %get3A_467 = arith.constant 0 : index
      %get3A_468 = tpu.vector_load %arg10[%get3A_466, %get3A_467] {strides = array<i32>} : memref<5x32xf32, #tpu.memory_space<vmem>>, vector<1x16xf32>,
      %get3A_469 = vector.shape_cast %get3A_468 : vector<1x16xf32> to vector<16xf32>
      %add3A_470 = arith.addf %get3A_465, %get3A_469 : vector<16xf32>
      %swap3A_471 = arith.index_cast %add3A_461 : i32 to index
      %swap3A_472 = arith.constant 0 : index
      %swap3A_473 = tpu.vector_load %arg9[%swap3A_471, %swap3A_472] {strides = array<i32>} : memref<512x32xf32, #tpu.memory_space<vmem>>, vector<1x16xf32>,
      %swap3A_474 = vector.shape_cast %swap3A_473 : vector<1x16xf32> to vector<16xf32>
      %swap3A_475 = vector.shape_cast %add3A_470 : vector<16xf32> to vector<1x16xf32>
      tpu.vector_store %arg9[%swap3A_471, %swap3A_472], %swap3A_475 {strides = array<i32>} : memref<512x32xf32, #tpu.memory_space<vmem>>, vector<1x16xf32>,
      %add3A_476 = arith.constant 7 : i32
      %add3A_477 = arith.addi %add3A_220, %add3A_476 : i32
      %get3A_478 = arith.index_cast %add3A_477 : i32 to index
      %get3A_479 = arith.constant 16 : index
      %get3A_480 = tpu.vector_load %arg9[%get3A_478, %get3A_479] {strides = array<i32>} : memref<512x32xf32, #tpu.memory_space<vmem>>, vector<1x16xf32>,
      %get3A_481 = vector.shape_cast %get3A_480 : vector<1x16xf32> to vector<16xf32>
      %get3A_482 = arith.index_cast %squeeze3A_459 : i32 to index
      %get3A_483 = arith.constant 16 : index
      %get3A_484 = tpu.vector_load %arg10[%get3A_482, %get3A_483] {strides = array<i32>} : memref<5x32xf32, #tpu.memory_space<vmem>>, vector<1x16xf32>,
      %get3A_485 = vector.shape_cast %get3A_484 : vector<1x16xf32> to vector<16xf32>
      %add3A_486 = arith.addf %get3A_481, %get3A_485 : vector<16xf32>
      %swap3A_487 = arith.index_cast %add3A_477 : i32 to index
      %swap3A_488 = arith.constant 16 : index
      %swap3A_489 = tpu.vector_load %arg9[%swap3A_487, %swap3A_488] {strides = array<i32>} : memref<512x32xf32, #tpu.memory_space<vmem>>, vector<1x16xf32>,
      %swap3A_490 = vector.shape_cast %swap3A_489 : vector<1x16xf32> to vector<16xf32>
      %swap3A_491 = vector.shape_cast %add3A_486 : vector<16xf32> to vector<1x16xf32>
      tpu.vector_store %arg9[%swap3A_487, %swap3A_488], %swap3A_491 {strides = array<i32>} : memref<512x32xf32, #tpu.memory_space<vmem>>, vector<1x16xf32>,
      %slice3A_492 = vector.extract_strided_slice %get3A_222 {offsets = [8], sizes = [1], strides = [1]} : vector<16xi32> to vector<1xi32>
      %squeeze3A_493 = vector.extract %slice3A_492[0] : i32 from vector<1xi32>
      %add3A_494 = arith.constant 8 : i32
      %add3A_495 = arith.addi %add3A_220, %add3A_494 : i32
      %get3A_496 = arith.index_cast %add3A_495 : i32 to index
      %get3A_497 = arith.constant 0 : index
      %get3A_498 = tpu.vector_load %arg9[%get3A_496, %get3A_497] {strides = array<i32>} : memref<512x32xf32, #tpu.memory_space<vmem>>, vector<1x16xf32>,
      %get3A_499 = vector.shape_cast %get3A_498 : vector<1x16xf32> to vector<16xf32>
      %get3A_500 = arith.index_cast %squeeze3A_493 : i32 to index
      %get3A_501 = arith.constant 0 : index
      %get3A_502 = tpu.vector_load %arg10[%get3A_500, %get3A_501] {strides = array<i32>} : memref<5x32xf32, #tpu.memory_space<vmem>>, vector<1x16xf32>,
      %get3A_503 = vector.shape_cast %get3A_502 : vector<1x16xf32> to vector<16xf32>
      %add3A_504 = arith.addf %get3A_499, %get3A_503 : vector<16xf32>
      %swap3A_505 = arith.index_cast %add3A_495 : i32 to index
      %swap3A_506 = arith.constant 0 : index
      %swap3A_507 = tpu.vector_load %arg9[%swap3A_505, %swap3A_506] {strides = array<i32>} : memref<512x32xf32, #tpu.memory_space<vmem>>, vector<1x16xf32>,
      %swap3A_508 = vector.shape_cast %swap3A_507 : vector<1x16xf32> to vector<16xf32>
      %swap3A_509 = vector.shape_cast %add3A_504 : vector<16xf32> to vector<1x16xf32>
      tpu.vector_store %arg9[%swap3A_505, %swap3A_506], %swap3A_509 {strides = array<i32>} : memref<512x32xf32, #tpu.memory_space<vmem>>, vector<1x16xf32>,
      %add3A_510 = arith.constant 8 : i32
      %add3A_511 = arith.addi %add3A_220, %add3A_510 : i32
      %get3A_512 = arith.index_cast %add3A_511 : i32 to index
      %get3A_513 = arith.constant 16 : index
      %get3A_514 = tpu.vector_load %arg9[%get3A_512, %get3A_513] {strides = array<i32>} : memref<512x32xf32, #tpu.memory_space<vmem>>, vector<1x16xf32>,
      %get3A_515 = vector.shape_cast %get3A_514 : vector<1x16xf32> to vector<16xf32>
      %get3A_516 = arith.index_cast %squeeze3A_493 : i32 to index
      %get3A_517 = arith.constant 16 : index
      %get3A_518 = tpu.vector_load %arg10[%get3A_516, %get3A_517] {strides = array<i32>} : memref<5x32xf32, #tpu.memory_space<vmem>>, vector<1x16xf32>,
      %get3A_519 = vector.shape_cast %get3A_518 : vector<1x16xf32> to vector<16xf32>
      %add3A_520 = arith.addf %get3A_515, %get3A_519 : vector<16xf32>
      %swap3A_521 = arith.index_cast %add3A_511 : i32 to index
      %swap3A_522 = arith.constant 16 : index
      %swap3A_523 = tpu.vector_load %arg9[%swap3A_521, %swap3A_522] {strides = array<i32>} : memref<512x32xf32, #tpu.memory_space<vmem>>, vector<1x16xf32>,
      %swap3A_524 = vector.shape_cast %swap3A_523 : vector<1x16xf32> to vector<16xf32>
      %swap3A_525 = vector.shape_cast %add3A_520 : vector<16xf32> to vector<1x16xf32>
      tpu.vector_store %arg9[%swap3A_521, %swap3A_522], %swap3A_525 {strides = array<i32>} : memref<512x32xf32, #tpu.memory_space<vmem>>, vector<1x16xf32>,
      %slice3A_526 = vector.extract_strided_slice %get3A_222 {offsets = [9], sizes = [1], strides = [1]} : vector<16xi32> to vector<1xi32>
      %squeeze3A_527 = vector.extract %slice3A_526[0] : i32 from vector<1xi32>
      %add3A_528 = arith.constant 9 : i32
      %add3A_529 = arith.addi %add3A_220, %add3A_528 : i32
      %get3A_530 = arith.index_cast %add3A_529 : i32 to index
      %get3A_531 = arith.constant 0 : index
      %get3A_532 = tpu.vector_load %arg9[%get3A_530, %get3A_531] {strides = array<i32>} : memref<512x32xf32, #tpu.memory_space<vmem>>, vector<1x16xf32>,
      %get3A_533 = vector.shape_cast %get3A_532 : vector<1x16xf32> to vector<16xf32>
      %get3A_534 = arith.index_cast %squeeze3A_527 : i32 to index
      %get3A_535 = arith.constant 0 : index
      %get3A_536 = tpu.vector_load %arg10[%get3A_534, %get3A_535] {strides = array<i32>} : memref<5x32xf32, #tpu.memory_space<vmem>>, vector<1x16xf32>,
      %get3A_537 = vector.shape_cast %get3A_536 : vector<1x16xf32> to vector<16xf32>
      %add3A_538 = arith.addf %get3A_533, %get3A_537 : vector<16xf32>
      %swap3A_539 = arith.index_cast %add3A_529 : i32 to index
      %swap3A_540 = arith.constant 0 : index
      %swap3A_541 = tpu.vector_load %arg9[%swap3A_539, %swap3A_540] {strides = array<i32>} : memref<512x32xf32, #tpu.memory_space<vmem>>, vector<1x16xf32>,
      %swap3A_542 = vector.shape_cast %swap3A_541 : vector<1x16xf32> to vector<16xf32>
      %swap3A_543 = vector.shape_cast %add3A_538 : vector<16xf32> to vector<1x16xf32>
      tpu.vector_store %arg9[%swap3A_539, %swap3A_540], %swap3A_543 {strides = array<i32>} : memref<512x32xf32, #tpu.memory_space<vmem>>, vector<1x16xf32>,
      %add3A_544 = arith.constant 9 : i32
      %add3A_545 = arith.addi %add3A_220, %add3A_544 : i32
      %get3A_546 = arith.index_cast %add3A_545 : i32 to index
      %get3A_547 = arith.constant 16 : index
      %get3A_548 = tpu.vector_load %arg9[%get3A_546, %get3A_547] {strides = array<i32>} : memref<512x32xf32, #tpu.memory_space<vmem>>, vector<1x16xf32>,
      %get3A_549 = vector.shape_cast %get3A_548 : vector<1x16xf32> to vector<16xf32>
      %get3A_550 = arith.index_cast %squeeze3A_527 : i32 to index
      %get3A_551 = arith.constant 16 : index
      %get3A_552 = tpu.vector_load %arg10[%get3A_550, %get3A_551] {strides = array<i32>} : memref<5x32xf32, #tpu.memory_space<vmem>>, vector<1x16xf32>,
      %get3A_553 = vector.shape_cast %get3A_552 : vector<1x16xf32> to vector<16xf32>
      %add3A_554 = arith.addf %get3A_549, %get3A_553 : vector<16xf32>
      %swap3A_555 = arith.index_cast %add3A_545 : i32 to index
      %swap3A_556 = arith.constant 16 : index
      %swap3A_557 = tpu.vector_load %arg9[%swap3A_555, %swap3A_556] {strides = array<i32>} : memref<512x32xf32, #tpu.memory_space<vmem>>, vector<1x16xf32>,
      %swap3A_558 = vector.shape_cast %swap3A_557 : vector<1x16xf32> to vector<16xf32>
      %swap3A_559 = vector.shape_cast %add3A_554 : vector<16xf32> to vector<1x16xf32>
      tpu.vector_store %arg9[%swap3A_555, %swap3A_556], %swap3A_559 {strides = array<i32>} : memref<512x32xf32, #tpu.memory_space<vmem>>, vector<1x16xf32>,
      %slice3A_560 = vector.extract_strided_slice %get3A_222 {offsets = [10], sizes = [1], strides = [1]} : vector<16xi32> to vector<1xi32>
      %squeeze3A_561 = vector.extract %slice3A_560[0] : i32 from vector<1xi32>
      %add3A_562 = arith.constant 10 : i32
      %add3A_563 = arith.addi %add3A_220, %add3A_562 : i32
      %get3A_564 = arith.index_cast %add3A_563 : i32 to index
      %get3A_565 = arith.constant 0 : index
      %get3A_566 = tpu.vector_load %arg9[%get3A_564, %get3A_565] {strides = array<i32>} : memref<512x32xf32, #tpu.memory_space<vmem>>, vector<1x16xf32>,
      %get3A_567 = vector.shape_cast %get3A_566 : vector<1x16xf32> to vector<16xf32>
      %get3A_568 = arith.index_cast %squeeze3A_561 : i32 to index
      %get3A_569 = arith.constant 0 : index
      %get3A_570 = tpu.vector_load %arg10[%get3A_568, %get3A_569] {strides = array<i32>} : memref<5x32xf32, #tpu.memory_space<vmem>>, vector<1x16xf32>,
      %get3A_571 = vector.shape_cast %get3A_570 : vector<1x16xf32> to vector<16xf32>
      %add3A_572 = arith.addf %get3A_567, %get3A_571 : vector<16xf32>
      %swap3A_573 = arith.index_cast %add3A_563 : i32 to index
      %swap3A_574 = arith.constant 0 : index
      %swap3A_575 = tpu.vector_load %arg9[%swap3A_573, %swap3A_574] {strides = array<i32>} : memref<512x32xf32, #tpu.memory_space<vmem>>, vector<1x16xf32>,
      %swap3A_576 = vector.shape_cast %swap3A_575 : vector<1x16xf32> to vector<16xf32>
      %swap3A_577 = vector.shape_cast %add3A_572 : vector<16xf32> to vector<1x16xf32>
      tpu.vector_store %arg9[%swap3A_573, %swap3A_574], %swap3A_577 {strides = array<i32>} : memref<512x32xf32, #tpu.memory_space<vmem>>, vector<1x16xf32>,
      %add3A_578 = arith.constant 10 : i32
      %add3A_579 = arith.addi %add3A_220, %add3A_578 : i32
      %get3A_580 = arith.index_cast %add3A_579 : i32 to index
      %get3A_581 = arith.constant 16 : index
      %get3A_582 = tpu.vector_load %arg9[%get3A_580, %get3A_581] {strides = array<i32>} : memref<512x32xf32, #tpu.memory_space<vmem>>, vector<1x16xf32>,
      %get3A_583 = vector.shape_cast %get3A_582 : vector<1x16xf32> to vector<16xf32>
      %get3A_584 = arith.index_cast %squeeze3A_561 : i32 to index
      %get3A_585 = arith.constant 16 : index
      %get3A_586 = tpu.vector_load %arg10[%get3A_584, %get3A_585] {strides = array<i32>} : memref<5x32xf32, #tpu.memory_space<vmem>>, vector<1x16xf32>,
      %get3A_587 = vector.shape_cast %get3A_586 : vector<1x16xf32> to vector<16xf32>
      %add3A_588 = arith.addf %get3A_583, %get3A_587 : vector<16xf32>
      %swap3A_589 = arith.index_cast %add3A_579 : i32 to index
      %swap3A_590 = arith.constant 16 : index
      %swap3A_591 = tpu.vector_load %arg9[%swap3A_589, %swap3A_590] {strides = array<i32>} : memref<512x32xf32, #tpu.memory_space<vmem>>, vector<1x16xf32>,
      %swap3A_592 = vector.shape_cast %swap3A_591 : vector<1x16xf32> to vector<16xf32>
      %swap3A_593 = vector.shape_cast %add3A_588 : vector<16xf32> to vector<1x16xf32>
      tpu.vector_store %arg9[%swap3A_589, %swap3A_590], %swap3A_593 {strides = array<i32>} : memref<512x32xf32, #tpu.memory_space<vmem>>, vector<1x16xf32>,
      %slice3A_594 = vector.extract_strided_slice %get3A_222 {offsets = [11], sizes = [1], strides = [1]} : vector<16xi32> to vector<1xi32>
      %squeeze3A_595 = vector.extract %slice3A_594[0] : i32 from vector<1xi32>
      %add3A_596 = arith.constant 11 : i32
      %add3A_597 = arith.addi %add3A_220, %add3A_596 : i32
      %get3A_598 = arith.index_cast %add3A_597 : i32 to index
      %get3A_599 = arith.constant 0 : index
      %get3A_600 = tpu.vector_load %arg9[%get3A_598, %get3A_599] {strides = array<i32>} : memref<512x32xf32, #tpu.memory_space<vmem>>, vector<1x16xf32>,
      %get3A_601 = vector.shape_cast %get3A_600 : vector<1x16xf32> to vector<16xf32>
      %get3A_602 = arith.index_cast %squeeze3A_595 : i32 to index
      %get3A_603 = arith.constant 0 : index
      %get3A_604 = tpu.vector_load %arg10[%get3A_602, %get3A_603] {strides = array<i32>} : memref<5x32xf32, #tpu.memory_space<vmem>>, vector<1x16xf32>,
      %get3A_605 = vector.shape_cast %get3A_604 : vector<1x16xf32> to vector<16xf32>
      %add3A_606 = arith.addf %get3A_601, %get3A_605 : vector<16xf32>
      %swap3A_607 = arith.index_cast %add3A_597 : i32 to index
      %swap3A_608 = arith.constant 0 : index
      %swap3A_609 = tpu.vector_load %arg9[%swap3A_607, %swap3A_608] {strides = array<i32>} : memref<512x32xf32, #tpu.memory_space<vmem>>, vector<1x16xf32>,
      %swap3A_610 = vector.shape_cast %swap3A_609 : vector<1x16xf32> to vector<16xf32>
      %swap3A_611 = vector.shape_cast %add3A_606 : vector<16xf32> to vector<1x16xf32>
      tpu.vector_store %arg9[%swap3A_607, %swap3A_608], %swap3A_611 {strides = array<i32>} : memref<512x32xf32, #tpu.memory_space<vmem>>, vector<1x16xf32>,
      %add3A_612 = arith.constant 11 : i32
      %add3A_613 = arith.addi %add3A_220, %add3A_612 : i32
      %get3A_614 = arith.index_cast %add3A_613 : i32 to index
      %get3A_615 = arith.constant 16 : index
      %get3A_616 = tpu.vector_load %arg9[%get3A_614, %get3A_615] {strides = array<i32>} : memref<512x32xf32, #tpu.memory_space<vmem>>, vector<1x16xf32>,
      %get3A_617 = vector.shape_cast %get3A_616 : vector<1x16xf32> to vector<16xf32>
      %get3A_618 = arith.index_cast %squeeze3A_595 : i32 to index
      %get3A_619 = arith.constant 16 : index
      %get3A_620 = tpu.vector_load %arg10[%get3A_618, %get3A_619] {strides = array<i32>} : memref<5x32xf32, #tpu.memory_space<vmem>>, vector<1x16xf32>,
      %get3A_621 = vector.shape_cast %get3A_620 : vector<1x16xf32> to vector<16xf32>
      %add3A_622 = arith.addf %get3A_617, %get3A_621 : vector<16xf32>
      %swap3A_623 = arith.index_cast %add3A_613 : i32 to index
      %swap3A_624 = arith.constant 16 : index
      %swap3A_625 = tpu.vector_load %arg9[%swap3A_623, %swap3A_624] {strides = array<i32>} : memref<512x32xf32, #tpu.memory_space<vmem>>, vector<1x16xf32>,
      %swap3A_626 = vector.shape_cast %swap3A_625 : vector<1x16xf32> to vector<16xf32>
      %swap3A_627 = vector.shape_cast %add3A_622 : vector<16xf32> to vector<1x16xf32>
      tpu.vector_store %arg9[%swap3A_623, %swap3A_624], %swap3A_627 {strides = array<i32>} : memref<512x32xf32, #tpu.memory_space<vmem>>, vector<1x16xf32>,
      %slice3A_628 = vector.extract_strided_slice %get3A_222 {offsets = [12], sizes = [1], strides = [1]} : vector<16xi32> to vector<1xi32>
      %squeeze3A_629 = vector.extract %slice3A_628[0] : i32 from vector<1xi32>
      %add3A_630 = arith.constant 12 : i32
      %add3A_631 = arith.addi %add3A_220, %add3A_630 : i32
      %get3A_632 = arith.index_cast %add3A_631 : i32 to index
      %get3A_633 = arith.constant 0 : index
      %get3A_634 = tpu.vector_load %arg9[%get3A_632, %get3A_633] {strides = array<i32>} : memref<512x32xf32, #tpu.memory_space<vmem>>, vector<1x16xf32>,
      %get3A_635 = vector.shape_cast %get3A_634 : vector<1x16xf32> to vector<16xf32>
      %get3A_636 = arith.index_cast %squeeze3A_629 : i32 to index
      %get3A_637 = arith.constant 0 : index
      %get3A_638 = tpu.vector_load %arg10[%get3A_636, %get3A_637] {strides = array<i32>} : memref<5x32xf32, #tpu.memory_space<vmem>>, vector<1x16xf32>,
      %get3A_639 = vector.shape_cast %get3A_638 : vector<1x16xf32> to vector<16xf32>
      %add3A_640 = arith.addf %get3A_635, %get3A_639 : vector<16xf32>
      %swap3A_641 = arith.index_cast %add3A_631 : i32 to index
      %swap3A_642 = arith.constant 0 : index
      %swap3A_643 = tpu.vector_load %arg9[%swap3A_641, %swap3A_642] {strides = array<i32>} : memref<512x32xf32, #tpu.memory_space<vmem>>, vector<1x16xf32>,
      %swap3A_644 = vector.shape_cast %swap3A_643 : vector<1x16xf32> to vector<16xf32>
      %swap3A_645 = vector.shape_cast %add3A_640 : vector<16xf32> to vector<1x16xf32>
      tpu.vector_store %arg9[%swap3A_641, %swap3A_642], %swap3A_645 {strides = array<i32>} : memref<512x32xf32, #tpu.memory_space<vmem>>, vector<1x16xf32>,
      %add3A_646 = arith.constant 12 : i32
      %add3A_647 = arith.addi %add3A_220, %add3A_646 : i32
      %get3A_648 = arith.index_cast %add3A_647 : i32 to index
      %get3A_649 = arith.constant 16 : index
      %get3A_650 = tpu.vector_load %arg9[%get3A_648, %get3A_649] {strides = array<i32>} : memref<512x32xf32, #tpu.memory_space<vmem>>, vector<1x16xf32>,
      %get3A_651 = vector.shape_cast %get3A_650 : vector<1x16xf32> to vector<16xf32>
      %get3A_652 = arith.index_cast %squeeze3A_629 : i32 to index
      %get3A_653 = arith.constant 16 : index
      %get3A_654 = tpu.vector_load %arg10[%get3A_652, %get3A_653] {strides = array<i32>} : memref<5x32xf32, #tpu.memory_space<vmem>>, vector<1x16xf32>,
      %get3A_655 = vector.shape_cast %get3A_654 : vector<1x16xf32> to vector<16xf32>
      %add3A_656 = arith.addf %get3A_651, %get3A_655 : vector<16xf32>
      %swap3A_657 = arith.index_cast %add3A_647 : i32 to index
      %swap3A_658 = arith.constant 16 : index
      %swap3A_659 = tpu.vector_load %arg9[%swap3A_657, %swap3A_658] {strides = array<i32>} : memref<512x32xf32, #tpu.memory_space<vmem>>, vector<1x16xf32>,
      %swap3A_660 = vector.shape_cast %swap3A_659 : vector<1x16xf32> to vector<16xf32>
      %swap3A_661 = vector.shape_cast %add3A_656 : vector<16xf32> to vector<1x16xf32>
      tpu.vector_store %arg9[%swap3A_657, %swap3A_658], %swap3A_661 {strides = array<i32>} : memref<512x32xf32, #tpu.memory_space<vmem>>, vector<1x16xf32>,
      %slice3A_662 = vector.extract_strided_slice %get3A_222 {offsets = [13], sizes = [1], strides = [1]} : vector<16xi32> to vector<1xi32>
      %squeeze3A_663 = vector.extract %slice3A_662[0] : i32 from vector<1xi32>
      %add3A_664 = arith.constant 13 : i32
      %add3A_665 = arith.addi %add3A_220, %add3A_664 : i32
      %get3A_666 = arith.index_cast %add3A_665 : i32 to index
      %get3A_667 = arith.constant 0 : index
      %get3A_668 = tpu.vector_load %arg9[%get3A_666, %get3A_667] {strides = array<i32>} : memref<512x32xf32, #tpu.memory_space<vmem>>, vector<1x16xf32>,
      %get3A_669 = vector.shape_cast %get3A_668 : vector<1x16xf32> to vector<16xf32>
      %get3A_670 = arith.index_cast %squeeze3A_663 : i32 to index
      %get3A_671 = arith.constant 0 : index
      %get3A_672 = tpu.vector_load %arg10[%get3A_670, %get3A_671] {strides = array<i32>} : memref<5x32xf32, #tpu.memory_space<vmem>>, vector<1x16xf32>,
      %get3A_673 = vector.shape_cast %get3A_672 : vector<1x16xf32> to vector<16xf32>
      %add3A_674 = arith.addf %get3A_669, %get3A_673 : vector<16xf32>
      %swap3A_675 = arith.index_cast %add3A_665 : i32 to index
      %swap3A_676 = arith.constant 0 : index
      %swap3A_677 = tpu.vector_load %arg9[%swap3A_675, %swap3A_676] {strides = array<i32>} : memref<512x32xf32, #tpu.memory_space<vmem>>, vector<1x16xf32>,
      %swap3A_678 = vector.shape_cast %swap3A_677 : vector<1x16xf32> to vector<16xf32>
      %swap3A_679 = vector.shape_cast %add3A_674 : vector<16xf32> to vector<1x16xf32>
      tpu.vector_store %arg9[%swap3A_675, %swap3A_676], %swap3A_679 {strides = array<i32>} : memref<512x32xf32, #tpu.memory_space<vmem>>, vector<1x16xf32>,
      %add3A_680 = arith.constant 13 : i32
      %add3A_681 = arith.addi %add3A_220, %add3A_680 : i32
      %get3A_682 = arith.index_cast %add3A_681 : i32 to index
      %get3A_683 = arith.constant 16 : index
      %get3A_684 = tpu.vector_load %arg9[%get3A_682, %get3A_683] {strides = array<i32>} : memref<512x32xf32, #tpu.memory_space<vmem>>, vector<1x16xf32>,
      %get3A_685 = vector.shape_cast %get3A_684 : vector<1x16xf32> to vector<16xf32>
      %get3A_686 = arith.index_cast %squeeze3A_663 : i32 to index
      %get3A_687 = arith.constant 16 : index
      %get3A_688 = tpu.vector_load %arg10[%get3A_686, %get3A_687] {strides = array<i32>} : memref<5x32xf32, #tpu.memory_space<vmem>>, vector<1x16xf32>,
      %get3A_689 = vector.shape_cast %get3A_688 : vector<1x16xf32> to vector<16xf32>
      %add3A_690 = arith.addf %get3A_685, %get3A_689 : vector<16xf32>
      %swap3A_691 = arith.index_cast %add3A_681 : i32 to index
      %swap3A_692 = arith.constant 16 : index
      %swap3A_693 = tpu.vector_load %arg9[%swap3A_691, %swap3A_692] {strides = array<i32>} : memref<512x32xf32, #tpu.memory_space<vmem>>, vector<1x16xf32>,
      %swap3A_694 = vector.shape_cast %swap3A_693 : vector<1x16xf32> to vector<16xf32>
      %swap3A_695 = vector.shape_cast %add3A_690 : vector<16xf32> to vector<1x16xf32>
      tpu.vector_store %arg9[%swap3A_691, %swap3A_692], %swap3A_695 {strides = array<i32>} : memref<512x32xf32, #tpu.memory_space<vmem>>, vector<1x16xf32>,
      %slice3A_696 = vector.extract_strided_slice %get3A_222 {offsets = [14], sizes = [1], strides = [1]} : vector<16xi32> to vector<1xi32>
      %squeeze3A_697 = vector.extract %slice3A_696[0] : i32 from vector<1xi32>
      %add3A_698 = arith.constant 14 : i32
      %add3A_699 = arith.addi %add3A_220, %add3A_698 : i32
      %get3A_700 = arith.index_cast %add3A_699 : i32 to index
      %get3A_701 = arith.constant 0 : index
      %get3A_702 = tpu.vector_load %arg9[%get3A_700, %get3A_701] {strides = array<i32>} : memref<512x32xf32, #tpu.memory_space<vmem>>, vector<1x16xf32>,
      %get3A_703 = vector.shape_cast %get3A_702 : vector<1x16xf32> to vector<16xf32>
      %get3A_704 = arith.index_cast %squeeze3A_697 : i32 to index
      %get3A_705 = arith.constant 0 : index
      %get3A_706 = tpu.vector_load %arg10[%get3A_704, %get3A_705] {strides = array<i32>} : memref<5x32xf32, #tpu.memory_space<vmem>>, vector<1x16xf32>,
      %get3A_707 = vector.shape_cast %get3A_706 : vector<1x16xf32> to vector<16xf32>
      %add3A_708 = arith.addf %get3A_703, %get3A_707 : vector<16xf32>
      %swap3A_709 = arith.index_cast %add3A_699 : i32 to index
      %swap3A_710 = arith.constant 0 : index
      %swap3A_711 = tpu.vector_load %arg9[%swap3A_709, %swap3A_710] {strides = array<i32>} : memref<512x32xf32, #tpu.memory_space<vmem>>, vector<1x16xf32>,
      %swap3A_712 = vector.shape_cast %swap3A_711 : vector<1x16xf32> to vector<16xf32>
      %swap3A_713 = vector.shape_cast %add3A_708 : vector<16xf32> to vector<1x16xf32>
      tpu.vector_store %arg9[%swap3A_709, %swap3A_710], %swap3A_713 {strides = array<i32>} : memref<512x32xf32, #tpu.memory_space<vmem>>, vector<1x16xf32>,
      %add3A_714 = arith.constant 14 : i32
      %add3A_715 = arith.addi %add3A_220, %add3A_714 : i32
      %get3A_716 = arith.index_cast %add3A_715 : i32 to index
      %get3A_717 = arith.constant 16 : index
      %get3A_718 = tpu.vector_load %arg9[%get3A_716, %get3A_717] {strides = array<i32>} : memref<512x32xf32, #tpu.memory_space<vmem>>, vector<1x16xf32>,
      %get3A_719 = vector.shape_cast %get3A_718 : vector<1x16xf32> to vector<16xf32>
      %get3A_720 = arith.index_cast %squeeze3A_697 : i32 to index
      %get3A_721 = arith.constant 16 : index
      %get3A_722 = tpu.vector_load %arg10[%get3A_720, %get3A_721] {strides = array<i32>} : memref<5x32xf32, #tpu.memory_space<vmem>>, vector<1x16xf32>,
      %get3A_723 = vector.shape_cast %get3A_722 : vector<1x16xf32> to vector<16xf32>
      %add3A_724 = arith.addf %get3A_719, %get3A_723 : vector<16xf32>
      %swap3A_725 = arith.index_cast %add3A_715 : i32 to index
      %swap3A_726 = arith.constant 16 : index
      %swap3A_727 = tpu.vector_load %arg9[%swap3A_725, %swap3A_726] {strides = array<i32>} : memref<512x32xf32, #tpu.memory_space<vmem>>, vector<1x16xf32>,
      %swap3A_728 = vector.shape_cast %swap3A_727 : vector<1x16xf32> to vector<16xf32>
      %swap3A_729 = vector.shape_cast %add3A_724 : vector<16xf32> to vector<1x16xf32>
      tpu.vector_store %arg9[%swap3A_725, %swap3A_726], %swap3A_729 {strides = array<i32>} : memref<512x32xf32, #tpu.memory_space<vmem>>, vector<1x16xf32>,
      %slice3A_730 = vector.extract_strided_slice %get3A_222 {offsets = [15], sizes = [1], strides = [1]} : vector<16xi32> to vector<1xi32>
      %squeeze3A_731 = vector.extract %slice3A_730[0] : i32 from vector<1xi32>
      %add3A_732 = arith.constant 15 : i32
      %add3A_733 = arith.addi %add3A_220, %add3A_732 : i32
      %get3A_734 = arith.index_cast %add3A_733 : i32 to index
      %get3A_735 = arith.constant 0 : index
      %get3A_736 = tpu.vector_load %arg9[%get3A_734, %get3A_735] {strides = array<i32>} : memref<512x32xf32, #tpu.memory_space<vmem>>, vector<1x16xf32>,
      %get3A_737 = vector.shape_cast %get3A_736 : vector<1x16xf32> to vector<16xf32>
      %get3A_738 = arith.index_cast %squeeze3A_731 : i32 to index
      %get3A_739 = arith.constant 0 : index
      %get3A_740 = tpu.vector_load %arg10[%get3A_738, %get3A_739] {strides = array<i32>} : memref<5x32xf32, #tpu.memory_space<vmem>>, vector<1x16xf32>,
      %get3A_741 = vector.shape_cast %get3A_740 : vector<1x16xf32> to vector<16xf32>
      %add3A_742 = arith.addf %get3A_737, %get3A_741 : vector<16xf32>
      %swap3A_743 = arith.index_cast %add3A_733 : i32 to index
      %swap3A_744 = arith.constant 0 : index
      %swap3A_745 = tpu.vector_load %arg9[%swap3A_743, %swap3A_744] {strides = array<i32>} : memref<512x32xf32, #tpu.memory_space<vmem>>, vector<1x16xf32>,
      %swap3A_746 = vector.shape_cast %swap3A_745 : vector<1x16xf32> to vector<16xf32>
      %swap3A_747 = vector.shape_cast %add3A_742 : vector<16xf32> to vector<1x16xf32>
      tpu.vector_store %arg9[%swap3A_743, %swap3A_744], %swap3A_747 {strides = array<i32>} : memref<512x32xf32, #tpu.memory_space<vmem>>, vector<1x16xf32>,
      %add3A_748 = arith.constant 15 : i32
      %add3A_749 = arith.addi %add3A_220, %add3A_748 : i32
      %get3A_750 = arith.index_cast %add3A_749 : i32 to index
      %get3A_751 = arith.constant 16 : index
      %get3A_752 = tpu.vector_load %arg9[%get3A_750, %get3A_751] {strides = array<i32>} : memref<512x32xf32, #tpu.memory_space<vmem>>, vector<1x16xf32>,
      %get3A_753 = vector.shape_cast %get3A_752 : vector<1x16xf32> to vector<16xf32>
      %get3A_754 = arith.index_cast %squeeze3A_731 : i32 to index
      %get3A_755 = arith.constant 16 : index
      %get3A_756 = tpu.vector_load %arg10[%get3A_754, %get3A_755] {strides = array<i32>} : memref<5x32xf32, #tpu.memory_space<vmem>>, vector<1x16xf32>,
      %get3A_757 = vector.shape_cast %get3A_756 : vector<1x16xf32> to vector<16xf32>
      %add3A_758 = arith.addf %get3A_753, %get3A_757 : vector<16xf32>
      %swap3A_759 = arith.index_cast %add3A_749 : i32 to index
      %swap3A_760 = arith.constant 16 : index
      %swap3A_761 = tpu.vector_load %arg9[%swap3A_759, %swap3A_760] {strides = array<i32>} : memref<512x32xf32, #tpu.memory_space<vmem>>, vector<1x16xf32>,
      %swap3A_762 = vector.shape_cast %swap3A_761 : vector<1x16xf32> to vector<16xf32>
      %swap3A_763 = vector.shape_cast %add3A_758 : vector<16xf32> to vector<1x16xf32>
      tpu.vector_store %arg9[%swap3A_759, %swap3A_760], %swap3A_763 {strides = array<i32>} : memref<512x32xf32, #tpu.memory_space<vmem>>, vector<1x16xf32>,
    }
    %scan3A_136 = arith.constant 8 : i32
    %add3A_137 = arith.constant 256 : i32
    %add3A_138 = arith.addi %mul3A_2, %add3A_137 : i32
    %dma_start3A_139 = arith.constant 256 : i32
    %dma_start3A_140 = arith.constant 0 : i32
    %dma_start3A_141 = tpu.memref_slice %arg9[%dma_start3A_139, %dma_start3A_140] : memref<512x32xf32, #tpu.memory_space<vmem>> -> memref<128x32xf32, #tpu.memory_space<vmem>>
    %dma_start3A_142 = arith.constant 0 : i32
    %dma_start3A_143 = tpu.memref_slice %arg6[%add3A_138, %dma_start3A_142] : memref<16384x32xf32, #tpu.memory_space<hbm>> -> memref<128x32xf32, #tpu.memory_space<hbm>>
    %dma_start3A_144 = arith.constant 0 : i32
    %dma_start3A_145 = tpu.memref_slice %arg6[%add3A_138, %dma_start3A_144] : memref<16384x32xf32, #tpu.memory_space<hbm>> -> memref<128x32xf32, #tpu.memory_space<hbm>>
    %dma_start3A_146 = arith.constant 256 : i32
    %dma_start3A_147 = arith.constant 0 : i32
    %dma_start3A_148 = tpu.memref_slice %arg9[%dma_start3A_146, %dma_start3A_147] : memref<512x32xf32, #tpu.memory_space<vmem>> -> memref<128x32xf32, #tpu.memory_space<vmem>>
    tpu.enqueue_dma source(%dma_start3A_148 : memref<128x32xf32, #tpu.memory_space<vmem>>) target(%dma_start3A_145 : memref<128x32xf32, #tpu.memory_space<hbm>>) target_semaphore(%arg12 : memref<!tpu.dma_semaphore, #tpu.memory_space<semaphore_mem>>)
    %dma_wait3A_149 = arith.constant 384 : i32
    %dma_wait3A_150 = arith.constant 0 : i32
    %dma_wait3A_151 = tpu.memref_slice %arg9[%dma_wait3A_149, %dma_wait3A_150] : memref<512x32xf32, #tpu.memory_space<vmem>> -> memref<128x32xf32, #tpu.memory_space<vmem>>
    %dma_wait3A_152 = arith.constant 0 : i32
    %dma_wait3A_153 = tpu.memref_slice %arg6[%mul3A_2, %dma_wait3A_152] : memref<16384x32xf32, #tpu.memory_space<hbm>> -> memref<128x32xf32, #tpu.memory_space<hbm>>
    %dma_wait3A_154 = arith.constant 384 : i32
    %dma_wait3A_155 = arith.constant 0 : i32
    %dma_wait3A_156 = tpu.memref_slice %arg9[%dma_wait3A_154, %dma_wait3A_155] : memref<512x32xf32, #tpu.memory_space<vmem>> -> memref<128x32xf32, #tpu.memory_space<vmem>>
    %dma_wait3A_157 = arith.constant 0 : i32
    %dma_wait3A_158 = tpu.memref_slice %arg6[%mul3A_2, %dma_wait3A_157] : memref<16384x32xf32, #tpu.memory_space<hbm>> -> memref<128x32xf32, #tpu.memory_space<hbm>>
    tpu.wait_dma2 semaphore(%arg16 : memref<!tpu.dma_semaphore, #tpu.memory_space<semaphore_mem>>) src(%dma_wait3A_158 : memref<128x32xf32, #tpu.memory_space<hbm>>) dst(%dma_wait3A_156 : memref<128x32xf32, #tpu.memory_space<vmem>>)
    %scan3A_159 = arith.constant 0 : i32
    %scan3A_160 = arith.constant 8 : i32
    %scan3A_161 = arith.addi %scan3A_159, %scan3A_160 : i32
    %scan3A_162 = arith.constant 1 : i32
    scf.for %scan3A_216 = %scan3A_159 to %scan3A_161 step %scan3A_162  : i32 {
      %mul3A_217 = arith.constant 16 : i32
      %mul3A_218 = arith.muli %scan3A_216, %mul3A_217 : i32
      %add3A_219 = arith.constant 384 : i32
      %add3A_220 = arith.addi %add3A_219, %mul3A_218 : i32
      %get3A = arith.index_cast %add3A_220 : i32 to index
      %get3A_221 = tpu.vector_load %arg8[%get3A] {strides = array<i32>} : memref<512xi32, #tpu.memory_space<vmem>>, vector<16xi32>,
      %get3A_222 = vector.shape_cast %get3A_221 : vector<16xi32> to vector<16xi32>
      %slice3A = vector.extract_strided_slice %get3A_222 {offsets = [0], sizes = [1], strides = [1]} : vector<16xi32> to vector<1xi32>
      %squeeze3A = vector.extract %slice3A[0] : i32 from vector<1xi32>
      %add3A_223 = arith.constant 0 : i32
      %add3A_224 = arith.addi %add3A_220, %add3A_223 : i32
      %get3A_225 = arith.index_cast %add3A_224 : i32 to index
      %get3A_226 = arith.constant 0 : index
      %get3A_227 = tpu.vector_load %arg9[%get3A_225, %get3A_226] {strides = array<i32>} : memref<512x32xf32, #tpu.memory_space<vmem>>, vector<1x16xf32>,
      %get3A_228 = vector.shape_cast %get3A_227 : vector<1x16xf32> to vector<16xf32>
      %get3A_229 = arith.index_cast %squeeze3A : i32 to index
      %get3A_230 = arith.constant 0 : index
      %get3A_231 = tpu.vector_load %arg10[%get3A_229, %get3A_230] {strides = array<i32>} : memref<5x32xf32, #tpu.memory_space<vmem>>, vector<1x16xf32>,
      %get3A_232 = vector.shape_cast %get3A_231 : vector<1x16xf32> to vector<16xf32>
      %add3A_233 = arith.addf %get3A_228, %get3A_232 : vector<16xf32>
      %swap3A = arith.index_cast %add3A_224 : i32 to index
      %swap3A_234 = arith.constant 0 : index
      %swap3A_235 = tpu.vector_load %arg9[%swap3A, %swap3A_234] {strides = array<i32>} : memref<512x32xf32, #tpu.memory_space<vmem>>, vector<1x16xf32>,
      %swap3A_236 = vector.shape_cast %swap3A_235 : vector<1x16xf32> to vector<16xf32>
      %swap3A_237 = vector.shape_cast %add3A_233 : vector<16xf32> to vector<1x16xf32>
      tpu.vector_store %arg9[%swap3A, %swap3A_234], %swap3A_237 {strides = array<i32>} : memref<512x32xf32, #tpu.memory_space<vmem>>, vector<1x16xf32>,
      %add3A_238 = arith.constant 0 : i32
      %add3A_239 = arith.addi %add3A_220, %add3A_238 : i32
      %get3A_240 = arith.index_cast %add3A_239 : i32 to index
      %get3A_241 = arith.constant 16 : index
      %get3A_242 = tpu.vector_load %arg9[%get3A_240, %get3A_241] {strides = array<i32>} : memref<512x32xf32, #tpu.memory_space<vmem>>, vector<1x16xf32>,
      %get3A_243 = vector.shape_cast %get3A_242 : vector<1x16xf32> to vector<16xf32>
      %get3A_244 = arith.index_cast %squeeze3A : i32 to index
      %get3A_245 = arith.constant 16 : index
      %get3A_246 = tpu.vector_load %arg10[%get3A_244, %get3A_245] {strides = array<i32>} : memref<5x32xf32, #tpu.memory_space<vmem>>, vector<1x16xf32>,
      %get3A_247 = vector.shape_cast %get3A_246 : vector<1x16xf32> to vector<16xf32>
      %add3A_248 = arith.addf %get3A_243, %get3A_247 : vector<16xf32>
      %swap3A_249 = arith.index_cast %add3A_239 : i32 to index
      %swap3A_250 = arith.constant 16 : index
      %swap3A_251 = tpu.vector_load %arg9[%swap3A_249, %swap3A_250] {strides = array<i32>} : memref<512x32xf32, #tpu.memory_space<vmem>>, vector<1x16xf32>,
      %swap3A_252 = vector.shape_cast %swap3A_251 : vector<1x16xf32> to vector<16xf32>
      %swap3A_253 = vector.shape_cast %add3A_248 : vector<16xf32> to vector<1x16xf32>
      tpu.vector_store %arg9[%swap3A_249, %swap3A_250], %swap3A_253 {strides = array<i32>} : memref<512x32xf32, #tpu.memory_space<vmem>>, vector<1x16xf32>,
      %slice3A_254 = vector.extract_strided_slice %get3A_222 {offsets = [1], sizes = [1], strides = [1]} : vector<16xi32> to vector<1xi32>
      %squeeze3A_255 = vector.extract %slice3A_254[0] : i32 from vector<1xi32>
      %add3A_256 = arith.constant 1 : i32
      %add3A_257 = arith.addi %add3A_220, %add3A_256 : i32
      %get3A_258 = arith.index_cast %add3A_257 : i32 to index
      %get3A_259 = arith.constant 0 : index
      %get3A_260 = tpu.vector_load %arg9[%get3A_258, %get3A_259] {strides = array<i32>} : memref<512x32xf32, #tpu.memory_space<vmem>>, vector<1x16xf32>,
      %get3A_261 = vector.shape_cast %get3A_260 : vector<1x16xf32> to vector<16xf32>
      %get3A_262 = arith.index_cast %squeeze3A_255 : i32 to index
      %get3A_263 = arith.constant 0 : index
      %get3A_264 = tpu.vector_load %arg10[%get3A_262, %get3A_263] {strides = array<i32>} : memref<5x32xf32, #tpu.memory_space<vmem>>, vector<1x16xf32>,
      %get3A_265 = vector.shape_cast %get3A_264 : vector<1x16xf32> to vector<16xf32>
      %add3A_266 = arith.addf %get3A_261, %get3A_265 : vector<16xf32>
      %swap3A_267 = arith.index_cast %add3A_257 : i32 to index
      %swap3A_268 = arith.constant 0 : index
      %swap3A_269 = tpu.vector_load %arg9[%swap3A_267, %swap3A_268] {strides = array<i32>} : memref<512x32xf32, #tpu.memory_space<vmem>>, vector<1x16xf32>,
      %swap3A_270 = vector.shape_cast %swap3A_269 : vector<1x16xf32> to vector<16xf32>
      %swap3A_271 = vector.shape_cast %add3A_266 : vector<16xf32> to vector<1x16xf32>
      tpu.vector_store %arg9[%swap3A_267, %swap3A_268], %swap3A_271 {strides = array<i32>} : memref<512x32xf32, #tpu.memory_space<vmem>>, vector<1x16xf32>,
      %add3A_272 = arith.constant 1 : i32
      %add3A_273 = arith.addi %add3A_220, %add3A_272 : i32
      %get3A_274 = arith.index_cast %add3A_273 : i32 to index
      %get3A_275 = arith.constant 16 : index
      %get3A_276 = tpu.vector_load %arg9[%get3A_274, %get3A_275] {strides = array<i32>} : memref<512x32xf32, #tpu.memory_space<vmem>>, vector<1x16xf32>,
      %get3A_277 = vector.shape_cast %get3A_276 : vector<1x16xf32> to vector<16xf32>
      %get3A_278 = arith.index_cast %squeeze3A_255 : i32 to index
      %get3A_279 = arith.constant 16 : index
      %get3A_280 = tpu.vector_load %arg10[%get3A_278, %get3A_279] {strides = array<i32>} : memref<5x32xf32, #tpu.memory_space<vmem>>, vector<1x16xf32>,
      %get3A_281 = vector.shape_cast %get3A_280 : vector<1x16xf32> to vector<16xf32>
      %add3A_282 = arith.addf %get3A_277, %get3A_281 : vector<16xf32>
      %swap3A_283 = arith.index_cast %add3A_273 : i32 to index
      %swap3A_284 = arith.constant 16 : index
      %swap3A_285 = tpu.vector_load %arg9[%swap3A_283, %swap3A_284] {strides = array<i32>} : memref<512x32xf32, #tpu.memory_space<vmem>>, vector<1x16xf32>,
      %swap3A_286 = vector.shape_cast %swap3A_285 : vector<1x16xf32> to vector<16xf32>
      %swap3A_287 = vector.shape_cast %add3A_282 : vector<16xf32> to vector<1x16xf32>
      tpu.vector_store %arg9[%swap3A_283, %swap3A_284], %swap3A_287 {strides = array<i32>} : memref<512x32xf32, #tpu.memory_space<vmem>>, vector<1x16xf32>,
      %slice3A_288 = vector.extract_strided_slice %get3A_222 {offsets = [2], sizes = [1], strides = [1]} : vector<16xi32> to vector<1xi32>
      %squeeze3A_289 = vector.extract %slice3A_288[0] : i32 from vector<1xi32>
      %add3A_290 = arith.constant 2 : i32
      %add3A_291 = arith.addi %add3A_220, %add3A_290 : i32
      %get3A_292 = arith.index_cast %add3A_291 : i32 to index
      %get3A_293 = arith.constant 0 : index
      %get3A_294 = tpu.vector_load %arg9[%get3A_292, %get3A_293] {strides = array<i32>} : memref<512x32xf32, #tpu.memory_space<vmem>>, vector<1x16xf32>,
      %get3A_295 = vector.shape_cast %get3A_294 : vector<1x16xf32> to vector<16xf32>
      %get3A_296 = arith.index_cast %squeeze3A_289 : i32 to index
      %get3A_297 = arith.constant 0 : index
      %get3A_298 = tpu.vector_load %arg10[%get3A_296, %get3A_297] {strides = array<i32>} : memref<5x32xf32, #tpu.memory_space<vmem>>, vector<1x16xf32>,
      %get3A_299 = vector.shape_cast %get3A_298 : vector<1x16xf32> to vector<16xf32>
      %add3A_300 = arith.addf %get3A_295, %get3A_299 : vector<16xf32>
      %swap3A_301 = arith.index_cast %add3A_291 : i32 to index
      %swap3A_302 = arith.constant 0 : index
      %swap3A_303 = tpu.vector_load %arg9[%swap3A_301, %swap3A_302] {strides = array<i32>} : memref<512x32xf32, #tpu.memory_space<vmem>>, vector<1x16xf32>,
      %swap3A_304 = vector.shape_cast %swap3A_303 : vector<1x16xf32> to vector<16xf32>
      %swap3A_305 = vector.shape_cast %add3A_300 : vector<16xf32> to vector<1x16xf32>
      tpu.vector_store %arg9[%swap3A_301, %swap3A_302], %swap3A_305 {strides = array<i32>} : memref<512x32xf32, #tpu.memory_space<vmem>>, vector<1x16xf32>,
      %add3A_306 = arith.constant 2 : i32
      %add3A_307 = arith.addi %add3A_220, %add3A_306 : i32
      %get3A_308 = arith.index_cast %add3A_307 : i32 to index
      %get3A_309 = arith.constant 16 : index
      %get3A_310 = tpu.vector_load %arg9[%get3A_308, %get3A_309] {strides = array<i32>} : memref<512x32xf32, #tpu.memory_space<vmem>>, vector<1x16xf32>,
      %get3A_311 = vector.shape_cast %get3A_310 : vector<1x16xf32> to vector<16xf32>
      %get3A_312 = arith.index_cast %squeeze3A_289 : i32 to index
      %get3A_313 = arith.constant 16 : index
      %get3A_314 = tpu.vector_load %arg10[%get3A_312, %get3A_313] {strides = array<i32>} : memref<5x32xf32, #tpu.memory_space<vmem>>, vector<1x16xf32>,
      %get3A_315 = vector.shape_cast %get3A_314 : vector<1x16xf32> to vector<16xf32>
      %add3A_316 = arith.addf %get3A_311, %get3A_315 : vector<16xf32>
      %swap3A_317 = arith.index_cast %add3A_307 : i32 to index
      %swap3A_318 = arith.constant 16 : index
      %swap3A_319 = tpu.vector_load %arg9[%swap3A_317, %swap3A_318] {strides = array<i32>} : memref<512x32xf32, #tpu.memory_space<vmem>>, vector<1x16xf32>,
      %swap3A_320 = vector.shape_cast %swap3A_319 : vector<1x16xf32> to vector<16xf32>
      %swap3A_321 = vector.shape_cast %add3A_316 : vector<16xf32> to vector<1x16xf32>
      tpu.vector_store %arg9[%swap3A_317, %swap3A_318], %swap3A_321 {strides = array<i32>} : memref<512x32xf32, #tpu.memory_space<vmem>>, vector<1x16xf32>,
      %slice3A_322 = vector.extract_strided_slice %get3A_222 {offsets = [3], sizes = [1], strides = [1]} : vector<16xi32> to vector<1xi32>
      %squeeze3A_323 = vector.extract %slice3A_322[0] : i32 from vector<1xi32>
      %add3A_324 = arith.constant 3 : i32
      %add3A_325 = arith.addi %add3A_220, %add3A_324 : i32
      %get3A_326 = arith.index_cast %add3A_325 : i32 to index
      %get3A_327 = arith.constant 0 : index
      %get3A_328 = tpu.vector_load %arg9[%get3A_326, %get3A_327] {strides = array<i32>} : memref<512x32xf32, #tpu.memory_space<vmem>>, vector<1x16xf32>,
      %get3A_329 = vector.shape_cast %get3A_328 : vector<1x16xf32> to vector<16xf32>
      %get3A_330 = arith.index_cast %squeeze3A_323 : i32 to index
      %get3A_331 = arith.constant 0 : index
      %get3A_332 = tpu.vector_load %arg10[%get3A_330, %get3A_331] {strides = array<i32>} : memref<5x32xf32, #tpu.memory_space<vmem>>, vector<1x16xf32>,
      %get3A_333 = vector.shape_cast %get3A_332 : vector<1x16xf32> to vector<16xf32>
      %add3A_334 = arith.addf %get3A_329, %get3A_333 : vector<16xf32>
      %swap3A_335 = arith.index_cast %add3A_325 : i32 to index
      %swap3A_336 = arith.constant 0 : index
      %swap3A_337 = tpu.vector_load %arg9[%swap3A_335, %swap3A_336] {strides = array<i32>} : memref<512x32xf32, #tpu.memory_space<vmem>>, vector<1x16xf32>,
      %swap3A_338 = vector.shape_cast %swap3A_337 : vector<1x16xf32> to vector<16xf32>
      %swap3A_339 = vector.shape_cast %add3A_334 : vector<16xf32> to vector<1x16xf32>
      tpu.vector_store %arg9[%swap3A_335, %swap3A_336], %swap3A_339 {strides = array<i32>} : memref<512x32xf32, #tpu.memory_space<vmem>>, vector<1x16xf32>,
      %add3A_340 = arith.constant 3 : i32
      %add3A_341 = arith.addi %add3A_220, %add3A_340 : i32
      %get3A_342 = arith.index_cast %add3A_341 : i32 to index
      %get3A_343 = arith.constant 16 : index
      %get3A_344 = tpu.vector_load %arg9[%get3A_342, %get3A_343] {strides = array<i32>} : memref<512x32xf32, #tpu.memory_space<vmem>>, vector<1x16xf32>,
      %get3A_345 = vector.shape_cast %get3A_344 : vector<1x16xf32> to vector<16xf32>
      %get3A_346 = arith.index_cast %squeeze3A_323 : i32 to index
      %get3A_347 = arith.constant 16 : index
      %get3A_348 = tpu.vector_load %arg10[%get3A_346, %get3A_347] {strides = array<i32>} : memref<5x32xf32, #tpu.memory_space<vmem>>, vector<1x16xf32>,
      %get3A_349 = vector.shape_cast %get3A_348 : vector<1x16xf32> to vector<16xf32>
      %add3A_350 = arith.addf %get3A_345, %get3A_349 : vector<16xf32>
      %swap3A_351 = arith.index_cast %add3A_341 : i32 to index
      %swap3A_352 = arith.constant 16 : index
      %swap3A_353 = tpu.vector_load %arg9[%swap3A_351, %swap3A_352] {strides = array<i32>} : memref<512x32xf32, #tpu.memory_space<vmem>>, vector<1x16xf32>,
      %swap3A_354 = vector.shape_cast %swap3A_353 : vector<1x16xf32> to vector<16xf32>
      %swap3A_355 = vector.shape_cast %add3A_350 : vector<16xf32> to vector<1x16xf32>
      tpu.vector_store %arg9[%swap3A_351, %swap3A_352], %swap3A_355 {strides = array<i32>} : memref<512x32xf32, #tpu.memory_space<vmem>>, vector<1x16xf32>,
      %slice3A_356 = vector.extract_strided_slice %get3A_222 {offsets = [4], sizes = [1], strides = [1]} : vector<16xi32> to vector<1xi32>
      %squeeze3A_357 = vector.extract %slice3A_356[0] : i32 from vector<1xi32>
      %add3A_358 = arith.constant 4 : i32
      %add3A_359 = arith.addi %add3A_220, %add3A_358 : i32
      %get3A_360 = arith.index_cast %add3A_359 : i32 to index
      %get3A_361 = arith.constant 0 : index
      %get3A_362 = tpu.vector_load %arg9[%get3A_360, %get3A_361] {strides = array<i32>} : memref<512x32xf32, #tpu.memory_space<vmem>>, vector<1x16xf32>,
      %get3A_363 = vector.shape_cast %get3A_362 : vector<1x16xf32> to vector<16xf32>
      %get3A_364 = arith.index_cast %squeeze3A_357 : i32 to index
      %get3A_365 = arith.constant 0 : index
      %get3A_366 = tpu.vector_load %arg10[%get3A_364, %get3A_365] {strides = array<i32>} : memref<5x32xf32, #tpu.memory_space<vmem>>, vector<1x16xf32>,
      %get3A_367 = vector.shape_cast %get3A_366 : vector<1x16xf32> to vector<16xf32>
      %add3A_368 = arith.addf %get3A_363, %get3A_367 : vector<16xf32>
      %swap3A_369 = arith.index_cast %add3A_359 : i32 to index
      %swap3A_370 = arith.constant 0 : index
      %swap3A_371 = tpu.vector_load %arg9[%swap3A_369, %swap3A_370] {strides = array<i32>} : memref<512x32xf32, #tpu.memory_space<vmem>>, vector<1x16xf32>,
      %swap3A_372 = vector.shape_cast %swap3A_371 : vector<1x16xf32> to vector<16xf32>
      %swap3A_373 = vector.shape_cast %add3A_368 : vector<16xf32> to vector<1x16xf32>
      tpu.vector_store %arg9[%swap3A_369, %swap3A_370], %swap3A_373 {strides = array<i32>} : memref<512x32xf32, #tpu.memory_space<vmem>>, vector<1x16xf32>,
      %add3A_374 = arith.constant 4 : i32
      %add3A_375 = arith.addi %add3A_220, %add3A_374 : i32
      %get3A_376 = arith.index_cast %add3A_375 : i32 to index
      %get3A_377 = arith.constant 16 : index
      %get3A_378 = tpu.vector_load %arg9[%get3A_376, %get3A_377] {strides = array<i32>} : memref<512x32xf32, #tpu.memory_space<vmem>>, vector<1x16xf32>,
      %get3A_379 = vector.shape_cast %get3A_378 : vector<1x16xf32> to vector<16xf32>
      %get3A_380 = arith.index_cast %squeeze3A_357 : i32 to index
      %get3A_381 = arith.constant 16 : index
      %get3A_382 = tpu.vector_load %arg10[%get3A_380, %get3A_381] {strides = array<i32>} : memref<5x32xf32, #tpu.memory_space<vmem>>, vector<1x16xf32>,
      %get3A_383 = vector.shape_cast %get3A_382 : vector<1x16xf32> to vector<16xf32>
      %add3A_384 = arith.addf %get3A_379, %get3A_383 : vector<16xf32>
      %swap3A_385 = arith.index_cast %add3A_375 : i32 to index
      %swap3A_386 = arith.constant 16 : index
      %swap3A_387 = tpu.vector_load %arg9[%swap3A_385, %swap3A_386] {strides = array<i32>} : memref<512x32xf32, #tpu.memory_space<vmem>>, vector<1x16xf32>,
      %swap3A_388 = vector.shape_cast %swap3A_387 : vector<1x16xf32> to vector<16xf32>
      %swap3A_389 = vector.shape_cast %add3A_384 : vector<16xf32> to vector<1x16xf32>
      tpu.vector_store %arg9[%swap3A_385, %swap3A_386], %swap3A_389 {strides = array<i32>} : memref<512x32xf32, #tpu.memory_space<vmem>>, vector<1x16xf32>,
      %slice3A_390 = vector.extract_strided_slice %get3A_222 {offsets = [5], sizes = [1], strides = [1]} : vector<16xi32> to vector<1xi32>
      %squeeze3A_391 = vector.extract %slice3A_390[0] : i32 from vector<1xi32>
      %add3A_392 = arith.constant 5 : i32
      %add3A_393 = arith.addi %add3A_220, %add3A_392 : i32
      %get3A_394 = arith.index_cast %add3A_393 : i32 to index
      %get3A_395 = arith.constant 0 : index
      %get3A_396 = tpu.vector_load %arg9[%get3A_394, %get3A_395] {strides = array<i32>} : memref<512x32xf32, #tpu.memory_space<vmem>>, vector<1x16xf32>,
      %get3A_397 = vector.shape_cast %get3A_396 : vector<1x16xf32> to vector<16xf32>
      %get3A_398 = arith.index_cast %squeeze3A_391 : i32 to index
      %get3A_399 = arith.constant 0 : index
      %get3A_400 = tpu.vector_load %arg10[%get3A_398, %get3A_399] {strides = array<i32>} : memref<5x32xf32, #tpu.memory_space<vmem>>, vector<1x16xf32>,
      %get3A_401 = vector.shape_cast %get3A_400 : vector<1x16xf32> to vector<16xf32>
      %add3A_402 = arith.addf %get3A_397, %get3A_401 : vector<16xf32>
      %swap3A_403 = arith.index_cast %add3A_393 : i32 to index
      %swap3A_404 = arith.constant 0 : index
      %swap3A_405 = tpu.vector_load %arg9[%swap3A_403, %swap3A_404] {strides = array<i32>} : memref<512x32xf32, #tpu.memory_space<vmem>>, vector<1x16xf32>,
      %swap3A_406 = vector.shape_cast %swap3A_405 : vector<1x16xf32> to vector<16xf32>
      %swap3A_407 = vector.shape_cast %add3A_402 : vector<16xf32> to vector<1x16xf32>
      tpu.vector_store %arg9[%swap3A_403, %swap3A_404], %swap3A_407 {strides = array<i32>} : memref<512x32xf32, #tpu.memory_space<vmem>>, vector<1x16xf32>,
      %add3A_408 = arith.constant 5 : i32
      %add3A_409 = arith.addi %add3A_220, %add3A_408 : i32
      %get3A_410 = arith.index_cast %add3A_409 : i32 to index
      %get3A_411 = arith.constant 16 : index
      %get3A_412 = tpu.vector_load %arg9[%get3A_410, %get3A_411] {strides = array<i32>} : memref<512x32xf32, #tpu.memory_space<vmem>>, vector<1x16xf32>,
      %get3A_413 = vector.shape_cast %get3A_412 : vector<1x16xf32> to vector<16xf32>
      %get3A_414 = arith.index_cast %squeeze3A_391 : i32 to index
      %get3A_415 = arith.constant 16 : index
      %get3A_416 = tpu.vector_load %arg10[%get3A_414, %get3A_415] {strides = array<i32>} : memref<5x32xf32, #tpu.memory_space<vmem>>, vector<1x16xf32>,
      %get3A_417 = vector.shape_cast %get3A_416 : vector<1x16xf32> to vector<16xf32>
      %add3A_418 = arith.addf %get3A_413, %get3A_417 : vector<16xf32>
      %swap3A_419 = arith.index_cast %add3A_409 : i32 to index
      %swap3A_420 = arith.constant 16 : index
      %swap3A_421 = tpu.vector_load %arg9[%swap3A_419, %swap3A_420] {strides = array<i32>} : memref<512x32xf32, #tpu.memory_space<vmem>>, vector<1x16xf32>,
      %swap3A_422 = vector.shape_cast %swap3A_421 : vector<1x16xf32> to vector<16xf32>
      %swap3A_423 = vector.shape_cast %add3A_418 : vector<16xf32> to vector<1x16xf32>
      tpu.vector_store %arg9[%swap3A_419, %swap3A_420], %swap3A_423 {strides = array<i32>} : memref<512x32xf32, #tpu.memory_space<vmem>>, vector<1x16xf32>,
      %slice3A_424 = vector.extract_strided_slice %get3A_222 {offsets = [6], sizes = [1], strides = [1]} : vector<16xi32> to vector<1xi32>
      %squeeze3A_425 = vector.extract %slice3A_424[0] : i32 from vector<1xi32>
      %add3A_426 = arith.constant 6 : i32
      %add3A_427 = arith.addi %add3A_220, %add3A_426 : i32
      %get3A_428 = arith.index_cast %add3A_427 : i32 to index
      %get3A_429 = arith.constant 0 : index
      %get3A_430 = tpu.vector_load %arg9[%get3A_428, %get3A_429] {strides = array<i32>} : memref<512x32xf32, #tpu.memory_space<vmem>>, vector<1x16xf32>,
      %get3A_431 = vector.shape_cast %get3A_430 : vector<1x16xf32> to vector<16xf32>
      %get3A_432 = arith.index_cast %squeeze3A_425 : i32 to index
      %get3A_433 = arith.constant 0 : index
      %get3A_434 = tpu.vector_load %arg10[%get3A_432, %get3A_433] {strides = array<i32>} : memref<5x32xf32, #tpu.memory_space<vmem>>, vector<1x16xf32>,
      %get3A_435 = vector.shape_cast %get3A_434 : vector<1x16xf32> to vector<16xf32>
      %add3A_436 = arith.addf %get3A_431, %get3A_435 : vector<16xf32>
      %swap3A_437 = arith.index_cast %add3A_427 : i32 to index
      %swap3A_438 = arith.constant 0 : index
      %swap3A_439 = tpu.vector_load %arg9[%swap3A_437, %swap3A_438] {strides = array<i32>} : memref<512x32xf32, #tpu.memory_space<vmem>>, vector<1x16xf32>,
      %swap3A_440 = vector.shape_cast %swap3A_439 : vector<1x16xf32> to vector<16xf32>
      %swap3A_441 = vector.shape_cast %add3A_436 : vector<16xf32> to vector<1x16xf32>
      tpu.vector_store %arg9[%swap3A_437, %swap3A_438], %swap3A_441 {strides = array<i32>} : memref<512x32xf32, #tpu.memory_space<vmem>>, vector<1x16xf32>,
      %add3A_442 = arith.constant 6 : i32
      %add3A_443 = arith.addi %add3A_220, %add3A_442 : i32
      %get3A_444 = arith.index_cast %add3A_443 : i32 to index
      %get3A_445 = arith.constant 16 : index
      %get3A_446 = tpu.vector_load %arg9[%get3A_444, %get3A_445] {strides = array<i32>} : memref<512x32xf32, #tpu.memory_space<vmem>>, vector<1x16xf32>,
      %get3A_447 = vector.shape_cast %get3A_446 : vector<1x16xf32> to vector<16xf32>
      %get3A_448 = arith.index_cast %squeeze3A_425 : i32 to index
      %get3A_449 = arith.constant 16 : index
      %get3A_450 = tpu.vector_load %arg10[%get3A_448, %get3A_449] {strides = array<i32>} : memref<5x32xf32, #tpu.memory_space<vmem>>, vector<1x16xf32>,
      %get3A_451 = vector.shape_cast %get3A_450 : vector<1x16xf32> to vector<16xf32>
      %add3A_452 = arith.addf %get3A_447, %get3A_451 : vector<16xf32>
      %swap3A_453 = arith.index_cast %add3A_443 : i32 to index
      %swap3A_454 = arith.constant 16 : index
      %swap3A_455 = tpu.vector_load %arg9[%swap3A_453, %swap3A_454] {strides = array<i32>} : memref<512x32xf32, #tpu.memory_space<vmem>>, vector<1x16xf32>,
      %swap3A_456 = vector.shape_cast %swap3A_455 : vector<1x16xf32> to vector<16xf32>
      %swap3A_457 = vector.shape_cast %add3A_452 : vector<16xf32> to vector<1x16xf32>
      tpu.vector_store %arg9[%swap3A_453, %swap3A_454], %swap3A_457 {strides = array<i32>} : memref<512x32xf32, #tpu.memory_space<vmem>>, vector<1x16xf32>,
      %slice3A_458 = vector.extract_strided_slice %get3A_222 {offsets = [7], sizes = [1], strides = [1]} : vector<16xi32> to vector<1xi32>
      %squeeze3A_459 = vector.extract %slice3A_458[0] : i32 from vector<1xi32>
      %add3A_460 = arith.constant 7 : i32
      %add3A_461 = arith.addi %add3A_220, %add3A_460 : i32
      %get3A_462 = arith.index_cast %add3A_461 : i32 to index
      %get3A_463 = arith.constant 0 : index
      %get3A_464 = tpu.vector_load %arg9[%get3A_462, %get3A_463] {strides = array<i32>} : memref<512x32xf32, #tpu.memory_space<vmem>>, vector<1x16xf32>,
      %get3A_465 = vector.shape_cast %get3A_464 : vector<1x16xf32> to vector<16xf32>
      %get3A_466 = arith.index_cast %squeeze3A_459 : i32 to index
      %get3A_467 = arith.constant 0 : index
      %get3A_468 = tpu.vector_load %arg10[%get3A_466, %get3A_467] {strides = array<i32>} : memref<5x32xf32, #tpu.memory_space<vmem>>, vector<1x16xf32>,
      %get3A_469 = vector.shape_cast %get3A_468 : vector<1x16xf32> to vector<16xf32>
      %add3A_470 = arith.addf %get3A_465, %get3A_469 : vector<16xf32>
      %swap3A_471 = arith.index_cast %add3A_461 : i32 to index
      %swap3A_472 = arith.constant 0 : index
      %swap3A_473 = tpu.vector_load %arg9[%swap3A_471, %swap3A_472] {strides = array<i32>} : memref<512x32xf32, #tpu.memory_space<vmem>>, vector<1x16xf32>,
      %swap3A_474 = vector.shape_cast %swap3A_473 : vector<1x16xf32> to vector<16xf32>
      %swap3A_475 = vector.shape_cast %add3A_470 : vector<16xf32> to vector<1x16xf32>
      tpu.vector_store %arg9[%swap3A_471, %swap3A_472], %swap3A_475 {strides = array<i32>} : memref<512x32xf32, #tpu.memory_space<vmem>>, vector<1x16xf32>,
      %add3A_476 = arith.constant 7 : i32
      %add3A_477 = arith.addi %add3A_220, %add3A_476 : i32
      %get3A_478 = arith.index_cast %add3A_477 : i32 to index
      %get3A_479 = arith.constant 16 : index
      %get3A_480 = tpu.vector_load %arg9[%get3A_478, %get3A_479] {strides = array<i32>} : memref<512x32xf32, #tpu.memory_space<vmem>>, vector<1x16xf32>,
      %get3A_481 = vector.shape_cast %get3A_480 : vector<1x16xf32> to vector<16xf32>
      %get3A_482 = arith.index_cast %squeeze3A_459 : i32 to index
      %get3A_483 = arith.constant 16 : index
      %get3A_484 = tpu.vector_load %arg10[%get3A_482, %get3A_483] {strides = array<i32>} : memref<5x32xf32, #tpu.memory_space<vmem>>, vector<1x16xf32>,
      %get3A_485 = vector.shape_cast %get3A_484 : vector<1x16xf32> to vector<16xf32>
      %add3A_486 = arith.addf %get3A_481, %get3A_485 : vector<16xf32>
      %swap3A_487 = arith.index_cast %add3A_477 : i32 to index
      %swap3A_488 = arith.constant 16 : index
      %swap3A_489 = tpu.vector_load %arg9[%swap3A_487, %swap3A_488] {strides = array<i32>} : memref<512x32xf32, #tpu.memory_space<vmem>>, vector<1x16xf32>,
      %swap3A_490 = vector.shape_cast %swap3A_489 : vector<1x16xf32> to vector<16xf32>
      %swap3A_491 = vector.shape_cast %add3A_486 : vector<16xf32> to vector<1x16xf32>
      tpu.vector_store %arg9[%swap3A_487, %swap3A_488], %swap3A_491 {strides = array<i32>} : memref<512x32xf32, #tpu.memory_space<vmem>>, vector<1x16xf32>,
      %slice3A_492 = vector.extract_strided_slice %get3A_222 {offsets = [8], sizes = [1], strides = [1]} : vector<16xi32> to vector<1xi32>
      %squeeze3A_493 = vector.extract %slice3A_492[0] : i32 from vector<1xi32>
      %add3A_494 = arith.constant 8 : i32
      %add3A_495 = arith.addi %add3A_220, %add3A_494 : i32
      %get3A_496 = arith.index_cast %add3A_495 : i32 to index
      %get3A_497 = arith.constant 0 : index
      %get3A_498 = tpu.vector_load %arg9[%get3A_496, %get3A_497] {strides = array<i32>} : memref<512x32xf32, #tpu.memory_space<vmem>>, vector<1x16xf32>,
      %get3A_499 = vector.shape_cast %get3A_498 : vector<1x16xf32> to vector<16xf32>
      %get3A_500 = arith.index_cast %squeeze3A_493 : i32 to index
      %get3A_501 = arith.constant 0 : index
      %get3A_502 = tpu.vector_load %arg10[%get3A_500, %get3A_501] {strides = array<i32>} : memref<5x32xf32, #tpu.memory_space<vmem>>, vector<1x16xf32>,
      %get3A_503 = vector.shape_cast %get3A_502 : vector<1x16xf32> to vector<16xf32>
      %add3A_504 = arith.addf %get3A_499, %get3A_503 : vector<16xf32>
      %swap3A_505 = arith.index_cast %add3A_495 : i32 to index
      %swap3A_506 = arith.constant 0 : index
      %swap3A_507 = tpu.vector_load %arg9[%swap3A_505, %swap3A_506] {strides = array<i32>} : memref<512x32xf32, #tpu.memory_space<vmem>>, vector<1x16xf32>,
      %swap3A_508 = vector.shape_cast %swap3A_507 : vector<1x16xf32> to vector<16xf32>
      %swap3A_509 = vector.shape_cast %add3A_504 : vector<16xf32> to vector<1x16xf32>
      tpu.vector_store %arg9[%swap3A_505, %swap3A_506], %swap3A_509 {strides = array<i32>} : memref<512x32xf32, #tpu.memory_space<vmem>>, vector<1x16xf32>,
      %add3A_510 = arith.constant 8 : i32
      %add3A_511 = arith.addi %add3A_220, %add3A_510 : i32
      %get3A_512 = arith.index_cast %add3A_511 : i32 to index
      %get3A_513 = arith.constant 16 : index
      %get3A_514 = tpu.vector_load %arg9[%get3A_512, %get3A_513] {strides = array<i32>} : memref<512x32xf32, #tpu.memory_space<vmem>>, vector<1x16xf32>,
      %get3A_515 = vector.shape_cast %get3A_514 : vector<1x16xf32> to vector<16xf32>
      %get3A_516 = arith.index_cast %squeeze3A_493 : i32 to index
      %get3A_517 = arith.constant 16 : index
      %get3A_518 = tpu.vector_load %arg10[%get3A_516, %get3A_517] {strides = array<i32>} : memref<5x32xf32, #tpu.memory_space<vmem>>, vector<1x16xf32>,
      %get3A_519 = vector.shape_cast %get3A_518 : vector<1x16xf32> to vector<16xf32>
      %add3A_520 = arith.addf %get3A_515, %get3A_519 : vector<16xf32>
      %swap3A_521 = arith.index_cast %add3A_511 : i32 to index
      %swap3A_522 = arith.constant 16 : index
      %swap3A_523 = tpu.vector_load %arg9[%swap3A_521, %swap3A_522] {strides = array<i32>} : memref<512x32xf32, #tpu.memory_space<vmem>>, vector<1x16xf32>,
      %swap3A_524 = vector.shape_cast %swap3A_523 : vector<1x16xf32> to vector<16xf32>
      %swap3A_525 = vector.shape_cast %add3A_520 : vector<16xf32> to vector<1x16xf32>
      tpu.vector_store %arg9[%swap3A_521, %swap3A_522], %swap3A_525 {strides = array<i32>} : memref<512x32xf32, #tpu.memory_space<vmem>>, vector<1x16xf32>,
      %slice3A_526 = vector.extract_strided_slice %get3A_222 {offsets = [9], sizes = [1], strides = [1]} : vector<16xi32> to vector<1xi32>
      %squeeze3A_527 = vector.extract %slice3A_526[0] : i32 from vector<1xi32>
      %add3A_528 = arith.constant 9 : i32
      %add3A_529 = arith.addi %add3A_220, %add3A_528 : i32
      %get3A_530 = arith.index_cast %add3A_529 : i32 to index
      %get3A_531 = arith.constant 0 : index
      %get3A_532 = tpu.vector_load %arg9[%get3A_530, %get3A_531] {strides = array<i32>} : memref<512x32xf32, #tpu.memory_space<vmem>>, vector<1x16xf32>,
      %get3A_533 = vector.shape_cast %get3A_532 : vector<1x16xf32> to vector<16xf32>
      %get3A_534 = arith.index_cast %squeeze3A_527 : i32 to index
      %get3A_535 = arith.constant 0 : index
      %get3A_536 = tpu.vector_load %arg10[%get3A_534, %get3A_535] {strides = array<i32>} : memref<5x32xf32, #tpu.memory_space<vmem>>, vector<1x16xf32>,
      %get3A_537 = vector.shape_cast %get3A_536 : vector<1x16xf32> to vector<16xf32>
      %add3A_538 = arith.addf %get3A_533, %get3A_537 : vector<16xf32>
      %swap3A_539 = arith.index_cast %add3A_529 : i32 to index
      %swap3A_540 = arith.constant 0 : index
      %swap3A_541 = tpu.vector_load %arg9[%swap3A_539, %swap3A_540] {strides = array<i32>} : memref<512x32xf32, #tpu.memory_space<vmem>>, vector<1x16xf32>,
      %swap3A_542 = vector.shape_cast %swap3A_541 : vector<1x16xf32> to vector<16xf32>
      %swap3A_543 = vector.shape_cast %add3A_538 : vector<16xf32> to vector<1x16xf32>
      tpu.vector_store %arg9[%swap3A_539, %swap3A_540], %swap3A_543 {strides = array<i32>} : memref<512x32xf32, #tpu.memory_space<vmem>>, vector<1x16xf32>,
      %add3A_544 = arith.constant 9 : i32
      %add3A_545 = arith.addi %add3A_220, %add3A_544 : i32
      %get3A_546 = arith.index_cast %add3A_545 : i32 to index
      %get3A_547 = arith.constant 16 : index
      %get3A_548 = tpu.vector_load %arg9[%get3A_546, %get3A_547] {strides = array<i32>} : memref<512x32xf32, #tpu.memory_space<vmem>>, vector<1x16xf32>,
      %get3A_549 = vector.shape_cast %get3A_548 : vector<1x16xf32> to vector<16xf32>
      %get3A_550 = arith.index_cast %squeeze3A_527 : i32 to index
      %get3A_551 = arith.constant 16 : index
      %get3A_552 = tpu.vector_load %arg10[%get3A_550, %get3A_551] {strides = array<i32>} : memref<5x32xf32, #tpu.memory_space<vmem>>, vector<1x16xf32>,
      %get3A_553 = vector.shape_cast %get3A_552 : vector<1x16xf32> to vector<16xf32>
      %add3A_554 = arith.addf %get3A_549, %get3A_553 : vector<16xf32>
      %swap3A_555 = arith.index_cast %add3A_545 : i32 to index
      %swap3A_556 = arith.constant 16 : index
      %swap3A_557 = tpu.vector_load %arg9[%swap3A_555, %swap3A_556] {strides = array<i32>} : memref<512x32xf32, #tpu.memory_space<vmem>>, vector<1x16xf32>,
      %swap3A_558 = vector.shape_cast %swap3A_557 : vector<1x16xf32> to vector<16xf32>
      %swap3A_559 = vector.shape_cast %add3A_554 : vector<16xf32> to vector<1x16xf32>
      tpu.vector_store %arg9[%swap3A_555, %swap3A_556], %swap3A_559 {strides = array<i32>} : memref<512x32xf32, #tpu.memory_space<vmem>>, vector<1x16xf32>,
      %slice3A_560 = vector.extract_strided_slice %get3A_222 {offsets = [10], sizes = [1], strides = [1]} : vector<16xi32> to vector<1xi32>
      %squeeze3A_561 = vector.extract %slice3A_560[0] : i32 from vector<1xi32>
      %add3A_562 = arith.constant 10 : i32
      %add3A_563 = arith.addi %add3A_220, %add3A_562 : i32
      %get3A_564 = arith.index_cast %add3A_563 : i32 to index
      %get3A_565 = arith.constant 0 : index
      %get3A_566 = tpu.vector_load %arg9[%get3A_564, %get3A_565] {strides = array<i32>} : memref<512x32xf32, #tpu.memory_space<vmem>>, vector<1x16xf32>,
      %get3A_567 = vector.shape_cast %get3A_566 : vector<1x16xf32> to vector<16xf32>
      %get3A_568 = arith.index_cast %squeeze3A_561 : i32 to index
      %get3A_569 = arith.constant 0 : index
      %get3A_570 = tpu.vector_load %arg10[%get3A_568, %get3A_569] {strides = array<i32>} : memref<5x32xf32, #tpu.memory_space<vmem>>, vector<1x16xf32>,
      %get3A_571 = vector.shape_cast %get3A_570 : vector<1x16xf32> to vector<16xf32>
      %add3A_572 = arith.addf %get3A_567, %get3A_571 : vector<16xf32>
      %swap3A_573 = arith.index_cast %add3A_563 : i32 to index
      %swap3A_574 = arith.constant 0 : index
      %swap3A_575 = tpu.vector_load %arg9[%swap3A_573, %swap3A_574] {strides = array<i32>} : memref<512x32xf32, #tpu.memory_space<vmem>>, vector<1x16xf32>,
      %swap3A_576 = vector.shape_cast %swap3A_575 : vector<1x16xf32> to vector<16xf32>
      %swap3A_577 = vector.shape_cast %add3A_572 : vector<16xf32> to vector<1x16xf32>
      tpu.vector_store %arg9[%swap3A_573, %swap3A_574], %swap3A_577 {strides = array<i32>} : memref<512x32xf32, #tpu.memory_space<vmem>>, vector<1x16xf32>,
      %add3A_578 = arith.constant 10 : i32
      %add3A_579 = arith.addi %add3A_220, %add3A_578 : i32
      %get3A_580 = arith.index_cast %add3A_579 : i32 to index
      %get3A_581 = arith.constant 16 : index
      %get3A_582 = tpu.vector_load %arg9[%get3A_580, %get3A_581] {strides = array<i32>} : memref<512x32xf32, #tpu.memory_space<vmem>>, vector<1x16xf32>,
      %get3A_583 = vector.shape_cast %get3A_582 : vector<1x16xf32> to vector<16xf32>
      %get3A_584 = arith.index_cast %squeeze3A_561 : i32 to index
      %get3A_585 = arith.constant 16 : index
      %get3A_586 = tpu.vector_load %arg10[%get3A_584, %get3A_585] {strides = array<i32>} : memref<5x32xf32, #tpu.memory_space<vmem>>, vector<1x16xf32>,
      %get3A_587 = vector.shape_cast %get3A_586 : vector<1x16xf32> to vector<16xf32>
      %add3A_588 = arith.addf %get3A_583, %get3A_587 : vector<16xf32>
      %swap3A_589 = arith.index_cast %add3A_579 : i32 to index
      %swap3A_590 = arith.constant 16 : index
      %swap3A_591 = tpu.vector_load %arg9[%swap3A_589, %swap3A_590] {strides = array<i32>} : memref<512x32xf32, #tpu.memory_space<vmem>>, vector<1x16xf32>,
      %swap3A_592 = vector.shape_cast %swap3A_591 : vector<1x16xf32> to vector<16xf32>
      %swap3A_593 = vector.shape_cast %add3A_588 : vector<16xf32> to vector<1x16xf32>
      tpu.vector_store %arg9[%swap3A_589, %swap3A_590], %swap3A_593 {strides = array<i32>} : memref<512x32xf32, #tpu.memory_space<vmem>>, vector<1x16xf32>,
      %slice3A_594 = vector.extract_strided_slice %get3A_222 {offsets = [11], sizes = [1], strides = [1]} : vector<16xi32> to vector<1xi32>
      %squeeze3A_595 = vector.extract %slice3A_594[0] : i32 from vector<1xi32>
      %add3A_596 = arith.constant 11 : i32
      %add3A_597 = arith.addi %add3A_220, %add3A_596 : i32
      %get3A_598 = arith.index_cast %add3A_597 : i32 to index
      %get3A_599 = arith.constant 0 : index
      %get3A_600 = tpu.vector_load %arg9[%get3A_598, %get3A_599] {strides = array<i32>} : memref<512x32xf32, #tpu.memory_space<vmem>>, vector<1x16xf32>,
      %get3A_601 = vector.shape_cast %get3A_600 : vector<1x16xf32> to vector<16xf32>
      %get3A_602 = arith.index_cast %squeeze3A_595 : i32 to index
      %get3A_603 = arith.constant 0 : index
      %get3A_604 = tpu.vector_load %arg10[%get3A_602, %get3A_603] {strides = array<i32>} : memref<5x32xf32, #tpu.memory_space<vmem>>, vector<1x16xf32>,
      %get3A_605 = vector.shape_cast %get3A_604 : vector<1x16xf32> to vector<16xf32>
      %add3A_606 = arith.addf %get3A_601, %get3A_605 : vector<16xf32>
      %swap3A_607 = arith.index_cast %add3A_597 : i32 to index
      %swap3A_608 = arith.constant 0 : index
      %swap3A_609 = tpu.vector_load %arg9[%swap3A_607, %swap3A_608] {strides = array<i32>} : memref<512x32xf32, #tpu.memory_space<vmem>>, vector<1x16xf32>,
      %swap3A_610 = vector.shape_cast %swap3A_609 : vector<1x16xf32> to vector<16xf32>
      %swap3A_611 = vector.shape_cast %add3A_606 : vector<16xf32> to vector<1x16xf32>
      tpu.vector_store %arg9[%swap3A_607, %swap3A_608], %swap3A_611 {strides = array<i32>} : memref<512x32xf32, #tpu.memory_space<vmem>>, vector<1x16xf32>,
      %add3A_612 = arith.constant 11 : i32
      %add3A_613 = arith.addi %add3A_220, %add3A_612 : i32
      %get3A_614 = arith.index_cast %add3A_613 : i32 to index
      %get3A_615 = arith.constant 16 : index
      %get3A_616 = tpu.vector_load %arg9[%get3A_614, %get3A_615] {strides = array<i32>} : memref<512x32xf32, #tpu.memory_space<vmem>>, vector<1x16xf32>,
      %get3A_617 = vector.shape_cast %get3A_616 : vector<1x16xf32> to vector<16xf32>
      %get3A_618 = arith.index_cast %squeeze3A_595 : i32 to index
      %get3A_619 = arith.constant 16 : index
      %get3A_620 = tpu.vector_load %arg10[%get3A_618, %get3A_619] {strides = array<i32>} : memref<5x32xf32, #tpu.memory_space<vmem>>, vector<1x16xf32>,
      %get3A_621 = vector.shape_cast %get3A_620 : vector<1x16xf32> to vector<16xf32>
      %add3A_622 = arith.addf %get3A_617, %get3A_621 : vector<16xf32>
      %swap3A_623 = arith.index_cast %add3A_613 : i32 to index
      %swap3A_624 = arith.constant 16 : index
      %swap3A_625 = tpu.vector_load %arg9[%swap3A_623, %swap3A_624] {strides = array<i32>} : memref<512x32xf32, #tpu.memory_space<vmem>>, vector<1x16xf32>,
      %swap3A_626 = vector.shape_cast %swap3A_625 : vector<1x16xf32> to vector<16xf32>
      %swap3A_627 = vector.shape_cast %add3A_622 : vector<16xf32> to vector<1x16xf32>
      tpu.vector_store %arg9[%swap3A_623, %swap3A_624], %swap3A_627 {strides = array<i32>} : memref<512x32xf32, #tpu.memory_space<vmem>>, vector<1x16xf32>,
      %slice3A_628 = vector.extract_strided_slice %get3A_222 {offsets = [12], sizes = [1], strides = [1]} : vector<16xi32> to vector<1xi32>
      %squeeze3A_629 = vector.extract %slice3A_628[0] : i32 from vector<1xi32>
      %add3A_630 = arith.constant 12 : i32
      %add3A_631 = arith.addi %add3A_220, %add3A_630 : i32
      %get3A_632 = arith.index_cast %add3A_631 : i32 to index
      %get3A_633 = arith.constant 0 : index
      %get3A_634 = tpu.vector_load %arg9[%get3A_632, %get3A_633] {strides = array<i32>} : memref<512x32xf32, #tpu.memory_space<vmem>>, vector<1x16xf32>,
      %get3A_635 = vector.shape_cast %get3A_634 : vector<1x16xf32> to vector<16xf32>
      %get3A_636 = arith.index_cast %squeeze3A_629 : i32 to index
      %get3A_637 = arith.constant 0 : index
      %get3A_638 = tpu.vector_load %arg10[%get3A_636, %get3A_637] {strides = array<i32>} : memref<5x32xf32, #tpu.memory_space<vmem>>, vector<1x16xf32>,
      %get3A_639 = vector.shape_cast %get3A_638 : vector<1x16xf32> to vector<16xf32>
      %add3A_640 = arith.addf %get3A_635, %get3A_639 : vector<16xf32>
      %swap3A_641 = arith.index_cast %add3A_631 : i32 to index
      %swap3A_642 = arith.constant 0 : index
      %swap3A_643 = tpu.vector_load %arg9[%swap3A_641, %swap3A_642] {strides = array<i32>} : memref<512x32xf32, #tpu.memory_space<vmem>>, vector<1x16xf32>,
      %swap3A_644 = vector.shape_cast %swap3A_643 : vector<1x16xf32> to vector<16xf32>
      %swap3A_645 = vector.shape_cast %add3A_640 : vector<16xf32> to vector<1x16xf32>
      tpu.vector_store %arg9[%swap3A_641, %swap3A_642], %swap3A_645 {strides = array<i32>} : memref<512x32xf32, #tpu.memory_space<vmem>>, vector<1x16xf32>,
      %add3A_646 = arith.constant 12 : i32
      %add3A_647 = arith.addi %add3A_220, %add3A_646 : i32
      %get3A_648 = arith.index_cast %add3A_647 : i32 to index
      %get3A_649 = arith.constant 16 : index
      %get3A_650 = tpu.vector_load %arg9[%get3A_648, %get3A_649] {strides = array<i32>} : memref<512x32xf32, #tpu.memory_space<vmem>>, vector<1x16xf32>,
      %get3A_651 = vector.shape_cast %get3A_650 : vector<1x16xf32> to vector<16xf32>
      %get3A_652 = arith.index_cast %squeeze3A_629 : i32 to index
      %get3A_653 = arith.constant 16 : index
      %get3A_654 = tpu.vector_load %arg10[%get3A_652, %get3A_653] {strides = array<i32>} : memref<5x32xf32, #tpu.memory_space<vmem>>, vector<1x16xf32>,
      %get3A_655 = vector.shape_cast %get3A_654 : vector<1x16xf32> to vector<16xf32>
      %add3A_656 = arith.addf %get3A_651, %get3A_655 : vector<16xf32>
      %swap3A_657 = arith.index_cast %add3A_647 : i32 to index
      %swap3A_658 = arith.constant 16 : index
      %swap3A_659 = tpu.vector_load %arg9[%swap3A_657, %swap3A_658] {strides = array<i32>} : memref<512x32xf32, #tpu.memory_space<vmem>>, vector<1x16xf32>,
      %swap3A_660 = vector.shape_cast %swap3A_659 : vector<1x16xf32> to vector<16xf32>
      %swap3A_661 = vector.shape_cast %add3A_656 : vector<16xf32> to vector<1x16xf32>
      tpu.vector_store %arg9[%swap3A_657, %swap3A_658], %swap3A_661 {strides = array<i32>} : memref<512x32xf32, #tpu.memory_space<vmem>>, vector<1x16xf32>,
      %slice3A_662 = vector.extract_strided_slice %get3A_222 {offsets = [13], sizes = [1], strides = [1]} : vector<16xi32> to vector<1xi32>
      %squeeze3A_663 = vector.extract %slice3A_662[0] : i32 from vector<1xi32>
      %add3A_664 = arith.constant 13 : i32
      %add3A_665 = arith.addi %add3A_220, %add3A_664 : i32
      %get3A_666 = arith.index_cast %add3A_665 : i32 to index
      %get3A_667 = arith.constant 0 : index
      %get3A_668 = tpu.vector_load %arg9[%get3A_666, %get3A_667] {strides = array<i32>} : memref<512x32xf32, #tpu.memory_space<vmem>>, vector<1x16xf32>,
      %get3A_669 = vector.shape_cast %get3A_668 : vector<1x16xf32> to vector<16xf32>
      %get3A_670 = arith.index_cast %squeeze3A_663 : i32 to index
      %get3A_671 = arith.constant 0 : index
      %get3A_672 = tpu.vector_load %arg10[%get3A_670, %get3A_671] {strides = array<i32>} : memref<5x32xf32, #tpu.memory_space<vmem>>, vector<1x16xf32>,
      %get3A_673 = vector.shape_cast %get3A_672 : vector<1x16xf32> to vector<16xf32>
      %add3A_674 = arith.addf %get3A_669, %get3A_673 : vector<16xf32>
      %swap3A_675 = arith.index_cast %add3A_665 : i32 to index
      %swap3A_676 = arith.constant 0 : index
      %swap3A_677 = tpu.vector_load %arg9[%swap3A_675, %swap3A_676] {strides = array<i32>} : memref<512x32xf32, #tpu.memory_space<vmem>>, vector<1x16xf32>,
      %swap3A_678 = vector.shape_cast %swap3A_677 : vector<1x16xf32> to vector<16xf32>
      %swap3A_679 = vector.shape_cast %add3A_674 : vector<16xf32> to vector<1x16xf32>
      tpu.vector_store %arg9[%swap3A_675, %swap3A_676], %swap3A_679 {strides = array<i32>} : memref<512x32xf32, #tpu.memory_space<vmem>>, vector<1x16xf32>,
      %add3A_680 = arith.constant 13 : i32
      %add3A_681 = arith.addi %add3A_220, %add3A_680 : i32
      %get3A_682 = arith.index_cast %add3A_681 : i32 to index
      %get3A_683 = arith.constant 16 : index
      %get3A_684 = tpu.vector_load %arg9[%get3A_682, %get3A_683] {strides = array<i32>} : memref<512x32xf32, #tpu.memory_space<vmem>>, vector<1x16xf32>,
      %get3A_685 = vector.shape_cast %get3A_684 : vector<1x16xf32> to vector<16xf32>
      %get3A_686 = arith.index_cast %squeeze3A_663 : i32 to index
      %get3A_687 = arith.constant 16 : index
      %get3A_688 = tpu.vector_load %arg10[%get3A_686, %get3A_687] {strides = array<i32>} : memref<5x32xf32, #tpu.memory_space<vmem>>, vector<1x16xf32>,
      %get3A_689 = vector.shape_cast %get3A_688 : vector<1x16xf32> to vector<16xf32>
      %add3A_690 = arith.addf %get3A_685, %get3A_689 : vector<16xf32>
      %swap3A_691 = arith.index_cast %add3A_681 : i32 to index
      %swap3A_692 = arith.constant 16 : index
      %swap3A_693 = tpu.vector_load %arg9[%swap3A_691, %swap3A_692] {strides = array<i32>} : memref<512x32xf32, #tpu.memory_space<vmem>>, vector<1x16xf32>,
      %swap3A_694 = vector.shape_cast %swap3A_693 : vector<1x16xf32> to vector<16xf32>
      %swap3A_695 = vector.shape_cast %add3A_690 : vector<16xf32> to vector<1x16xf32>
      tpu.vector_store %arg9[%swap3A_691, %swap3A_692], %swap3A_695 {strides = array<i32>} : memref<512x32xf32, #tpu.memory_space<vmem>>, vector<1x16xf32>,
      %slice3A_696 = vector.extract_strided_slice %get3A_222 {offsets = [14], sizes = [1], strides = [1]} : vector<16xi32> to vector<1xi32>
      %squeeze3A_697 = vector.extract %slice3A_696[0] : i32 from vector<1xi32>
      %add3A_698 = arith.constant 14 : i32
      %add3A_699 = arith.addi %add3A_220, %add3A_698 : i32
      %get3A_700 = arith.index_cast %add3A_699 : i32 to index
      %get3A_701 = arith.constant 0 : index
      %get3A_702 = tpu.vector_load %arg9[%get3A_700, %get3A_701] {strides = array<i32>} : memref<512x32xf32, #tpu.memory_space<vmem>>, vector<1x16xf32>,
      %get3A_703 = vector.shape_cast %get3A_702 : vector<1x16xf32> to vector<16xf32>
      %get3A_704 = arith.index_cast %squeeze3A_697 : i32 to index
      %get3A_705 = arith.constant 0 : index
      %get3A_706 = tpu.vector_load %arg10[%get3A_704, %get3A_705] {strides = array<i32>} : memref<5x32xf32, #tpu.memory_space<vmem>>, vector<1x16xf32>,
      %get3A_707 = vector.shape_cast %get3A_706 : vector<1x16xf32> to vector<16xf32>
      %add3A_708 = arith.addf %get3A_703, %get3A_707 : vector<16xf32>
      %swap3A_709 = arith.index_cast %add3A_699 : i32 to index
      %swap3A_710 = arith.constant 0 : index
      %swap3A_711 = tpu.vector_load %arg9[%swap3A_709, %swap3A_710] {strides = array<i32>} : memref<512x32xf32, #tpu.memory_space<vmem>>, vector<1x16xf32>,
      %swap3A_712 = vector.shape_cast %swap3A_711 : vector<1x16xf32> to vector<16xf32>
      %swap3A_713 = vector.shape_cast %add3A_708 : vector<16xf32> to vector<1x16xf32>
      tpu.vector_store %arg9[%swap3A_709, %swap3A_710], %swap3A_713 {strides = array<i32>} : memref<512x32xf32, #tpu.memory_space<vmem>>, vector<1x16xf32>,
      %add3A_714 = arith.constant 14 : i32
      %add3A_715 = arith.addi %add3A_220, %add3A_714 : i32
      %get3A_716 = arith.index_cast %add3A_715 : i32 to index
      %get3A_717 = arith.constant 16 : index
      %get3A_718 = tpu.vector_load %arg9[%get3A_716, %get3A_717] {strides = array<i32>} : memref<512x32xf32, #tpu.memory_space<vmem>>, vector<1x16xf32>,
      %get3A_719 = vector.shape_cast %get3A_718 : vector<1x16xf32> to vector<16xf32>
      %get3A_720 = arith.index_cast %squeeze3A_697 : i32 to index
      %get3A_721 = arith.constant 16 : index
      %get3A_722 = tpu.vector_load %arg10[%get3A_720, %get3A_721] {strides = array<i32>} : memref<5x32xf32, #tpu.memory_space<vmem>>, vector<1x16xf32>,
      %get3A_723 = vector.shape_cast %get3A_722 : vector<1x16xf32> to vector<16xf32>
      %add3A_724 = arith.addf %get3A_719, %get3A_723 : vector<16xf32>
      %swap3A_725 = arith.index_cast %add3A_715 : i32 to index
      %swap3A_726 = arith.constant 16 : index
      %swap3A_727 = tpu.vector_load %arg9[%swap3A_725, %swap3A_726] {strides = array<i32>} : memref<512x32xf32, #tpu.memory_space<vmem>>, vector<1x16xf32>,
      %swap3A_728 = vector.shape_cast %swap3A_727 : vector<1x16xf32> to vector<16xf32>
      %swap3A_729 = vector.shape_cast %add3A_724 : vector<16xf32> to vector<1x16xf32>
      tpu.vector_store %arg9[%swap3A_725, %swap3A_726], %swap3A_729 {strides = array<i32>} : memref<512x32xf32, #tpu.memory_space<vmem>>, vector<1x16xf32>,
      %slice3A_730 = vector.extract_strided_slice %get3A_222 {offsets = [15], sizes = [1], strides = [1]} : vector<16xi32> to vector<1xi32>
      %squeeze3A_731 = vector.extract %slice3A_730[0] : i32 from vector<1xi32>
      %add3A_732 = arith.constant 15 : i32
      %add3A_733 = arith.addi %add3A_220, %add3A_732 : i32
      %get3A_734 = arith.index_cast %add3A_733 : i32 to index
      %get3A_735 = arith.constant 0 : index
      %get3A_736 = tpu.vector_load %arg9[%get3A_734, %get3A_735] {strides = array<i32>} : memref<512x32xf32, #tpu.memory_space<vmem>>, vector<1x16xf32>,
      %get3A_737 = vector.shape_cast %get3A_736 : vector<1x16xf32> to vector<16xf32>
      %get3A_738 = arith.index_cast %squeeze3A_731 : i32 to index
      %get3A_739 = arith.constant 0 : index
      %get3A_740 = tpu.vector_load %arg10[%get3A_738, %get3A_739] {strides = array<i32>} : memref<5x32xf32, #tpu.memory_space<vmem>>, vector<1x16xf32>,
      %get3A_741 = vector.shape_cast %get3A_740 : vector<1x16xf32> to vector<16xf32>
      %add3A_742 = arith.addf %get3A_737, %get3A_741 : vector<16xf32>
      %swap3A_743 = arith.index_cast %add3A_733 : i32 to index
      %swap3A_744 = arith.constant 0 : index
      %swap3A_745 = tpu.vector_load %arg9[%swap3A_743, %swap3A_744] {strides = array<i32>} : memref<512x32xf32, #tpu.memory_space<vmem>>, vector<1x16xf32>,
      %swap3A_746 = vector.shape_cast %swap3A_745 : vector<1x16xf32> to vector<16xf32>
      %swap3A_747 = vector.shape_cast %add3A_742 : vector<16xf32> to vector<1x16xf32>
      tpu.vector_store %arg9[%swap3A_743, %swap3A_744], %swap3A_747 {strides = array<i32>} : memref<512x32xf32, #tpu.memory_space<vmem>>, vector<1x16xf32>,
      %add3A_748 = arith.constant 15 : i32
      %add3A_749 = arith.addi %add3A_220, %add3A_748 : i32
      %get3A_750 = arith.index_cast %add3A_749 : i32 to index
      %get3A_751 = arith.constant 16 : index
      %get3A_752 = tpu.vector_load %arg9[%get3A_750, %get3A_751] {strides = array<i32>} : memref<512x32xf32, #tpu.memory_space<vmem>>, vector<1x16xf32>,
      %get3A_753 = vector.shape_cast %get3A_752 : vector<1x16xf32> to vector<16xf32>
      %get3A_754 = arith.index_cast %squeeze3A_731 : i32 to index
      %get3A_755 = arith.constant 16 : index
      %get3A_756 = tpu.vector_load %arg10[%get3A_754, %get3A_755] {strides = array<i32>} : memref<5x32xf32, #tpu.memory_space<vmem>>, vector<1x16xf32>,
      %get3A_757 = vector.shape_cast %get3A_756 : vector<1x16xf32> to vector<16xf32>
      %add3A_758 = arith.addf %get3A_753, %get3A_757 : vector<16xf32>
      %swap3A_759 = arith.index_cast %add3A_749 : i32 to index
      %swap3A_760 = arith.constant 16 : index
      %swap3A_761 = tpu.vector_load %arg9[%swap3A_759, %swap3A_760] {strides = array<i32>} : memref<512x32xf32, #tpu.memory_space<vmem>>, vector<1x16xf32>,
      %swap3A_762 = vector.shape_cast %swap3A_761 : vector<1x16xf32> to vector<16xf32>
      %swap3A_763 = vector.shape_cast %add3A_758 : vector<16xf32> to vector<1x16xf32>
      tpu.vector_store %arg9[%swap3A_759, %swap3A_760], %swap3A_763 {strides = array<i32>} : memref<512x32xf32, #tpu.memory_space<vmem>>, vector<1x16xf32>,
    }
    %scan3A_163 = arith.constant 8 : i32
    %add3A_164 = arith.constant 384 : i32
    %add3A_165 = arith.addi %mul3A_2, %add3A_164 : i32
    %dma_start3A_166 = arith.constant 384 : i32
    %dma_start3A_167 = arith.constant 0 : i32
    %dma_start3A_168 = tpu.memref_slice %arg9[%dma_start3A_166, %dma_start3A_167] : memref<512x32xf32, #tpu.memory_space<vmem>> -> memref<128x32xf32, #tpu.memory_space<vmem>>
    %dma_start3A_169 = arith.constant 0 : i32
    %dma_start3A_170 = tpu.memref_slice %arg6[%add3A_165, %dma_start3A_169] : memref<16384x32xf32, #tpu.memory_space<hbm>> -> memref<128x32xf32, #tpu.memory_space<hbm>>
    %dma_start3A_171 = arith.constant 0 : i32
    %dma_start3A_172 = tpu.memref_slice %arg6[%add3A_165, %dma_start3A_171] : memref<16384x32xf32, #tpu.memory_space<hbm>> -> memref<128x32xf32, #tpu.memory_space<hbm>>
    %dma_start3A_173 = arith.constant 384 : i32
    %dma_start3A_174 = arith.constant 0 : i32
    %dma_start3A_175 = tpu.memref_slice %arg9[%dma_start3A_173, %dma_start3A_174] : memref<512x32xf32, #tpu.memory_space<vmem>> -> memref<128x32xf32, #tpu.memory_space<vmem>>
    tpu.enqueue_dma source(%dma_start3A_175 : memref<128x32xf32, #tpu.memory_space<vmem>>) target(%dma_start3A_172 : memref<128x32xf32, #tpu.memory_space<hbm>>) target_semaphore(%arg12 : memref<!tpu.dma_semaphore, #tpu.memory_space<semaphore_mem>>)
    %dma_wait3A_176 = arith.constant 0 : i32
    %dma_wait3A_177 = arith.constant 0 : i32
    %dma_wait3A_178 = tpu.memref_slice %arg9[%dma_wait3A_176, %dma_wait3A_177] : memref<512x32xf32, #tpu.memory_space<vmem>> -> memref<128x32xf32, #tpu.memory_space<vmem>>
    %dma_wait3A_179 = arith.constant 0 : i32
    %dma_wait3A_180 = tpu.memref_slice %arg6[%add3A_84, %dma_wait3A_179] : memref<16384x32xf32, #tpu.memory_space<hbm>> -> memref<128x32xf32, #tpu.memory_space<hbm>>
    %dma_wait3A_181 = arith.constant 0 : i32
    %dma_wait3A_182 = tpu.memref_slice %arg6[%add3A_84, %dma_wait3A_181] : memref<16384x32xf32, #tpu.memory_space<hbm>> -> memref<128x32xf32, #tpu.memory_space<hbm>>
    %dma_wait3A_183 = arith.constant 0 : i32
    %dma_wait3A_184 = arith.constant 0 : i32
    %dma_wait3A_185 = tpu.memref_slice %arg9[%dma_wait3A_183, %dma_wait3A_184] : memref<512x32xf32, #tpu.memory_space<vmem>> -> memref<128x32xf32, #tpu.memory_space<vmem>>
    tpu.wait_dma2 semaphore(%arg12 : memref<!tpu.dma_semaphore, #tpu.memory_space<semaphore_mem>>) src(%dma_wait3A_185 : memref<128x32xf32, #tpu.memory_space<vmem>>) dst(%dma_wait3A_182 : memref<128x32xf32, #tpu.memory_space<hbm>>)
    %dma_wait3A_186 = arith.constant 128 : i32
    %dma_wait3A_187 = arith.constant 0 : i32
    %dma_wait3A_188 = tpu.memref_slice %arg9[%dma_wait3A_186, %dma_wait3A_187] : memref<512x32xf32, #tpu.memory_space<vmem>> -> memref<128x32xf32, #tpu.memory_space<vmem>>
    %dma_wait3A_189 = arith.constant 0 : i32
    %dma_wait3A_190 = tpu.memref_slice %arg6[%add3A_111, %dma_wait3A_189] : memref<16384x32xf32, #tpu.memory_space<hbm>> -> memref<128x32xf32, #tpu.memory_space<hbm>>
    %dma_wait3A_191 = arith.constant 0 : i32
    %dma_wait3A_192 = tpu.memref_slice %arg6[%add3A_111, %dma_wait3A_191] : memref<16384x32xf32, #tpu.memory_space<hbm>> -> memref<128x32xf32, #tpu.memory_space<hbm>>
    %dma_wait3A_193 = arith.constant 128 : i32
    %dma_wait3A_194 = arith.constant 0 : i32
    %dma_wait3A_195 = tpu.memref_slice %arg9[%dma_wait3A_193, %dma_wait3A_194] : memref<512x32xf32, #tpu.memory_space<vmem>> -> memref<128x32xf32, #tpu.memory_space<vmem>>
    tpu.wait_dma2 semaphore(%arg12 : memref<!tpu.dma_semaphore, #tpu.memory_space<semaphore_mem>>) src(%dma_wait3A_195 : memref<128x32xf32, #tpu.memory_space<vmem>>) dst(%dma_wait3A_192 : memref<128x32xf32, #tpu.memory_space<hbm>>)
    %dma_wait3A_196 = arith.constant 256 : i32
    %dma_wait3A_197 = arith.constant 0 : i32
    %dma_wait3A_198 = tpu.memref_slice %arg9[%dma_wait3A_196, %dma_wait3A_197] : memref<512x32xf32, #tpu.memory_space<vmem>> -> memref<128x32xf32, #tpu.memory_space<vmem>>
    %dma_wait3A_199 = arith.constant 0 : i32
    %dma_wait3A_200 = tpu.memref_slice %arg6[%add3A_138, %dma_wait3A_199] : memref<16384x32xf32, #tpu.memory_space<hbm>> -> memref<128x32xf32, #tpu.memory_space<hbm>>
    %dma_wait3A_201 = arith.constant 0 : i32
    %dma_wait3A_202 = tpu.memref_slice %arg6[%add3A_138, %dma_wait3A_201] : memref<16384x32xf32, #tpu.memory_space<hbm>> -> memref<128x32xf32, #tpu.memory_space<hbm>>
    %dma_wait3A_203 = arith.constant 256 : i32
    %dma_wait3A_204 = arith.constant 0 : i32
    %dma_wait3A_205 = tpu.memref_slice %arg9[%dma_wait3A_203, %dma_wait3A_204] : memref<512x32xf32, #tpu.memory_space<vmem>> -> memref<128x32xf32, #tpu.memory_space<vmem>>
    tpu.wait_dma2 semaphore(%arg12 : memref<!tpu.dma_semaphore, #tpu.memory_space<semaphore_mem>>) src(%dma_wait3A_205 : memref<128x32xf32, #tpu.memory_space<vmem>>) dst(%dma_wait3A_202 : memref<128x32xf32, #tpu.memory_space<hbm>>)
    %dma_wait3A_206 = arith.constant 384 : i32
    %dma_wait3A_207 = arith.constant 0 : i32
    %dma_wait3A_208 = tpu.memref_slice %arg9[%dma_wait3A_206, %dma_wait3A_207] : memref<512x32xf32, #tpu.memory_space<vmem>> -> memref<128x32xf32, #tpu.memory_space<vmem>>
    %dma_wait3A_209 = arith.constant 0 : i32
    %dma_wait3A_210 = tpu.memref_slice %arg6[%add3A_165, %dma_wait3A_209] : memref<16384x32xf32, #tpu.memory_space<hbm>> -> memref<128x32xf32, #tpu.memory_space<hbm>>
    %dma_wait3A_211 = arith.constant 0 : i32
    %dma_wait3A_212 = tpu.memref_slice %arg6[%add3A_165, %dma_wait3A_211] : memref<16384x32xf32, #tpu.memory_space<hbm>> -> memref<128x32xf32, #tpu.memory_space<hbm>>
    %dma_wait3A_213 = arith.constant 384 : i32
    %dma_wait3A_214 = arith.constant 0 : i32
    %dma_wait3A_215 = tpu.memref_slice %arg9[%dma_wait3A_213, %dma_wait3A_214] : memref<512x32xf32, #tpu.memory_space<vmem>> -> memref<128x32xf32, #tpu.memory_space<vmem>>
    tpu.wait_dma2 semaphore(%arg12 : memref<!tpu.dma_semaphore, #tpu.memory_space<semaphore_mem>>) src(%dma_wait3A_215 : memref<128x32xf32, #tpu.memory_space<vmem>>) dst(%dma_wait3A_212 : memref<128x32xf32, #tpu.memory_space<hbm>>)
    return
  }
}

</mosaic_0001>

<sc_bundles>
// kernel: _sc_embed_call.3.cloned.1.call-start
scs
__scs_entry_jumppad:
0x0: {  	(pc) =	sbr.rel $0x88, $3  }
0x1: {  	(tag) =	ssettag $0x0;
	lr =	simm.s32 $0x1  }
0x2: {  	[smem:$0x3F9D] =	sst lr;
	_ =	strace $0xD0000000  }
0x3: {  	_ = 	snop  }
0x4: {  	_ = 	snop  }
0x5: {  	_ = 	snop  }
0x6: {  	_ = 	snop  }
0x7: {  	_ = 	snop  }
__scs_overlays_trampoline_lowered:
0x8: {  	[smem:$0x3FAC] =	sst s0  }
0x9: {  	[smem:$0x3FAD] =	sst s1  }
0xa: {  	[smem:$0x3FAE] =	sst s2  }
0xb: {  	[smem:$0x3FAF] =	sst s3  }
0xc: {  	[smem:$0x3FB0] =	sst s4  }
0xd: {  	[smem:$0x3FB1] =	sst s5  }
0xe: {  	[smem:$0x3FB2] =	sst s6  }
0xf: {  	[smem:$0x3FB3] =	sst s7  }
0x10: {  	[smem:$0x3FB4] =	sst s8  }
0x11: {  	[smem:$0x3FB5] =	sst s9;
	s0 =	simm.s32 @!p0 $0x0  }
0x12: {  	s1 =	sld [smem:$0x3F9B];
	s0 =	simm.s32 @p0 $0x1  }
0x13: {  	[smem:$0x3FB6] =	sst s0;
	s0 =	simm.s32 @!p1 $0x0  }
0x14: {  	s2 =	sld [smem:$0x3F9A];
	s0 =	simm.s32 @p1 $0x1  }
0x15: {  	[smem:$0x3FB7] =	sst s0;
	s0 =	simm.s32 @!p2 $0x0  }
0x16: {  	s3 =	sld [smem:$0x3FDB];
	s0 =	simm.s32 @p2 $0x1  }
0x17: {  	s4 =	simm.s32 $0x1BF5;
	[smem:$0x3FB9] =	sst s0  }
0x18: {  	s0 =	sld [smem:$0x3F9C];
	_ =	swait.ge [sflag:s4], $0x0  }
0x19: {  	s7 =	sld [smem:$0x3F9D]  }
0x1a: {  	s8 =	sadd.s32 $0xFFFFE003, lr  }
0x1b: {  	s9 =	sadd.s32 $0xFFFFFEF7, lr;
	s5 =	simm.s32 $0xFFFFFFFF;
	p2 =	slt.u32 s8, $0xFFFFF086  }
0x1c: {  	p1 =	slt.u32 s9, $0xF7A;
	s5 =	simm.s32 @!p2 $0x0  }
0x1d: {  	s5 =	simm.s32 @p1 $0x1;
	p0 =	seq.s32 s7, s2  }
0x1e: {  	s7 =	smul.u32 @!p0 $0xF7A, s2;
	p2 =	seq.s32 @!p0 s5, $0x0  }
0x1f: {  	s9 =	smul.u32 $0xF7A, s1;
	s8 =	simm.s32 @!p0 $0x1BF5;
	p2 =	por !p2, p0  }
0x20: {  	[sflag:s8] =	ssyncset.s32 @!p0 $0xFFFFF086;
	s6 =	sadd.s32 @!p0 s3, s7;
	s7 =	simm.s32 @!p0 $0x108  }
0x21: {  	s3 =	sadd.s32 s3, s9;
	s6 =	sadd.s32 @!p0 $0x88, s6;
	s7 =	simm.s32 @p2 $0x1082  }
0x22: {  	[simem:s7], [sflag:s8] =	dma.local @!p0 [hbm:s6], $0xF7A  }
0x23: {  	s9 =	sor.u32 $0xD0000000, s2;
	s6 =	simm.s32 $0x108;
	_ =	swait.ge @!p0 [sflag:s8], $0x0  }
0x24: {  	s3 =	sadd.s32 $0x88, s3;
	s6 =	simm.s32 @!p1 $0x1082;
	[sflag:s4] =	ssyncset.s32 $0xFFFFF086  }
0x25: {  	[simem:s6], [sflag:s4] =	dma.local [hbm:s3], $0xF7A  }
0x26: {  	[smem:$0x3F9D] =	sst s1;
	(tag) =	ssettag s2;
	_ =	strace s9  }
0x27: {  	s1 =	sld [smem:$0x3FAD]  }
0x28: {  	s2 =	sld [smem:$0x3FAE]  }
0x29: {  	s4 =	sld [smem:$0x3FB0]  }
0x2a: {  	p0 =	seq.s32 s5, $0x0;
	s5 =	sld [smem:$0x3FB1]  }
0x2b: {  	s6 =	sld [smem:$0x3FB2]  }
0x2c: {  	s7 =	sld [smem:$0x3FB3]  }
0x2d: {  	s3 =	simm.s32 $0x108;
	s8 =	sld [smem:$0x3FB4]  }
0x2e: {  	s3 =	simm.s32 @!p0 $0x1082;
	s9 =	sld [smem:$0x3FB5]  }
0x2f: {  	lr =	sadd.s32 s0, s3;
	s0 =	sld [smem:$0x3FAC]  }
0x30: {  	s3 =	sld [smem:$0x3FAF]  }
0x31: {  	[smem:$0x3FB8] =	sst s10  }
0x32: {  	s10 =	sld [smem:$0x3FB6];
	_ =	sdelay $0x3  }
0x33: {  	p0 =	seq.s32 s10, $0x1;
	s10 =	sld [smem:$0x3FB8];
	_ =	sdelay $0x3  }
0x34: {  	[smem:$0x3FB8] =	sst s10  }
0x35: {  	s10 =	sld [smem:$0x3FB7];
	_ =	sdelay $0x3  }
0x36: {  	p1 =	seq.s32 s10, $0x1;
	s10 =	sld [smem:$0x3FB8];
	_ =	sdelay $0x3  }
0x37: {  	[smem:$0x3FB8] =	sst s10  }
0x38: {  	s10 =	sld [smem:$0x3FB9]  }
0x39: {  	_ = 	snop;
	(pc) =	sbr.ind lr, $3  }
0x3a: {  	_ = 	snop  }
0x3b: {  	_ = 	snop  }
0x3c: {  	p2 =	seq.s32 s10, $0x1;
	s10 =	sld [smem:$0x3FB8]  }
0x3d: {  	_ =	shalt  }
0x3e: {  	_ =	shalt  }
0x3f: {  	_ =	shalt  }
0x40: {  	_ =	shalt  }
0x41: {  	_ =	shalt  }
0x42: {  	_ =	shalt  }
0x43: {  	_ =	shalt  }
0x44: {  	_ =	shalt  }
0x45: {  	_ =	shalt  }
0x46: {  	_ =	shalt  }
0x47: {  	_ =	shalt  }
0x48: {  	_ =	shalt  }
0x49: {  	_ =	shalt  }
0x4a: {  	_ =	shalt  }
0x4b: {  	_ =	shalt  }
0x4c: {  	_ =	shalt  }
0x4d: {  	_ =	shalt  }
0x4e: {  	_ =	shalt  }
0x4f: {  	_ =	shalt  }
0x50: {  	_ =	shalt  }
0x51: {  	_ =	shalt  }
0x52: {  	_ =	shalt  }
0x53: {  	_ =	shalt  }
0x54: {  	_ =	shalt  }
0x55: {  	_ =	shalt  }
0x56: {  	_ =	shalt  }
0x57: {  	_ =	shalt  }
0x58: {  	_ =	shalt  }
0x59: {  	_ =	shalt  }
0x5a: {  	_ =	shalt  }
0x5b: {  	_ =	shalt  }
0x5c: {  	_ =	shalt  }
0x5d: {  	_ =	shalt  }
0x5e: {  	_ =	shalt  }
0x5f: {  	_ =	shalt  }
0x60: {  	_ =	shalt  }
0x61: {  	_ =	shalt  }
0x62: {  	_ =	shalt  }
0x63: {  	_ =	shalt  }
0x64: {  	_ =	shalt  }
0x65: {  	_ =	shalt  }
0x66: {  	_ =	shalt  }
0x67: {  	_ =	shalt  }
0x68: {  	_ =	shalt  }
0x69: {  	_ =	shalt  }
0x6a: {  	_ =	shalt  }
0x6b: {  	_ =	shalt  }
0x6c: {  	_ =	shalt  }
0x6d: {  	_ =	shalt  }
0x6e: {  	_ =	shalt  }
0x6f: {  	_ =	shalt  }
0x70: {  	_ =	shalt  }
0x71: {  	_ =	shalt  }
0x72: {  	_ =	shalt  }
0x73: {  	_ =	shalt  }
0x74: {  	_ =	shalt  }
0x75: {  	_ =	shalt  }
0x76: {  	_ =	shalt  }
0x77: {  	_ =	shalt  }
0x78: {  	_ =	shalt  }
0x79: {  	_ =	shalt  }
0x7a: {  	_ =	shalt  }
0x7b: {  	_ =	shalt  }
0x7c: {  	_ =	shalt  }
0x7d: {  	_ =	shalt  }
0x7e: {  	_ =	shalt  }
0x7f: {  	_ =	shalt  }
0x80: {  	_ =	shalt  }
0x81: {  	_ =	shalt  }
0x82: {  	_ =	shalt  }
0x83: {  	_ =	shalt  }
0x84: {  	_ =	shalt  }
0x85: {  	_ =	shalt  }
0x86: {  	_ =	shalt  }
0x87: {  	_ =	shalt  }
.Lfunc_end0:
.L_simem_size_0:
called_computation_lowered:
.L_overlay_start_0:
0x88: {  	s2 =	sld [smem:$0x3FD9]  }
0x89: {  	s3 =	sld [smem:$0x3FFE];
	_ =	sdelay $0x1  }
0x8a: {  	s1 =	srdreg.scid  }
0x8b: {  	s0 =	sand.u32 $0x1, s1  }
0x8c: {  	s17 =	sshll.u32 s0, $0xA;
	s2 =	sadd.s32 s3, s2  }
0x8d: {  	s2 =	sadd.s32 s2, s17  }
0x8e: {  	[smem:$0x3FC4] =	sst s2  }
0x8f: {  	_ = 	snop  }
0x90: {  	s2 =	sld [smem:$0x3FC9]  }
0x91: {  	s18 =	sld [smem:$0x3FC7]  }
0x92: {  	s4 =	sld [smem:$0x3FC6];
	(tm) =	ssettm $0x1  }
0x93: {  	s5 =	sld [smem:$0x3FFB];
	_ =	sdelay $0x3  }
0x94: {  	_ =	strace s5  }
0x95: {  	s5 =	sld [smem:$0x3FFC];
	_ =	sdelay $0x3  }
0x96: {  	_ =	strace s5  }
0x97: {  	s5 =	sld [smem:$0x3FFD];
	_ =	sdelay $0x3  }
0x98: {  	_ =	strace s5  }
0x99: {  	_ =	strace $0x8FFFFFFF  }
0x9a: {  	s19 =	sld [smem:$0x3FDB];
	_ =	sdelay $0x1  }
0x9b: {  	s6 =	simm.s32 $_scs_section_size  }
0x9c: {  	s7 =	simm.s32 $_size__tile_overlayer_lowered;
	s8 =	simm.s32 $_tile_overlayer_lowered  }
0x9d: {  	s22 =	simm.s32 $0x1BFF;
	s21 =	sshll.u32 s8, $0x1;
	s5 =	sadd.s32 s6, s19  }
0x9e: {  	s9 =	simm.s32 $0x0;
	s20 =	sshll.u32 s7, $0x1;
	s7 =	sadd.s32 s21, s5  }
0x9f: {  	[timem:s9], [sflag:s22] =	dma.local [hbm:s7], s20  }
0xa0: {  	_ =	swait.ge [sflag:s22], s20  }
0xa1: {  	s6 =	ssub.s32 $0x0, s20;
	[sflag:s22] =	ssyncset.done $0x0  }
0xa2: {  	[sflag:s22] =	ssyncadd.s32 s6;
	_ =	sdelay $0x1  }
0xa3: {  	s23 =	simm.s32 $0x1B8B  }
0xa4: {  	_ =	swait.ge [sflag:s23], $0x1  }
0xa5: {  	[sflag:s23] =	ssyncset.done $0x0  }
0xa6: {  	s25 =	simm.s32 $0x1B8E;
	s24 =	sld [smem:$0x3FFE];
	[sflag:s23] =	ssyncadd.s32 $0xFFFFFFFF  }
0xa7: {  	s26 =	simm.s32 $execute0_lowered;
	[smem:$0x3FD2] =	sst s25  }
0xa8: {  	s7 =	sshll.u32 s26, $0x1;
	_ =	strace $0x80000046;
	[dreg:$0x1] =	wrdreg $0xFFFFFFFF  }
0xa9: {  	s28 =	simm.s32 $_size_execute0_lowered;
	s5 =	sadd.s32 s5, s7;
	[dreg:$0x0] =	wrdreg $0x0  }
0xaa: {  	s7 =	sshll.u32 s28, $0x1;
	[dreg:$0x2] =	wrdreg s5  }
0xab: {  	[dreg:$0x3] =	wrdreg s7  }
0xac: {  	[dreg:$0x4] =	wrdreg $0xC0  }
0xad: {  	_ =	task [dreg:s9], $0x5FFFF  }
0xae: {  	[dreg:$0x1] =	wrdreg $0xFFFFFFFF  }
0xaf: {  	[dreg:$0x0] =	wrdreg $0x60  }
0xb0: {  	[dreg:$0x2] =	wrdreg s2  }
0xb1: {  	[dreg:$0x3] =	wrdreg s24  }
0xb2: {  	[dreg:$0x4] =	wrdreg s18  }
0xb3: {  	[dreg:$0x5] =	wrdreg s4  }
0xb4: {  	[dreg:$0x6] =	wrdreg $0x9  }
0xb5: {  	_ =	task.clear_ibuf [dreg:s9], $0x7FFFF;
	_ =	strace $0x90000046  }
0xb6: {  	s29 =	simm.s32 $0x9;
	_ =	strace $0x80000048  }
0xb7: {  	_ =	swait.ge [sflag:s29], $0x1  }
0xb8: {  	[sflag:s29] =	ssyncadd.s32 $0xFFFFFFFF  }
0xb9: {  	_ =	strace $0x90000048  }
0xba: {  	_ =	sfence  }
0xbb: {  	s30 =	sld [smem:$0x0];
	_ =	sdelay $0x2  }
0xbc: {  	s31 =	sshll.u32 s1, $0xD;
	s1 =	sshrl.u32 s1, $0x2  }
0xbd: {  	s3 =	sand.u32 $0x4000, s31;
	s1 =	sadd.s32 s1, s30  }
0xbe: {  	s0 =	sor.u32 s3, s0;
	s1 =	sshll.u32 s1, $0x11  }
0xbf: {  	s0 =	sor.u32 s1, s0  }
0xc0: {  	s0 =	sadd.s32 $0x8F2B, s0  }
0xc1: {  	[sflag:s0] =	ssyncadd.remote.s32 $0x1  }
0xc2: {  	_ =	sfence.sel $0xFFFF  }
0xc3: {  	[dreg:$0x0] =	wrdreg $0xFFFFFFFF;
	(pc) =	sbr.abs _section_cstart, $3  }
0xc4: {  	[dreg:$0x1] =	wrdreg $0xFFFFFFFF  }
0xc5: {  	_ =	task.clear_ibuf [dreg:s9], $0x2FFFF;
	_ =	strace $0x9FFFFFFF  }
0xc6: {  	(tm) =	ssettm $0x7FFFFFFF  }
0xc7: {  	_ =	shalt  }
tec
execute0_lowered:
.L_overlay_start_1:
0x0: {  	(tag) =	ssettag $0x1  }
0x1: {  	s0 =	rddreg [dreg:$0x0]  }
0x2: {  	s1 =	rddreg [dreg:$0x1]  }
0x3: {  	s3 =	rddreg [dreg:$0x3]  }
0x4: {  	s2 =	srdreg.scid;
	s5 =	stileid.u32  }
0x5: {  	s4 =	simm.s32 $0x0;
	s12 =	simm.s32 $0x7;
	s2 =	sand.u32 $0x1, s2  }
0x6: {  	s5 =	sshll.u32 s5, $0xA;
	[smem:$0x7FF] =	sst s4;
	s6 =	sshll.u32 s2, $0x9  }
0x7: {  	s2 =	ssub.s32 $0x2, s2;
	_ =	strace $0x80000047;
	s6 =	sor.u32 s6, s5  }
0x8: {  	s8 =	sshrl.u32 s2, $0x1;
	s5 =	sadd.s32 $0x400, s1;
	s23 =	sshrl.u32 s6, $0x3  }
0x9: {  	s7 =	sshll.u32 s6, $0x4;
	s2 =	ssub.s32 s2, s8;
	s0 =	sadd.s32 s0, s23  }
0xa: {  	s1 =	sadd.s32 s7, s1;
	s30 =	smax.u32 s2, $0x1;
	[dreg:$0x7] =	wrdreg s0  }
0xb: {  	s13 =	simm.s32 $0x80;
	s24 =	sadd.s32 $0x186E00, s1;
	[dreg:$0xa] =	wrdreg s30  }
0xc: {  	s21 =	simm.s32 $0x1;
	s25 =	sadd.s32 $0x187600, s1;
	[dreg:$0x5] =	wrdreg s24  }
0xd: {  	s29 =	simm.s32 $0x6;
	s26 =	sadd.s32 $0x187E00, s1;
	[dreg:$0x6] =	wrdreg s25  }
0xe: {  	s31 =	simm.s32 $0x2;
	s28 =	sadd.s32 $0x188600, s1;
	[dreg:$0x8] =	wrdreg s26  }
0xf: {  	s0 =	simm.s32 $0x0;
	[dreg:$0x9] =	wrdreg s28;
	s26 =	simm.s32 $0x5  }
.LBB2_1:
0x10: {  	s1 =	rddreg [dreg:$0x7]  }
0x11: {  	[tilespmem:s4], [sflag:$0x7] =	stream.linear.gather [hbm4b:s1+s4], $0x200, $0x38;
	[tilespmem:$0x10800] =	vst v63  }
0x12: {  	_ =	swait.ge [sflag:s12], $0x200  }
0x13: {  	[sflag:s12] =	ssyncset.done $0x0  }
0x14: {  	s23 =	simm.s32 $0x200;
	[sflag:s12] =	ssyncadd.s32 $0xFFFFFE00  }
0x15: {  	[tilespmem:s23], [sflag:$0x1] =	stream.indirect.gather [hbm4b:s3+s13], $0x1, s4, s13, $0xb8;
	[tilespmem:$0x10800] =	vst v63  }
0x16: {  	s24 =	simm.s32 $0x280  }
0x17: {  	[tilespmem:s24], [sflag:$0x1] =	stream.indirect.gather [hbm4b:s3+s13], $0x1, s13, s13, $0xb8;
	[tilespmem:$0x10800] =	vst v63  }
0x18: {  	s25 =	simm.s32 $0x100;
	s2 =	simm.s32 $0x300  }
0x19: {  	[tilespmem:s2], [sflag:$0x1] =	stream.indirect.gather [hbm4b:s3+s13], $0x1, s25, s13, $0xb8;
	[tilespmem:$0x10800] =	vst v63  }
0x1a: {  	s28 =	simm.s32 $0x180;
	s30 =	simm.s32 $0x380  }
0x1b: {  	[tilespmem:s30], [sflag:$0x1] =	stream.indirect.gather [hbm4b:s3+s13], $0x1, s28, s13, $0xb8;
	[tilespmem:$0x10800] =	vst v63  }
0x1c: {  	v0 =	vld [tilespmem:s4+$0x0];
	_ =	sdelay $0x4  }
0x1d: {  	v0 =	vshll.u32 v0, $0x4  }
0x1e: {  	(v2sf) =	vpush v0, $0x0  }
0x1f: {  	(v2sf) =	vpush v0, $0x1  }
0x20: {  	(v2sf) =	vpush v0, $0x2;
	_ =	sdelay $0x1  }
0x21: {  	(v2sf) =	vpush v0, $0x4;
	_ =	sdelay $0x1  }
0x22: {  	(v2sf) =	vpush v0, $0x3  }
0x23: {  	(v2sf) =	vpush v0, $0x5  }
0x24: {  	s14 =	simm.s32 $0x2000;
	s15 =	simm.s32 $0x0;
	s2 =	simm.s32 $0x0;
	(v2sf) =	vpush v0, $0x6  }
.LBB2_2:
0x25: {  	p0 =	sne.s32 s14, $0xE000  }
0x26: {  	s6 =	sadd.s32 $0x480, s2;
	s19 =	sadd.s32 $0x980, s2;
	s16 =	smov.u32 s14  }
0x27: {  	s14 =	sadd.s32 $0x2000, s14;
	s25 =	sadd.s32 $0x780, s2;
	s17 =	sadd.s32 $0xA00, s2;
	(v2sf) =	vpush v0, $0x7  }
0x28: {  	s30 =	sadd.s32 $0x680, s2;
	s20 =	sadd.s32 $0x800, s2;
	s18 =	sadd.s32 $0xA80, s2  }
0x29: {  	s7 =	sadd.s32 $0x400, s2;
	s8 =	sadd.s32 $0x600, s2;
	(v2sf) =	vpush v0, $0x8  }
0x2a: {  	s1 =	simm.s32 $0x0;
	s9 =	sadd.s32 $0x700, s2;
	s15 =	sadd.s32 $0x10, s15  }
0x2b: {  	s10 =	sadd.s32 $0x500, s2;
	s23 =	sadd.s32 $0x900, s2;
	s28 =	spop (v2sf);
	(v2sf) =	vpush v0, $0x9  }
0x2c: {  	s11 =	sand.u32 $0x1FFFFFF0, s28;
	s28 =	sadd.s32 $0x880, s2;
	s22 =	spop (v2sf)  }
0x2d: {  	s11 =	sadd.s32 s5, s11;
	s22 =	sand.u32 $0x1FFFFFF0, s22;
	s24 =	spop (v2sf);
	(v2sf) =	vpush v0, $0xA  }
0x2e: {  	[tilespmem:s7], [sflag:$0x3] =	stream.linear.gather [hbm4b:s11+s1], $0x80, $0x38;
	[tilespmem:$0x10800] =	vst v63  }
0x2f: {  	s7 =	sadd.s32 s5, s22;
	s11 =	sadd.s32 $0x580, s2;
	s22 =	spop (v2sf);
	(v2sf) =	vpush v0, $0xB  }
0x30: {  	[tilespmem:s6], [sflag:$0x3] =	stream.linear.gather [hbm4b:s7+s1], $0x80, $0x38;
	[tilespmem:$0x10800] =	vst v63  }
0x31: {  	s6 =	sand.u32 $0x1FFFFFF0, s24;
	s7 =	sand.u32 $0x1FFFFFF0, s22;
	s22 =	spop (v2sf);
	(v2sf) =	vpush v0, $0xC  }
0x32: {  	s6 =	sadd.s32 s5, s6;
	s22 =	sand.u32 $0x1FFFFFF0, s22;
	s24 =	spop (v2sf)  }
0x33: {  	[tilespmem:s10], [sflag:$0x3] =	stream.linear.gather [hbm4b:s6+s1], $0x80, $0x38;
	(v2sf) =	vpush v0, $0xD;
	[tilespmem:$0x10800] =	vst v63  }
0x34: {  	s6 =	sadd.s32 s5, s22;
	s10 =	sand.u32 $0x1FFFFFF0, s24;
	s22 =	spop (v2sf)  }
0x35: {  	[tilespmem:s11], [sflag:$0x3] =	stream.linear.gather [hbm4b:s6+s1], $0x80, $0x38;
	(v2sf) =	vpush v0, $0xE;
	[tilespmem:$0x10800] =	vst v63  }
0x36: {  	s6 =	sadd.s32 s5, s7;
	s7 =	sand.u32 $0x1FFFFFF0, s22;
	s11 =	spop (v2sf)  }
0x37: {  	[tilespmem:s8], [sflag:$0x3] =	stream.linear.gather [hbm4b:s6+s1], $0x80, $0x38;
	(v2sf) =	vpush v0, $0xF;
	[tilespmem:$0x10800] =	vst v63  }
0x38: {  	s6 =	sadd.s32 s5, s10;
	s8 =	sand.u32 $0x1FFFFFF0, s11;
	s10 =	spop (v2sf)  }
0x39: {  	[tilespmem:s30], [sflag:$0x3] =	stream.linear.gather [hbm4b:s6+s1], $0x80, $0x38;
	[tilespmem:$0x10800] =	vst v63  }
0x3a: {  	s6 =	sadd.s32 s5, s7;
	s7 =	sand.u32 $0x1FFFFFF0, s10;
	s10 =	spop (v2sf)  }
0x3b: {  	[tilespmem:s9], [sflag:$0x3] =	stream.linear.gather [hbm4b:s6+s1], $0x80, $0x38;
	[tilespmem:$0x10800] =	vst v63  }
0x3c: {  	s6 =	sadd.s32 s5, s8;
	s8 =	sand.u32 $0x1FFFFFF0, s10;
	s9 =	spop (v2sf)  }
0x3d: {  	[tilespmem:s25], [sflag:$0x3] =	stream.linear.gather [hbm4b:s6+s1], $0x80, $0x38;
	[tilespmem:$0x10800] =	vst v63  }
0x3e: {  	s6 =	sadd.s32 s5, s7;
	s7 =	sand.u32 $0x1FFFFFF0, s9;
	s9 =	spop (v2sf)  }
0x3f: {  	[tilespmem:s20], [sflag:$0x3] =	stream.linear.gather [hbm4b:s6+s1], $0x80, $0x38;
	[tilespmem:$0x10800] =	vst v63  }
0x40: {  	s6 =	sadd.s32 s5, s8;
	s8 =	sand.u32 $0x1FFFFFF0, s9;
	s9 =	spop (v2sf)  }
0x41: {  	[tilespmem:s28], [sflag:$0x3] =	stream.linear.gather [hbm4b:s6+s1], $0x80, $0x38;
	[tilespmem:$0x10800] =	vst v63  }
0x42: {  	s6 =	sadd.s32 s5, s7;
	s7 =	sand.u32 $0x1FFFFFF0, s9;
	s9 =	spop (v2sf)  }
0x43: {  	[tilespmem:s23], [sflag:$0x3] =	stream.linear.gather [hbm4b:s6+s1], $0x80, $0x38;
	[tilespmem:$0x10800] =	vst v63  }
0x44: {  	s6 =	sadd.s32 s5, s8;
	s8 =	sand.u32 $0x1FFFFFF0, s9;
	s9 =	spop (v2sf)  }
0x45: {  	[tilespmem:s19], [sflag:$0x3] =	stream.linear.gather [hbm4b:s6+s1], $0x80, $0x38;
	[tilespmem:$0x10800] =	vst v63  }
0x46: {  	s6 =	sadd.s32 s5, s7;
	s7 =	sand.u32 $0x1FFFFFF0, s9;
	s9 =	spop (v2sf)  }
0x47: {  	[tilespmem:s17], [sflag:$0x3] =	stream.linear.gather [hbm4b:s6+s1], $0x80, $0x38;
	[tilespmem:$0x10800] =	vst v63  }
0x48: {  	s6 =	sadd.s32 s5, s8;
	s8 =	sand.u32 $0x1FFFFFF0, s9  }
0x49: {  	[tilespmem:s18], [sflag:$0x3] =	stream.linear.gather [hbm4b:s6+s1], $0x80, $0x38;
	[tilespmem:$0x10800] =	vst v63  }
0x4a: {  	s7 =	sadd.s32 s5, s7;
	s6 =	sadd.s32 $0xB00, s2  }
0x4b: {  	[tilespmem:s6], [sflag:$0x3] =	stream.linear.gather [hbm4b:s7+s1], $0x80, $0x38;
	[tilespmem:$0x10800] =	vst v63  }
0x4c: {  	s2 =	sadd.s32 $0xB80, s2;
	s6 =	sadd.s32 s5, s8  }
0x4d: {  	[tilespmem:s2], [sflag:$0x3] =	stream.linear.gather [hbm4b:s6+s1], $0x80, $0x38;
	[tilespmem:$0x10800] =	vst v63  }
0x4e: {  	v0 =	vld [tilespmem:s15+$0x0];
	_ =	sdelay $0x4  }
0x4f: {  	v0 =	vshll.u32 v0, $0x4  }
0x50: {  	(v2sf) =	vpush v0, $0x0  }
0x51: {  	(v2sf) =	vpush v0, $0x1  }
0x52: {  	(v2sf) =	vpush v0, $0x2;
	_ =	sdelay $0x1  }
0x53: {  	(v2sf) =	vpush v0, $0x4  }
.Ltmp0:
0x54: {  	(pc) =	sbr.rel @p0 .LBB2_2-.Ltmp0, $3  }
0x55: {  	(v2sf) =	vpush v0, $0x3  }
0x56: {  	(v2sf) =	vpush v0, $0x5;
	_ =	sdelay $0x1  }
0x57: {  	s2 =	sshra.s32 s16, $0x2;
	(v2sf) =	vpush v0, $0x6  }
0x58: {  	_ =	sdelay $0x1  }
0x59: {  	s6 =	sadd.s32 $0x480, s2;
	s16 =	sadd.s32 $0x980, s2  }
0x5a: {  	s7 =	sadd.s32 $0x780, s2;
	s14 =	sadd.s32 $0xA00, s2;
	(v2sf) =	vpush v0, $0x7;
	s8 =	sadd.s32 $0x680, s2  }
0x5b: {  	s9 =	sadd.s32 $0x800, s2;
	s15 =	sadd.s32 $0xA80, s2;
	s10 =	sadd.s32 $0x400, s2  }
0x5c: {  	s11 =	sadd.s32 $0x600, s2;
	s17 =	sadd.s32 $0x700, s2;
	(v2sf) =	vpush v0, $0x8;
	s18 =	spop (v2sf)  }
0x5d: {  	s19 =	sadd.s32 $0x500, s2;
	s18 =	sand.u32 $0x1FFFFFF0, s18;
	s20 =	spop (v2sf)  }
0x5e: {  	(v2sf) =	vpush v0, $0x9;
	s18 =	sadd.s32 s5, s18;
	s20 =	sand.u32 $0x1FFFFFF0, s20;
	s22 =	spop (v2sf)  }
0x5f: {  	[tilespmem:s10], [sflag:$0x3] =	stream.linear.gather [hbm4b:s18+s1], $0x80, $0x38;
	[tilespmem:$0x10800] =	vst v63  }
0x60: {  	(v2sf) =	vpush v0, $0xA;
	s23 =	sadd.s32 s5, s20;
	s25 =	sand.u32 $0x1FFFFFF0, s22;
	s24 =	spop (v2sf)  }
0x61: {  	[tilespmem:s6], [sflag:$0x3] =	stream.linear.gather [hbm4b:s23+s1], $0x80, $0x38;
	[tilespmem:$0x10800] =	vst v63  }
0x62: {  	s10 =	sadd.s32 $0x900, s2;
	(v2sf) =	vpush v0, $0xB;
	s18 =	sadd.s32 s5, s25;
	s28 =	spop (v2sf)  }
0x63: {  	s6 =	sadd.s32 $0x880, s2;
	s23 =	sadd.s32 $0x580, s2;
	s22 =	sand.u32 $0x1FFFFFF0, s28  }
0x64: {  	(v2sf) =	vpush v0, $0xC;
	[tilespmem:s19], [sflag:$0x3] =	stream.linear.gather [hbm4b:s18+s1], $0x80, $0x38;
	[tilespmem:$0x10800] =	vst v63  }
0x65: {  	s30 =	sand.u32 $0x1FFFFFF0, s24;
	s24 =	spop (v2sf);
	s25 =	sadd.s32 s5, s22  }
0x66: {  	(v2sf) =	vpush v0, $0xD;
	[tilespmem:s23], [sflag:$0x3] =	stream.linear.gather [hbm4b:s25+s1], $0x80, $0x38;
	[tilespmem:$0x10800] =	vst v63  }
0x67: {  	s18 =	sadd.s32 s5, s30;
	s19 =	sand.u32 $0x1FFFFFF0, s24;
	s28 =	spop (v2sf)  }
0x68: {  	(v2sf) =	vpush v0, $0xE;
	[tilespmem:s11], [sflag:$0x3] =	stream.linear.gather [hbm4b:s18+s1], $0x80, $0x38;
	[tilespmem:$0x10800] =	vst v63  }
0x69: {  	s19 =	sadd.s32 s5, s19;
	s30 =	sand.u32 $0x1FFFFFF0, s28;
	s20 =	spop (v2sf)  }
0x6a: {  	(v2sf) =	vpush v0, $0xF;
	[tilespmem:s8], [sflag:$0x3] =	stream.linear.gather [hbm4b:s19+s1], $0x80, $0x38;
	[tilespmem:$0x10800] =	vst v63  }
0x6b: {  	s22 =	sand.u32 $0x1FFFFFF0, s20;
	s23 =	spop (v2sf);
	s11 =	sadd.s32 s5, s30  }
0x6c: {  	[tilespmem:s17], [sflag:$0x3] =	stream.linear.gather [hbm4b:s11+s1], $0x80, $0x38;
	[tilespmem:$0x10800] =	vst v63  }
0x6d: {  	s24 =	sand.u32 $0x1FFFFFF0, s23;
	s8 =	sadd.s32 s5, s22;
	s25 =	spop (v2sf)  }
0x6e: {  	[tilespmem:s7], [sflag:$0x3] =	stream.linear.gather [hbm4b:s8+s1], $0x80, $0x38;
	[tilespmem:$0x10800] =	vst v63  }
0x6f: {  	s11 =	sadd.s32 s5, s24;
	s28 =	sand.u32 $0x1FFFFFF0, s25;
	s30 =	spop (v2sf)  }
0x70: {  	[tilespmem:s9], [sflag:$0x3] =	stream.linear.gather [hbm4b:s11+s1], $0x80, $0x38;
	[tilespmem:$0x10800] =	vst v63  }
0x71: {  	s8 =	sand.u32 $0x1FFFFFF0, s30;
	s7 =	sadd.s32 s5, s28;
	s11 =	spop (v2sf)  }
0x72: {  	[tilespmem:s6], [sflag:$0x3] =	stream.linear.gather [hbm4b:s7+s1], $0x80, $0x38;
	[tilespmem:$0x10800] =	vst v63  }
0x73: {  	s8 =	sadd.s32 s5, s8;
	s17 =	sand.u32 $0x1FFFFFF0, s11;
	s18 =	spop (v2sf)  }
0x74: {  	[tilespmem:s10], [sflag:$0x3] =	stream.linear.gather [hbm4b:s8+s1], $0x80, $0x38;
	[tilespmem:$0x10800] =	vst v63  }
0x75: {  	s6 =	sadd.s32 s5, s17;
	s7 =	sand.u32 $0x1FFFFFF0, s18;
	s19 =	spop (v2sf)  }
0x76: {  	[tilespmem:s16], [sflag:$0x3] =	stream.linear.gather [hbm4b:s6+s1], $0x80, $0x38;
	[tilespmem:$0x10800] =	vst v63  }
0x77: {  	s20 =	sand.u32 $0x1FFFFFF0, s19;
	s7 =	sadd.s32 s5, s7;
	s22 =	spop (v2sf)  }
0x78: {  	[tilespmem:s14], [sflag:$0x3] =	stream.linear.gather [hbm4b:s7+s1], $0x80, $0x38;
	[tilespmem:$0x10800] =	vst v63  }
0x79: {  	s23 =	sand.u32 $0x1FFFFFF0, s22;
	s24 =	spop (v2sf);
	s6 =	sadd.s32 s5, s20  }
0x7a: {  	[tilespmem:s15], [sflag:$0x3] =	stream.linear.gather [hbm4b:s6+s1], $0x80, $0x38;
	[tilespmem:$0x10800] =	vst v63  }
0x7b: {  	s28 =	sadd.s32 $0xB00, s2;
	s25 =	sand.u32 $0x1FFFFFF0, s24;
	s7 =	sadd.s32 s5, s23  }
0x7c: {  	[tilespmem:s28], [sflag:$0x3] =	stream.linear.gather [hbm4b:s7+s1], $0x80, $0x38;
	[tilespmem:$0x10800] =	vst v63  }
0x7d: {  	s30 =	sadd.s32 $0xB80, s2;
	s14 =	simm.s32 $0x80;
	s6 =	sadd.s32 s5, s25  }
0x7e: {  	[tilespmem:s30], [sflag:$0x3] =	stream.linear.gather [hbm4b:s6+s1], $0x80, $0x38;
	[tilespmem:$0x10800] =	vst v63  }
0x7f: {  	v0 =	vld [tilespmem:s14+$0x0];
	_ =	sdelay $0x4  }
0x80: {  	v0 =	vshll.u32 v0, $0x4  }
0x81: {  	(v2sf) =	vpush v0, $0x0  }
0x82: {  	(v2sf) =	vpush v0, $0x1  }
0x83: {  	(v2sf) =	vpush v0, $0x2;
	_ =	sdelay $0x1  }
0x84: {  	(v2sf) =	vpush v0, $0x4;
	_ =	sdelay $0x1  }
0x85: {  	(v2sf) =	vpush v0, $0x3  }
0x86: {  	(v2sf) =	vpush v0, $0x5  }
0x87: {  	s2 =	simm.s32 $0x0;
	s15 =	simm.s32 $0x2000;
	(v2sf) =	vpush v0, $0x6  }
.LBB2_4:
0x88: {  	p0 =	sne.s32 s15, $0xE000  }
0x89: {  	s6 =	sadd.s32 $0x4480, s2;
	s19 =	sadd.s32 $0x4980, s2;
	s16 =	smov.u32 s15  }
0x8a: {  	s15 =	sadd.s32 $0x2000, s15;
	s25 =	sadd.s32 $0x4780, s2;
	s17 =	sadd.s32 $0x4A00, s2;
	(v2sf) =	vpush v0, $0x7  }
0x8b: {  	s30 =	sadd.s32 $0x4680, s2;
	s23 =	sadd.s32 $0x4800, s2;
	s18 =	sadd.s32 $0x4A80, s2  }
0x8c: {  	s7 =	sadd.s32 $0x4400, s2;
	s8 =	sadd.s32 $0x4600, s2;
	(v2sf) =	vpush v0, $0x8  }
0x8d: {  	s9 =	sadd.s32 $0x4700, s2;
	s14 =	sadd.s32 $0x10, s14  }
0x8e: {  	s10 =	sadd.s32 $0x4500, s2;
	s20 =	sadd.s32 $0x4900, s2;
	s11 =	spop (v2sf);
	(v2sf) =	vpush v0, $0x9  }
0x8f: {  	s28 =	sadd.s32 $0x4880, s2;
	s11 =	sand.u32 $0x1FFFFFF0, s11;
	s22 =	spop (v2sf)  }
0x90: {  	s11 =	sadd.s32 s5, s11;
	s22 =	sand.u32 $0x1FFFFFF0, s22;
	s24 =	spop (v2sf);
	(v2sf) =	vpush v0, $0xA  }
0x91: {  	[tilespmem:s7], [sflag:$0x4] =	stream.linear.gather [hbm4b:s11+s1], $0x80, $0x38;
	[tilespmem:$0x10800] =	vst v63  }
0x92: {  	s7 =	sadd.s32 s5, s22;
	s11 =	sadd.s32 $0x4580, s2;
	s22 =	spop (v2sf);
	(v2sf) =	vpush v0, $0xB  }
0x93: {  	[tilespmem:s6], [sflag:$0x4] =	stream.linear.gather [hbm4b:s7+s1], $0x80, $0x38;
	[tilespmem:$0x10800] =	vst v63  }
0x94: {  	s6 =	sand.u32 $0x1FFFFFF0, s24;
	s7 =	sand.u32 $0x1FFFFFF0, s22;
	s22 =	spop (v2sf);
	(v2sf) =	vpush v0, $0xC  }
0x95: {  	s6 =	sadd.s32 s5, s6;
	s22 =	sand.u32 $0x1FFFFFF0, s22;
	s24 =	spop (v2sf)  }
0x96: {  	[tilespmem:s10], [sflag:$0x4] =	stream.linear.gather [hbm4b:s6+s1], $0x80, $0x38;
	(v2sf) =	vpush v0, $0xD;
	[tilespmem:$0x10800] =	vst v63  }
0x97: {  	s6 =	sadd.s32 s5, s22;
	s10 =	sand.u32 $0x1FFFFFF0, s24;
	s22 =	spop (v2sf)  }
0x98: {  	[tilespmem:s11], [sflag:$0x4] =	stream.linear.gather [hbm4b:s6+s1], $0x80, $0x38;
	(v2sf) =	vpush v0, $0xE;
	[tilespmem:$0x10800] =	vst v63  }
0x99: {  	s6 =	sadd.s32 s5, s7;
	s7 =	sand.u32 $0x1FFFFFF0, s22;
	s11 =	spop (v2sf)  }
0x9a: {  	[tilespmem:s8], [sflag:$0x4] =	stream.linear.gather [hbm4b:s6+s1], $0x80, $0x38;
	(v2sf) =	vpush v0, $0xF;
	[tilespmem:$0x10800] =	vst v63  }
0x9b: {  	s6 =	sadd.s32 s5, s10;
	s8 =	sand.u32 $0x1FFFFFF0, s11;
	s10 =	spop (v2sf)  }
0x9c: {  	[tilespmem:s30], [sflag:$0x4] =	stream.linear.gather [hbm4b:s6+s1], $0x80, $0x38;
	[tilespmem:$0x10800] =	vst v63  }
0x9d: {  	s6 =	sadd.s32 s5, s7;
	s7 =	sand.u32 $0x1FFFFFF0, s10;
	s10 =	spop (v2sf)  }
0x9e: {  	[tilespmem:s9], [sflag:$0x4] =	stream.linear.gather [hbm4b:s6+s1], $0x80, $0x38;
	[tilespmem:$0x10800] =	vst v63  }
0x9f: {  	s6 =	sadd.s32 s5, s8;
	s8 =	sand.u32 $0x1FFFFFF0, s10;
	s9 =	spop (v2sf)  }
0xa0: {  	[tilespmem:s25], [sflag:$0x4] =	stream.linear.gather [hbm4b:s6+s1], $0x80, $0x38;
	[tilespmem:$0x10800] =	vst v63  }
0xa1: {  	s6 =	sadd.s32 s5, s7;
	s7 =	sand.u32 $0x1FFFFFF0, s9;
	s9 =	spop (v2sf)  }
0xa2: {  	[tilespmem:s23], [sflag:$0x4] =	stream.linear.gather [hbm4b:s6+s1], $0x80, $0x38;
	[tilespmem:$0x10800] =	vst v63  }
0xa3: {  	s6 =	sadd.s32 s5, s8;
	s8 =	sand.u32 $0x1FFFFFF0, s9;
	s9 =	spop (v2sf)  }
0xa4: {  	[tilespmem:s28], [sflag:$0x4] =	stream.linear.gather [hbm4b:s6+s1], $0x80, $0x38;
	[tilespmem:$0x10800] =	vst v63  }
0xa5: {  	s6 =	sadd.s32 s5, s7;
	s7 =	sand.u32 $0x1FFFFFF0, s9;
	s9 =	spop (v2sf)  }
0xa6: {  	[tilespmem:s20], [sflag:$0x4] =	stream.linear.gather [hbm4b:s6+s1], $0x80, $0x38;
	[tilespmem:$0x10800] =	vst v63  }
0xa7: {  	s6 =	sadd.s32 s5, s8;
	s8 =	sand.u32 $0x1FFFFFF0, s9;
	s9 =	spop (v2sf)  }
0xa8: {  	[tilespmem:s19], [sflag:$0x4] =	stream.linear.gather [hbm4b:s6+s1], $0x80, $0x38;
	[tilespmem:$0x10800] =	vst v63  }
0xa9: {  	s6 =	sadd.s32 s5, s7;
	s7 =	sand.u32 $0x1FFFFFF0, s9;
	s9 =	spop (v2sf)  }
0xaa: {  	[tilespmem:s17], [sflag:$0x4] =	stream.linear.gather [hbm4b:s6+s1], $0x80, $0x38;
	[tilespmem:$0x10800] =	vst v63  }
0xab: {  	s6 =	sadd.s32 s5, s8;
	s8 =	sand.u32 $0x1FFFFFF0, s9  }
0xac: {  	[tilespmem:s18], [sflag:$0x4] =	stream.linear.gather [hbm4b:s6+s1], $0x80, $0x38;
	[tilespmem:$0x10800] =	vst v63  }
0xad: {  	s7 =	sadd.s32 s5, s7;
	s6 =	sadd.s32 $0x4B00, s2  }
0xae: {  	[tilespmem:s6], [sflag:$0x4] =	stream.linear.gather [hbm4b:s7+s1], $0x80, $0x38;
	[tilespmem:$0x10800] =	vst v63  }
0xaf: {  	s2 =	sadd.s32 $0x4B80, s2;
	s6 =	sadd.s32 s5, s8  }
0xb0: {  	[tilespmem:s2], [sflag:$0x4] =	stream.linear.gather [hbm4b:s6+s1], $0x80, $0x38;
	[tilespmem:$0x10800] =	vst v63  }
0xb1: {  	v0 =	vld [tilespmem:s14+$0x0];
	_ =	sdelay $0x4  }
0xb2: {  	v0 =	vshll.u32 v0, $0x4  }
0xb3: {  	(v2sf) =	vpush v0, $0x0  }
0xb4: {  	(v2sf) =	vpush v0, $0x1  }
0xb5: {  	(v2sf) =	vpush v0, $0x2;
	_ =	sdelay $0x1  }
0xb6: {  	(v2sf) =	vpush v0, $0x4  }
.Ltmp1:
0xb7: {  	(pc) =	sbr.rel @p0 .LBB2_4-.Ltmp1, $3  }
0xb8: {  	(v2sf) =	vpush v0, $0x3  }
0xb9: {  	(v2sf) =	vpush v0, $0x5;
	_ =	sdelay $0x1  }
0xba: {  	s2 =	sshra.s32 s16, $0x2;
	(v2sf) =	vpush v0, $0x6  }
0xbb: {  	_ =	sdelay $0x1  }
0xbc: {  	s6 =	sadd.s32 $0x4480, s2;
	s16 =	sadd.s32 $0x4980, s2  }
0xbd: {  	s7 =	sadd.s32 $0x4780, s2;
	s14 =	sadd.s32 $0x4A00, s2;
	(v2sf) =	vpush v0, $0x7;
	s8 =	sadd.s32 $0x4680, s2  }
0xbe: {  	s9 =	sadd.s32 $0x4800, s2;
	s15 =	sadd.s32 $0x4A80, s2;
	s10 =	sadd.s32 $0x4400, s2  }
0xbf: {  	s11 =	sadd.s32 $0x4600, s2;
	s17 =	sadd.s32 $0x4700, s2;
	(v2sf) =	vpush v0, $0x8;
	s18 =	spop (v2sf)  }
0xc0: {  	s19 =	sadd.s32 $0x4500, s2;
	s18 =	sand.u32 $0x1FFFFFF0, s18;
	s20 =	spop (v2sf)  }
0xc1: {  	(v2sf) =	vpush v0, $0x9;
	s18 =	sadd.s32 s5, s18;
	s20 =	sand.u32 $0x1FFFFFF0, s20;
	s22 =	spop (v2sf)  }
0xc2: {  	[tilespmem:s10], [sflag:$0x4] =	stream.linear.gather [hbm4b:s18+s1], $0x80, $0x38;
	[tilespmem:$0x10800] =	vst v63  }
0xc3: {  	(v2sf) =	vpush v0, $0xA;
	s23 =	sadd.s32 s5, s20;
	s25 =	sand.u32 $0x1FFFFFF0, s22;
	s24 =	spop (v2sf)  }
0xc4: {  	[tilespmem:s6], [sflag:$0x4] =	stream.linear.gather [hbm4b:s23+s1], $0x80, $0x38;
	[tilespmem:$0x10800] =	vst v63  }
0xc5: {  	s10 =	sadd.s32 $0x4900, s2;
	(v2sf) =	vpush v0, $0xB;
	s18 =	sadd.s32 s5, s25;
	s28 =	spop (v2sf)  }
0xc6: {  	s6 =	sadd.s32 $0x4880, s2;
	s23 =	sadd.s32 $0x4580, s2;
	s22 =	sand.u32 $0x1FFFFFF0, s28  }
0xc7: {  	(v2sf) =	vpush v0, $0xC;
	[tilespmem:s19], [sflag:$0x4] =	stream.linear.gather [hbm4b:s18+s1], $0x80, $0x38;
	[tilespmem:$0x10800] =	vst v63  }
0xc8: {  	s30 =	sand.u32 $0x1FFFFFF0, s24;
	s24 =	spop (v2sf);
	s25 =	sadd.s32 s5, s22  }
0xc9: {  	(v2sf) =	vpush v0, $0xD;
	[tilespmem:s23], [sflag:$0x4] =	stream.linear.gather [hbm4b:s25+s1], $0x80, $0x38;
	[tilespmem:$0x10800] =	vst v63  }
0xca: {  	s18 =	sadd.s32 s5, s30;
	s19 =	sand.u32 $0x1FFFFFF0, s24;
	s28 =	spop (v2sf)  }
0xcb: {  	(v2sf) =	vpush v0, $0xE;
	[tilespmem:s11], [sflag:$0x4] =	stream.linear.gather [hbm4b:s18+s1], $0x80, $0x38;
	[tilespmem:$0x10800] =	vst v63  }
0xcc: {  	s19 =	sadd.s32 s5, s19;
	s30 =	sand.u32 $0x1FFFFFF0, s28;
	s20 =	spop (v2sf)  }
0xcd: {  	(v2sf) =	vpush v0, $0xF;
	[tilespmem:s8], [sflag:$0x4] =	stream.linear.gather [hbm4b:s19+s1], $0x80, $0x38;
	[tilespmem:$0x10800] =	vst v63  }
0xce: {  	s22 =	sand.u32 $0x1FFFFFF0, s20;
	s23 =	spop (v2sf);
	s11 =	sadd.s32 s5, s30  }
0xcf: {  	[tilespmem:s17], [sflag:$0x4] =	stream.linear.gather [hbm4b:s11+s1], $0x80, $0x38;
	[tilespmem:$0x10800] =	vst v63  }
0xd0: {  	s24 =	sand.u32 $0x1FFFFFF0, s23;
	s8 =	sadd.s32 s5, s22;
	s25 =	spop (v2sf)  }
0xd1: {  	[tilespmem:s7], [sflag:$0x4] =	stream.linear.gather [hbm4b:s8+s1], $0x80, $0x38;
	[tilespmem:$0x10800] =	vst v63  }
0xd2: {  	s11 =	sadd.s32 s5, s24;
	s28 =	sand.u32 $0x1FFFFFF0, s25;
	s30 =	spop (v2sf)  }
0xd3: {  	[tilespmem:s9], [sflag:$0x4] =	stream.linear.gather [hbm4b:s11+s1], $0x80, $0x38;
	[tilespmem:$0x10800] =	vst v63  }
0xd4: {  	s8 =	sand.u32 $0x1FFFFFF0, s30;
	s7 =	sadd.s32 s5, s28;
	s11 =	spop (v2sf)  }
0xd5: {  	[tilespmem:s6], [sflag:$0x4] =	stream.linear.gather [hbm4b:s7+s1], $0x80, $0x38;
	[tilespmem:$0x10800] =	vst v63  }
0xd6: {  	s8 =	sadd.s32 s5, s8;
	s17 =	sand.u32 $0x1FFFFFF0, s11;
	s18 =	spop (v2sf)  }
0xd7: {  	[tilespmem:s10], [sflag:$0x4] =	stream.linear.gather [hbm4b:s8+s1], $0x80, $0x38;
	[tilespmem:$0x10800] =	vst v63  }
0xd8: {  	s6 =	sadd.s32 s5, s17;
	s7 =	sand.u32 $0x1FFFFFF0, s18;
	s19 =	spop (v2sf)  }
0xd9: {  	[tilespmem:s16], [sflag:$0x4] =	stream.linear.gather [hbm4b:s6+s1], $0x80, $0x38;
	[tilespmem:$0x10800] =	vst v63  }
0xda: {  	s20 =	sand.u32 $0x1FFFFFF0, s19;
	s7 =	sadd.s32 s5, s7;
	s22 =	spop (v2sf)  }
0xdb: {  	[tilespmem:s14], [sflag:$0x4] =	stream.linear.gather [hbm4b:s7+s1], $0x80, $0x38;
	[tilespmem:$0x10800] =	vst v63  }
0xdc: {  	s23 =	sand.u32 $0x1FFFFFF0, s22;
	s24 =	spop (v2sf);
	s6 =	sadd.s32 s5, s20  }
0xdd: {  	[tilespmem:s15], [sflag:$0x4] =	stream.linear.gather [hbm4b:s6+s1], $0x80, $0x38;
	[tilespmem:$0x10800] =	vst v63  }
0xde: {  	s28 =	sadd.s32 $0x4B00, s2;
	s25 =	sand.u32 $0x1FFFFFF0, s24;
	s7 =	sadd.s32 s5, s23  }
0xdf: {  	[tilespmem:s28], [sflag:$0x4] =	stream.linear.gather [hbm4b:s7+s1], $0x80, $0x38;
	[tilespmem:$0x10800] =	vst v63  }
0xe0: {  	s30 =	sadd.s32 $0x4B80, s2;
	s14 =	simm.s32 $0x100;
	s6 =	sadd.s32 s5, s25  }
0xe1: {  	[tilespmem:s30], [sflag:$0x4] =	stream.linear.gather [hbm4b:s6+s1], $0x80, $0x38;
	[tilespmem:$0x10800] =	vst v63  }
0xe2: {  	v0 =	vld [tilespmem:s14+$0x0];
	_ =	sdelay $0x4  }
0xe3: {  	v0 =	vshll.u32 v0, $0x4  }
0xe4: {  	(v2sf) =	vpush v0, $0x0  }
0xe5: {  	(v2sf) =	vpush v0, $0x1  }
0xe6: {  	(v2sf) =	vpush v0, $0x2;
	_ =	sdelay $0x1  }
0xe7: {  	(v2sf) =	vpush v0, $0x4;
	_ =	sdelay $0x1  }
0xe8: {  	(v2sf) =	vpush v0, $0x3  }
0xe9: {  	(v2sf) =	vpush v0, $0x5  }
0xea: {  	s2 =	simm.s32 $0x0;
	s15 =	simm.s32 $0x2000;
	(v2sf) =	vpush v0, $0x6  }
.LBB2_6:
0xeb: {  	p0 =	sne.s32 s15, $0xE000  }
0xec: {  	s6 =	sadd.s32 $0x8480, s2;
	s19 =	sadd.s32 $0x8980, s2;
	s16 =	smov.u32 s15  }
0xed: {  	s15 =	sadd.s32 $0x2000, s15;
	s25 =	sadd.s32 $0x8780, s2;
	s17 =	sadd.s32 $0x8A00, s2;
	(v2sf) =	vpush v0, $0x7  }
0xee: {  	s30 =	sadd.s32 $0x8680, s2;
	s20 =	sadd.s32 $0x8800, s2;
	s18 =	sadd.s32 $0x8A80, s2  }
0xef: {  	s7 =	sadd.s32 $0x8400, s2;
	s8 =	sadd.s32 $0x8600, s2;
	(v2sf) =	vpush v0, $0x8  }
0xf0: {  	s1 =	simm.s32 $0x0;
	s9 =	sadd.s32 $0x8700, s2;
	s14 =	sadd.s32 $0x10, s14  }
0xf1: {  	s10 =	sadd.s32 $0x8500, s2;
	s23 =	sadd.s32 $0x8900, s2;
	s11 =	spop (v2sf);
	(v2sf) =	vpush v0, $0x9  }
0xf2: {  	s28 =	sadd.s32 $0x8880, s2;
	s11 =	sand.u32 $0x1FFFFFF0, s11;
	s22 =	spop (v2sf)  }
0xf3: {  	s11 =	sadd.s32 s5, s11;
	s22 =	sand.u32 $0x1FFFFFF0, s22;
	s24 =	spop (v2sf);
	(v2sf) =	vpush v0, $0xA  }
0xf4: {  	[tilespmem:s7], [sflag:$0x5] =	stream.linear.gather [hbm4b:s11+s1], $0x80, $0x38;
	[tilespmem:$0x10800] =	vst v63  }
0xf5: {  	s7 =	sadd.s32 s5, s22;
	s11 =	sadd.s32 $0x8580, s2;
	s22 =	spop (v2sf);
	(v2sf) =	vpush v0, $0xB  }
0xf6: {  	[tilespmem:s6], [sflag:$0x5] =	stream.linear.gather [hbm4b:s7+s1], $0x80, $0x38;
	[tilespmem:$0x10800] =	vst v63  }
0xf7: {  	s6 =	sand.u32 $0x1FFFFFF0, s24;
	s7 =	sand.u32 $0x1FFFFFF0, s22;
	s22 =	spop (v2sf);
	(v2sf) =	vpush v0, $0xC  }
0xf8: {  	s6 =	sadd.s32 s5, s6;
	s22 =	sand.u32 $0x1FFFFFF0, s22;
	s24 =	spop (v2sf)  }
0xf9: {  	[tilespmem:s10], [sflag:$0x5] =	stream.linear.gather [hbm4b:s6+s1], $0x80, $0x38;
	(v2sf) =	vpush v0, $0xD;
	[tilespmem:$0x10800] =	vst v63  }
0xfa: {  	s6 =	sadd.s32 s5, s22;
	s10 =	sand.u32 $0x1FFFFFF0, s24;
	s22 =	spop (v2sf)  }
0xfb: {  	[tilespmem:s11], [sflag:$0x5] =	stream.linear.gather [hbm4b:s6+s1], $0x80, $0x38;
	(v2sf) =	vpush v0, $0xE;
	[tilespmem:$0x10800] =	vst v63  }
0xfc: {  	s6 =	sadd.s32 s5, s7;
	s7 =	sand.u32 $0x1FFFFFF0, s22;
	s11 =	spop (v2sf)  }
0xfd: {  	[tilespmem:s8], [sflag:$0x5] =	stream.linear.gather [hbm4b:s6+s1], $0x80, $0x38;
	(v2sf) =	vpush v0, $0xF;
	[tilespmem:$0x10800] =	vst v63  }
0xfe: {  	s6 =	sadd.s32 s5, s10;
	s8 =	sand.u32 $0x1FFFFFF0, s11;
	s10 =	spop (v2sf)  }
0xff: {  	[tilespmem:s30], [sflag:$0x5] =	stream.linear.gather [hbm4b:s6+s1], $0x80, $0x38;
	[tilespmem:$0x10800] =	vst v63  }
0x100: {  	s6 =	sadd.s32 s5, s7;
	s7 =	sand.u32 $0x1FFFFFF0, s10;
	s10 =	spop (v2sf)  }
0x101: {  	[tilespmem:s9], [sflag:$0x5] =	stream.linear.gather [hbm4b:s6+s1], $0x80, $0x38;
	[tilespmem:$0x10800] =	vst v63  }
0x102: {  	s6 =	sadd.s32 s5, s8;
	s8 =	sand.u32 $0x1FFFFFF0, s10;
	s9 =	spop (v2sf)  }
0x103: {  	[tilespmem:s25], [sflag:$0x5] =	stream.linear.gather [hbm4b:s6+s1], $0x80, $0x38;
	[tilespmem:$0x10800] =	vst v63  }
0x104: {  	s6 =	sadd.s32 s5, s7;
	s7 =	sand.u32 $0x1FFFFFF0, s9;
	s9 =	spop (v2sf)  }
0x105: {  	[tilespmem:s20], [sflag:$0x5] =	stream.linear.gather [hbm4b:s6+s1], $0x80, $0x38;
	[tilespmem:$0x10800] =	vst v63  }
0x106: {  	s6 =	sadd.s32 s5, s8;
	s8 =	sand.u32 $0x1FFFFFF0, s9;
	s9 =	spop (v2sf)  }
0x107: {  	[tilespmem:s28], [sflag:$0x5] =	stream.linear.gather [hbm4b:s6+s1], $0x80, $0x38;
	[tilespmem:$0x10800] =	vst v63  }
0x108: {  	s6 =	sadd.s32 s5, s7;
	s7 =	sand.u32 $0x1FFFFFF0, s9;
	s9 =	spop (v2sf)  }
0x109: {  	[tilespmem:s23], [sflag:$0x5] =	stream.linear.gather [hbm4b:s6+s1], $0x80, $0x38;
	[tilespmem:$0x10800] =	vst v63  }
0x10a: {  	s6 =	sadd.s32 s5, s8;
	s8 =	sand.u32 $0x1FFFFFF0, s9;
	s9 =	spop (v2sf)  }
0x10b: {  	[tilespmem:s19], [sflag:$0x5] =	stream.linear.gather [hbm4b:s6+s1], $0x80, $0x38;
	[tilespmem:$0x10800] =	vst v63  }
0x10c: {  	s6 =	sadd.s32 s5, s7;
	s7 =	sand.u32 $0x1FFFFFF0, s9;
	s9 =	spop (v2sf)  }
0x10d: {  	[tilespmem:s17], [sflag:$0x5] =	stream.linear.gather [hbm4b:s6+s1], $0x80, $0x38;
	[tilespmem:$0x10800] =	vst v63  }
0x10e: {  	s6 =	sadd.s32 s5, s8;
	s8 =	sand.u32 $0x1FFFFFF0, s9  }
0x10f: {  	[tilespmem:s18], [sflag:$0x5] =	stream.linear.gather [hbm4b:s6+s1], $0x80, $0x38;
	[tilespmem:$0x10800] =	vst v63  }
0x110: {  	s7 =	sadd.s32 s5, s7;
	s6 =	sadd.s32 $0x8B00, s2  }
0x111: {  	[tilespmem:s6], [sflag:$0x5] =	stream.linear.gather [hbm4b:s7+s1], $0x80, $0x38;
	[tilespmem:$0x10800] =	vst v63  }
0x112: {  	s2 =	sadd.s32 $0x8B80, s2;
	s6 =	sadd.s32 s5, s8  }
0x113: {  	[tilespmem:s2], [sflag:$0x5] =	stream.linear.gather [hbm4b:s6+s1], $0x80, $0x38;
	[tilespmem:$0x10800] =	vst v63  }
0x114: {  	v0 =	vld [tilespmem:s14+$0x0];
	_ =	sdelay $0x4  }
0x115: {  	v0 =	vshll.u32 v0, $0x4  }
0x116: {  	(v2sf) =	vpush v0, $0x0  }
0x117: {  	(v2sf) =	vpush v0, $0x1  }
0x118: {  	(v2sf) =	vpush v0, $0x2;
	_ =	sdelay $0x1  }
0x119: {  	(v2sf) =	vpush v0, $0x4  }
.Ltmp2:
0x11a: {  	(pc) =	sbr.rel @p0 .LBB2_6-.Ltmp2, $3  }
0x11b: {  	(v2sf) =	vpush v0, $0x3  }
0x11c: {  	(v2sf) =	vpush v0, $0x5;
	_ =	sdelay $0x1  }
0x11d: {  	s2 =	sshra.s32 s16, $0x2;
	(v2sf) =	vpush v0, $0x6  }
0x11e: {  	_ =	sdelay $0x1  }
0x11f: {  	s6 =	sadd.s32 $0x8480, s2;
	s16 =	sadd.s32 $0x8980, s2  }
0x120: {  	s7 =	sadd.s32 $0x8780, s2;
	s14 =	sadd.s32 $0x8A00, s2;
	(v2sf) =	vpush v0, $0x7;
	s8 =	sadd.s32 $0x8680, s2  }
0x121: {  	s9 =	sadd.s32 $0x8800, s2;
	s15 =	sadd.s32 $0x8A80, s2;
	s10 =	sadd.s32 $0x8400, s2  }
0x122: {  	s11 =	sadd.s32 $0x8600, s2;
	s17 =	sadd.s32 $0x8700, s2;
	(v2sf) =	vpush v0, $0x8;
	s18 =	spop (v2sf)  }
0x123: {  	s19 =	sadd.s32 $0x8500, s2;
	s18 =	sand.u32 $0x1FFFFFF0, s18;
	s20 =	spop (v2sf)  }
0x124: {  	(v2sf) =	vpush v0, $0x9;
	s18 =	sadd.s32 s5, s18;
	s20 =	sand.u32 $0x1FFFFFF0, s20;
	s22 =	spop (v2sf)  }
0x125: {  	[tilespmem:s10], [sflag:$0x5] =	stream.linear.gather [hbm4b:s18+s1], $0x80, $0x38;
	[tilespmem:$0x10800] =	vst v63  }
0x126: {  	(v2sf) =	vpush v0, $0xA;
	s23 =	sadd.s32 s5, s20;
	s25 =	sand.u32 $0x1FFFFFF0, s22;
	s24 =	spop (v2sf)  }
0x127: {  	[tilespmem:s6], [sflag:$0x5] =	stream.linear.gather [hbm4b:s23+s1], $0x80, $0x38;
	[tilespmem:$0x10800] =	vst v63  }
0x128: {  	s10 =	sadd.s32 $0x8900, s2;
	(v2sf) =	vpush v0, $0xB;
	s18 =	sadd.s32 s5, s25;
	s28 =	spop (v2sf)  }
0x129: {  	s6 =	sadd.s32 $0x8880, s2;
	s23 =	sadd.s32 $0x8580, s2;
	s22 =	sand.u32 $0x1FFFFFF0, s28  }
0x12a: {  	(v2sf) =	vpush v0, $0xC;
	[tilespmem:s19], [sflag:$0x5] =	stream.linear.gather [hbm4b:s18+s1], $0x80, $0x38;
	[tilespmem:$0x10800] =	vst v63  }
0x12b: {  	s30 =	sand.u32 $0x1FFFFFF0, s24;
	s24 =	spop (v2sf);
	s25 =	sadd.s32 s5, s22  }
0x12c: {  	(v2sf) =	vpush v0, $0xD;
	[tilespmem:s23], [sflag:$0x5] =	stream.linear.gather [hbm4b:s25+s1], $0x80, $0x38;
	[tilespmem:$0x10800] =	vst v63  }
0x12d: {  	s18 =	sadd.s32 s5, s30;
	s19 =	sand.u32 $0x1FFFFFF0, s24;
	s28 =	spop (v2sf)  }
0x12e: {  	(v2sf) =	vpush v0, $0xE;
	[tilespmem:s11], [sflag:$0x5] =	stream.linear.gather [hbm4b:s18+s1], $0x80, $0x38;
	[tilespmem:$0x10800] =	vst v63  }
0x12f: {  	s19 =	sadd.s32 s5, s19;
	s30 =	sand.u32 $0x1FFFFFF0, s28;
	s20 =	spop (v2sf)  }
0x130: {  	(v2sf) =	vpush v0, $0xF;
	[tilespmem:s8], [sflag:$0x5] =	stream.linear.gather [hbm4b:s19+s1], $0x80, $0x38;
	[tilespmem:$0x10800] =	vst v63  }
0x131: {  	s22 =	sand.u32 $0x1FFFFFF0, s20;
	s23 =	spop (v2sf);
	s11 =	sadd.s32 s5, s30  }
0x132: {  	[tilespmem:s17], [sflag:$0x5] =	stream.linear.gather [hbm4b:s11+s1], $0x80, $0x38;
	[tilespmem:$0x10800] =	vst v63  }
0x133: {  	s24 =	sand.u32 $0x1FFFFFF0, s23;
	s8 =	sadd.s32 s5, s22;
	s25 =	spop (v2sf)  }
0x134: {  	[tilespmem:s7], [sflag:$0x5] =	stream.linear.gather [hbm4b:s8+s1], $0x80, $0x38;
	[tilespmem:$0x10800] =	vst v63  }
0x135: {  	s11 =	sadd.s32 s5, s24;
	s28 =	sand.u32 $0x1FFFFFF0, s25;
	s30 =	spop (v2sf)  }
0x136: {  	[tilespmem:s9], [sflag:$0x5] =	stream.linear.gather [hbm4b:s11+s1], $0x80, $0x38;
	[tilespmem:$0x10800] =	vst v63  }
0x137: {  	s8 =	sand.u32 $0x1FFFFFF0, s30;
	s7 =	sadd.s32 s5, s28;
	s11 =	spop (v2sf)  }
0x138: {  	[tilespmem:s6], [sflag:$0x5] =	stream.linear.gather [hbm4b:s7+s1], $0x80, $0x38;
	[tilespmem:$0x10800] =	vst v63  }
0x139: {  	s8 =	sadd.s32 s5, s8;
	s17 =	sand.u32 $0x1FFFFFF0, s11;
	s18 =	spop (v2sf)  }
0x13a: {  	[tilespmem:s10], [sflag:$0x5] =	stream.linear.gather [hbm4b:s8+s1], $0x80, $0x38;
	[tilespmem:$0x10800] =	vst v63  }
0x13b: {  	s6 =	sadd.s32 s5, s17;
	s7 =	sand.u32 $0x1FFFFFF0, s18;
	s19 =	spop (v2sf)  }
0x13c: {  	[tilespmem:s16], [sflag:$0x5] =	stream.linear.gather [hbm4b:s6+s1], $0x80, $0x38;
	[tilespmem:$0x10800] =	vst v63  }
0x13d: {  	s20 =	sand.u32 $0x1FFFFFF0, s19;
	s7 =	sadd.s32 s5, s7;
	s22 =	spop (v2sf)  }
0x13e: {  	[tilespmem:s14], [sflag:$0x5] =	stream.linear.gather [hbm4b:s7+s1], $0x80, $0x38;
	[tilespmem:$0x10800] =	vst v63  }
0x13f: {  	s23 =	sand.u32 $0x1FFFFFF0, s22;
	s24 =	spop (v2sf);
	s6 =	sadd.s32 s5, s20  }
0x140: {  	[tilespmem:s15], [sflag:$0x5] =	stream.linear.gather [hbm4b:s6+s1], $0x80, $0x38;
	[tilespmem:$0x10800] =	vst v63  }
0x141: {  	s28 =	sadd.s32 $0x8B00, s2;
	s25 =	sand.u32 $0x1FFFFFF0, s24;
	s7 =	sadd.s32 s5, s23  }
0x142: {  	[tilespmem:s28], [sflag:$0x5] =	stream.linear.gather [hbm4b:s7+s1], $0x80, $0x38;
	[tilespmem:$0x10800] =	vst v63  }
0x143: {  	s30 =	sadd.s32 $0x8B80, s2;
	s2 =	simm.s32 $0x180;
	s6 =	sadd.s32 s5, s25  }
0x144: {  	[tilespmem:s30], [sflag:$0x5] =	stream.linear.gather [hbm4b:s6+s1], $0x80, $0x38;
	[tilespmem:$0x10800] =	vst v63  }
0x145: {  	v0 =	vld [tilespmem:s2+$0x0];
	_ =	sdelay $0x4  }
0x146: {  	v0 =	vshll.u32 v0, $0x4  }
0x147: {  	(v2sf) =	vpush v0, $0x0  }
0x148: {  	(v2sf) =	vpush v0, $0x1  }
0x149: {  	(v2sf) =	vpush v0, $0x2;
	_ =	sdelay $0x1  }
0x14a: {  	(v2sf) =	vpush v0, $0x4;
	_ =	sdelay $0x1  }
0x14b: {  	(v2sf) =	vpush v0, $0x3  }
0x14c: {  	(v2sf) =	vpush v0, $0x5  }
0x14d: {  	s14 =	simm.s32 $0x2000;
	s1 =	simm.s32 $0x0;
	(v2sf) =	vpush v0, $0x6  }
.LBB2_8:
0x14e: {  	p0 =	sne.s32 s14, $0xE000  }
0x14f: {  	s6 =	sadd.s32 $0xC480, s1;
	s18 =	sadd.s32 $0xC980, s1;
	s15 =	smov.u32 s14  }
0x150: {  	s14 =	sadd.s32 $0x2000, s14;
	s23 =	sadd.s32 $0xC780, s1;
	s16 =	sadd.s32 $0xCA00, s1;
	(v2sf) =	vpush v0, $0x7  }
0x151: {  	s28 =	sadd.s32 $0xC680, s1;
	s20 =	sadd.s32 $0xC800, s1;
	s17 =	sadd.s32 $0xCA80, s1  }
0x152: {  	s7 =	sadd.s32 $0xC400, s1;
	s8 =	sadd.s32 $0xC600, s1;
	(v2sf) =	vpush v0, $0x8  }
0x153: {  	s9 =	sadd.s32 $0xC700, s1;
	s2 =	sadd.s32 $0x10, s2  }
0x154: {  	s10 =	sadd.s32 $0xC500, s1;
	s19 =	sadd.s32 $0xC900, s1;
	s11 =	spop (v2sf);
	(v2sf) =	vpush v0, $0x9  }
0x155: {  	s25 =	sadd.s32 $0xC880, s1;
	s11 =	sand.u32 $0x1FFFFFF0, s11;
	s22 =	spop (v2sf)  }
0x156: {  	s11 =	sadd.s32 s5, s11;
	s22 =	sand.u32 $0x1FFFFFF0, s22;
	s24 =	spop (v2sf);
	(v2sf) =	vpush v0, $0xA  }
0x157: {  	[tilespmem:s7], [sflag:$0x6] =	stream.linear.gather [hbm4b:s11+s4], $0x80, $0x38;
	[tilespmem:$0x10800] =	vst v63  }
0x158: {  	s7 =	sadd.s32 s5, s22;
	s11 =	sadd.s32 $0xC580, s1;
	s22 =	spop (v2sf);
	(v2sf) =	vpush v0, $0xB  }
0x159: {  	[tilespmem:s6], [sflag:$0x6] =	stream.linear.gather [hbm4b:s7+s4], $0x80, $0x38;
	[tilespmem:$0x10800] =	vst v63  }
0x15a: {  	s6 =	sand.u32 $0x1FFFFFF0, s24;
	s7 =	sand.u32 $0x1FFFFFF0, s22;
	s22 =	spop (v2sf);
	(v2sf) =	vpush v0, $0xC  }
0x15b: {  	s6 =	sadd.s32 s5, s6;
	s22 =	sand.u32 $0x1FFFFFF0, s22;
	s24 =	spop (v2sf)  }
0x15c: {  	[tilespmem:s10], [sflag:$0x6] =	stream.linear.gather [hbm4b:s6+s4], $0x80, $0x38;
	(v2sf) =	vpush v0, $0xD;
	[tilespmem:$0x10800] =	vst v63  }
0x15d: {  	s6 =	sadd.s32 s5, s22;
	s10 =	sand.u32 $0x1FFFFFF0, s24;
	s22 =	spop (v2sf)  }
0x15e: {  	[tilespmem:s11], [sflag:$0x6] =	stream.linear.gather [hbm4b:s6+s4], $0x80, $0x38;
	(v2sf) =	vpush v0, $0xE;
	[tilespmem:$0x10800] =	vst v63  }
0x15f: {  	s6 =	sadd.s32 s5, s7;
	s7 =	sand.u32 $0x1FFFFFF0, s22;
	s11 =	spop (v2sf)  }
0x160: {  	[tilespmem:s8], [sflag:$0x6] =	stream.linear.gather [hbm4b:s6+s4], $0x80, $0x38;
	(v2sf) =	vpush v0, $0xF;
	[tilespmem:$0x10800] =	vst v63  }
0x161: {  	s6 =	sadd.s32 s5, s10;
	s8 =	sand.u32 $0x1FFFFFF0, s11;
	s10 =	spop (v2sf)  }
0x162: {  	[tilespmem:s28], [sflag:$0x6] =	stream.linear.gather [hbm4b:s6+s4], $0x80, $0x38;
	[tilespmem:$0x10800] =	vst v63  }
0x163: {  	s6 =	sadd.s32 s5, s7;
	s7 =	sand.u32 $0x1FFFFFF0, s10;
	s10 =	spop (v2sf)  }
0x164: {  	[tilespmem:s9], [sflag:$0x6] =	stream.linear.gather [hbm4b:s6+s4], $0x80, $0x38;
	[tilespmem:$0x10800] =	vst v63  }
0x165: {  	s6 =	sadd.s32 s5, s8;
	s8 =	sand.u32 $0x1FFFFFF0, s10;
	s9 =	spop (v2sf)  }
0x166: {  	[tilespmem:s23], [sflag:$0x6] =	stream.linear.gather [hbm4b:s6+s4], $0x80, $0x38;
	[tilespmem:$0x10800] =	vst v63  }
0x167: {  	s6 =	sadd.s32 s5, s7;
	s7 =	sand.u32 $0x1FFFFFF0, s9;
	s9 =	spop (v2sf)  }
0x168: {  	[tilespmem:s20], [sflag:$0x6] =	stream.linear.gather [hbm4b:s6+s4], $0x80, $0x38;
	[tilespmem:$0x10800] =	vst v63  }
0x169: {  	s6 =	sadd.s32 s5, s8;
	s8 =	sand.u32 $0x1FFFFFF0, s9;
	s9 =	spop (v2sf)  }
0x16a: {  	[tilespmem:s25], [sflag:$0x6] =	stream.linear.gather [hbm4b:s6+s4], $0x80, $0x38;
	[tilespmem:$0x10800] =	vst v63  }
0x16b: {  	s6 =	sadd.s32 s5, s7;
	s7 =	sand.u32 $0x1FFFFFF0, s9;
	s9 =	spop (v2sf)  }
0x16c: {  	[tilespmem:s19], [sflag:$0x6] =	stream.linear.gather [hbm4b:s6+s4], $0x80, $0x38;
	[tilespmem:$0x10800] =	vst v63  }
0x16d: {  	s6 =	sadd.s32 s5, s8;
	s8 =	sand.u32 $0x1FFFFFF0, s9;
	s9 =	spop (v2sf)  }
0x16e: {  	[tilespmem:s18], [sflag:$0x6] =	stream.linear.gather [hbm4b:s6+s4], $0x80, $0x38;
	[tilespmem:$0x10800] =	vst v63  }
0x16f: {  	s6 =	sadd.s32 s5, s7;
	s7 =	sand.u32 $0x1FFFFFF0, s9;
	s9 =	spop (v2sf)  }
0x170: {  	[tilespmem:s16], [sflag:$0x6] =	stream.linear.gather [hbm4b:s6+s4], $0x80, $0x38;
	[tilespmem:$0x10800] =	vst v63  }
0x171: {  	s6 =	sadd.s32 s5, s8;
	s8 =	sand.u32 $0x1FFFFFF0, s9  }
0x172: {  	[tilespmem:s17], [sflag:$0x6] =	stream.linear.gather [hbm4b:s6+s4], $0x80, $0x38;
	[tilespmem:$0x10800] =	vst v63  }
0x173: {  	s7 =	sadd.s32 s5, s7;
	s6 =	sadd.s32 $0xCB00, s1  }
0x174: {  	[tilespmem:s6], [sflag:$0x6] =	stream.linear.gather [hbm4b:s7+s4], $0x80, $0x38;
	[tilespmem:$0x10800] =	vst v63  }
0x175: {  	s1 =	sadd.s32 $0xCB80, s1;
	s6 =	sadd.s32 s5, s8  }
0x176: {  	[tilespmem:s1], [sflag:$0x6] =	stream.linear.gather [hbm4b:s6+s4], $0x80, $0x38;
	[tilespmem:$0x10800] =	vst v63  }
0x177: {  	v0 =	vld [tilespmem:s2+$0x0];
	_ =	sdelay $0x4  }
0x178: {  	v0 =	vshll.u32 v0, $0x4  }
0x179: {  	(v2sf) =	vpush v0, $0x0  }
0x17a: {  	(v2sf) =	vpush v0, $0x1  }
0x17b: {  	(v2sf) =	vpush v0, $0x2;
	_ =	sdelay $0x1  }
0x17c: {  	(v2sf) =	vpush v0, $0x4  }
.Ltmp3:
0x17d: {  	(pc) =	sbr.rel @p0 .LBB2_8-.Ltmp3, $3  }
0x17e: {  	(v2sf) =	vpush v0, $0x3  }
0x17f: {  	(v2sf) =	vpush v0, $0x5;
	_ =	sdelay $0x1  }
0x180: {  	s1 =	sshra.s32 s15, $0x2;
	(v2sf) =	vpush v0, $0x6  }
0x181: {  	_ =	sdelay $0x1  }
0x182: {  	s6 =	sadd.s32 $0xC480, s1;
	s15 =	sadd.s32 $0xC980, s1  }
0x183: {  	s7 =	sadd.s32 $0xC780, s1;
	s2 =	sadd.s32 $0xCA00, s1;
	(v2sf) =	vpush v0, $0x7;
	s8 =	sadd.s32 $0xC680, s1  }
0x184: {  	s9 =	sadd.s32 $0xC800, s1;
	s14 =	sadd.s32 $0xCA80, s1;
	s10 =	sadd.s32 $0xC400, s1  }
0x185: {  	s11 =	sadd.s32 $0xC600, s1;
	s16 =	sadd.s32 $0xC700, s1;
	(v2sf) =	vpush v0, $0x8;
	s17 =	spop (v2sf)  }
0x186: {  	s18 =	sadd.s32 $0xC500, s1;
	s17 =	sand.u32 $0x1FFFFFF0, s17;
	s19 =	spop (v2sf)  }
0x187: {  	(v2sf) =	vpush v0, $0x9;
	s17 =	sadd.s32 s5, s17;
	s19 =	sand.u32 $0x1FFFFFF0, s19;
	s20 =	spop (v2sf)  }
0x188: {  	[tilespmem:s10], [sflag:$0x6] =	stream.linear.gather [hbm4b:s17+s4], $0x80, $0x38;
	[tilespmem:$0x10800] =	vst v63  }
0x189: {  	s22 =	sadd.s32 $0xC580, s1;
	(v2sf) =	vpush v0, $0xA;
	s23 =	sadd.s32 s5, s19;
	s24 =	spop (v2sf)  }
0x18a: {  	[tilespmem:s6], [sflag:$0x6] =	stream.linear.gather [hbm4b:s23+s4], $0x80, $0x38;
	[tilespmem:$0x10800] =	vst v63  }
0x18b: {  	s10 =	sadd.s32 $0xC900, s1;
	s25 =	sand.u32 $0x1FFFFFF0, s20;
	(v2sf) =	vpush v0, $0xB;
	s28 =	spop (v2sf)  }
0x18c: {  	s17 =	sadd.s32 s5, s25;
	s6 =	sadd.s32 $0xC880, s1;
	s20 =	sand.u32 $0x1FFFFFF0, s28  }
0x18d: {  	(v2sf) =	vpush v0, $0xC;
	[tilespmem:s18], [sflag:$0x6] =	stream.linear.gather [hbm4b:s17+s4], $0x80, $0x38;
	[tilespmem:$0x10800] =	vst v63  }
0x18e: {  	s30 =	sand.u32 $0x1FFFFFF0, s24;
	s23 =	spop (v2sf);
	s24 =	sadd.s32 s5, s20  }
0x18f: {  	(v2sf) =	vpush v0, $0xD;
	[tilespmem:s22], [sflag:$0x6] =	stream.linear.gather [hbm4b:s24+s4], $0x80, $0x38;
	[tilespmem:$0x10800] =	vst v63  }
0x190: {  	s17 =	sadd.s32 s5, s30;
	s18 =	sand.u32 $0x1FFFFFF0, s23;
	s25 =	spop (v2sf)  }
0x191: {  	(v2sf) =	vpush v0, $0xE;
	[tilespmem:s11], [sflag:$0x6] =	stream.linear.gather [hbm4b:s17+s4], $0x80, $0x38;
	[tilespmem:$0x10800] =	vst v63  }
0x192: {  	s18 =	sadd.s32 s5, s18;
	s28 =	sand.u32 $0x1FFFFFF0, s25;
	s30 =	spop (v2sf)  }
0x193: {  	(v2sf) =	vpush v0, $0xF;
	[tilespmem:s8], [sflag:$0x6] =	stream.linear.gather [hbm4b:s18+s4], $0x80, $0x38;
	[tilespmem:$0x10800] =	vst v63  }
0x194: {  	s19 =	sand.u32 $0x1FFFFFF0, s30;
	s20 =	spop (v2sf);
	s11 =	sadd.s32 s5, s28  }
0x195: {  	[tilespmem:s16], [sflag:$0x6] =	stream.linear.gather [hbm4b:s11+s4], $0x80, $0x38;
	[tilespmem:$0x10800] =	vst v63  }
0x196: {  	s22 =	sand.u32 $0x1FFFFFF0, s20;
	s8 =	sadd.s32 s5, s19;
	s23 =	spop (v2sf)  }
0x197: {  	[tilespmem:s7], [sflag:$0x6] =	stream.linear.gather [hbm4b:s8+s4], $0x80, $0x38;
	[tilespmem:$0x10800] =	vst v63  }
0x198: {  	s11 =	sadd.s32 s5, s22;
	s24 =	sand.u32 $0x1FFFFFF0, s23;
	s25 =	spop (v2sf)  }
0x199: {  	[tilespmem:s9], [sflag:$0x6] =	stream.linear.gather [hbm4b:s11+s4], $0x80, $0x38;
	[tilespmem:$0x10800] =	vst v63  }
0x19a: {  	s8 =	sand.u32 $0x1FFFFFF0, s25;
	s7 =	sadd.s32 s5, s24;
	s28 =	spop (v2sf)  }
0x19b: {  	[tilespmem:s6], [sflag:$0x6] =	stream.linear.gather [hbm4b:s7+s4], $0x80, $0x38;
	[tilespmem:$0x10800] =	vst v63  }
0x19c: {  	s8 =	sadd.s32 s5, s8;
	s30 =	sand.u32 $0x1FFFFFF0, s28;
	s9 =	spop (v2sf)  }
0x19d: {  	[tilespmem:s10], [sflag:$0x6] =	stream.linear.gather [hbm4b:s8+s4], $0x80, $0x38;
	[tilespmem:$0x10800] =	vst v63  }
0x19e: {  	s6 =	sadd.s32 s5, s30;
	s7 =	sand.u32 $0x1FFFFFF0, s9;
	s11 =	spop (v2sf)  }
0x19f: {  	[tilespmem:s15], [sflag:$0x6] =	stream.linear.gather [hbm4b:s6+s4], $0x80, $0x38;
	[tilespmem:$0x10800] =	vst v63  }
0x1a0: {  	s16 =	sand.u32 $0x1FFFFFF0, s11;
	s7 =	sadd.s32 s5, s7;
	s17 =	spop (v2sf)  }
0x1a1: {  	[tilespmem:s2], [sflag:$0x6] =	stream.linear.gather [hbm4b:s7+s4], $0x80, $0x38;
	[tilespmem:$0x10800] =	vst v63  }
0x1a2: {  	s18 =	sand.u32 $0x1FFFFFF0, s17;
	s19 =	spop (v2sf);
	s6 =	sadd.s32 s5, s16  }
0x1a3: {  	[tilespmem:s14], [sflag:$0x6] =	stream.linear.gather [hbm4b:s6+s4], $0x80, $0x38;
	[tilespmem:$0x10800] =	vst v63  }
0x1a4: {  	s22 =	sadd.s32 $0xCB00, s1;
	s20 =	sand.u32 $0x1FFFFFF0, s19;
	s2 =	sadd.s32 s5, s18  }
0x1a5: {  	[tilespmem:s22], [sflag:$0x6] =	stream.linear.gather [hbm4b:s2+s4], $0x80, $0x38;
	[tilespmem:$0x10800] =	vst v63  }
0x1a6: {  	s23 =	sadd.s32 $0xCB80, s1;
	s24 =	sadd.s32 s5, s20  }
0x1a7: {  	[tilespmem:s23], [sflag:$0x6] =	stream.linear.gather [hbm4b:s24+s4], $0x80, $0x38;
	[tilespmem:$0x10800] =	vst v63  }
0x1a8: {  	s25 =	simm.s32 $0x0;
	s28 =	rddreg [dreg:$0x2];
	s30 =	simm.s32 $0x10400  }
0x1a9: {  	[tilespmem:s30], [sflag:$0x7] =	stream.linear.gather [hbm4b:s28+s25], $0x280, $0x38;
	[tilespmem:$0x10800] =	vst v63  }
0x1aa: {  	_ =	swait.ge [sflag:s12], $0x280  }
0x1ab: {  	[sflag:s12] =	ssyncset.done $0x0  }
0x1ac: {  	[sflag:s12] =	ssyncadd.s32 $0xFFFFFD80  }
0x1ad: {  	_ =	swait.ge [sflag:s21], $0x80  }
0x1ae: {  	[sflag:s21] =	ssyncset.done $0x0  }
0x1af: {  	[sflag:s21] =	ssyncadd.s32 $0xFFFFFF80  }
0x1b0: {  	_ =	swait.ge [sflag:s21], $0x80  }
0x1b1: {  	[sflag:s21] =	ssyncset.done $0x0  }
0x1b2: {  	[sflag:s21] =	ssyncadd.s32 $0xFFFFFF80  }
0x1b3: {  	_ =	swait.ge [sflag:s21], $0x80  }
0x1b4: {  	[sflag:s21] =	ssyncset.done $0x0  }
0x1b5: {  	[sflag:s21] =	ssyncadd.s32 $0xFFFFFF80  }
0x1b6: {  	_ =	swait.ge [sflag:s21], $0x80  }
0x1b7: {  	[sflag:s21] =	ssyncset.done $0x0  }
0x1b8: {  	s7 =	simm.s32 $0x3;
	[sflag:s21] =	ssyncadd.s32 $0xFFFFFF80  }
0x1b9: {  	_ =	swait.ge [sflag:s7], $0x4000  }
0x1ba: {  	[sflag:s7] =	ssyncset.done $0x0  }
0x1bb: {  	s8 =	simm.s32 $0x0;
	[sflag:s7] =	ssyncadd.s32 $0xFFFFC000  }
0x1bc: {  	v0 =	vld [tilespmem:s8+$0x200];
	_ =	sdelay $0x4  }
0x1bd: {  	v0 =	vshll.u32 v0, $0x9  }
0x1be: {  	v0 =	vshra.s32 v0, $0x2  }
0x1bf: {  	(v2sf) =	vpush v0, $0x0;
	_ =	sdelay $0xd  }
0x1c0: {  	s1 =	simm.s32 $0x800  }
0x1c1: {  	v1 =	vld [tilespmem:s1+$0xFFFFFC00];
	s9 =	spop (v2sf)  }
0x1c2: {  	(v2sf) =	vpush v0, $0x1;
	v2 =	vld [tilespmem:s9+$0x10400];
	_ =	sdelay $0x4  }
0x1c3: {  	v1 =	vadd.f32 v2, v1;
	_ =	sdelay $0x1  }
0x1c4: {  	[tilespmem:s1+$0xFFFFFC00] =	vst v1;
	v1 =	vld [tilespmem:s1+$0xFFFFFC10]  }
0x1c5: {  	v2 =	vld [tilespmem:s9+$0x10410];
	_ =	sdelay $0x4  }
0x1c6: {  	v1 =	vadd.f32 v2, v1;
	_ =	sdelay $0x1  }
0x1c7: {  	s10 =	spop (v2sf);
	[tilespmem:s1+$0xFFFFFC10] =	vst v1;
	v1 =	vld [tilespmem:s1+$0xFFFFFC80]  }
0x1c8: {  	(v2sf) =	vpush v0, $0x2;
	v2 =	vld [tilespmem:s10+$0x10400];
	_ =	sdelay $0x4  }
0x1c9: {  	v1 =	vadd.f32 v2, v1;
	_ =	sdelay $0x1  }
0x1ca: {  	[tilespmem:s1+$0xFFFFFC80] =	vst v1;
	v1 =	vld [tilespmem:s1+$0xFFFFFC90]  }
0x1cb: {  	v2 =	vld [tilespmem:s10+$0x10410];
	_ =	sdelay $0x4  }
0x1cc: {  	v1 =	vadd.f32 v2, v1;
	_ =	sdelay $0x1  }
0x1cd: {  	s11 =	spop (v2sf);
	[tilespmem:s1+$0xFFFFFC90] =	vst v1;
	v1 =	vld [tilespmem:s1+$0xFFFFFD00]  }
0x1ce: {  	(v2sf) =	vpush v0, $0x3;
	v2 =	vld [tilespmem:s11+$0x10400];
	_ =	sdelay $0x4  }
0x1cf: {  	v1 =	vadd.f32 v2, v1;
	_ =	sdelay $0x1  }
0x1d0: {  	[tilespmem:s1+$0xFFFFFD00] =	vst v1;
	v1 =	vld [tilespmem:s1+$0xFFFFFD10]  }
0x1d1: {  	v2 =	vld [tilespmem:s11+$0x10410];
	_ =	sdelay $0x4  }
0x1d2: {  	v1 =	vadd.f32 v2, v1;
	_ =	sdelay $0x1  }
0x1d3: {  	s14 =	spop (v2sf);
	[tilespmem:s1+$0xFFFFFD10] =	vst v1;
	v1 =	vld [tilespmem:s1+$0xFFFFFD80]  }
0x1d4: {  	(v2sf) =	vpush v0, $0x4;
	v2 =	vld [tilespmem:s14+$0x10400];
	_ =	sdelay $0x4  }
0x1d5: {  	v1 =	vadd.f32 v2, v1;
	_ =	sdelay $0x1  }
0x1d6: {  	[tilespmem:s1+$0xFFFFFD80] =	vst v1;
	v1 =	vld [tilespmem:s1+$0xFFFFFD90]  }
0x1d7: {  	v2 =	vld [tilespmem:s14+$0x10410];
	_ =	sdelay $0x4  }
0x1d8: {  	v1 =	vadd.f32 v2, v1;
	_ =	sdelay $0x1  }
0x1d9: {  	s15 =	spop (v2sf);
	[tilespmem:s1+$0xFFFFFD90] =	vst v1;
	v1 =	vld [tilespmem:s1+$0xFFFFFE00]  }
0x1da: {  	(v2sf) =	vpush v0, $0x5;
	v2 =	vld [tilespmem:s15+$0x10400];
	_ =	sdelay $0x4  }
0x1db: {  	v1 =	vadd.f32 v2, v1;
	_ =	sdelay $0x1  }
0x1dc: {  	[tilespmem:s1+$0xFFFFFE00] =	vst v1;
	v1 =	vld [tilespmem:s1+$0xFFFFFE10]  }
0x1dd: {  	v2 =	vld [tilespmem:s15+$0x10410];
	_ =	sdelay $0x4  }
0x1de: {  	v1 =	vadd.f32 v2, v1;
	_ =	sdelay $0x1  }
0x1df: {  	s16 =	spop (v2sf);
	[tilespmem:s1+$0xFFFFFE10] =	vst v1;
	v1 =	vld [tilespmem:s1+$0xFFFFFE80]  }
0x1e0: {  	(v2sf) =	vpush v0, $0x6;
	v2 =	vld [tilespmem:s16+$0x10400];
	_ =	sdelay $0x4  }
0x1e1: {  	v1 =	vadd.f32 v2, v1;
	_ =	sdelay $0x1  }
0x1e2: {  	[tilespmem:s1+$0xFFFFFE80] =	vst v1;
	v1 =	vld [tilespmem:s1+$0xFFFFFE90]  }
0x1e3: {  	v2 =	vld [tilespmem:s16+$0x10410];
	_ =	sdelay $0x4  }
0x1e4: {  	v1 =	vadd.f32 v2, v1;
	_ =	sdelay $0x1  }
0x1e5: {  	s17 =	spop (v2sf);
	[tilespmem:s1+$0xFFFFFE90] =	vst v1;
	v1 =	vld [tilespmem:s1+$0xFFFFFF00]  }
0x1e6: {  	(v2sf) =	vpush v0, $0x7;
	v2 =	vld [tilespmem:s17+$0x10400];
	_ =	sdelay $0x4  }
0x1e7: {  	v1 =	vadd.f32 v2, v1;
	_ =	sdelay $0x1  }
0x1e8: {  	[tilespmem:s1+$0xFFFFFF00] =	vst v1;
	v1 =	vld [tilespmem:s1+$0xFFFFFF10]  }
0x1e9: {  	v2 =	vld [tilespmem:s17+$0x10410];
	_ =	sdelay $0x4  }
0x1ea: {  	v1 =	vadd.f32 v2, v1;
	_ =	sdelay $0x1  }
0x1eb: {  	s18 =	spop (v2sf);
	[tilespmem:s1+$0xFFFFFF10] =	vst v1;
	v1 =	vld [tilespmem:s1+$0xFFFFFF80]  }
0x1ec: {  	(v2sf) =	vpush v0, $0x8;
	v2 =	vld [tilespmem:s18+$0x10400];
	_ =	sdelay $0x4  }
0x1ed: {  	v1 =	vadd.f32 v2, v1;
	_ =	sdelay $0x1  }
0x1ee: {  	[tilespmem:s1+$0xFFFFFF80] =	vst v1;
	v1 =	vld [tilespmem:s1+$0xFFFFFF90]  }
0x1ef: {  	v2 =	vld [tilespmem:s18+$0x10410];
	_ =	sdelay $0x4  }
0x1f0: {  	v1 =	vadd.f32 v2, v1;
	_ =	sdelay $0x1  }
0x1f1: {  	s19 =	spop (v2sf);
	[tilespmem:s1+$0xFFFFFF90] =	vst v1;
	v1 =	vld [tilespmem:s1+$0x0]  }
0x1f2: {  	(v2sf) =	vpush v0, $0x9;
	v2 =	vld [tilespmem:s19+$0x10400];
	_ =	sdelay $0x4  }
0x1f3: {  	v1 =	vadd.f32 v2, v1;
	_ =	sdelay $0x1  }
0x1f4: {  	[tilespmem:s1+$0x0] =	vst v1;
	v1 =	vld [tilespmem:s1+$0x10]  }
0x1f5: {  	v2 =	vld [tilespmem:s19+$0x10410];
	_ =	sdelay $0x4  }
0x1f6: {  	v1 =	vadd.f32 v2, v1;
	_ =	sdelay $0x1  }
0x1f7: {  	s20 =	spop (v2sf);
	[tilespmem:s1+$0x10] =	vst v1;
	v1 =	vld [tilespmem:s1+$0x80]  }
0x1f8: {  	(v2sf) =	vpush v0, $0xA;
	v2 =	vld [tilespmem:s20+$0x10400];
	_ =	sdelay $0x4  }
0x1f9: {  	v1 =	vadd.f32 v2, v1;
	_ =	sdelay $0x1  }
0x1fa: {  	[tilespmem:s1+$0x80] =	vst v1;
	v1 =	vld [tilespmem:s1+$0x90]  }
0x1fb: {  	v2 =	vld [tilespmem:s20+$0x10410];
	_ =	sdelay $0x4  }
0x1fc: {  	v1 =	vadd.f32 v2, v1;
	_ =	sdelay $0x1  }
0x1fd: {  	s22 =	spop (v2sf);
	[tilespmem:s1+$0x90] =	vst v1;
	v1 =	vld [tilespmem:s1+$0x100]  }
0x1fe: {  	(v2sf) =	vpush v0, $0xB;
	v2 =	vld [tilespmem:s22+$0x10400];
	_ =	sdelay $0x4  }
0x1ff: {  	v1 =	vadd.f32 v2, v1;
	_ =	sdelay $0x1  }
0x200: {  	[tilespmem:s1+$0x100] =	vst v1;
	v1 =	vld [tilespmem:s1+$0x110]  }
0x201: {  	v2 =	vld [tilespmem:s22+$0x10410];
	_ =	sdelay $0x4  }
0x202: {  	v1 =	vadd.f32 v2, v1;
	_ =	sdelay $0x1  }
0x203: {  	s23 =	spop (v2sf);
	[tilespmem:s1+$0x110] =	vst v1;
	v1 =	vld [tilespmem:s1+$0x180]  }
0x204: {  	(v2sf) =	vpush v0, $0xC;
	v2 =	vld [tilespmem:s23+$0x10400];
	_ =	sdelay $0x4  }
0x205: {  	v1 =	vadd.f32 v2, v1;
	_ =	sdelay $0x1  }
0x206: {  	[tilespmem:s1+$0x180] =	vst v1;
	v1 =	vld [tilespmem:s1+$0x190]  }
0x207: {  	v2 =	vld [tilespmem:s23+$0x10410];
	_ =	sdelay $0x4  }
0x208: {  	v1 =	vadd.f32 v2, v1;
	_ =	sdelay $0x1  }
0x209: {  	s24 =	spop (v2sf);
	[tilespmem:s1+$0x190] =	vst v1;
	v1 =	vld [tilespmem:s1+$0x200]  }
0x20a: {  	(v2sf) =	vpush v0, $0xD;
	v2 =	vld [tilespmem:s24+$0x10400];
	_ =	sdelay $0x4  }
0x20b: {  	v1 =	vadd.f32 v2, v1;
	_ =	sdelay $0x1  }
0x20c: {  	[tilespmem:s1+$0x200] =	vst v1;
	v1 =	vld [tilespmem:s1+$0x210]  }
0x20d: {  	v2 =	vld [tilespmem:s24+$0x10410];
	_ =	sdelay $0x4  }
0x20e: {  	v1 =	vadd.f32 v2, v1;
	_ =	sdelay $0x1  }
0x20f: {  	s25 =	spop (v2sf);
	[tilespmem:s1+$0x210] =	vst v1;
	v1 =	vld [tilespmem:s1+$0x280]  }
0x210: {  	(v2sf) =	vpush v0, $0xE;
	v2 =	vld [tilespmem:s25+$0x10400];
	_ =	sdelay $0x4  }
0x211: {  	v1 =	vadd.f32 v2, v1;
	_ =	sdelay $0x1  }
0x212: {  	[tilespmem:s1+$0x280] =	vst v1;
	v1 =	vld [tilespmem:s1+$0x290]  }
0x213: {  	v2 =	vld [tilespmem:s25+$0x10410];
	_ =	sdelay $0x4  }
0x214: {  	v1 =	vadd.f32 v2, v1;
	_ =	sdelay $0x1  }
0x215: {  	s28 =	spop (v2sf);
	[tilespmem:s1+$0x290] =	vst v1;
	v1 =	vld [tilespmem:s1+$0x300]  }
0x216: {  	(v2sf) =	vpush v0, $0xF;
	v2 =	vld [tilespmem:s28+$0x10400];
	_ =	sdelay $0x4  }
0x217: {  	v0 =	vadd.f32 v2, v1;
	_ =	sdelay $0x1  }
0x218: {  	[tilespmem:s1+$0x300] =	vst v0;
	v0 =	vld [tilespmem:s1+$0x310]  }
0x219: {  	v1 =	vld [tilespmem:s28+$0x10410];
	_ =	sdelay $0x4  }
0x21a: {  	v0 =	vadd.f32 v1, v0;
	_ =	sdelay $0x1  }
0x21b: {  	s30 =	spop (v2sf);
	[tilespmem:s1+$0x310] =	vst v0;
	v0 =	vld [tilespmem:s1+$0x380]  }
0x21c: {  	v1 =	vld [tilespmem:s30+$0x10400];
	_ =	sdelay $0x4  }
0x21d: {  	v0 =	vadd.f32 v1, v0;
	_ =	sdelay $0x1  }
0x21e: {  	[tilespmem:s1+$0x380] =	vst v0;
	v0 =	vld [tilespmem:s1+$0x390]  }
0x21f: {  	v1 =	vld [tilespmem:s30+$0x10410];
	_ =	sdelay $0x4  }
0x220: {  	s2 =	simm.s32 $0x40;
	s15 =	simm.s32 $0x80;
	v0 =	vadd.f32 v1, v0  }
.LBB2_10:
0x221: {  	s6 =	sshra.s32 s2, $0x2  }
0x222: {  	s2 =	smov.u32 s15;
	s14 =	sadd.s32 $0x40, s15;
	[tilespmem:s1+$0x390] =	vst v0;
	s1 =	sadd.s32 $0x800, s1  }
0x223: {  	p0 =	sne.s32 s15, $0x1C0;
	v0 =	vld [tilespmem:s6+$0x200];
	_ =	sdelay $0x4  }
0x224: {  	v0 =	vshll.u32 v0, $0x9  }
0x225: {  	v0 =	vshra.s32 v0, $0x2  }
0x226: {  	(v2sf) =	vpush v0, $0x0;
	_ =	sdelay $0xe  }
0x227: {  	v1 =	vld [tilespmem:s1+$0xFFFFFC00];
	s6 =	spop (v2sf)  }
0x228: {  	v2 =	vld [tilespmem:s6+$0x10400];
	(v2sf) =	vpush v0, $0x1;
	_ =	sdelay $0x4  }
0x229: {  	v1 =	vadd.f32 v2, v1;
	_ =	sdelay $0x1  }
0x22a: {  	[tilespmem:s1+$0xFFFFFC00] =	vst v1;
	v1 =	vld [tilespmem:s1+$0xFFFFFC10]  }
0x22b: {  	v2 =	vld [tilespmem:s6+$0x10410];
	_ =	sdelay $0x4  }
0x22c: {  	v1 =	vadd.f32 v2, v1;
	_ =	sdelay $0x1  }
0x22d: {  	[tilespmem:s1+$0xFFFFFC10] =	vst v1;
	v1 =	vld [tilespmem:s1+$0xFFFFFC80];
	s6 =	spop (v2sf)  }
0x22e: {  	v2 =	vld [tilespmem:s6+$0x10400];
	(v2sf) =	vpush v0, $0x2;
	_ =	sdelay $0x4  }
0x22f: {  	v1 =	vadd.f32 v2, v1;
	_ =	sdelay $0x1  }
0x230: {  	[tilespmem:s1+$0xFFFFFC80] =	vst v1;
	v1 =	vld [tilespmem:s1+$0xFFFFFC90]  }
0x231: {  	v2 =	vld [tilespmem:s6+$0x10410];
	_ =	sdelay $0x4  }
0x232: {  	v1 =	vadd.f32 v2, v1;
	_ =	sdelay $0x1  }
0x233: {  	[tilespmem:s1+$0xFFFFFC90] =	vst v1;
	v1 =	vld [tilespmem:s1+$0xFFFFFD00];
	s6 =	spop (v2sf)  }
0x234: {  	v2 =	vld [tilespmem:s6+$0x10400];
	(v2sf) =	vpush v0, $0x3;
	_ =	sdelay $0x4  }
0x235: {  	v1 =	vadd.f32 v2, v1;
	_ =	sdelay $0x1  }
0x236: {  	[tilespmem:s1+$0xFFFFFD00] =	vst v1;
	v1 =	vld [tilespmem:s1+$0xFFFFFD10]  }
0x237: {  	v2 =	vld [tilespmem:s6+$0x10410];
	_ =	sdelay $0x4  }
0x238: {  	v1 =	vadd.f32 v2, v1;
	_ =	sdelay $0x1  }
0x239: {  	[tilespmem:s1+$0xFFFFFD10] =	vst v1;
	v1 =	vld [tilespmem:s1+$0xFFFFFD80];
	s6 =	spop (v2sf)  }
0x23a: {  	v2 =	vld [tilespmem:s6+$0x10400];
	(v2sf) =	vpush v0, $0x4;
	_ =	sdelay $0x4  }
0x23b: {  	v1 =	vadd.f32 v2, v1;
	_ =	sdelay $0x1  }
0x23c: {  	[tilespmem:s1+$0xFFFFFD80] =	vst v1;
	v1 =	vld [tilespmem:s1+$0xFFFFFD90]  }
0x23d: {  	v2 =	vld [tilespmem:s6+$0x10410];
	_ =	sdelay $0x4  }
0x23e: {  	v1 =	vadd.f32 v2, v1;
	_ =	sdelay $0x1  }
0x23f: {  	[tilespmem:s1+$0xFFFFFD90] =	vst v1;
	v1 =	vld [tilespmem:s1+$0xFFFFFE00];
	s6 =	spop (v2sf)  }
0x240: {  	v2 =	vld [tilespmem:s6+$0x10400];
	(v2sf) =	vpush v0, $0x5;
	_ =	sdelay $0x4  }
0x241: {  	v1 =	vadd.f32 v2, v1;
	_ =	sdelay $0x1  }
0x242: {  	[tilespmem:s1+$0xFFFFFE00] =	vst v1;
	v1 =	vld [tilespmem:s1+$0xFFFFFE10]  }
0x243: {  	v2 =	vld [tilespmem:s6+$0x10410];
	_ =	sdelay $0x4  }
0x244: {  	v1 =	vadd.f32 v2, v1;
	_ =	sdelay $0x1  }
0x245: {  	[tilespmem:s1+$0xFFFFFE10] =	vst v1;
	v1 =	vld [tilespmem:s1+$0xFFFFFE80];
	s6 =	spop (v2sf)  }
0x246: {  	v2 =	vld [tilespmem:s6+$0x10400];
	(v2sf) =	vpush v0, $0x6;
	_ =	sdelay $0x4  }
0x247: {  	v1 =	vadd.f32 v2, v1;
	_ =	sdelay $0x1  }
0x248: {  	[tilespmem:s1+$0xFFFFFE80] =	vst v1;
	v1 =	vld [tilespmem:s1+$0xFFFFFE90]  }
0x249: {  	v2 =	vld [tilespmem:s6+$0x10410];
	_ =	sdelay $0x4  }
0x24a: {  	v1 =	vadd.f32 v2, v1;
	_ =	sdelay $0x1  }
0x24b: {  	[tilespmem:s1+$0xFFFFFE90] =	vst v1;
	v1 =	vld [tilespmem:s1+$0xFFFFFF00];
	s6 =	spop (v2sf)  }
0x24c: {  	v2 =	vld [tilespmem:s6+$0x10400];
	(v2sf) =	vpush v0, $0x7;
	_ =	sdelay $0x4  }
0x24d: {  	v1 =	vadd.f32 v2, v1;
	_ =	sdelay $0x1  }
0x24e: {  	[tilespmem:s1+$0xFFFFFF00] =	vst v1;
	v1 =	vld [tilespmem:s1+$0xFFFFFF10]  }
0x24f: {  	v2 =	vld [tilespmem:s6+$0x10410];
	_ =	sdelay $0x4  }
0x250: {  	v1 =	vadd.f32 v2, v1;
	_ =	sdelay $0x1  }
0x251: {  	[tilespmem:s1+$0xFFFFFF10] =	vst v1;
	v1 =	vld [tilespmem:s1+$0xFFFFFF80];
	s6 =	spop (v2sf)  }
0x252: {  	v2 =	vld [tilespmem:s6+$0x10400];
	(v2sf) =	vpush v0, $0x8;
	_ =	sdelay $0x4  }
0x253: {  	v1 =	vadd.f32 v2, v1;
	_ =	sdelay $0x1  }
0x254: {  	[tilespmem:s1+$0xFFFFFF80] =	vst v1;
	v1 =	vld [tilespmem:s1+$0xFFFFFF90]  }
0x255: {  	v2 =	vld [tilespmem:s6+$0x10410];
	_ =	sdelay $0x4  }
0x256: {  	v1 =	vadd.f32 v2, v1;
	_ =	sdelay $0x1  }
0x257: {  	[tilespmem:s1+$0xFFFFFF90] =	vst v1;
	v1 =	vld [tilespmem:s1+$0x0];
	s6 =	spop (v2sf)  }
0x258: {  	v2 =	vld [tilespmem:s6+$0x10400];
	(v2sf) =	vpush v0, $0x9;
	_ =	sdelay $0x4  }
0x259: {  	v1 =	vadd.f32 v2, v1;
	_ =	sdelay $0x1  }
0x25a: {  	[tilespmem:s1+$0x0] =	vst v1;
	v1 =	vld [tilespmem:s1+$0x10]  }
0x25b: {  	v2 =	vld [tilespmem:s6+$0x10410];
	_ =	sdelay $0x4  }
0x25c: {  	v1 =	vadd.f32 v2, v1;
	_ =	sdelay $0x1  }
0x25d: {  	[tilespmem:s1+$0x10] =	vst v1;
	v1 =	vld [tilespmem:s1+$0x80];
	s6 =	spop (v2sf)  }
0x25e: {  	v2 =	vld [tilespmem:s6+$0x10400];
	(v2sf) =	vpush v0, $0xA;
	_ =	sdelay $0x4  }
0x25f: {  	v1 =	vadd.f32 v2, v1;
	_ =	sdelay $0x1  }
0x260: {  	[tilespmem:s1+$0x80] =	vst v1;
	v1 =	vld [tilespmem:s1+$0x90]  }
0x261: {  	v2 =	vld [tilespmem:s6+$0x10410];
	_ =	sdelay $0x4  }
0x262: {  	v1 =	vadd.f32 v2, v1;
	_ =	sdelay $0x1  }
0x263: {  	[tilespmem:s1+$0x90] =	vst v1;
	v1 =	vld [tilespmem:s1+$0x100];
	s6 =	spop (v2sf)  }
0x264: {  	v2 =	vld [tilespmem:s6+$0x10400];
	(v2sf) =	vpush v0, $0xB;
	_ =	sdelay $0x4  }
0x265: {  	v1 =	vadd.f32 v2, v1;
	_ =	sdelay $0x1  }
0x266: {  	[tilespmem:s1+$0x100] =	vst v1;
	v1 =	vld [tilespmem:s1+$0x110]  }
0x267: {  	v2 =	vld [tilespmem:s6+$0x10410];
	_ =	sdelay $0x4  }
0x268: {  	v1 =	vadd.f32 v2, v1;
	_ =	sdelay $0x1  }
0x269: {  	[tilespmem:s1+$0x110] =	vst v1;
	v1 =	vld [tilespmem:s1+$0x180];
	s6 =	spop (v2sf)  }
0x26a: {  	v2 =	vld [tilespmem:s6+$0x10400];
	(v2sf) =	vpush v0, $0xC;
	_ =	sdelay $0x4  }
0x26b: {  	v1 =	vadd.f32 v2, v1;
	_ =	sdelay $0x1  }
0x26c: {  	[tilespmem:s1+$0x180] =	vst v1;
	v1 =	vld [tilespmem:s1+$0x190]  }
0x26d: {  	v2 =	vld [tilespmem:s6+$0x10410];
	_ =	sdelay $0x4  }
0x26e: {  	v1 =	vadd.f32 v2, v1;
	_ =	sdelay $0x1  }
0x26f: {  	[tilespmem:s1+$0x190] =	vst v1;
	v1 =	vld [tilespmem:s1+$0x200];
	s6 =	spop (v2sf)  }
0x270: {  	v2 =	vld [tilespmem:s6+$0x10400];
	(v2sf) =	vpush v0, $0xD;
	_ =	sdelay $0x4  }
0x271: {  	v1 =	vadd.f32 v2, v1;
	_ =	sdelay $0x1  }
0x272: {  	[tilespmem:s1+$0x200] =	vst v1;
	v1 =	vld [tilespmem:s1+$0x210]  }
0x273: {  	v2 =	vld [tilespmem:s6+$0x10410];
	_ =	sdelay $0x4  }
0x274: {  	v1 =	vadd.f32 v2, v1;
	_ =	sdelay $0x1  }
0x275: {  	[tilespmem:s1+$0x210] =	vst v1;
	v1 =	vld [tilespmem:s1+$0x280];
	s6 =	spop (v2sf)  }
0x276: {  	v2 =	vld [tilespmem:s6+$0x10400];
	(v2sf) =	vpush v0, $0xE;
	_ =	sdelay $0x4  }
0x277: {  	v1 =	vadd.f32 v2, v1;
	_ =	sdelay $0x1  }
0x278: {  	[tilespmem:s1+$0x280] =	vst v1;
	v1 =	vld [tilespmem:s1+$0x290]  }
0x279: {  	v2 =	vld [tilespmem:s6+$0x10410];
	_ =	sdelay $0x4  }
0x27a: {  	v1 =	vadd.f32 v2, v1;
	_ =	sdelay $0x1  }
0x27b: {  	[tilespmem:s1+$0x290] =	vst v1;
	v1 =	vld [tilespmem:s1+$0x300];
	s6 =	spop (v2sf)  }
0x27c: {  	v2 =	vld [tilespmem:s6+$0x10400];
	(v2sf) =	vpush v0, $0xF;
	_ =	sdelay $0x4  }
0x27d: {  	v0 =	vadd.f32 v2, v1;
	_ =	sdelay $0x1  }
0x27e: {  	[tilespmem:s1+$0x300] =	vst v0;
	v0 =	vld [tilespmem:s1+$0x310]  }
0x27f: {  	v1 =	vld [tilespmem:s6+$0x10410];
	_ =	sdelay $0x4  }
0x280: {  	v0 =	vadd.f32 v1, v0;
	_ =	sdelay $0x1  }
0x281: {  	[tilespmem:s1+$0x310] =	vst v0;
	v0 =	vld [tilespmem:s1+$0x380];
	s6 =	spop (v2sf)  }
0x282: {  	v1 =	vld [tilespmem:s6+$0x10400];
	_ =	sdelay $0x4  }
0x283: {  	v0 =	vadd.f32 v1, v0;
	_ =	sdelay $0x1  }
0x284: {  	[tilespmem:s1+$0x380] =	vst v0;
	v0 =	vld [tilespmem:s1+$0x390]  }
0x285: {  	v1 =	vld [tilespmem:s6+$0x10410]  }
.Ltmp4:
0x286: {  	(pc) =	sbr.rel @p0 .LBB2_10-.Ltmp4, $2  }
0x287: {  	_ =	sdelay $0x2  }
0x288: {  	s15 =	smov.u32 s14;
	v0 =	vadd.f32 v1, v0  }
0x289: {  	_ = 	snop  }
0x28a: {  	s2 =	sshra.s32 s2, $0x2;
	[tilespmem:s1+$0x390] =	vst v0  }
0x28b: {  	v0 =	vld [tilespmem:s2+$0x200];
	_ =	sdelay $0x4  }
0x28c: {  	v0 =	vshll.u32 v0, $0x9  }
0x28d: {  	v0 =	vshra.s32 v0, $0x2  }
0x28e: {  	(v2sf) =	vpush v0, $0x0;
	_ =	sdelay $0xd  }
0x28f: {  	s8 =	sadd.s32 $0x800, s1  }
0x290: {  	v1 =	vld [tilespmem:s8+$0xFFFFFC00];
	s9 =	spop (v2sf)  }
0x291: {  	(v2sf) =	vpush v0, $0x1;
	v2 =	vld [tilespmem:s9+$0x10400];
	_ =	sdelay $0x4  }
0x292: {  	v1 =	vadd.f32 v2, v1;
	_ =	sdelay $0x1  }
0x293: {  	[tilespmem:s8+$0xFFFFFC00] =	vst v1;
	v1 =	vld [tilespmem:s8+$0xFFFFFC10]  }
0x294: {  	v2 =	vld [tilespmem:s9+$0x10410];
	_ =	sdelay $0x4  }
0x295: {  	v1 =	vadd.f32 v2, v1;
	_ =	sdelay $0x1  }
0x296: {  	s10 =	spop (v2sf);
	[tilespmem:s8+$0xFFFFFC10] =	vst v1;
	v1 =	vld [tilespmem:s8+$0xFFFFFC80]  }
0x297: {  	(v2sf) =	vpush v0, $0x2;
	v2 =	vld [tilespmem:s10+$0x10400];
	_ =	sdelay $0x4  }
0x298: {  	v1 =	vadd.f32 v2, v1;
	_ =	sdelay $0x1  }
0x299: {  	[tilespmem:s8+$0xFFFFFC80] =	vst v1;
	v1 =	vld [tilespmem:s8+$0xFFFFFC90]  }
0x29a: {  	v2 =	vld [tilespmem:s10+$0x10410];
	_ =	sdelay $0x4  }
0x29b: {  	v1 =	vadd.f32 v2, v1;
	_ =	sdelay $0x1  }
0x29c: {  	s11 =	spop (v2sf);
	[tilespmem:s8+$0xFFFFFC90] =	vst v1;
	v1 =	vld [tilespmem:s8+$0xFFFFFD00]  }
0x29d: {  	(v2sf) =	vpush v0, $0x3;
	v2 =	vld [tilespmem:s11+$0x10400];
	_ =	sdelay $0x4  }
0x29e: {  	v1 =	vadd.f32 v2, v1;
	_ =	sdelay $0x1  }
0x29f: {  	[tilespmem:s8+$0xFFFFFD00] =	vst v1;
	v1 =	vld [tilespmem:s8+$0xFFFFFD10]  }
0x2a0: {  	v2 =	vld [tilespmem:s11+$0x10410];
	_ =	sdelay $0x4  }
0x2a1: {  	v1 =	vadd.f32 v2, v1;
	_ =	sdelay $0x1  }
0x2a2: {  	s14 =	spop (v2sf);
	[tilespmem:s8+$0xFFFFFD10] =	vst v1;
	v1 =	vld [tilespmem:s8+$0xFFFFFD80]  }
0x2a3: {  	(v2sf) =	vpush v0, $0x4;
	v2 =	vld [tilespmem:s14+$0x10400];
	_ =	sdelay $0x4  }
0x2a4: {  	v1 =	vadd.f32 v2, v1;
	_ =	sdelay $0x1  }
0x2a5: {  	[tilespmem:s8+$0xFFFFFD80] =	vst v1;
	v1 =	vld [tilespmem:s8+$0xFFFFFD90]  }
0x2a6: {  	v2 =	vld [tilespmem:s14+$0x10410];
	_ =	sdelay $0x4  }
0x2a7: {  	v1 =	vadd.f32 v2, v1;
	_ =	sdelay $0x1  }
0x2a8: {  	s15 =	spop (v2sf);
	[tilespmem:s8+$0xFFFFFD90] =	vst v1;
	v1 =	vld [tilespmem:s8+$0xFFFFFE00]  }
0x2a9: {  	(v2sf) =	vpush v0, $0x5;
	v2 =	vld [tilespmem:s15+$0x10400];
	_ =	sdelay $0x4  }
0x2aa: {  	v1 =	vadd.f32 v2, v1;
	_ =	sdelay $0x1  }
0x2ab: {  	[tilespmem:s8+$0xFFFFFE00] =	vst v1;
	v1 =	vld [tilespmem:s8+$0xFFFFFE10]  }
0x2ac: {  	v2 =	vld [tilespmem:s15+$0x10410];
	_ =	sdelay $0x4  }
0x2ad: {  	v1 =	vadd.f32 v2, v1;
	_ =	sdelay $0x1  }
0x2ae: {  	s16 =	spop (v2sf);
	[tilespmem:s8+$0xFFFFFE10] =	vst v1;
	v1 =	vld [tilespmem:s8+$0xFFFFFE80]  }
0x2af: {  	(v2sf) =	vpush v0, $0x6;
	v2 =	vld [tilespmem:s16+$0x10400];
	_ =	sdelay $0x4  }
0x2b0: {  	v1 =	vadd.f32 v2, v1;
	_ =	sdelay $0x1  }
0x2b1: {  	[tilespmem:s8+$0xFFFFFE80] =	vst v1;
	v1 =	vld [tilespmem:s8+$0xFFFFFE90]  }
0x2b2: {  	v2 =	vld [tilespmem:s16+$0x10410];
	_ =	sdelay $0x4  }
0x2b3: {  	v1 =	vadd.f32 v2, v1;
	_ =	sdelay $0x1  }
0x2b4: {  	s17 =	spop (v2sf);
	[tilespmem:s8+$0xFFFFFE90] =	vst v1;
	v1 =	vld [tilespmem:s8+$0xFFFFFF00]  }
0x2b5: {  	(v2sf) =	vpush v0, $0x7;
	v2 =	vld [tilespmem:s17+$0x10400];
	_ =	sdelay $0x4  }
0x2b6: {  	v1 =	vadd.f32 v2, v1;
	_ =	sdelay $0x1  }
0x2b7: {  	[tilespmem:s8+$0xFFFFFF00] =	vst v1;
	v1 =	vld [tilespmem:s8+$0xFFFFFF10]  }
0x2b8: {  	v2 =	vld [tilespmem:s17+$0x10410];
	_ =	sdelay $0x4  }
0x2b9: {  	v1 =	vadd.f32 v2, v1;
	_ =	sdelay $0x1  }
0x2ba: {  	s18 =	spop (v2sf);
	[tilespmem:s8+$0xFFFFFF10] =	vst v1;
	v1 =	vld [tilespmem:s8+$0xFFFFFF80]  }
0x2bb: {  	(v2sf) =	vpush v0, $0x8;
	v2 =	vld [tilespmem:s18+$0x10400];
	_ =	sdelay $0x4  }
0x2bc: {  	v1 =	vadd.f32 v2, v1;
	_ =	sdelay $0x1  }
0x2bd: {  	[tilespmem:s8+$0xFFFFFF80] =	vst v1;
	v1 =	vld [tilespmem:s8+$0xFFFFFF90]  }
0x2be: {  	v2 =	vld [tilespmem:s18+$0x10410];
	_ =	sdelay $0x4  }
0x2bf: {  	v1 =	vadd.f32 v2, v1;
	_ =	sdelay $0x1  }
0x2c0: {  	s19 =	spop (v2sf);
	[tilespmem:s8+$0xFFFFFF90] =	vst v1;
	v1 =	vld [tilespmem:s8+$0x0]  }
0x2c1: {  	(v2sf) =	vpush v0, $0x9;
	v2 =	vld [tilespmem:s19+$0x10400];
	_ =	sdelay $0x4  }
0x2c2: {  	v1 =	vadd.f32 v2, v1;
	_ =	sdelay $0x1  }
0x2c3: {  	[tilespmem:s8+$0x0] =	vst v1;
	v1 =	vld [tilespmem:s8+$0x10]  }
0x2c4: {  	v2 =	vld [tilespmem:s19+$0x10410];
	_ =	sdelay $0x4  }
0x2c5: {  	v1 =	vadd.f32 v2, v1;
	_ =	sdelay $0x1  }
0x2c6: {  	s20 =	spop (v2sf);
	[tilespmem:s8+$0x10] =	vst v1;
	v1 =	vld [tilespmem:s8+$0x80]  }
0x2c7: {  	(v2sf) =	vpush v0, $0xA;
	v2 =	vld [tilespmem:s20+$0x10400];
	_ =	sdelay $0x4  }
0x2c8: {  	v1 =	vadd.f32 v2, v1;
	_ =	sdelay $0x1  }
0x2c9: {  	[tilespmem:s8+$0x80] =	vst v1;
	v1 =	vld [tilespmem:s8+$0x90]  }
0x2ca: {  	v2 =	vld [tilespmem:s20+$0x10410];
	_ =	sdelay $0x4  }
0x2cb: {  	v1 =	vadd.f32 v2, v1;
	_ =	sdelay $0x1  }
0x2cc: {  	s22 =	spop (v2sf);
	[tilespmem:s8+$0x90] =	vst v1;
	v1 =	vld [tilespmem:s8+$0x100]  }
0x2cd: {  	(v2sf) =	vpush v0, $0xB;
	v2 =	vld [tilespmem:s22+$0x10400];
	_ =	sdelay $0x4  }
0x2ce: {  	v1 =	vadd.f32 v2, v1;
	_ =	sdelay $0x1  }
0x2cf: {  	[tilespmem:s8+$0x100] =	vst v1;
	v1 =	vld [tilespmem:s8+$0x110]  }
0x2d0: {  	v2 =	vld [tilespmem:s22+$0x10410];
	_ =	sdelay $0x4  }
0x2d1: {  	v1 =	vadd.f32 v2, v1;
	_ =	sdelay $0x1  }
0x2d2: {  	s23 =	spop (v2sf);
	[tilespmem:s8+$0x110] =	vst v1;
	v1 =	vld [tilespmem:s8+$0x180]  }
0x2d3: {  	(v2sf) =	vpush v0, $0xC;
	v2 =	vld [tilespmem:s23+$0x10400];
	_ =	sdelay $0x4  }
0x2d4: {  	v1 =	vadd.f32 v2, v1;
	_ =	sdelay $0x1  }
0x2d5: {  	[tilespmem:s8+$0x180] =	vst v1;
	v1 =	vld [tilespmem:s8+$0x190]  }
0x2d6: {  	v2 =	vld [tilespmem:s23+$0x10410];
	_ =	sdelay $0x4  }
0x2d7: {  	v1 =	vadd.f32 v2, v1;
	_ =	sdelay $0x1  }
0x2d8: {  	s24 =	spop (v2sf);
	[tilespmem:s8+$0x190] =	vst v1;
	v1 =	vld [tilespmem:s8+$0x200]  }
0x2d9: {  	(v2sf) =	vpush v0, $0xD;
	v2 =	vld [tilespmem:s24+$0x10400];
	_ =	sdelay $0x4  }
0x2da: {  	v1 =	vadd.f32 v2, v1;
	_ =	sdelay $0x1  }
0x2db: {  	[tilespmem:s8+$0x200] =	vst v1;
	v1 =	vld [tilespmem:s8+$0x210]  }
0x2dc: {  	v2 =	vld [tilespmem:s24+$0x10410];
	_ =	sdelay $0x4  }
0x2dd: {  	v1 =	vadd.f32 v2, v1;
	_ =	sdelay $0x1  }
0x2de: {  	s25 =	spop (v2sf);
	[tilespmem:s8+$0x210] =	vst v1;
	v1 =	vld [tilespmem:s8+$0x280]  }
0x2df: {  	(v2sf) =	vpush v0, $0xE;
	v2 =	vld [tilespmem:s25+$0x10400];
	_ =	sdelay $0x4  }
0x2e0: {  	v1 =	vadd.f32 v2, v1;
	_ =	sdelay $0x1  }
0x2e1: {  	[tilespmem:s8+$0x280] =	vst v1;
	v1 =	vld [tilespmem:s8+$0x290]  }
0x2e2: {  	v2 =	vld [tilespmem:s25+$0x10410];
	_ =	sdelay $0x4  }
0x2e3: {  	v1 =	vadd.f32 v2, v1;
	_ =	sdelay $0x1  }
0x2e4: {  	s28 =	spop (v2sf);
	[tilespmem:s8+$0x290] =	vst v1;
	v1 =	vld [tilespmem:s8+$0x300]  }
0x2e5: {  	(v2sf) =	vpush v0, $0xF;
	v2 =	vld [tilespmem:s28+$0x10400];
	_ =	sdelay $0x4  }
0x2e6: {  	v0 =	vadd.f32 v2, v1;
	_ =	sdelay $0x1  }
0x2e7: {  	[tilespmem:s8+$0x300] =	vst v0;
	v0 =	vld [tilespmem:s8+$0x310]  }
0x2e8: {  	v1 =	vld [tilespmem:s28+$0x10410];
	_ =	sdelay $0x4  }
0x2e9: {  	v0 =	vadd.f32 v1, v0;
	_ =	sdelay $0x1  }
0x2ea: {  	s30 =	spop (v2sf);
	[tilespmem:s8+$0x310] =	vst v0;
	v0 =	vld [tilespmem:s8+$0x380]  }
0x2eb: {  	v1 =	vld [tilespmem:s30+$0x10400];
	_ =	sdelay $0x4  }
0x2ec: {  	v0 =	vadd.f32 v1, v0;
	_ =	sdelay $0x1  }
0x2ed: {  	[tilespmem:s8+$0x380] =	vst v0;
	v0 =	vld [tilespmem:s8+$0x390]  }
0x2ee: {  	v1 =	vld [tilespmem:s30+$0x10410];
	_ =	sdelay $0x4  }
0x2ef: {  	v0 =	vadd.f32 v1, v0  }
0x2f0: {  	s7 =	rddreg [dreg:$0x5]  }
0x2f1: {  	s6 =	simm.s32 $0x400;
	s2 =	simm.s32 $0x0;
	[tilespmem:s8+$0x390] =	vst v0;
	s8 =	simm.s32 $0x4  }
0x2f2: {  	[hbm4b:s7+s2] =	stream.linear.scatter [tilespmem:s6], [sflag:$0x2], $0x4000, $0x38;
	[tilespmem:$0x10800] =	vst v63  }
0x2f3: {  	_ =	swait.ge [sflag:s8], $0x4000  }
0x2f4: {  	[sflag:s8] =	ssyncset.done $0x0  }
0x2f5: {  	s1 =	simm.s32 $0x280;
	[sflag:s8] =	ssyncadd.s32 $0xFFFFC000  }
0x2f6: {  	v0 =	vld [tilespmem:s1+$0x0];
	_ =	sdelay $0x4  }
0x2f7: {  	v0 =	vshll.u32 v0, $0x9  }
0x2f8: {  	v0 =	vshra.s32 v0, $0x2  }
0x2f9: {  	(v2sf) =	vpush v0, $0x0;
	_ =	sdelay $0xd  }
0x2fa: {  	s2 =	simm.s32 $0x0  }
0x2fb: {  	v1 =	vld [tilespmem:s2+$0x4400];
	s9 =	spop (v2sf)  }
0x2fc: {  	(v2sf) =	vpush v0, $0x1;
	v2 =	vld [tilespmem:s9+$0x10400];
	_ =	sdelay $0x4  }
0x2fd: {  	v1 =	vadd.f32 v2, v1;
	_ =	sdelay $0x1  }
0x2fe: {  	[tilespmem:s2+$0x4400] =	vst v1;
	v1 =	vld [tilespmem:s2+$0x4410]  }
0x2ff: {  	v2 =	vld [tilespmem:s9+$0x10410];
	_ =	sdelay $0x4  }
0x300: {  	v1 =	vadd.f32 v2, v1;
	_ =	sdelay $0x1  }
0x301: {  	s10 =	spop (v2sf);
	[tilespmem:s2+$0x4410] =	vst v1;
	v1 =	vld [tilespmem:s2+$0x4480]  }
0x302: {  	(v2sf) =	vpush v0, $0x2;
	v2 =	vld [tilespmem:s10+$0x10400];
	_ =	sdelay $0x4  }
0x303: {  	v1 =	vadd.f32 v2, v1;
	_ =	sdelay $0x1  }
0x304: {  	[tilespmem:s2+$0x4480] =	vst v1;
	v1 =	vld [tilespmem:s2+$0x4490]  }
0x305: {  	v2 =	vld [tilespmem:s10+$0x10410];
	_ =	sdelay $0x4  }
0x306: {  	v1 =	vadd.f32 v2, v1;
	_ =	sdelay $0x1  }
0x307: {  	s11 =	spop (v2sf);
	[tilespmem:s2+$0x4490] =	vst v1;
	v1 =	vld [tilespmem:s2+$0x4500]  }
0x308: {  	(v2sf) =	vpush v0, $0x3;
	v2 =	vld [tilespmem:s11+$0x10400];
	_ =	sdelay $0x4  }
0x309: {  	v1 =	vadd.f32 v2, v1;
	_ =	sdelay $0x1  }
0x30a: {  	[tilespmem:s2+$0x4500] =	vst v1;
	v1 =	vld [tilespmem:s2+$0x4510]  }
0x30b: {  	v2 =	vld [tilespmem:s11+$0x10410];
	_ =	sdelay $0x4  }
0x30c: {  	v1 =	vadd.f32 v2, v1;
	_ =	sdelay $0x1  }
0x30d: {  	s14 =	spop (v2sf);
	[tilespmem:s2+$0x4510] =	vst v1;
	v1 =	vld [tilespmem:s2+$0x4580]  }
0x30e: {  	(v2sf) =	vpush v0, $0x4;
	v2 =	vld [tilespmem:s14+$0x10400];
	_ =	sdelay $0x4  }
0x30f: {  	v1 =	vadd.f32 v2, v1;
	_ =	sdelay $0x1  }
0x310: {  	[tilespmem:s2+$0x4580] =	vst v1;
	v1 =	vld [tilespmem:s2+$0x4590]  }
0x311: {  	v2 =	vld [tilespmem:s14+$0x10410];
	_ =	sdelay $0x4  }
0x312: {  	v1 =	vadd.f32 v2, v1;
	_ =	sdelay $0x1  }
0x313: {  	s15 =	spop (v2sf);
	[tilespmem:s2+$0x4590] =	vst v1;
	v1 =	vld [tilespmem:s2+$0x4600]  }
0x314: {  	(v2sf) =	vpush v0, $0x5;
	v2 =	vld [tilespmem:s15+$0x10400];
	_ =	sdelay $0x4  }
0x315: {  	v1 =	vadd.f32 v2, v1;
	_ =	sdelay $0x1  }
0x316: {  	[tilespmem:s2+$0x4600] =	vst v1;
	v1 =	vld [tilespmem:s2+$0x4610]  }
0x317: {  	v2 =	vld [tilespmem:s15+$0x10410];
	_ =	sdelay $0x4  }
0x318: {  	v1 =	vadd.f32 v2, v1;
	_ =	sdelay $0x1  }
0x319: {  	s16 =	spop (v2sf);
	[tilespmem:s2+$0x4610] =	vst v1;
	v1 =	vld [tilespmem:s2+$0x4680]  }
0x31a: {  	(v2sf) =	vpush v0, $0x6;
	v2 =	vld [tilespmem:s16+$0x10400];
	_ =	sdelay $0x4  }
0x31b: {  	v1 =	vadd.f32 v2, v1;
	_ =	sdelay $0x1  }
0x31c: {  	[tilespmem:s2+$0x4680] =	vst v1;
	v1 =	vld [tilespmem:s2+$0x4690]  }
0x31d: {  	v2 =	vld [tilespmem:s16+$0x10410];
	_ =	sdelay $0x4  }
0x31e: {  	v1 =	vadd.f32 v2, v1;
	_ =	sdelay $0x1  }
0x31f: {  	s17 =	spop (v2sf);
	[tilespmem:s2+$0x4690] =	vst v1;
	v1 =	vld [tilespmem:s2+$0x4700]  }
0x320: {  	(v2sf) =	vpush v0, $0x7;
	v2 =	vld [tilespmem:s17+$0x10400];
	_ =	sdelay $0x4  }
0x321: {  	v1 =	vadd.f32 v2, v1;
	_ =	sdelay $0x1  }
0x322: {  	[tilespmem:s2+$0x4700] =	vst v1;
	v1 =	vld [tilespmem:s2+$0x4710]  }
0x323: {  	v2 =	vld [tilespmem:s17+$0x10410];
	_ =	sdelay $0x4  }
0x324: {  	v1 =	vadd.f32 v2, v1;
	_ =	sdelay $0x1  }
0x325: {  	s18 =	spop (v2sf);
	[tilespmem:s2+$0x4710] =	vst v1;
	v1 =	vld [tilespmem:s2+$0x4780]  }
0x326: {  	(v2sf) =	vpush v0, $0x8;
	v2 =	vld [tilespmem:s18+$0x10400];
	_ =	sdelay $0x4  }
0x327: {  	v1 =	vadd.f32 v2, v1;
	_ =	sdelay $0x1  }
0x328: {  	[tilespmem:s2+$0x4780] =	vst v1;
	v1 =	vld [tilespmem:s2+$0x4790]  }
0x329: {  	v2 =	vld [tilespmem:s18+$0x10410];
	_ =	sdelay $0x4  }
0x32a: {  	v1 =	vadd.f32 v2, v1;
	_ =	sdelay $0x1  }
0x32b: {  	s19 =	spop (v2sf);
	[tilespmem:s2+$0x4790] =	vst v1;
	v1 =	vld [tilespmem:s2+$0x4800]  }
0x32c: {  	(v2sf) =	vpush v0, $0x9;
	v2 =	vld [tilespmem:s19+$0x10400];
	_ =	sdelay $0x4  }
0x32d: {  	v1 =	vadd.f32 v2, v1;
	_ =	sdelay $0x1  }
0x32e: {  	[tilespmem:s2+$0x4800] =	vst v1;
	v1 =	vld [tilespmem:s2+$0x4810]  }
0x32f: {  	v2 =	vld [tilespmem:s19+$0x10410];
	_ =	sdelay $0x4  }
0x330: {  	v1 =	vadd.f32 v2, v1;
	_ =	sdelay $0x1  }
0x331: {  	s20 =	spop (v2sf);
	[tilespmem:s2+$0x4810] =	vst v1;
	v1 =	vld [tilespmem:s2+$0x4880]  }
0x332: {  	(v2sf) =	vpush v0, $0xA;
	v2 =	vld [tilespmem:s20+$0x10400];
	_ =	sdelay $0x4  }
0x333: {  	v1 =	vadd.f32 v2, v1;
	_ =	sdelay $0x1  }
0x334: {  	[tilespmem:s2+$0x4880] =	vst v1;
	v1 =	vld [tilespmem:s2+$0x4890]  }
0x335: {  	v2 =	vld [tilespmem:s20+$0x10410];
	_ =	sdelay $0x4  }
0x336: {  	v1 =	vadd.f32 v2, v1;
	_ =	sdelay $0x1  }
0x337: {  	s22 =	spop (v2sf);
	[tilespmem:s2+$0x4890] =	vst v1;
	v1 =	vld [tilespmem:s2+$0x4900]  }
0x338: {  	(v2sf) =	vpush v0, $0xB;
	v2 =	vld [tilespmem:s22+$0x10400];
	_ =	sdelay $0x4  }
0x339: {  	v1 =	vadd.f32 v2, v1;
	_ =	sdelay $0x1  }
0x33a: {  	[tilespmem:s2+$0x4900] =	vst v1;
	v1 =	vld [tilespmem:s2+$0x4910]  }
0x33b: {  	v2 =	vld [tilespmem:s22+$0x10410];
	_ =	sdelay $0x4  }
0x33c: {  	v1 =	vadd.f32 v2, v1;
	_ =	sdelay $0x1  }
0x33d: {  	s23 =	spop (v2sf);
	[tilespmem:s2+$0x4910] =	vst v1;
	v1 =	vld [tilespmem:s2+$0x4980]  }
0x33e: {  	(v2sf) =	vpush v0, $0xC;
	v2 =	vld [tilespmem:s23+$0x10400];
	_ =	sdelay $0x4  }
0x33f: {  	v1 =	vadd.f32 v2, v1;
	_ =	sdelay $0x1  }
0x340: {  	[tilespmem:s2+$0x4980] =	vst v1;
	v1 =	vld [tilespmem:s2+$0x4990]  }
0x341: {  	v2 =	vld [tilespmem:s23+$0x10410];
	_ =	sdelay $0x4  }
0x342: {  	v1 =	vadd.f32 v2, v1;
	_ =	sdelay $0x1  }
0x343: {  	s24 =	spop (v2sf);
	[tilespmem:s2+$0x4990] =	vst v1;
	v1 =	vld [tilespmem:s2+$0x4A00]  }
0x344: {  	(v2sf) =	vpush v0, $0xD;
	v2 =	vld [tilespmem:s24+$0x10400];
	_ =	sdelay $0x4  }
0x345: {  	v1 =	vadd.f32 v2, v1;
	_ =	sdelay $0x1  }
0x346: {  	[tilespmem:s2+$0x4A00] =	vst v1;
	v1 =	vld [tilespmem:s2+$0x4A10]  }
0x347: {  	v2 =	vld [tilespmem:s24+$0x10410];
	_ =	sdelay $0x4  }
0x348: {  	v1 =	vadd.f32 v2, v1;
	_ =	sdelay $0x1  }
0x349: {  	s25 =	spop (v2sf);
	[tilespmem:s2+$0x4A10] =	vst v1;
	v1 =	vld [tilespmem:s2+$0x4A80]  }
0x34a: {  	(v2sf) =	vpush v0, $0xE;
	v2 =	vld [tilespmem:s25+$0x10400];
	_ =	sdelay $0x4  }
0x34b: {  	v1 =	vadd.f32 v2, v1;
	_ =	sdelay $0x1  }
0x34c: {  	[tilespmem:s2+$0x4A80] =	vst v1;
	v1 =	vld [tilespmem:s2+$0x4A90]  }
0x34d: {  	v2 =	vld [tilespmem:s25+$0x10410];
	_ =	sdelay $0x4  }
0x34e: {  	v1 =	vadd.f32 v2, v1;
	_ =	sdelay $0x1  }
0x34f: {  	s28 =	spop (v2sf);
	[tilespmem:s2+$0x4A90] =	vst v1;
	v1 =	vld [tilespmem:s2+$0x4B00]  }
0x350: {  	(v2sf) =	vpush v0, $0xF;
	v2 =	vld [tilespmem:s28+$0x10400];
	_ =	sdelay $0x4  }
0x351: {  	v0 =	vadd.f32 v2, v1;
	_ =	sdelay $0x1  }
0x352: {  	[tilespmem:s2+$0x4B00] =	vst v0;
	v0 =	vld [tilespmem:s2+$0x4B10]  }
0x353: {  	v1 =	vld [tilespmem:s28+$0x10410];
	_ =	sdelay $0x4  }
0x354: {  	v0 =	vadd.f32 v1, v0;
	_ =	sdelay $0x1  }
0x355: {  	s30 =	spop (v2sf);
	[tilespmem:s2+$0x4B10] =	vst v0;
	v0 =	vld [tilespmem:s2+$0x4B80]  }
0x356: {  	v1 =	vld [tilespmem:s30+$0x10400];
	_ =	sdelay $0x4  }
0x357: {  	v0 =	vadd.f32 v1, v0;
	_ =	sdelay $0x1  }
0x358: {  	[tilespmem:s2+$0x4B80] =	vst v0;
	v0 =	vld [tilespmem:s2+$0x4B90]  }
0x359: {  	v1 =	vld [tilespmem:s30+$0x10410];
	_ =	sdelay $0x4  }
0x35a: {  	s14 =	simm.s32 $0x2000;
	v0 =	vadd.f32 v1, v0  }
.LBB2_12:
0x35b: {  	p0 =	sne.s32 s14, $0xE000  }
0x35c: {  	s1 =	sadd.s32 $0x10, s1;
	s6 =	smov.u32 s14;
	s14 =	sadd.s32 $0x2000, s14  }
0x35d: {  	[tilespmem:s2+$0x4B90] =	vst v0  }
0x35e: {  	v0 =	vld [tilespmem:s1+$0x0];
	_ =	sdelay $0x4  }
0x35f: {  	v0 =	vshll.u32 v0, $0x9  }
0x360: {  	v0 =	vshra.s32 v0, $0x2  }
0x361: {  	(v2sf) =	vpush v0, $0x0;
	_ =	sdelay $0xd  }
0x362: {  	s2 =	sshra.s32 s6, $0x2  }
0x363: {  	v1 =	vld [tilespmem:s2+$0x4400];
	s6 =	spop (v2sf);
	(v2sf) =	vpush v0, $0x1  }
0x364: {  	v2 =	vld [tilespmem:s6+$0x10400];
	_ =	sdelay $0x4  }
0x365: {  	v1 =	vadd.f32 v2, v1;
	_ =	sdelay $0x1  }
0x366: {  	[tilespmem:s2+$0x4400] =	vst v1;
	v1 =	vld [tilespmem:s2+$0x4410]  }
0x367: {  	v2 =	vld [tilespmem:s6+$0x10410];
	_ =	sdelay $0x4  }
0x368: {  	v1 =	vadd.f32 v2, v1  }
0x369: {  	s6 =	spop (v2sf)  }
0x36a: {  	[tilespmem:s2+$0x4410] =	vst v1;
	v1 =	vld [tilespmem:s2+$0x4480];
	(v2sf) =	vpush v0, $0x2  }
0x36b: {  	v2 =	vld [tilespmem:s6+$0x10400];
	_ =	sdelay $0x4  }
0x36c: {  	v1 =	vadd.f32 v2, v1;
	_ =	sdelay $0x1  }
0x36d: {  	[tilespmem:s2+$0x4480] =	vst v1;
	v1 =	vld [tilespmem:s2+$0x4490]  }
0x36e: {  	v2 =	vld [tilespmem:s6+$0x10410];
	_ =	sdelay $0x4  }
0x36f: {  	v1 =	vadd.f32 v2, v1  }
0x370: {  	s6 =	spop (v2sf)  }
0x371: {  	[tilespmem:s2+$0x4490] =	vst v1;
	v1 =	vld [tilespmem:s2+$0x4500];
	(v2sf) =	vpush v0, $0x3  }
0x372: {  	v2 =	vld [tilespmem:s6+$0x10400];
	_ =	sdelay $0x4  }
0x373: {  	v1 =	vadd.f32 v2, v1;
	_ =	sdelay $0x1  }
0x374: {  	[tilespmem:s2+$0x4500] =	vst v1;
	v1 =	vld [tilespmem:s2+$0x4510]  }
0x375: {  	v2 =	vld [tilespmem:s6+$0x10410];
	_ =	sdelay $0x4  }
0x376: {  	v1 =	vadd.f32 v2, v1  }
0x377: {  	s6 =	spop (v2sf)  }
0x378: {  	[tilespmem:s2+$0x4510] =	vst v1;
	v1 =	vld [tilespmem:s2+$0x4580];
	(v2sf) =	vpush v0, $0x4  }
0x379: {  	v2 =	vld [tilespmem:s6+$0x10400];
	_ =	sdelay $0x4  }
0x37a: {  	v1 =	vadd.f32 v2, v1;
	_ =	sdelay $0x1  }
0x37b: {  	[tilespmem:s2+$0x4580] =	vst v1;
	v1 =	vld [tilespmem:s2+$0x4590]  }
0x37c: {  	v2 =	vld [tilespmem:s6+$0x10410];
	_ =	sdelay $0x4  }
0x37d: {  	v1 =	vadd.f32 v2, v1  }
0x37e: {  	s6 =	spop (v2sf)  }
0x37f: {  	[tilespmem:s2+$0x4590] =	vst v1;
	v1 =	vld [tilespmem:s2+$0x4600];
	(v2sf) =	vpush v0, $0x5  }
0x380: {  	v2 =	vld [tilespmem:s6+$0x10400];
	_ =	sdelay $0x4  }
0x381: {  	v1 =	vadd.f32 v2, v1;
	_ =	sdelay $0x1  }
0x382: {  	[tilespmem:s2+$0x4600] =	vst v1;
	v1 =	vld [tilespmem:s2+$0x4610]  }
0x383: {  	v2 =	vld [tilespmem:s6+$0x10410];
	_ =	sdelay $0x4  }
0x384: {  	v1 =	vadd.f32 v2, v1  }
0x385: {  	s6 =	spop (v2sf)  }
0x386: {  	[tilespmem:s2+$0x4610] =	vst v1;
	v1 =	vld [tilespmem:s2+$0x4680];
	(v2sf) =	vpush v0, $0x6  }
0x387: {  	v2 =	vld [tilespmem:s6+$0x10400];
	_ =	sdelay $0x4  }
0x388: {  	v1 =	vadd.f32 v2, v1;
	_ =	sdelay $0x1  }
0x389: {  	[tilespmem:s2+$0x4680] =	vst v1;
	v1 =	vld [tilespmem:s2+$0x4690]  }
0x38a: {  	v2 =	vld [tilespmem:s6+$0x10410];
	_ =	sdelay $0x4  }
0x38b: {  	v1 =	vadd.f32 v2, v1  }
0x38c: {  	s6 =	spop (v2sf)  }
0x38d: {  	[tilespmem:s2+$0x4690] =	vst v1;
	v1 =	vld [tilespmem:s2+$0x4700];
	(v2sf) =	vpush v0, $0x7  }
0x38e: {  	v2 =	vld [tilespmem:s6+$0x10400];
	_ =	sdelay $0x4  }
0x38f: {  	v1 =	vadd.f32 v2, v1;
	_ =	sdelay $0x1  }
0x390: {  	[tilespmem:s2+$0x4700] =	vst v1;
	v1 =	vld [tilespmem:s2+$0x4710]  }
0x391: {  	v2 =	vld [tilespmem:s6+$0x10410];
	_ =	sdelay $0x4  }
0x392: {  	v1 =	vadd.f32 v2, v1  }
0x393: {  	s6 =	spop (v2sf)  }
0x394: {  	[tilespmem:s2+$0x4710] =	vst v1;
	v1 =	vld [tilespmem:s2+$0x4780];
	(v2sf) =	vpush v0, $0x8  }
0x395: {  	v2 =	vld [tilespmem:s6+$0x10400];
	_ =	sdelay $0x4  }
0x396: {  	v1 =	vadd.f32 v2, v1;
	_ =	sdelay $0x1  }
0x397: {  	[tilespmem:s2+$0x4780] =	vst v1;
	v1 =	vld [tilespmem:s2+$0x4790]  }
0x398: {  	v2 =	vld [tilespmem:s6+$0x10410];
	_ =	sdelay $0x4  }
0x399: {  	v1 =	vadd.f32 v2, v1  }
0x39a: {  	s6 =	spop (v2sf)  }
0x39b: {  	[tilespmem:s2+$0x4790] =	vst v1;
	v1 =	vld [tilespmem:s2+$0x4800];
	(v2sf) =	vpush v0, $0x9  }
0x39c: {  	v2 =	vld [tilespmem:s6+$0x10400];
	_ =	sdelay $0x4  }
0x39d: {  	v1 =	vadd.f32 v2, v1;
	_ =	sdelay $0x1  }
0x39e: {  	[tilespmem:s2+$0x4800] =	vst v1;
	v1 =	vld [tilespmem:s2+$0x4810]  }
0x39f: {  	v2 =	vld [tilespmem:s6+$0x10410];
	_ =	sdelay $0x4  }
0x3a0: {  	v1 =	vadd.f32 v2, v1  }
0x3a1: {  	s6 =	spop (v2sf)  }
0x3a2: {  	[tilespmem:s2+$0x4810] =	vst v1;
	v1 =	vld [tilespmem:s2+$0x4880];
	(v2sf) =	vpush v0, $0xA  }
0x3a3: {  	v2 =	vld [tilespmem:s6+$0x10400];
	_ =	sdelay $0x4  }
0x3a4: {  	v1 =	vadd.f32 v2, v1;
	_ =	sdelay $0x1  }
0x3a5: {  	[tilespmem:s2+$0x4880] =	vst v1;
	v1 =	vld [tilespmem:s2+$0x4890]  }
0x3a6: {  	v2 =	vld [tilespmem:s6+$0x10410];
	_ =	sdelay $0x4  }
0x3a7: {  	v1 =	vadd.f32 v2, v1  }
0x3a8: {  	s6 =	spop (v2sf)  }
0x3a9: {  	[tilespmem:s2+$0x4890] =	vst v1;
	v1 =	vld [tilespmem:s2+$0x4900];
	(v2sf) =	vpush v0, $0xB  }
0x3aa: {  	v2 =	vld [tilespmem:s6+$0x10400];
	_ =	sdelay $0x4  }
0x3ab: {  	v1 =	vadd.f32 v2, v1;
	_ =	sdelay $0x1  }
0x3ac: {  	[tilespmem:s2+$0x4900] =	vst v1;
	v1 =	vld [tilespmem:s2+$0x4910]  }
0x3ad: {  	v2 =	vld [tilespmem:s6+$0x10410];
	_ =	sdelay $0x4  }
0x3ae: {  	v1 =	vadd.f32 v2, v1  }
0x3af: {  	s6 =	spop (v2sf)  }
0x3b0: {  	[tilespmem:s2+$0x4910] =	vst v1;
	v1 =	vld [tilespmem:s2+$0x4980];
	(v2sf) =	vpush v0, $0xC  }
0x3b1: {  	v2 =	vld [tilespmem:s6+$0x10400];
	_ =	sdelay $0x4  }
0x3b2: {  	v1 =	vadd.f32 v2, v1;
	_ =	sdelay $0x1  }
0x3b3: {  	[tilespmem:s2+$0x4980] =	vst v1;
	v1 =	vld [tilespmem:s2+$0x4990]  }
0x3b4: {  	v2 =	vld [tilespmem:s6+$0x10410];
	_ =	sdelay $0x4  }
0x3b5: {  	v1 =	vadd.f32 v2, v1  }
0x3b6: {  	s6 =	spop (v2sf)  }
0x3b7: {  	[tilespmem:s2+$0x4990] =	vst v1;
	v1 =	vld [tilespmem:s2+$0x4A00];
	(v2sf) =	vpush v0, $0xD  }
0x3b8: {  	v2 =	vld [tilespmem:s6+$0x10400];
	_ =	sdelay $0x4  }
0x3b9: {  	v1 =	vadd.f32 v2, v1;
	_ =	sdelay $0x1  }
0x3ba: {  	[tilespmem:s2+$0x4A00] =	vst v1;
	v1 =	vld [tilespmem:s2+$0x4A10]  }
0x3bb: {  	v2 =	vld [tilespmem:s6+$0x10410];
	_ =	sdelay $0x4  }
0x3bc: {  	v1 =	vadd.f32 v2, v1  }
0x3bd: {  	s6 =	spop (v2sf)  }
0x3be: {  	[tilespmem:s2+$0x4A10] =	vst v1;
	v1 =	vld [tilespmem:s2+$0x4A80];
	(v2sf) =	vpush v0, $0xE  }
0x3bf: {  	v2 =	vld [tilespmem:s6+$0x10400];
	_ =	sdelay $0x4  }
0x3c0: {  	v1 =	vadd.f32 v2, v1;
	_ =	sdelay $0x1  }
0x3c1: {  	[tilespmem:s2+$0x4A80] =	vst v1;
	v1 =	vld [tilespmem:s2+$0x4A90]  }
0x3c2: {  	v2 =	vld [tilespmem:s6+$0x10410];
	_ =	sdelay $0x4  }
0x3c3: {  	v1 =	vadd.f32 v2, v1  }
0x3c4: {  	s6 =	spop (v2sf)  }
0x3c5: {  	[tilespmem:s2+$0x4A90] =	vst v1;
	v1 =	vld [tilespmem:s2+$0x4B00];
	(v2sf) =	vpush v0, $0xF  }
0x3c6: {  	v0 =	vld [tilespmem:s6+$0x10400];
	_ =	sdelay $0x4  }
0x3c7: {  	v0 =	vadd.f32 v0, v1;
	_ =	sdelay $0x1  }
0x3c8: {  	[tilespmem:s2+$0x4B00] =	vst v0;
	v0 =	vld [tilespmem:s2+$0x4B10]  }
0x3c9: {  	v1 =	vld [tilespmem:s6+$0x10410];
	_ =	sdelay $0x4  }
0x3ca: {  	v0 =	vadd.f32 v1, v0  }
0x3cb: {  	s6 =	spop (v2sf)  }
0x3cc: {  	[tilespmem:s2+$0x4B10] =	vst v0;
	v0 =	vld [tilespmem:s2+$0x4B80]  }
0x3cd: {  	v1 =	vld [tilespmem:s6+$0x10400];
	_ =	sdelay $0x4  }
0x3ce: {  	v0 =	vadd.f32 v1, v0;
	_ =	sdelay $0x1  }
0x3cf: {  	[tilespmem:s2+$0x4B80] =	vst v0;
	v0 =	vld [tilespmem:s2+$0x4B90]  }
0x3d0: {  	v1 =	vld [tilespmem:s6+$0x10410]  }
.Ltmp5:
0x3d1: {  	(pc) =	sbr.rel @p0 .LBB2_12-.Ltmp5, $2  }
0x3d2: {  	_ =	sdelay $0x2  }
0x3d3: {  	v0 =	vadd.f32 v1, v0  }
0x3d4: {  	_ = 	snop  }
0x3d5: {  	s1 =	simm.s32 $0x0;
	s8 =	rddreg [dreg:$0x6];
	s6 =	simm.s32 $0x4400;
	[tilespmem:s2+$0x4B90] =	vst v0  }
0x3d6: {  	[hbm4b:s8+s1] =	stream.linear.scatter [tilespmem:s6], [sflag:$0x2], $0x4000, $0x38;
	[tilespmem:$0x10800] =	vst v63  }
0x3d7: {  	_ =	swait.ge [sflag:s26], $0x4000  }
0x3d8: {  	[sflag:s26] =	ssyncset.done $0x0  }
0x3d9: {  	s1 =	simm.s32 $0x300;
	[sflag:s26] =	ssyncadd.s32 $0xFFFFC000  }
0x3da: {  	v0 =	vld [tilespmem:s1+$0x0];
	_ =	sdelay $0x4  }
0x3db: {  	v0 =	vshll.u32 v0, $0x9  }
0x3dc: {  	v0 =	vshra.s32 v0, $0x2  }
0x3dd: {  	(v2sf) =	vpush v0, $0x0;
	_ =	sdelay $0xd  }
0x3de: {  	s2 =	simm.s32 $0x0  }
0x3df: {  	v1 =	vld [tilespmem:s2+$0x8400];
	s9 =	spop (v2sf)  }
0x3e0: {  	(v2sf) =	vpush v0, $0x1;
	v2 =	vld [tilespmem:s9+$0x10400];
	_ =	sdelay $0x4  }
0x3e1: {  	v1 =	vadd.f32 v2, v1;
	_ =	sdelay $0x1  }
0x3e2: {  	[tilespmem:s2+$0x8400] =	vst v1;
	v1 =	vld [tilespmem:s2+$0x8410]  }
0x3e3: {  	v2 =	vld [tilespmem:s9+$0x10410];
	_ =	sdelay $0x4  }
0x3e4: {  	v1 =	vadd.f32 v2, v1;
	_ =	sdelay $0x1  }
0x3e5: {  	s10 =	spop (v2sf);
	[tilespmem:s2+$0x8410] =	vst v1;
	v1 =	vld [tilespmem:s2+$0x8480]  }
0x3e6: {  	(v2sf) =	vpush v0, $0x2;
	v2 =	vld [tilespmem:s10+$0x10400];
	_ =	sdelay $0x4  }
0x3e7: {  	v1 =	vadd.f32 v2, v1;
	_ =	sdelay $0x1  }
0x3e8: {  	[tilespmem:s2+$0x8480] =	vst v1;
	v1 =	vld [tilespmem:s2+$0x8490]  }
0x3e9: {  	v2 =	vld [tilespmem:s10+$0x10410];
	_ =	sdelay $0x4  }
0x3ea: {  	v1 =	vadd.f32 v2, v1;
	_ =	sdelay $0x1  }
0x3eb: {  	s11 =	spop (v2sf);
	[tilespmem:s2+$0x8490] =	vst v1;
	v1 =	vld [tilespmem:s2+$0x8500]  }
0x3ec: {  	(v2sf) =	vpush v0, $0x3;
	v2 =	vld [tilespmem:s11+$0x10400];
	_ =	sdelay $0x4  }
0x3ed: {  	v1 =	vadd.f32 v2, v1;
	_ =	sdelay $0x1  }
0x3ee: {  	[tilespmem:s2+$0x8500] =	vst v1;
	v1 =	vld [tilespmem:s2+$0x8510]  }
0x3ef: {  	v2 =	vld [tilespmem:s11+$0x10410];
	_ =	sdelay $0x4  }
0x3f0: {  	v1 =	vadd.f32 v2, v1;
	_ =	sdelay $0x1  }
0x3f1: {  	s14 =	spop (v2sf);
	[tilespmem:s2+$0x8510] =	vst v1;
	v1 =	vld [tilespmem:s2+$0x8580]  }
0x3f2: {  	(v2sf) =	vpush v0, $0x4;
	v2 =	vld [tilespmem:s14+$0x10400];
	_ =	sdelay $0x4  }
0x3f3: {  	v1 =	vadd.f32 v2, v1;
	_ =	sdelay $0x1  }
0x3f4: {  	[tilespmem:s2+$0x8580] =	vst v1;
	v1 =	vld [tilespmem:s2+$0x8590]  }
0x3f5: {  	v2 =	vld [tilespmem:s14+$0x10410];
	_ =	sdelay $0x4  }
0x3f6: {  	v1 =	vadd.f32 v2, v1;
	_ =	sdelay $0x1  }
0x3f7: {  	s15 =	spop (v2sf);
	[tilespmem:s2+$0x8590] =	vst v1;
	v1 =	vld [tilespmem:s2+$0x8600]  }
0x3f8: {  	(v2sf) =	vpush v0, $0x5;
	v2 =	vld [tilespmem:s15+$0x10400];
	_ =	sdelay $0x4  }
0x3f9: {  	v1 =	vadd.f32 v2, v1;
	_ =	sdelay $0x1  }
0x3fa: {  	[tilespmem:s2+$0x8600] =	vst v1;
	v1 =	vld [tilespmem:s2+$0x8610]  }
0x3fb: {  	v2 =	vld [tilespmem:s15+$0x10410];
	_ =	sdelay $0x4  }
0x3fc: {  	v1 =	vadd.f32 v2, v1;
	_ =	sdelay $0x1  }
0x3fd: {  	s16 =	spop (v2sf);
	[tilespmem:s2+$0x8610] =	vst v1;
	v1 =	vld [tilespmem:s2+$0x8680]  }
0x3fe: {  	(v2sf) =	vpush v0, $0x6;
	v2 =	vld [tilespmem:s16+$0x10400];
	_ =	sdelay $0x4  }
0x3ff: {  	v1 =	vadd.f32 v2, v1;
	_ =	sdelay $0x1  }
0x400: {  	[tilespmem:s2+$0x8680] =	vst v1;
	v1 =	vld [tilespmem:s2+$0x8690]  }
0x401: {  	v2 =	vld [tilespmem:s16+$0x10410];
	_ =	sdelay $0x4  }
0x402: {  	v1 =	vadd.f32 v2, v1;
	_ =	sdelay $0x1  }
0x403: {  	s17 =	spop (v2sf);
	[tilespmem:s2+$0x8690] =	vst v1;
	v1 =	vld [tilespmem:s2+$0x8700]  }
0x404: {  	(v2sf) =	vpush v0, $0x7;
	v2 =	vld [tilespmem:s17+$0x10400];
	_ =	sdelay $0x4  }
0x405: {  	v1 =	vadd.f32 v2, v1;
	_ =	sdelay $0x1  }
0x406: {  	[tilespmem:s2+$0x8700] =	vst v1;
	v1 =	vld [tilespmem:s2+$0x8710]  }
0x407: {  	v2 =	vld [tilespmem:s17+$0x10410];
	_ =	sdelay $0x4  }
0x408: {  	v1 =	vadd.f32 v2, v1;
	_ =	sdelay $0x1  }
0x409: {  	s18 =	spop (v2sf);
	[tilespmem:s2+$0x8710] =	vst v1;
	v1 =	vld [tilespmem:s2+$0x8780]  }
0x40a: {  	(v2sf) =	vpush v0, $0x8;
	v2 =	vld [tilespmem:s18+$0x10400];
	_ =	sdelay $0x4  }
0x40b: {  	v1 =	vadd.f32 v2, v1;
	_ =	sdelay $0x1  }
0x40c: {  	[tilespmem:s2+$0x8780] =	vst v1;
	v1 =	vld [tilespmem:s2+$0x8790]  }
0x40d: {  	v2 =	vld [tilespmem:s18+$0x10410];
	_ =	sdelay $0x4  }
0x40e: {  	v1 =	vadd.f32 v2, v1;
	_ =	sdelay $0x1  }
0x40f: {  	s19 =	spop (v2sf);
	[tilespmem:s2+$0x8790] =	vst v1;
	v1 =	vld [tilespmem:s2+$0x8800]  }
0x410: {  	(v2sf) =	vpush v0, $0x9;
	v2 =	vld [tilespmem:s19+$0x10400];
	_ =	sdelay $0x4  }
0x411: {  	v1 =	vadd.f32 v2, v1;
	_ =	sdelay $0x1  }
0x412: {  	[tilespmem:s2+$0x8800] =	vst v1;
	v1 =	vld [tilespmem:s2+$0x8810]  }
0x413: {  	v2 =	vld [tilespmem:s19+$0x10410];
	_ =	sdelay $0x4  }
0x414: {  	v1 =	vadd.f32 v2, v1;
	_ =	sdelay $0x1  }
0x415: {  	s20 =	spop (v2sf);
	[tilespmem:s2+$0x8810] =	vst v1;
	v1 =	vld [tilespmem:s2+$0x8880]  }
0x416: {  	(v2sf) =	vpush v0, $0xA;
	v2 =	vld [tilespmem:s20+$0x10400];
	_ =	sdelay $0x4  }
0x417: {  	v1 =	vadd.f32 v2, v1;
	_ =	sdelay $0x1  }
0x418: {  	[tilespmem:s2+$0x8880] =	vst v1;
	v1 =	vld [tilespmem:s2+$0x8890]  }
0x419: {  	v2 =	vld [tilespmem:s20+$0x10410];
	_ =	sdelay $0x4  }
0x41a: {  	v1 =	vadd.f32 v2, v1;
	_ =	sdelay $0x1  }
0x41b: {  	s22 =	spop (v2sf);
	[tilespmem:s2+$0x8890] =	vst v1;
	v1 =	vld [tilespmem:s2+$0x8900]  }
0x41c: {  	(v2sf) =	vpush v0, $0xB;
	v2 =	vld [tilespmem:s22+$0x10400];
	_ =	sdelay $0x4  }
0x41d: {  	v1 =	vadd.f32 v2, v1;
	_ =	sdelay $0x1  }
0x41e: {  	[tilespmem:s2+$0x8900] =	vst v1;
	v1 =	vld [tilespmem:s2+$0x8910]  }
0x41f: {  	v2 =	vld [tilespmem:s22+$0x10410];
	_ =	sdelay $0x4  }
0x420: {  	v1 =	vadd.f32 v2, v1;
	_ =	sdelay $0x1  }
0x421: {  	s23 =	spop (v2sf);
	[tilespmem:s2+$0x8910] =	vst v1;
	v1 =	vld [tilespmem:s2+$0x8980]  }
0x422: {  	(v2sf) =	vpush v0, $0xC;
	v2 =	vld [tilespmem:s23+$0x10400];
	_ =	sdelay $0x4  }
0x423: {  	v1 =	vadd.f32 v2, v1;
	_ =	sdelay $0x1  }
0x424: {  	[tilespmem:s2+$0x8980] =	vst v1;
	v1 =	vld [tilespmem:s2+$0x8990]  }
0x425: {  	v2 =	vld [tilespmem:s23+$0x10410];
	_ =	sdelay $0x4  }
0x426: {  	v1 =	vadd.f32 v2, v1;
	_ =	sdelay $0x1  }
0x427: {  	s24 =	spop (v2sf);
	[tilespmem:s2+$0x8990] =	vst v1;
	v1 =	vld [tilespmem:s2+$0x8A00]  }
0x428: {  	(v2sf) =	vpush v0, $0xD;
	v2 =	vld [tilespmem:s24+$0x10400];
	_ =	sdelay $0x4  }
0x429: {  	v1 =	vadd.f32 v2, v1;
	_ =	sdelay $0x1  }
0x42a: {  	[tilespmem:s2+$0x8A00] =	vst v1;
	v1 =	vld [tilespmem:s2+$0x8A10]  }
0x42b: {  	v2 =	vld [tilespmem:s24+$0x10410];
	_ =	sdelay $0x4  }
0x42c: {  	v1 =	vadd.f32 v2, v1;
	_ =	sdelay $0x1  }
0x42d: {  	s25 =	spop (v2sf);
	[tilespmem:s2+$0x8A10] =	vst v1;
	v1 =	vld [tilespmem:s2+$0x8A80]  }
0x42e: {  	(v2sf) =	vpush v0, $0xE;
	v2 =	vld [tilespmem:s25+$0x10400];
	_ =	sdelay $0x4  }
0x42f: {  	v1 =	vadd.f32 v2, v1;
	_ =	sdelay $0x1  }
0x430: {  	[tilespmem:s2+$0x8A80] =	vst v1;
	v1 =	vld [tilespmem:s2+$0x8A90]  }
0x431: {  	v2 =	vld [tilespmem:s25+$0x10410];
	_ =	sdelay $0x4  }
0x432: {  	v1 =	vadd.f32 v2, v1;
	_ =	sdelay $0x1  }
0x433: {  	s28 =	spop (v2sf);
	[tilespmem:s2+$0x8A90] =	vst v1;
	v1 =	vld [tilespmem:s2+$0x8B00]  }
0x434: {  	(v2sf) =	vpush v0, $0xF;
	v2 =	vld [tilespmem:s28+$0x10400];
	_ =	sdelay $0x4  }
0x435: {  	v0 =	vadd.f32 v2, v1;
	_ =	sdelay $0x1  }
0x436: {  	[tilespmem:s2+$0x8B00] =	vst v0;
	v0 =	vld [tilespmem:s2+$0x8B10]  }
0x437: {  	v1 =	vld [tilespmem:s28+$0x10410];
	_ =	sdelay $0x4  }
0x438: {  	v0 =	vadd.f32 v1, v0;
	_ =	sdelay $0x1  }
0x439: {  	s30 =	spop (v2sf);
	[tilespmem:s2+$0x8B10] =	vst v0;
	v0 =	vld [tilespmem:s2+$0x8B80]  }
0x43a: {  	v1 =	vld [tilespmem:s30+$0x10400];
	_ =	sdelay $0x4  }
0x43b: {  	v0 =	vadd.f32 v1, v0;
	_ =	sdelay $0x1  }
0x43c: {  	[tilespmem:s2+$0x8B80] =	vst v0;
	v0 =	vld [tilespmem:s2+$0x8B90]  }
0x43d: {  	v1 =	vld [tilespmem:s30+$0x10410];
	_ =	sdelay $0x4  }
0x43e: {  	s14 =	simm.s32 $0x2000;
	v0 =	vadd.f32 v1, v0  }
.LBB2_14:
0x43f: {  	p0 =	sne.s32 s14, $0xE000  }
0x440: {  	s1 =	sadd.s32 $0x10, s1;
	s6 =	smov.u32 s14;
	s14 =	sadd.s32 $0x2000, s14  }
0x441: {  	[tilespmem:s2+$0x8B90] =	vst v0  }
0x442: {  	v0 =	vld [tilespmem:s1+$0x0];
	_ =	sdelay $0x4  }
0x443: {  	v0 =	vshll.u32 v0, $0x9  }
0x444: {  	v0 =	vshra.s32 v0, $0x2  }
0x445: {  	(v2sf) =	vpush v0, $0x0;
	_ =	sdelay $0xd  }
0x446: {  	s2 =	sshra.s32 s6, $0x2  }
0x447: {  	v1 =	vld [tilespmem:s2+$0x8400];
	s6 =	spop (v2sf);
	(v2sf) =	vpush v0, $0x1  }
0x448: {  	v2 =	vld [tilespmem:s6+$0x10400];
	_ =	sdelay $0x4  }
0x449: {  	v1 =	vadd.f32 v2, v1;
	_ =	sdelay $0x1  }
0x44a: {  	[tilespmem:s2+$0x8400] =	vst v1;
	v1 =	vld [tilespmem:s2+$0x8410]  }
0x44b: {  	v2 =	vld [tilespmem:s6+$0x10410];
	_ =	sdelay $0x4  }
0x44c: {  	v1 =	vadd.f32 v2, v1  }
0x44d: {  	s6 =	spop (v2sf)  }
0x44e: {  	[tilespmem:s2+$0x8410] =	vst v1;
	v1 =	vld [tilespmem:s2+$0x8480];
	(v2sf) =	vpush v0, $0x2  }
0x44f: {  	v2 =	vld [tilespmem:s6+$0x10400];
	_ =	sdelay $0x4  }
0x450: {  	v1 =	vadd.f32 v2, v1;
	_ =	sdelay $0x1  }
0x451: {  	[tilespmem:s2+$0x8480] =	vst v1;
	v1 =	vld [tilespmem:s2+$0x8490]  }
0x452: {  	v2 =	vld [tilespmem:s6+$0x10410];
	_ =	sdelay $0x4  }
0x453: {  	v1 =	vadd.f32 v2, v1  }
0x454: {  	s6 =	spop (v2sf)  }
0x455: {  	[tilespmem:s2+$0x8490] =	vst v1;
	v1 =	vld [tilespmem:s2+$0x8500];
	(v2sf) =	vpush v0, $0x3  }
0x456: {  	v2 =	vld [tilespmem:s6+$0x10400];
	_ =	sdelay $0x4  }
0x457: {  	v1 =	vadd.f32 v2, v1;
	_ =	sdelay $0x1  }
0x458: {  	[tilespmem:s2+$0x8500] =	vst v1;
	v1 =	vld [tilespmem:s2+$0x8510]  }
0x459: {  	v2 =	vld [tilespmem:s6+$0x10410];
	_ =	sdelay $0x4  }
0x45a: {  	v1 =	vadd.f32 v2, v1  }
0x45b: {  	s6 =	spop (v2sf)  }
0x45c: {  	[tilespmem:s2+$0x8510] =	vst v1;
	v1 =	vld [tilespmem:s2+$0x8580];
	(v2sf) =	vpush v0, $0x4  }
0x45d: {  	v2 =	vld [tilespmem:s6+$0x10400];
	_ =	sdelay $0x4  }
0x45e: {  	v1 =	vadd.f32 v2, v1;
	_ =	sdelay $0x1  }
0x45f: {  	[tilespmem:s2+$0x8580] =	vst v1;
	v1 =	vld [tilespmem:s2+$0x8590]  }
0x460: {  	v2 =	vld [tilespmem:s6+$0x10410];
	_ =	sdelay $0x4  }
0x461: {  	v1 =	vadd.f32 v2, v1  }
0x462: {  	s6 =	spop (v2sf)  }
0x463: {  	[tilespmem:s2+$0x8590] =	vst v1;
	v1 =	vld [tilespmem:s2+$0x8600];
	(v2sf) =	vpush v0, $0x5  }
0x464: {  	v2 =	vld [tilespmem:s6+$0x10400];
	_ =	sdelay $0x4  }
0x465: {  	v1 =	vadd.f32 v2, v1;
	_ =	sdelay $0x1  }
0x466: {  	[tilespmem:s2+$0x8600] =	vst v1;
	v1 =	vld [tilespmem:s2+$0x8610]  }
0x467: {  	v2 =	vld [tilespmem:s6+$0x10410];
	_ =	sdelay $0x4  }
0x468: {  	v1 =	vadd.f32 v2, v1  }
0x469: {  	s6 =	spop (v2sf)  }
0x46a: {  	[tilespmem:s2+$0x8610] =	vst v1;
	v1 =	vld [tilespmem:s2+$0x8680];
	(v2sf) =	vpush v0, $0x6  }
0x46b: {  	v2 =	vld [tilespmem:s6+$0x10400];
	_ =	sdelay $0x4  }
0x46c: {  	v1 =	vadd.f32 v2, v1;
	_ =	sdelay $0x1  }
0x46d: {  	[tilespmem:s2+$0x8680] =	vst v1;
	v1 =	vld [tilespmem:s2+$0x8690]  }
0x46e: {  	v2 =	vld [tilespmem:s6+$0x10410];
	_ =	sdelay $0x4  }
0x46f: {  	v1 =	vadd.f32 v2, v1  }
0x470: {  	s6 =	spop (v2sf)  }
0x471: {  	[tilespmem:s2+$0x8690] =	vst v1;
	v1 =	vld [tilespmem:s2+$0x8700];
	(v2sf) =	vpush v0, $0x7  }
0x472: {  	v2 =	vld [tilespmem:s6+$0x10400];
	_ =	sdelay $0x4  }
0x473: {  	v1 =	vadd.f32 v2, v1;
	_ =	sdelay $0x1  }
0x474: {  	[tilespmem:s2+$0x8700] =	vst v1;
	v1 =	vld [tilespmem:s2+$0x8710]  }
0x475: {  	v2 =	vld [tilespmem:s6+$0x10410];
	_ =	sdelay $0x4  }
0x476: {  	v1 =	vadd.f32 v2, v1  }
0x477: {  	s6 =	spop (v2sf)  }
0x478: {  	[tilespmem:s2+$0x8710] =	vst v1;
	v1 =	vld [tilespmem:s2+$0x8780];
	(v2sf) =	vpush v0, $0x8  }
0x479: {  	v2 =	vld [tilespmem:s6+$0x10400];
	_ =	sdelay $0x4  }
0x47a: {  	v1 =	vadd.f32 v2, v1;
	_ =	sdelay $0x1  }
0x47b: {  	[tilespmem:s2+$0x8780] =	vst v1;
	v1 =	vld [tilespmem:s2+$0x8790]  }
0x47c: {  	v2 =	vld [tilespmem:s6+$0x10410];
	_ =	sdelay $0x4  }
0x47d: {  	v1 =	vadd.f32 v2, v1  }
0x47e: {  	s6 =	spop (v2sf)  }
0x47f: {  	[tilespmem:s2+$0x8790] =	vst v1;
	v1 =	vld [tilespmem:s2+$0x8800];
	(v2sf) =	vpush v0, $0x9  }
0x480: {  	v2 =	vld [tilespmem:s6+$0x10400];
	_ =	sdelay $0x4  }
0x481: {  	v1 =	vadd.f32 v2, v1;
	_ =	sdelay $0x1  }
0x482: {  	[tilespmem:s2+$0x8800] =	vst v1;
	v1 =	vld [tilespmem:s2+$0x8810]  }
0x483: {  	v2 =	vld [tilespmem:s6+$0x10410];
	_ =	sdelay $0x4  }
0x484: {  	v1 =	vadd.f32 v2, v1  }
0x485: {  	s6 =	spop (v2sf)  }
0x486: {  	[tilespmem:s2+$0x8810] =	vst v1;
	v1 =	vld [tilespmem:s2+$0x8880];
	(v2sf) =	vpush v0, $0xA  }
0x487: {  	v2 =	vld [tilespmem:s6+$0x10400];
	_ =	sdelay $0x4  }
0x488: {  	v1 =	vadd.f32 v2, v1;
	_ =	sdelay $0x1  }
0x489: {  	[tilespmem:s2+$0x8880] =	vst v1;
	v1 =	vld [tilespmem:s2+$0x8890]  }
0x48a: {  	v2 =	vld [tilespmem:s6+$0x10410];
	_ =	sdelay $0x4  }
0x48b: {  	v1 =	vadd.f32 v2, v1  }
0x48c: {  	s6 =	spop (v2sf)  }
0x48d: {  	[tilespmem:s2+$0x8890] =	vst v1;
	v1 =	vld [tilespmem:s2+$0x8900];
	(v2sf) =	vpush v0, $0xB  }
0x48e: {  	v2 =	vld [tilespmem:s6+$0x10400];
	_ =	sdelay $0x4  }
0x48f: {  	v1 =	vadd.f32 v2, v1;
	_ =	sdelay $0x1  }
0x490: {  	[tilespmem:s2+$0x8900] =	vst v1;
	v1 =	vld [tilespmem:s2+$0x8910]  }
0x491: {  	v2 =	vld [tilespmem:s6+$0x10410];
	_ =	sdelay $0x4  }
0x492: {  	v1 =	vadd.f32 v2, v1  }
0x493: {  	s6 =	spop (v2sf)  }
0x494: {  	[tilespmem:s2+$0x8910] =	vst v1;
	v1 =	vld [tilespmem:s2+$0x8980];
	(v2sf) =	vpush v0, $0xC  }
0x495: {  	v2 =	vld [tilespmem:s6+$0x10400];
	_ =	sdelay $0x4  }
0x496: {  	v1 =	vadd.f32 v2, v1;
	_ =	sdelay $0x1  }
0x497: {  	[tilespmem:s2+$0x8980] =	vst v1;
	v1 =	vld [tilespmem:s2+$0x8990]  }
0x498: {  	v2 =	vld [tilespmem:s6+$0x10410];
	_ =	sdelay $0x4  }
0x499: {  	v1 =	vadd.f32 v2, v1  }
0x49a: {  	s6 =	spop (v2sf)  }
0x49b: {  	[tilespmem:s2+$0x8990] =	vst v1;
	v1 =	vld [tilespmem:s2+$0x8A00];
	(v2sf) =	vpush v0, $0xD  }
0x49c: {  	v2 =	vld [tilespmem:s6+$0x10400];
	_ =	sdelay $0x4  }
0x49d: {  	v1 =	vadd.f32 v2, v1;
	_ =	sdelay $0x1  }
0x49e: {  	[tilespmem:s2+$0x8A00] =	vst v1;
	v1 =	vld [tilespmem:s2+$0x8A10]  }
0x49f: {  	v2 =	vld [tilespmem:s6+$0x10410];
	_ =	sdelay $0x4  }
0x4a0: {  	v1 =	vadd.f32 v2, v1  }
0x4a1: {  	s6 =	spop (v2sf)  }
0x4a2: {  	[tilespmem:s2+$0x8A10] =	vst v1;
	v1 =	vld [tilespmem:s2+$0x8A80];
	(v2sf) =	vpush v0, $0xE  }
0x4a3: {  	v2 =	vld [tilespmem:s6+$0x10400];
	_ =	sdelay $0x4  }
0x4a4: {  	v1 =	vadd.f32 v2, v1;
	_ =	sdelay $0x1  }
0x4a5: {  	[tilespmem:s2+$0x8A80] =	vst v1;
	v1 =	vld [tilespmem:s2+$0x8A90]  }
0x4a6: {  	v2 =	vld [tilespmem:s6+$0x10410];
	_ =	sdelay $0x4  }
0x4a7: {  	v1 =	vadd.f32 v2, v1  }
0x4a8: {  	s6 =	spop (v2sf)  }
0x4a9: {  	[tilespmem:s2+$0x8A90] =	vst v1;
	v1 =	vld [tilespmem:s2+$0x8B00];
	(v2sf) =	vpush v0, $0xF  }
0x4aa: {  	v0 =	vld [tilespmem:s6+$0x10400];
	_ =	sdelay $0x4  }
0x4ab: {  	v0 =	vadd.f32 v0, v1;
	_ =	sdelay $0x1  }
0x4ac: {  	[tilespmem:s2+$0x8B00] =	vst v0;
	v0 =	vld [tilespmem:s2+$0x8B10]  }
0x4ad: {  	v1 =	vld [tilespmem:s6+$0x10410];
	_ =	sdelay $0x4  }
0x4ae: {  	v0 =	vadd.f32 v1, v0  }
0x4af: {  	s6 =	spop (v2sf)  }
0x4b0: {  	[tilespmem:s2+$0x8B10] =	vst v0;
	v0 =	vld [tilespmem:s2+$0x8B80]  }
0x4b1: {  	v1 =	vld [tilespmem:s6+$0x10400];
	_ =	sdelay $0x4  }
0x4b2: {  	v0 =	vadd.f32 v1, v0;
	_ =	sdelay $0x1  }
0x4b3: {  	[tilespmem:s2+$0x8B80] =	vst v0;
	v0 =	vld [tilespmem:s2+$0x8B90]  }
0x4b4: {  	v1 =	vld [tilespmem:s6+$0x10410]  }
.Ltmp6:
0x4b5: {  	(pc) =	sbr.rel @p0 .LBB2_14-.Ltmp6, $2  }
0x4b6: {  	_ =	sdelay $0x2  }
0x4b7: {  	v0 =	vadd.f32 v1, v0  }
0x4b8: {  	_ = 	snop  }
0x4b9: {  	s1 =	simm.s32 $0x0;
	s8 =	rddreg [dreg:$0x8];
	s6 =	simm.s32 $0x8400;
	[tilespmem:s2+$0x8B90] =	vst v0  }
0x4ba: {  	[hbm4b:s8+s1] =	stream.linear.scatter [tilespmem:s6], [sflag:$0x2], $0x4000, $0x38;
	[tilespmem:$0x10800] =	vst v63  }
0x4bb: {  	_ =	swait.ge [sflag:s29], $0x4000  }
0x4bc: {  	[sflag:s29] =	ssyncset.done $0x0  }
0x4bd: {  	s1 =	simm.s32 $0x380;
	[sflag:s29] =	ssyncadd.s32 $0xFFFFC000  }
0x4be: {  	v0 =	vld [tilespmem:s1+$0x0];
	_ =	sdelay $0x4  }
0x4bf: {  	v0 =	vshll.u32 v0, $0x9  }
0x4c0: {  	v0 =	vshra.s32 v0, $0x2  }
0x4c1: {  	(v2sf) =	vpush v0, $0x0;
	_ =	sdelay $0xd  }
0x4c2: {  	s2 =	simm.s32 $0x0  }
0x4c3: {  	v1 =	vld [tilespmem:s2+$0xC400];
	s9 =	spop (v2sf)  }
0x4c4: {  	(v2sf) =	vpush v0, $0x1;
	v2 =	vld [tilespmem:s9+$0x10400];
	_ =	sdelay $0x4  }
0x4c5: {  	v1 =	vadd.f32 v2, v1;
	_ =	sdelay $0x1  }
0x4c6: {  	[tilespmem:s2+$0xC400] =	vst v1;
	v1 =	vld [tilespmem:s2+$0xC410]  }
0x4c7: {  	v2 =	vld [tilespmem:s9+$0x10410];
	_ =	sdelay $0x4  }
0x4c8: {  	v1 =	vadd.f32 v2, v1;
	_ =	sdelay $0x1  }
0x4c9: {  	s10 =	spop (v2sf);
	[tilespmem:s2+$0xC410] =	vst v1;
	v1 =	vld [tilespmem:s2+$0xC480]  }
0x4ca: {  	(v2sf) =	vpush v0, $0x2;
	v2 =	vld [tilespmem:s10+$0x10400];
	_ =	sdelay $0x4  }
0x4cb: {  	v1 =	vadd.f32 v2, v1;
	_ =	sdelay $0x1  }
0x4cc: {  	[tilespmem:s2+$0xC480] =	vst v1;
	v1 =	vld [tilespmem:s2+$0xC490]  }
0x4cd: {  	v2 =	vld [tilespmem:s10+$0x10410];
	_ =	sdelay $0x4  }
0x4ce: {  	v1 =	vadd.f32 v2, v1;
	_ =	sdelay $0x1  }
0x4cf: {  	s11 =	spop (v2sf);
	[tilespmem:s2+$0xC490] =	vst v1;
	v1 =	vld [tilespmem:s2+$0xC500]  }
0x4d0: {  	(v2sf) =	vpush v0, $0x3;
	v2 =	vld [tilespmem:s11+$0x10400];
	_ =	sdelay $0x4  }
0x4d1: {  	v1 =	vadd.f32 v2, v1;
	_ =	sdelay $0x1  }
0x4d2: {  	[tilespmem:s2+$0xC500] =	vst v1;
	v1 =	vld [tilespmem:s2+$0xC510]  }
0x4d3: {  	v2 =	vld [tilespmem:s11+$0x10410];
	_ =	sdelay $0x4  }
0x4d4: {  	v1 =	vadd.f32 v2, v1;
	_ =	sdelay $0x1  }
0x4d5: {  	s14 =	spop (v2sf);
	[tilespmem:s2+$0xC510] =	vst v1;
	v1 =	vld [tilespmem:s2+$0xC580]  }
0x4d6: {  	(v2sf) =	vpush v0, $0x4;
	v2 =	vld [tilespmem:s14+$0x10400];
	_ =	sdelay $0x4  }
0x4d7: {  	v1 =	vadd.f32 v2, v1;
	_ =	sdelay $0x1  }
0x4d8: {  	[tilespmem:s2+$0xC580] =	vst v1;
	v1 =	vld [tilespmem:s2+$0xC590]  }
0x4d9: {  	v2 =	vld [tilespmem:s14+$0x10410];
	_ =	sdelay $0x4  }
0x4da: {  	v1 =	vadd.f32 v2, v1;
	_ =	sdelay $0x1  }
0x4db: {  	s15 =	spop (v2sf);
	[tilespmem:s2+$0xC590] =	vst v1;
	v1 =	vld [tilespmem:s2+$0xC600]  }
0x4dc: {  	(v2sf) =	vpush v0, $0x5;
	v2 =	vld [tilespmem:s15+$0x10400];
	_ =	sdelay $0x4  }
0x4dd: {  	v1 =	vadd.f32 v2, v1;
	_ =	sdelay $0x1  }
0x4de: {  	[tilespmem:s2+$0xC600] =	vst v1;
	v1 =	vld [tilespmem:s2+$0xC610]  }
0x4df: {  	v2 =	vld [tilespmem:s15+$0x10410];
	_ =	sdelay $0x4  }
0x4e0: {  	v1 =	vadd.f32 v2, v1;
	_ =	sdelay $0x1  }
0x4e1: {  	s16 =	spop (v2sf);
	[tilespmem:s2+$0xC610] =	vst v1;
	v1 =	vld [tilespmem:s2+$0xC680]  }
0x4e2: {  	(v2sf) =	vpush v0, $0x6;
	v2 =	vld [tilespmem:s16+$0x10400];
	_ =	sdelay $0x4  }
0x4e3: {  	v1 =	vadd.f32 v2, v1;
	_ =	sdelay $0x1  }
0x4e4: {  	[tilespmem:s2+$0xC680] =	vst v1;
	v1 =	vld [tilespmem:s2+$0xC690]  }
0x4e5: {  	v2 =	vld [tilespmem:s16+$0x10410];
	_ =	sdelay $0x4  }
0x4e6: {  	v1 =	vadd.f32 v2, v1;
	_ =	sdelay $0x1  }
0x4e7: {  	s17 =	spop (v2sf);
	[tilespmem:s2+$0xC690] =	vst v1;
	v1 =	vld [tilespmem:s2+$0xC700]  }
0x4e8: {  	(v2sf) =	vpush v0, $0x7;
	v2 =	vld [tilespmem:s17+$0x10400];
	_ =	sdelay $0x4  }
0x4e9: {  	v1 =	vadd.f32 v2, v1;
	_ =	sdelay $0x1  }
0x4ea: {  	[tilespmem:s2+$0xC700] =	vst v1;
	v1 =	vld [tilespmem:s2+$0xC710]  }
0x4eb: {  	v2 =	vld [tilespmem:s17+$0x10410];
	_ =	sdelay $0x4  }
0x4ec: {  	v1 =	vadd.f32 v2, v1;
	_ =	sdelay $0x1  }
0x4ed: {  	s18 =	spop (v2sf);
	[tilespmem:s2+$0xC710] =	vst v1;
	v1 =	vld [tilespmem:s2+$0xC780]  }
0x4ee: {  	(v2sf) =	vpush v0, $0x8;
	v2 =	vld [tilespmem:s18+$0x10400];
	_ =	sdelay $0x4  }
0x4ef: {  	v1 =	vadd.f32 v2, v1;
	_ =	sdelay $0x1  }
0x4f0: {  	[tilespmem:s2+$0xC780] =	vst v1;
	v1 =	vld [tilespmem:s2+$0xC790]  }
0x4f1: {  	v2 =	vld [tilespmem:s18+$0x10410];
	_ =	sdelay $0x4  }
0x4f2: {  	v1 =	vadd.f32 v2, v1;
	_ =	sdelay $0x1  }
0x4f3: {  	s19 =	spop (v2sf);
	[tilespmem:s2+$0xC790] =	vst v1;
	v1 =	vld [tilespmem:s2+$0xC800]  }
0x4f4: {  	(v2sf) =	vpush v0, $0x9;
	v2 =	vld [tilespmem:s19+$0x10400];
	_ =	sdelay $0x4  }
0x4f5: {  	v1 =	vadd.f32 v2, v1;
	_ =	sdelay $0x1  }
0x4f6: {  	[tilespmem:s2+$0xC800] =	vst v1;
	v1 =	vld [tilespmem:s2+$0xC810]  }
0x4f7: {  	v2 =	vld [tilespmem:s19+$0x10410];
	_ =	sdelay $0x4  }
0x4f8: {  	v1 =	vadd.f32 v2, v1;
	_ =	sdelay $0x1  }
0x4f9: {  	s20 =	spop (v2sf);
	[tilespmem:s2+$0xC810] =	vst v1;
	v1 =	vld [tilespmem:s2+$0xC880]  }
0x4fa: {  	(v2sf) =	vpush v0, $0xA;
	v2 =	vld [tilespmem:s20+$0x10400];
	_ =	sdelay $0x4  }
0x4fb: {  	v1 =	vadd.f32 v2, v1;
	_ =	sdelay $0x1  }
0x4fc: {  	[tilespmem:s2+$0xC880] =	vst v1;
	v1 =	vld [tilespmem:s2+$0xC890]  }
0x4fd: {  	v2 =	vld [tilespmem:s20+$0x10410];
	_ =	sdelay $0x4  }
0x4fe: {  	v1 =	vadd.f32 v2, v1;
	_ =	sdelay $0x1  }
0x4ff: {  	s22 =	spop (v2sf);
	[tilespmem:s2+$0xC890] =	vst v1;
	v1 =	vld [tilespmem:s2+$0xC900]  }
0x500: {  	(v2sf) =	vpush v0, $0xB;
	v2 =	vld [tilespmem:s22+$0x10400];
	_ =	sdelay $0x4  }
0x501: {  	v1 =	vadd.f32 v2, v1;
	_ =	sdelay $0x1  }
0x502: {  	[tilespmem:s2+$0xC900] =	vst v1;
	v1 =	vld [tilespmem:s2+$0xC910]  }
0x503: {  	v2 =	vld [tilespmem:s22+$0x10410];
	_ =	sdelay $0x4  }
0x504: {  	v1 =	vadd.f32 v2, v1;
	_ =	sdelay $0x1  }
0x505: {  	s23 =	spop (v2sf);
	[tilespmem:s2+$0xC910] =	vst v1;
	v1 =	vld [tilespmem:s2+$0xC980]  }
0x506: {  	(v2sf) =	vpush v0, $0xC;
	v2 =	vld [tilespmem:s23+$0x10400];
	_ =	sdelay $0x4  }
0x507: {  	v1 =	vadd.f32 v2, v1;
	_ =	sdelay $0x1  }
0x508: {  	[tilespmem:s2+$0xC980] =	vst v1;
	v1 =	vld [tilespmem:s2+$0xC990]  }
0x509: {  	v2 =	vld [tilespmem:s23+$0x10410];
	_ =	sdelay $0x4  }
0x50a: {  	v1 =	vadd.f32 v2, v1;
	_ =	sdelay $0x1  }
0x50b: {  	s24 =	spop (v2sf);
	[tilespmem:s2+$0xC990] =	vst v1;
	v1 =	vld [tilespmem:s2+$0xCA00]  }
0x50c: {  	(v2sf) =	vpush v0, $0xD;
	v2 =	vld [tilespmem:s24+$0x10400];
	_ =	sdelay $0x4  }
0x50d: {  	v1 =	vadd.f32 v2, v1;
	_ =	sdelay $0x1  }
0x50e: {  	[tilespmem:s2+$0xCA00] =	vst v1;
	v1 =	vld [tilespmem:s2+$0xCA10]  }
0x50f: {  	v2 =	vld [tilespmem:s24+$0x10410];
	_ =	sdelay $0x4  }
0x510: {  	v1 =	vadd.f32 v2, v1;
	_ =	sdelay $0x1  }
0x511: {  	s25 =	spop (v2sf);
	[tilespmem:s2+$0xCA10] =	vst v1;
	v1 =	vld [tilespmem:s2+$0xCA80]  }
0x512: {  	(v2sf) =	vpush v0, $0xE;
	v2 =	vld [tilespmem:s25+$0x10400];
	_ =	sdelay $0x4  }
0x513: {  	v1 =	vadd.f32 v2, v1;
	_ =	sdelay $0x1  }
0x514: {  	[tilespmem:s2+$0xCA80] =	vst v1;
	v1 =	vld [tilespmem:s2+$0xCA90]  }
0x515: {  	v2 =	vld [tilespmem:s25+$0x10410];
	_ =	sdelay $0x4  }
0x516: {  	v1 =	vadd.f32 v2, v1;
	_ =	sdelay $0x1  }
0x517: {  	s28 =	spop (v2sf);
	[tilespmem:s2+$0xCA90] =	vst v1;
	v1 =	vld [tilespmem:s2+$0xCB00]  }
0x518: {  	(v2sf) =	vpush v0, $0xF;
	v2 =	vld [tilespmem:s28+$0x10400];
	_ =	sdelay $0x4  }
0x519: {  	v0 =	vadd.f32 v2, v1;
	_ =	sdelay $0x1  }
0x51a: {  	[tilespmem:s2+$0xCB00] =	vst v0;
	v0 =	vld [tilespmem:s2+$0xCB10]  }
0x51b: {  	v1 =	vld [tilespmem:s28+$0x10410];
	_ =	sdelay $0x4  }
0x51c: {  	v0 =	vadd.f32 v1, v0;
	_ =	sdelay $0x1  }
0x51d: {  	s30 =	spop (v2sf);
	[tilespmem:s2+$0xCB10] =	vst v0;
	v0 =	vld [tilespmem:s2+$0xCB80]  }
0x51e: {  	v1 =	vld [tilespmem:s30+$0x10400];
	_ =	sdelay $0x4  }
0x51f: {  	v0 =	vadd.f32 v1, v0;
	_ =	sdelay $0x1  }
0x520: {  	[tilespmem:s2+$0xCB80] =	vst v0;
	v0 =	vld [tilespmem:s2+$0xCB90]  }
0x521: {  	v1 =	vld [tilespmem:s30+$0x10410];
	_ =	sdelay $0x4  }
0x522: {  	s14 =	simm.s32 $0x2000;
	v0 =	vadd.f32 v1, v0  }
.LBB2_16:
0x523: {  	p0 =	sne.s32 s14, $0xE000  }
0x524: {  	s1 =	sadd.s32 $0x10, s1;
	s6 =	smov.u32 s14;
	s14 =	sadd.s32 $0x2000, s14  }
0x525: {  	[tilespmem:s2+$0xCB90] =	vst v0  }
0x526: {  	v0 =	vld [tilespmem:s1+$0x0];
	_ =	sdelay $0x4  }
0x527: {  	v0 =	vshll.u32 v0, $0x9  }
0x528: {  	v0 =	vshra.s32 v0, $0x2  }
0x529: {  	(v2sf) =	vpush v0, $0x0;
	_ =	sdelay $0xd  }
0x52a: {  	s2 =	sshra.s32 s6, $0x2  }
0x52b: {  	v1 =	vld [tilespmem:s2+$0xC400];
	s6 =	spop (v2sf);
	(v2sf) =	vpush v0, $0x1  }
0x52c: {  	v2 =	vld [tilespmem:s6+$0x10400];
	_ =	sdelay $0x4  }
0x52d: {  	v1 =	vadd.f32 v2, v1;
	_ =	sdelay $0x1  }
0x52e: {  	[tilespmem:s2+$0xC400] =	vst v1;
	v1 =	vld [tilespmem:s2+$0xC410]  }
0x52f: {  	v2 =	vld [tilespmem:s6+$0x10410];
	_ =	sdelay $0x4  }
0x530: {  	v1 =	vadd.f32 v2, v1  }
0x531: {  	s6 =	spop (v2sf)  }
0x532: {  	[tilespmem:s2+$0xC410] =	vst v1;
	v1 =	vld [tilespmem:s2+$0xC480];
	(v2sf) =	vpush v0, $0x2  }
0x533: {  	v2 =	vld [tilespmem:s6+$0x10400];
	_ =	sdelay $0x4  }
0x534: {  	v1 =	vadd.f32 v2, v1;
	_ =	sdelay $0x1  }
0x535: {  	[tilespmem:s2+$0xC480] =	vst v1;
	v1 =	vld [tilespmem:s2+$0xC490]  }
0x536: {  	v2 =	vld [tilespmem:s6+$0x10410];
	_ =	sdelay $0x4  }
0x537: {  	v1 =	vadd.f32 v2, v1  }
0x538: {  	s6 =	spop (v2sf)  }
0x539: {  	[tilespmem:s2+$0xC490] =	vst v1;
	v1 =	vld [tilespmem:s2+$0xC500];
	(v2sf) =	vpush v0, $0x3  }
0x53a: {  	v2 =	vld [tilespmem:s6+$0x10400];
	_ =	sdelay $0x4  }
0x53b: {  	v1 =	vadd.f32 v2, v1;
	_ =	sdelay $0x1  }
0x53c: {  	[tilespmem:s2+$0xC500] =	vst v1;
	v1 =	vld [tilespmem:s2+$0xC510]  }
0x53d: {  	v2 =	vld [tilespmem:s6+$0x10410];
	_ =	sdelay $0x4  }
0x53e: {  	v1 =	vadd.f32 v2, v1  }
0x53f: {  	s6 =	spop (v2sf)  }
0x540: {  	[tilespmem:s2+$0xC510] =	vst v1;
	v1 =	vld [tilespmem:s2+$0xC580];
	(v2sf) =	vpush v0, $0x4  }
0x541: {  	v2 =	vld [tilespmem:s6+$0x10400];
	_ =	sdelay $0x4  }
0x542: {  	v1 =	vadd.f32 v2, v1;
	_ =	sdelay $0x1  }
0x543: {  	[tilespmem:s2+$0xC580] =	vst v1;
	v1 =	vld [tilespmem:s2+$0xC590]  }
0x544: {  	v2 =	vld [tilespmem:s6+$0x10410];
	_ =	sdelay $0x4  }
0x545: {  	v1 =	vadd.f32 v2, v1  }
0x546: {  	s6 =	spop (v2sf)  }
0x547: {  	[tilespmem:s2+$0xC590] =	vst v1;
	v1 =	vld [tilespmem:s2+$0xC600];
	(v2sf) =	vpush v0, $0x5  }
0x548: {  	v2 =	vld [tilespmem:s6+$0x10400];
	_ =	sdelay $0x4  }
0x549: {  	v1 =	vadd.f32 v2, v1;
	_ =	sdelay $0x1  }
0x54a: {  	[tilespmem:s2+$0xC600] =	vst v1;
	v1 =	vld [tilespmem:s2+$0xC610]  }
0x54b: {  	v2 =	vld [tilespmem:s6+$0x10410];
	_ =	sdelay $0x4  }
0x54c: {  	v1 =	vadd.f32 v2, v1  }
0x54d: {  	s6 =	spop (v2sf)  }
0x54e: {  	[tilespmem:s2+$0xC610] =	vst v1;
	v1 =	vld [tilespmem:s2+$0xC680];
	(v2sf) =	vpush v0, $0x6  }
0x54f: {  	v2 =	vld [tilespmem:s6+$0x10400];
	_ =	sdelay $0x4  }
0x550: {  	v1 =	vadd.f32 v2, v1;
	_ =	sdelay $0x1  }
0x551: {  	[tilespmem:s2+$0xC680] =	vst v1;
	v1 =	vld [tilespmem:s2+$0xC690]  }
0x552: {  	v2 =	vld [tilespmem:s6+$0x10410];
	_ =	sdelay $0x4  }
0x553: {  	v1 =	vadd.f32 v2, v1  }
0x554: {  	s6 =	spop (v2sf)  }
0x555: {  	[tilespmem:s2+$0xC690] =	vst v1;
	v1 =	vld [tilespmem:s2+$0xC700];
	(v2sf) =	vpush v0, $0x7  }
0x556: {  	v2 =	vld [tilespmem:s6+$0x10400];
	_ =	sdelay $0x4  }
0x557: {  	v1 =	vadd.f32 v2, v1;
	_ =	sdelay $0x1  }
0x558: {  	[tilespmem:s2+$0xC700] =	vst v1;
	v1 =	vld [tilespmem:s2+$0xC710]  }
0x559: {  	v2 =	vld [tilespmem:s6+$0x10410];
	_ =	sdelay $0x4  }
0x55a: {  	v1 =	vadd.f32 v2, v1  }
0x55b: {  	s6 =	spop (v2sf)  }
0x55c: {  	[tilespmem:s2+$0xC710] =	vst v1;
	v1 =	vld [tilespmem:s2+$0xC780];
	(v2sf) =	vpush v0, $0x8  }
0x55d: {  	v2 =	vld [tilespmem:s6+$0x10400];
	_ =	sdelay $0x4  }
0x55e: {  	v1 =	vadd.f32 v2, v1;
	_ =	sdelay $0x1  }
0x55f: {  	[tilespmem:s2+$0xC780] =	vst v1;
	v1 =	vld [tilespmem:s2+$0xC790]  }
0x560: {  	v2 =	vld [tilespmem:s6+$0x10410];
	_ =	sdelay $0x4  }
0x561: {  	v1 =	vadd.f32 v2, v1  }
0x562: {  	s6 =	spop (v2sf)  }
0x563: {  	[tilespmem:s2+$0xC790] =	vst v1;
	v1 =	vld [tilespmem:s2+$0xC800];
	(v2sf) =	vpush v0, $0x9  }
0x564: {  	v2 =	vld [tilespmem:s6+$0x10400];
	_ =	sdelay $0x4  }
0x565: {  	v1 =	vadd.f32 v2, v1;
	_ =	sdelay $0x1  }
0x566: {  	[tilespmem:s2+$0xC800] =	vst v1;
	v1 =	vld [tilespmem:s2+$0xC810]  }
0x567: {  	v2 =	vld [tilespmem:s6+$0x10410];
	_ =	sdelay $0x4  }
0x568: {  	v1 =	vadd.f32 v2, v1  }
0x569: {  	s6 =	spop (v2sf)  }
0x56a: {  	[tilespmem:s2+$0xC810] =	vst v1;
	v1 =	vld [tilespmem:s2+$0xC880];
	(v2sf) =	vpush v0, $0xA  }
0x56b: {  	v2 =	vld [tilespmem:s6+$0x10400];
	_ =	sdelay $0x4  }
0x56c: {  	v1 =	vadd.f32 v2, v1;
	_ =	sdelay $0x1  }
0x56d: {  	[tilespmem:s2+$0xC880] =	vst v1;
	v1 =	vld [tilespmem:s2+$0xC890]  }
0x56e: {  	v2 =	vld [tilespmem:s6+$0x10410];
	_ =	sdelay $0x4  }
0x56f: {  	v1 =	vadd.f32 v2, v1  }
0x570: {  	s6 =	spop (v2sf)  }
0x571: {  	[tilespmem:s2+$0xC890] =	vst v1;
	v1 =	vld [tilespmem:s2+$0xC900];
	(v2sf) =	vpush v0, $0xB  }
0x572: {  	v2 =	vld [tilespmem:s6+$0x10400];
	_ =	sdelay $0x4  }
0x573: {  	v1 =	vadd.f32 v2, v1;
	_ =	sdelay $0x1  }
0x574: {  	[tilespmem:s2+$0xC900] =	vst v1;
	v1 =	vld [tilespmem:s2+$0xC910]  }
0x575: {  	v2 =	vld [tilespmem:s6+$0x10410];
	_ =	sdelay $0x4  }
0x576: {  	v1 =	vadd.f32 v2, v1  }
0x577: {  	s6 =	spop (v2sf)  }
0x578: {  	[tilespmem:s2+$0xC910] =	vst v1;
	v1 =	vld [tilespmem:s2+$0xC980];
	(v2sf) =	vpush v0, $0xC  }
0x579: {  	v2 =	vld [tilespmem:s6+$0x10400];
	_ =	sdelay $0x4  }
0x57a: {  	v1 =	vadd.f32 v2, v1;
	_ =	sdelay $0x1  }
0x57b: {  	[tilespmem:s2+$0xC980] =	vst v1;
	v1 =	vld [tilespmem:s2+$0xC990]  }
0x57c: {  	v2 =	vld [tilespmem:s6+$0x10410];
	_ =	sdelay $0x4  }
0x57d: {  	v1 =	vadd.f32 v2, v1  }
0x57e: {  	s6 =	spop (v2sf)  }
0x57f: {  	[tilespmem:s2+$0xC990] =	vst v1;
	v1 =	vld [tilespmem:s2+$0xCA00];
	(v2sf) =	vpush v0, $0xD  }
0x580: {  	v2 =	vld [tilespmem:s6+$0x10400];
	_ =	sdelay $0x4  }
0x581: {  	v1 =	vadd.f32 v2, v1;
	_ =	sdelay $0x1  }
0x582: {  	[tilespmem:s2+$0xCA00] =	vst v1;
	v1 =	vld [tilespmem:s2+$0xCA10]  }
0x583: {  	v2 =	vld [tilespmem:s6+$0x10410];
	_ =	sdelay $0x4  }
0x584: {  	v1 =	vadd.f32 v2, v1  }
0x585: {  	s6 =	spop (v2sf)  }
0x586: {  	[tilespmem:s2+$0xCA10] =	vst v1;
	v1 =	vld [tilespmem:s2+$0xCA80];
	(v2sf) =	vpush v0, $0xE  }
0x587: {  	v2 =	vld [tilespmem:s6+$0x10400];
	_ =	sdelay $0x4  }
0x588: {  	v1 =	vadd.f32 v2, v1;
	_ =	sdelay $0x1  }
0x589: {  	[tilespmem:s2+$0xCA80] =	vst v1;
	v1 =	vld [tilespmem:s2+$0xCA90]  }
0x58a: {  	v2 =	vld [tilespmem:s6+$0x10410];
	_ =	sdelay $0x4  }
0x58b: {  	v1 =	vadd.f32 v2, v1  }
0x58c: {  	s6 =	spop (v2sf)  }
0x58d: {  	[tilespmem:s2+$0xCA90] =	vst v1;
	v1 =	vld [tilespmem:s2+$0xCB00];
	(v2sf) =	vpush v0, $0xF  }
0x58e: {  	v0 =	vld [tilespmem:s6+$0x10400];
	_ =	sdelay $0x4  }
0x58f: {  	v0 =	vadd.f32 v0, v1;
	_ =	sdelay $0x1  }
0x590: {  	[tilespmem:s2+$0xCB00] =	vst v0;
	v0 =	vld [tilespmem:s2+$0xCB10]  }
0x591: {  	v1 =	vld [tilespmem:s6+$0x10410];
	_ =	sdelay $0x4  }
0x592: {  	v0 =	vadd.f32 v1, v0  }
0x593: {  	s6 =	spop (v2sf)  }
0x594: {  	[tilespmem:s2+$0xCB10] =	vst v0;
	v0 =	vld [tilespmem:s2+$0xCB80]  }
0x595: {  	v1 =	vld [tilespmem:s6+$0x10400];
	_ =	sdelay $0x4  }
0x596: {  	v0 =	vadd.f32 v1, v0;
	_ =	sdelay $0x1  }
0x597: {  	[tilespmem:s2+$0xCB80] =	vst v0;
	v0 =	vld [tilespmem:s2+$0xCB90]  }
0x598: {  	v1 =	vld [tilespmem:s6+$0x10410]  }
.Ltmp7:
0x599: {  	(pc) =	sbr.rel @p0 .LBB2_16-.Ltmp7, $2  }
0x59a: {  	_ =	sdelay $0x2  }
0x59b: {  	v0 =	vadd.f32 v1, v0  }
0x59c: {  	_ = 	snop  }
0x59d: {  	s1 =	rddreg [dreg:$0x9];
	s28 =	simm.s32 $0xC400;
	[tilespmem:s2+$0xCB90] =	vst v0  }
0x59e: {  	[hbm4b:s1+s4] =	stream.linear.scatter [tilespmem:s28], [sflag:$0x2], $0x4000, $0x38;
	[tilespmem:$0x10800] =	vst v63  }
0x59f: {  	_ =	swait.ge [sflag:s31], $0x4000  }
0x5a0: {  	[sflag:s31] =	ssyncset.done $0x0  }
0x5a1: {  	[sflag:s31] =	ssyncadd.s32 $0xFFFFC000  }
0x5a2: {  	_ =	swait.ge [sflag:s31], $0x4000  }
0x5a3: {  	[sflag:s31] =	ssyncset.done $0x0  }
0x5a4: {  	[sflag:s31] =	ssyncadd.s32 $0xFFFFC000  }
0x5a5: {  	_ =	swait.ge [sflag:s31], $0x4000  }
0x5a6: {  	[sflag:s31] =	ssyncset.done $0x0  }
0x5a7: {  	[sflag:s31] =	ssyncadd.s32 $0xFFFFC000  }
0x5a8: {  	_ =	swait.ge [sflag:s31], $0x4000  }
0x5a9: {  	s0 =	sadd.s32 $0x1, s0;
	s30 =	rddreg [dreg:$0xa]  }
0x5aa: {  	p0 =	sne.s32 s0, s30  }
.Ltmp8:
0x5ab: {  	_ = 	snop;
	(pc) =	sbr.rel @p0 .LBB2_1-.Ltmp8, $3  }
0x5ac: {  	_ =	sdelay $0x1  }
0x5ad: {  	[sflag:s31] =	ssyncset.done $0x0  }
0x5ae: {  	[sflag:s31] =	ssyncadd.s32 $0xFFFFC000  }
0x5af: {  	_ =	sfence.sel $0x180000  }
0x5b0: {  	[bflag:$0x0] =	sbarrier.arrive $0xFFFF  }
0x5b1: {  	_ =	strace $0x90000047  }
0x5b2: {  	s0 =	stileid.u32;
	[bflag:$0x2] =	sbarrier.arrive $0xFFFF  }
0x5b3: {  	p0 =	sne.s32 s0, $0x0;
	s0 =	rddreg [dreg:$0x4]  }
0x5b4: {  	s0 =	sadd.s32 @!p0 $0x100000, s0  }
0x5b5: {  	[sflag:s0] =	ssyncadd.tile.s32 @!p0 $0x1;
	_ =	shalt  }
.Lfunc_end2:
_tile_overlayer_lowered:
.L_overlay_start_2:
0x5b6: {  	(tag) =	ssettag $0x2  }
0x5b7: {  	s0 =	rddreg [dreg:$0x0];
	s2 =	stileid.u32  }
0x5b8: {  	s1 =	rddreg [dreg:$0x1];
	p0 =	sne.s32 s2, $0x0  }
0x5b9: {  	s3 =	rddreg [dreg:$0x2];
	[bflag:$0x3] =	sbarrier.arrive $0xFFFF;
	s2 =	simm.s32 @!p0 $0x1C07  }
0x5ba: {  	[timem:s3], [sflag:s2] =	dma.local @!p0 [hbm:s0], s1  }
0x5bb: {  	s0 =	simm.s32 @!p0 $0x7  }
0x5bc: {  	_ =	swait.ge @!p0 [sflag:s0], s1  }
0x5bd: {  	s1 =	ssub.s32 @!p0 $0x0, s1;
	[sflag:s0] =	ssyncset.done @!p0 $0x0  }
0x5be: {  	[sflag:s0] =	ssyncadd.s32 @!p0 s1  }
0x5bf: {  	[bflag:$0x3] =	sbarrier.arrive $0xFFFF  }
0x5c0: {  	_ =	shalt  }

</sc_bundles>
